<compile_context>
chip_gen: v7x
topology: tpu7x:2x2x1
jax: 0.10.2.dev20260603
libtpu: 0.0.44.dev20260713+nightly
codegen_flags: <defaults>
</compile_context>

<pallas_src>
import functools

import jax
import jax.numpy as jnp
from jax import lax
from jax.experimental import pallas as pl
from jax.experimental.pallas import tpu as pltpu
from jax.experimental.pallas import tpu_sc as plsc

N = 10000
E = 320000
F = 128
NP = 10240
ROWS_PT = NP // 16
G = 64
CH = 16
N0G = 304
N1G = 16
TOT_G = 16 * (N0G + N1G)
EP = TOT_G * G
BLK = 1280
GRID = NP // BLK

_mesh = plsc.VectorSubcoreMesh(core_axis_name="c", subcore_axis_name="s")



@functools.partial(
    pl.kernel,
    out_type=jax.ShapeDtypeStruct((2, NP), jnp.float32),
    mesh=_mesh,
    scratch_types=[
        pltpu.VMEM((8, G), jnp.int32),
        pltpu.VMEM((G,), jnp.float32),
        pltpu.VMEM_SHARED((NP,), jnp.float32),
    ],
)
def _deg_kernel(dst_hbm, zeros1_hbm, degp_hbm, idx_v, ones_v, acc_sh):
    cid = lax.axis_index("c")
    tid = lax.axis_index("s")
    ng = TOT_G // 32
    base = (cid * 16 + tid) * ng
    pltpu.sync_copy(zeros1_hbm, acc_sh.at[pl.ds(tid * ROWS_PT, ROWS_PT)])
    for i in range(G // 16):
        ones_v[pl.ds(i * 16, 16)] = jnp.ones((16,), jnp.float32)
    plsc.subcore_barrier()

    def body(c, carry):
        pltpu.sync_copy(dst_hbm.at[pl.ds(base + c * 8, 8)], idx_v)

        def inner(k, carry2):
            pltpu.sync_copy(ones_v, acc_sh.at[idx_v.at[k]], add=True)
            return carry2

        return lax.fori_loop(0, 8, inner, carry)

    lax.fori_loop(0, ng // 8, body, 0)
    plsc.subcore_barrier()
    pltpu.sync_copy(acc_sh.at[pl.ds(tid * ROWS_PT, ROWS_PT)],
                    degp_hbm.at[cid, pl.ds(tid * ROWS_PT, ROWS_PT)])


@functools.partial(
    pl.kernel,
    out_type=jax.ShapeDtypeStruct((2, NP, F), jnp.float32),
    mesh=_mesh,
    scratch_types=[
        pltpu.VMEM((2, CH, G), jnp.int32),
        pltpu.VMEM((2, CH, G), jnp.int32),
        pltpu.VMEM((G, F), jnp.float32),
        pltpu.VMEM((G, F), jnp.float32),
        pltpu.VMEM((64, F), jnp.float32),
        pltpu.VMEM_SHARED((NP, F), jnp.float32),
        pltpu.SemaphoreType.DMA,
        pltpu.SemaphoreType.DMA,
        pltpu.SemaphoreType.DMA,
        pltpu.SemaphoreType.DMA,
    ],
)
def _scatter_kernel(hn_hbm, src_hbm, dst_hbm, zrows_hbm, out_hbm,
                    isrc, idst, buf_a, buf_b, zblk, acc_sh,
                    sem_a, sem_b, sem_si, sem_di):
    cid = lax.axis_index("c")
    tid = lax.axis_index("s")
    ng = jnp.where(cid == 0, N0G, N1G)
    nch = ng // CH
    base = jnp.where(cid == 0, tid * N0G, 16 * N0G + tid * N1G)
    @pl.when(cid == 0)
    def _():
        pltpu.sync_copy(zrows_hbm, acc_sh.at[pl.ds(tid * ROWS_PT, ROWS_PT)])

    @pl.when(cid == 1)
    def _():
        pltpu.sync_copy(zrows_hbm.at[pl.ds(0, 64)], zblk)
        for k in range(ROWS_PT // 64):
            pltpu.sync_copy(zblk, acc_sh.at[pl.ds(tid * ROWS_PT + k * 64, 64)])

    pltpu.sync_copy(src_hbm.at[pl.ds(base, CH)], isrc.at[0])
    pltpu.sync_copy(dst_hbm.at[pl.ds(base, CH)], idst.at[0])
    plsc.subcore_barrier()

    pltpu.async_copy(src_hbm.at[pl.ds(base + CH, CH)], isrc.at[1], sem_si)
    pltpu.async_copy(dst_hbm.at[pl.ds(base + CH, CH)], idst.at[1], sem_di)
    pltpu.async_copy(hn_hbm.at[isrc.at[0, 0]], buf_a, sem_a)
    pltpu.async_copy(hn_hbm.at[isrc.at[0, 1]], buf_b, sem_b)

    def body(g, carry):
        j = 2 * g
        c = j // CH
        r = j - c * CH

        @pl.when((r == CH - 2) & (c + 1 < nch))
        def _():
            pltpu.make_async_copy(src_hbm.at[pl.ds(base, CH)],
                                  isrc.at[0], sem_si).wait()
            pltpu.make_async_copy(dst_hbm.at[pl.ds(base, CH)],
                                  idst.at[0], sem_di).wait()

        def slotrow(jj):
            cc = jj // CH
            return lax.rem(cc, 2), jj - cc * CH

        s0, r0 = lax.rem(c, 2), r
        pltpu.make_async_copy(hn_hbm.at[isrc.at[s0, r0]], buf_a, sem_a).wait()
        pltpu.sync_copy(buf_a, acc_sh.at[idst.at[s0, r0]], add=True)

        @pl.when(j + 2 < ng)
        def _():
            s2, r2 = slotrow(j + 2)
            pltpu.async_copy(hn_hbm.at[isrc.at[s2, r2]], buf_a, sem_a)

        s1, r1 = slotrow(j + 1)
        pltpu.make_async_copy(hn_hbm.at[isrc.at[s1, r1]], buf_b, sem_b).wait()
        pltpu.sync_copy(buf_b, acc_sh.at[idst.at[s1, r1]], add=True)

        @pl.when(j + 3 < ng)
        def _():
            s3, r3 = slotrow(j + 3)
            pltpu.async_copy(hn_hbm.at[isrc.at[s3, r3]], buf_b, sem_b)

        @pl.when((r == CH - 2) & (c + 2 < nch))
        def _():
            slot = lax.rem(c, 2)
            off = base + (c + 2) * CH
            pltpu.async_copy(src_hbm.at[pl.ds(off, CH)], isrc.at[slot], sem_si)
            pltpu.async_copy(dst_hbm.at[pl.ds(off, CH)], idst.at[slot], sem_di)

        return carry

    lax.fori_loop(0, ng // 2, body, 0)
    plsc.subcore_barrier()
    pltpu.sync_copy(acc_sh.at[pl.ds(tid * ROWS_PT, ROWS_PT)],
                    out_hbm.at[cid, pl.ds(tid * ROWS_PT, ROWS_PT)])



def _mm_t(x, w):
    return lax.dot_general(x, w, (((1,), (1,)), ((), ())),
                           preferred_element_type=jnp.float32)


def _prep_body(xp_ref, degp_ref, wproj_ref, bproj_ref, w0_ref,
               h_ref, hn0_ref, dinv_ref):
    d = degp_ref[0] + degp_ref[1] + 1.0
    dv = lax.rsqrt(d)
    h = _mm_t(xp_ref[...], wproj_ref[...]) + bproj_ref[...]
    h_ref[...] = h
    hn0_ref[...] = dv * _mm_t(h, w0_ref[...])
    dinv_ref[...] = dv


def _layer_body(sp_ref, hn_ref, h_ref, dinv_ref, b_ref, wn_ref,
                hout_ref, hnout_ref):
    dv = dinv_ref[...]
    s = sp_ref[0] + sp_ref[1] + hn_ref[...]
    z = dv * s + b_ref[...] + h_ref[...]
    h_new = jnp.where(z >= 0, z, 0.01 * z)
    hout_ref[...] = h_new
    hnout_ref[...] = dv * _mm_t(h_new, wn_ref[...])


def _final_body(sp_ref, hn_ref, h_ref, dinv_ref, b2_ref, xp_ref,
                wlin_ref, blin_ref, wres_ref, bres_ref, a_ref, out_ref):
    dv = dinv_ref[...]
    s = sp_ref[0] + sp_ref[1] + hn_ref[...]
    z = dv * s + b2_ref[...] + h_ref[...]
    h3 = jnp.where(z >= 0, z, 0.01 * z)
    t1 = _mm_t(h3, wlin_ref[...]) + blin_ref[...]
    t2 = _mm_t(xp_ref[...], wres_ref[...]) + bres_ref[...]
    av = a_ref[0, 0]
    out_ref[...] = (jnp.where(t1 >= 0, t1, av * t1)
                    + jnp.where(t2 >= 0, t2, av * t2))


_row_spec = pl.BlockSpec((BLK, F), lambda i: (i, 0))
_col_spec = pl.BlockSpec((BLK, 1), lambda i: (i, 0))
_part_spec = pl.BlockSpec((2, BLK, F), lambda i: (0, i, 0))
_degp_spec = pl.BlockSpec((2, BLK, 1), lambda i: (0, i, 0))
_w_spec = pl.BlockSpec((F, F), lambda i: (0, 0))
_b_spec = pl.BlockSpec((1, F), lambda i: (0, 0))
_a_spec = pl.BlockSpec((1, 1), lambda i: (0, 0))

_rows_out = jax.ShapeDtypeStruct((NP, F), jnp.float32)
_col_out = jax.ShapeDtypeStruct((NP, 1), jnp.float32)

_prep_call = pl.pallas_call(
    _prep_body, grid=(GRID,),
    in_specs=[_row_spec, _degp_spec, _w_spec, _b_spec, _w_spec],
    out_specs=[_row_spec, _row_spec, _col_spec],
    out_shape=[_rows_out, _rows_out, _col_out],
)

_layer_call = pl.pallas_call(
    _layer_body, grid=(GRID,),
    in_specs=[_part_spec, _row_spec, _row_spec, _col_spec, _b_spec, _w_spec],
    out_specs=[_row_spec, _row_spec],
    out_shape=[_rows_out, _rows_out],
)

_final_call = pl.pallas_call(
    _final_body, grid=(GRID,),
    in_specs=[_part_spec, _row_spec, _row_spec, _col_spec, _b_spec, _row_spec,
              _w_spec, _b_spec, _w_spec, _b_spec, _a_spec],
    out_specs=_row_spec,
    out_shape=_rows_out,
)



def kernel(x, edge_index, Wproj, bproj, W0, b0, W1, b1, W2, b2,
           Wlin, blin, Wres, bres, a):
    f32 = jnp.float32
    pad_e = EP - E
    src2d = jnp.concatenate(
        [edge_index[0], jnp.full((pad_e,), N, jnp.int32)]).reshape(TOT_G, G)
    dst2d = jnp.concatenate(
        [edge_index[1], jnp.full((pad_e,), N, jnp.int32)]).reshape(TOT_G, G)
    x_pad = jnp.concatenate([x, jnp.zeros((NP - N, F), f32)])
    zeros1 = jnp.zeros((ROWS_PT,), f32)
    zrows = jnp.zeros((ROWS_PT, F), f32)

    degp = _deg_kernel(dst2d, zeros1).reshape(2, NP, 1)
    h, hn, dinv = _prep_call(x_pad, degp, Wproj, bproj.reshape(1, F), W0)

    for (b_l, w_next) in ((b0, W1), (b1, W2)):
        sp = _scatter_kernel(hn, src2d, dst2d, zrows)
        h, hn = _layer_call(sp, hn, h, dinv, b_l.reshape(1, F), w_next)

    sp = _scatter_kernel(hn, src2d, dst2d, zrows)
    out = _final_call(sp, hn, h, dinv, b2.reshape(1, F), x_pad,
                      Wlin, blin.reshape(1, F), Wres, bres.reshape(1, F),
                      a.reshape(1, 1))
    return out[:N]

# --- scband reference (transcript-rebuilt; emitter-appended) ---
"""Pipeline reference for scband-graph-conv-model-77111842833028 (READ-ONLY COPY).

The authoritative reference and input builder live on the scoring server;
editing this copy changes nothing except your own understanding.
"""

import jax, jax.numpy as jnp
import numpy as np

N = 10000
E = 320000
IN_FT = 128
HID_FT = 128
OUT_FT = 128
NUM_LAYERS = 3


def setup_inputs(seed: int = 0) -> dict:
    key = jax.random.key(seed)
    ks = jax.random.split(key, 16)
    inp = {}
    inp["x"] = jax.random.normal(ks[0], (N, IN_FT), dtype=jnp.float32)
    inp["edge_index"] = jax.random.randint(ks[1], (2, E), 0, N, dtype=jnp.int32)
    # proj: Linear(in_ft -> hid_ft)
    inp["Wproj"] = jax.random.normal(ks[2], (HID_FT, IN_FT), dtype=jnp.float32) * 0.05
    inp["bproj"] = jnp.zeros((HID_FT,), dtype=jnp.float32)
    # 3 GCNConv layers (hid_ft -> hid_ft)
    inp["W0"] = jax.random.normal(ks[3], (HID_FT, HID_FT), dtype=jnp.float32) * 0.05
    inp["b0"] = jnp.zeros((HID_FT,), dtype=jnp.float32)
    inp["W1"] = jax.random.normal(ks[4], (HID_FT, HID_FT), dtype=jnp.float32) * 0.05
    inp["b1"] = jnp.zeros((HID_FT,), dtype=jnp.float32)
    inp["W2"] = jax.random.normal(ks[5], (HID_FT, HID_FT), dtype=jnp.float32) * 0.05
    inp["b2"] = jnp.zeros((HID_FT,), dtype=jnp.float32)
    # linear: Linear(hid_ft -> out_ft)
    inp["Wlin"] = jax.random.normal(ks[6], (OUT_FT, HID_FT), dtype=jnp.float32) * 0.05
    inp["blin"] = jnp.zeros((OUT_FT,), dtype=jnp.float32)
    # res: Linear(in_ft -> out_ft)
    inp["Wres"] = jax.random.normal(ks[7], (OUT_FT, IN_FT), dtype=jnp.float32) * 0.05
    inp["bres"] = jnp.zeros((OUT_FT,), dtype=jnp.float32)
    # PReLU single learnable parameter (torch default init 0.25)
    inp["a"] = jnp.full((1,), 0.25, dtype=jnp.float32)
    return inp


def _gcn_conv(h, edge_index, W, b):
    # GCNConv: add self-loops, symmetric normalization D^-1/2 (A+I) D^-1/2 (X W) + b
    h = h @ W.T
    loop = jnp.arange(N, dtype=edge_index.dtype)
    src = jnp.concatenate([edge_index[0], loop])
    dst = jnp.concatenate([edge_index[1], loop])
    deg = jnp.zeros((N,), dtype=h.dtype).at[dst].add(1.0)
    dinv = jnp.where(deg > 0, 1.0 / jnp.sqrt(deg), 0.0)
    norm = dinv[src] * dinv[dst]
    msg = h[src] * norm[:, None]
    out = jnp.zeros_like(h).at[dst].add(msg)
    return out + b


def _leaky_relu(x):
    return jnp.where(x >= 0, x, 0.01 * x)


def _prelu(x, a):
    return jnp.where(x >= 0, x, a * x)


def reference(x, edge_index, Wproj, bproj, W0, b0, W1, b1, W2, b2, Wlin, blin, Wres, bres, a):
    # eval mode: dropout layers are identity
    ori_x = x
    h = x @ Wproj.T + bproj
    for (W, b) in ((W0, b0), (W1, b1), (W2, b2)):
        h_res = h
        h = _gcn_conv(h, edge_index, W, b)
        h = _leaky_relu(h + h_res)
    out = _prelu(h @ Wlin.T + blin, a) + _prelu(ori_x @ Wres.T + bres, a)
    return out

if __name__ == "__main__":
    import jax
    _d = setup_inputs()
    print(jax.jit(kernel)(*tuple(_d.values())))

</pallas_src>

<mosaic_0001>
#map = affine_map<(d0, d1) -> (0, 0)>
#map1 = affine_map<(d0, d1) -> (0)>
module attributes {stable_mosaic.version = 14 : i64} {
  func.func @_deg_kernel(%arg0: i32, %arg1: i32, %arg2: memref<5120x64xi32, #tpu.memory_space<hbm>>, %arg3: memref<640xf32, #tpu.memory_space<hbm>>, %arg4: memref<2x10240xf32, #tpu.memory_space<hbm>>, %arg5: memref<8x64xi32, #tpu.memory_space<vmem>>, %arg6: memref<64xf32, #tpu.memory_space<vmem>>, %arg7: memref<10240xf32, #tpu.memory_space<vmem_shared>>) attributes {dimension_semantics = [#tpu.dimension_semantics<core_parallel>, #tpu.dimension_semantics<subcore_parallel>], iteration_bounds = array<i64: 2, 16>, scalar_prefetch = 0 : i64, scratch_operands = 3 : i64, tpu.core_type = #tpu.core_type<sc_vector_subcore>, window_params = [{transform_indices = #map}, {transform_indices = #map1}, {transform_indices = #map}]} {
    %mul3A = arith.constant 16 : i32
    %mul3A_0 = arith.muli %arg0, %mul3A : i32
    %add3A = arith.addi %mul3A_0, %arg1 : i32
    %mul3A_1 = arith.constant 160 : i32
    %mul3A_2 = arith.muli %add3A, %mul3A_1 : i32
    %mul3A_3 = arith.constant 640 : i32
    %mul3A_4 = arith.muli %arg1, %mul3A_3 : i32
    "tpu.region"() ({
      %run_scoped3A = tpu.sem_alloc : memref<!tpu.dma_semaphore, #tpu.memory_space<semaphore_mem>>
      %dma_start3A = tpu.memref_slice %arg7[%mul3A_4] : memref<10240xf32, #tpu.memory_space<vmem_shared>> -> memref<640xf32, #tpu.memory_space<vmem_shared>>
      tpu.enqueue_dma source(%arg3 : memref<640xf32, #tpu.memory_space<hbm>>) target(%dma_start3A : memref<640xf32, #tpu.memory_space<vmem_shared>>) target_semaphore(%run_scoped3A : memref<!tpu.dma_semaphore, #tpu.memory_space<semaphore_mem>>)
      %dma_wait3A = tpu.memref_slice %arg7[%mul3A_4] : memref<10240xf32, #tpu.memory_space<vmem_shared>> -> memref<640xf32, #tpu.memory_space<vmem_shared>>
      tpu.wait_dma2 semaphore(%run_scoped3A : memref<!tpu.dma_semaphore, #tpu.memory_space<semaphore_mem>>) src(%arg3 : memref<640xf32, #tpu.memory_space<hbm>>) dst(%dma_wait3A : memref<640xf32, #tpu.memory_space<vmem_shared>>)
      tpu.yield
    }) : () -> ()
    %broadcast_in_dim3A = arith.constant 1.000000e+00 : f32
    %broadcast_in_dim3A_5 = vector.broadcast %broadcast_in_dim3A : f32 to vector<16xf32>
    %swap3A = arith.constant 0 : index
    %swap3A_6 = tpu.vector_load %arg6[%swap3A] {strides = array<i32>} : memref<64xf32, #tpu.memory_space<vmem>>, vector<16xf32>,
    %swap3A_7 = vector.shape_cast %swap3A_6 : vector<16xf32> to vector<16xf32>
    %swap3A_8 = vector.shape_cast %broadcast_in_dim3A_5 : vector<16xf32> to vector<16xf32>
    tpu.vector_store %arg6[%swap3A], %swap3A_8 {strides = array<i32>} : memref<64xf32, #tpu.memory_space<vmem>>, vector<16xf32>,
    %broadcast_in_dim3A_9 = arith.constant 1.000000e+00 : f32
    %broadcast_in_dim3A_10 = vector.broadcast %broadcast_in_dim3A_9 : f32 to vector<16xf32>
    %swap3A_11 = arith.constant 16 : index
    %swap3A_12 = tpu.vector_load %arg6[%swap3A_11] {strides = array<i32>} : memref<64xf32, #tpu.memory_space<vmem>>, vector<16xf32>,
    %swap3A_13 = vector.shape_cast %swap3A_12 : vector<16xf32> to vector<16xf32>
    %swap3A_14 = vector.shape_cast %broadcast_in_dim3A_10 : vector<16xf32> to vector<16xf32>
    tpu.vector_store %arg6[%swap3A_11], %swap3A_14 {strides = array<i32>} : memref<64xf32, #tpu.memory_space<vmem>>, vector<16xf32>,
    %broadcast_in_dim3A_15 = arith.constant 1.000000e+00 : f32
    %broadcast_in_dim3A_16 = vector.broadcast %broadcast_in_dim3A_15 : f32 to vector<16xf32>
    %swap3A_17 = arith.constant 32 : index
    %swap3A_18 = tpu.vector_load %arg6[%swap3A_17] {strides = array<i32>} : memref<64xf32, #tpu.memory_space<vmem>>, vector<16xf32>,
    %swap3A_19 = vector.shape_cast %swap3A_18 : vector<16xf32> to vector<16xf32>
    %swap3A_20 = vector.shape_cast %broadcast_in_dim3A_16 : vector<16xf32> to vector<16xf32>
    tpu.vector_store %arg6[%swap3A_17], %swap3A_20 {strides = array<i32>} : memref<64xf32, #tpu.memory_space<vmem>>, vector<16xf32>,
    %broadcast_in_dim3A_21 = arith.constant 1.000000e+00 : f32
    %broadcast_in_dim3A_22 = vector.broadcast %broadcast_in_dim3A_21 : f32 to vector<16xf32>
    %swap3A_23 = arith.constant 48 : index
    %swap3A_24 = tpu.vector_load %arg6[%swap3A_23] {strides = array<i32>} : memref<64xf32, #tpu.memory_space<vmem>>, vector<16xf32>,
    %swap3A_25 = vector.shape_cast %swap3A_24 : vector<16xf32> to vector<16xf32>
    %swap3A_26 = vector.shape_cast %broadcast_in_dim3A_22 : vector<16xf32> to vector<16xf32>
    tpu.vector_store %arg6[%swap3A_23], %swap3A_26 {strides = array<i32>} : memref<64xf32, #tpu.memory_space<vmem>>, vector<16xf32>,
    %barrier3A = arith.constant 0 : index
    tpu.barrier barrier_id(%barrier3A)
    %scan3A = arith.constant 0 : i32
    %scan3A_27 = arith.constant 0 : i32
    %scan3A_28 = arith.constant 20 : i32
    %scan3A_29 = arith.addi %scan3A_27, %scan3A_28 : i32
    %scan3A_30 = arith.constant 1 : i32
    scf.for %scan3A_37 = %scan3A_27 to %scan3A_29 step %scan3A_30  : i32 {
      %mul3A_38 = arith.constant 8 : i32
      %mul3A_39 = arith.muli %scan3A_37, %mul3A_38 : i32
      %add3A_40 = arith.addi %mul3A_2, %mul3A_39 : i32
      "tpu.region"() ({
        %run_scoped3A = tpu.sem_alloc : memref<!tpu.dma_semaphore, #tpu.memory_space<semaphore_mem>>
        %dma_start3A = arith.constant 0 : i32
        %dma_start3A_46 = tpu.memref_slice %arg2[%add3A_40, %dma_start3A] : memref<5120x64xi32, #tpu.memory_space<hbm>> -> memref<8x64xi32, #tpu.memory_space<hbm>>
        %dma_start3A_47 = arith.constant 0 : i32
        %dma_start3A_48 = tpu.memref_slice %arg2[%add3A_40, %dma_start3A_47] : memref<5120x64xi32, #tpu.memory_space<hbm>> -> memref<8x64xi32, #tpu.memory_space<hbm>>
        tpu.enqueue_dma source(%dma_start3A_48 : memref<8x64xi32, #tpu.memory_space<hbm>>) target(%arg5 : memref<8x64xi32, #tpu.memory_space<vmem>>) target_semaphore(%run_scoped3A : memref<!tpu.dma_semaphore, #tpu.memory_space<semaphore_mem>>)
        %dma_wait3A = arith.constant 0 : i32
        %dma_wait3A_49 = tpu.memref_slice %arg2[%add3A_40, %dma_wait3A] : memref<5120x64xi32, #tpu.memory_space<hbm>> -> memref<8x64xi32, #tpu.memory_space<hbm>>
        %dma_wait3A_50 = arith.constant 0 : i32
        %dma_wait3A_51 = tpu.memref_slice %arg2[%add3A_40, %dma_wait3A_50] : memref<5120x64xi32, #tpu.memory_space<hbm>> -> memref<8x64xi32, #tpu.memory_space<hbm>>
        tpu.wait_dma2 semaphore(%run_scoped3A : memref<!tpu.dma_semaphore, #tpu.memory_space<semaphore_mem>>) src(%dma_wait3A_51 : memref<8x64xi32, #tpu.memory_space<hbm>>) dst(%arg5 : memref<8x64xi32, #tpu.memory_space<vmem>>)
        tpu.yield
      }) : () -> ()
      %scan3A_41 = arith.constant 0 : i32
      %scan3A_42 = arith.constant 8 : i32
      %scan3A_43 = arith.addi %scan3A_41, %scan3A_42 : i32
      %scan3A_44 = arith.constant 1 : i32
      scf.for %scan3A_46 = %scan3A_41 to %scan3A_43 step %scan3A_44  : i32 {
        "tpu.region"() ({
          %run_scoped3A = tpu.sem_alloc : memref<!tpu.dma_semaphore, #tpu.memory_space<semaphore_mem>>
          %dma_start3A = arith.constant 0 : i32
          %dma_start3A_47 = tpu.memref_slice %arg5[%scan3A_46, %dma_start3A] : memref<8x64xi32, #tpu.memory_space<vmem>> -> memref<1x64xi32, #tpu.memory_space<vmem>>
          %dma_start3A_48 = tpu.memref_squeeze %dma_start3A_47 : memref<1x64xi32, #tpu.memory_space<vmem>> -> memref<64xi32, #tpu.memory_space<vmem>>
          %dma_start3A_49 = arith.constant 0 : i32
          %dma_start3A_50 = tpu.memref_slice %arg7[%dma_start3A_49] : memref<10240xf32, #tpu.memory_space<vmem_shared>> -> memref<10240xf32, #tpu.memory_space<vmem_shared>>
          tpu.enqueue_indirect_dma source(%arg6 : memref<64xf32, #tpu.memory_space<vmem>>) target(%dma_start3A_50 : memref<10240xf32, #tpu.memory_space<vmem_shared>>) offsets(%dma_start3A_48 : memref<64xi32, #tpu.memory_space<vmem>>) semaphore(%run_scoped3A : memref<!tpu.dma_semaphore, #tpu.memory_space<semaphore_mem>>) {add = true}
          %dma_wait3A = arith.constant 0 : i32
          %dma_wait3A_51 = tpu.memref_slice %arg5[%scan3A_46, %dma_wait3A] : memref<8x64xi32, #tpu.memory_space<vmem>> -> memref<1x64xi32, #tpu.memory_space<vmem>>
          %dma_wait3A_52 = tpu.memref_squeeze %dma_wait3A_51 : memref<1x64xi32, #tpu.memory_space<vmem>> -> memref<64xi32, #tpu.memory_space<vmem>>
          %dma_wait3A_53 = arith.constant 0 : i32
          %dma_wait3A_54 = tpu.memref_slice %arg7[%dma_wait3A_53] : memref<10240xf32, #tpu.memory_space<vmem_shared>> -> memref<10240xf32, #tpu.memory_space<vmem_shared>>
          tpu.wait_indirect_dma semaphore(%run_scoped3A : memref<!tpu.dma_semaphore, #tpu.memory_space<semaphore_mem>>) src(%arg6 : memref<64xf32, #tpu.memory_space<vmem>>) dst(%dma_wait3A_54 : memref<10240xf32, #tpu.memory_space<vmem_shared>>)
          tpu.yield
        }) : () -> ()
      }
      %scan3A_45 = arith.constant 8 : i32
    }
    %scan3A_31 = arith.constant 20 : i32
    %barrier3A_32 = arith.constant 0 : index
    tpu.barrier barrier_id(%barrier3A_32)
    %mul3A_33 = arith.constant 640 : i32
    %mul3A_34 = arith.muli %arg1, %mul3A_33 : i32
    %mul3A_35 = arith.constant 640 : i32
    %mul3A_36 = arith.muli %arg1, %mul3A_35 : i32
    "tpu.region"() ({
      %run_scoped3A = tpu.sem_alloc : memref<!tpu.dma_semaphore, #tpu.memory_space<semaphore_mem>>
      %dma_start3A = tpu.memref_slice %arg4[%arg0, %mul3A_36] : memref<2x10240xf32, #tpu.memory_space<hbm>> -> memref<1x640xf32, #tpu.memory_space<hbm>>
      %dma_start3A_37 = tpu.memref_squeeze %dma_start3A : memref<1x640xf32, #tpu.memory_space<hbm>> -> memref<640xf32, #tpu.memory_space<hbm>>
      %dma_start3A_38 = tpu.memref_slice %arg7[%mul3A_34] : memref<10240xf32, #tpu.memory_space<vmem_shared>> -> memref<640xf32, #tpu.memory_space<vmem_shared>>
      tpu.enqueue_dma source(%dma_start3A_38 : memref<640xf32, #tpu.memory_space<vmem_shared>>) target(%dma_start3A_37 : memref<640xf32, #tpu.memory_space<hbm>>) target_semaphore(%run_scoped3A : memref<!tpu.dma_semaphore, #tpu.memory_space<semaphore_mem>>)
      %dma_wait3A = tpu.memref_slice %arg4[%arg0, %mul3A_36] : memref<2x10240xf32, #tpu.memory_space<hbm>> -> memref<1x640xf32, #tpu.memory_space<hbm>>
      %dma_wait3A_39 = tpu.memref_squeeze %dma_wait3A : memref<1x640xf32, #tpu.memory_space<hbm>> -> memref<640xf32, #tpu.memory_space<hbm>>
      %dma_wait3A_40 = tpu.memref_slice %arg7[%mul3A_34] : memref<10240xf32, #tpu.memory_space<vmem_shared>> -> memref<640xf32, #tpu.memory_space<vmem_shared>>
      tpu.wait_dma2 semaphore(%run_scoped3A : memref<!tpu.dma_semaphore, #tpu.memory_space<semaphore_mem>>) src(%dma_wait3A_40 : memref<640xf32, #tpu.memory_space<vmem_shared>>) dst(%dma_wait3A_39 : memref<640xf32, #tpu.memory_space<hbm>>)
      tpu.yield
    }) : () -> ()
    return
  }
}

#map = affine_map<(d0, d1) -> (0, 0)>
#map1 = affine_map<(d0, d1) -> (0, 0, 0)>
module attributes {stable_mosaic.version = 14 : i64} {
  func.func @_scatter_kernel(%arg0: i32, %arg1: i32, %arg2: memref<10240x128xf32, #tpu.memory_space<hbm>>, %arg3: memref<5120x64xi32, #tpu.memory_space<hbm>>, %arg4: memref<5120x64xi32, #tpu.memory_space<hbm>>, %arg5: memref<640x128xf32, #tpu.memory_space<hbm>>, %arg6: memref<2x10240x128xf32, #tpu.memory_space<hbm>>, %arg7: memref<2x16x64xi32, #tpu.memory_space<vmem>>, %arg8: memref<2x16x64xi32, #tpu.memory_space<vmem>>, %arg9: memref<64x128xf32, #tpu.memory_space<vmem>>, %arg10: memref<64x128xf32, #tpu.memory_space<vmem>>, %arg11: memref<64x128xf32, #tpu.memory_space<vmem>>, %arg12: memref<10240x128xf32, #tpu.memory_space<vmem_shared>>, %arg13: memref<!tpu.dma_semaphore, #tpu.memory_space<semaphore_mem>>, %arg14: memref<!tpu.dma_semaphore, #tpu.memory_space<semaphore_mem>>, %arg15: memref<!tpu.dma_semaphore, #tpu.memory_space<semaphore_mem>>, %arg16: memref<!tpu.dma_semaphore, #tpu.memory_space<semaphore_mem>>) attributes {dimension_semantics = [#tpu.dimension_semantics<core_parallel>, #tpu.dimension_semantics<subcore_parallel>], iteration_bounds = array<i64: 2, 16>, scalar_prefetch = 0 : i64, scratch_operands = 10 : i64, tpu.core_type = #tpu.core_type<sc_vector_subcore>, window_params = [{transform_indices = #map}, {transform_indices = #map}, {transform_indices = #map}, {transform_indices = #map}, {transform_indices = #map1}]} {
    %eq3A = arith.constant 0 : i32
    %eq3A_0 = arith.cmpi eq, %arg0, %eq3A : i32
    %jit3A = arith.constant 304 : i32
    %jit3A_1 = arith.constant 16 : i32
    %select_n3A = arith.select %eq3A_0, %jit3A, %jit3A_1 : i32
    %jit3A_2 = arith.constant 16 : i32
    %div3A = arith.divsi %select_n3A, %jit3A_2 : i32
    %sign3A = arith.constant 0 : i32
    %sign3A_3 = arith.cmpi sgt, %select_n3A, %sign3A : i32
    %sign3A_4 = arith.extui %sign3A_3 : i1 to i32
    %sign3A_5 = arith.constant 0 : i32
    %sign3A_6 = arith.cmpi slt, %select_n3A, %sign3A_5 : i32
    %sign3A_7 = arith.extui %sign3A_6 : i1 to i32
    %sign3A_8 = arith.subi %sign3A_4, %sign3A_7 : i32
    %sign3A_9 = arith.constant 0 : i32
    %sign3A_10 = arith.cmpi sgt, %jit3A_2, %sign3A_9 : i32
    %sign3A_11 = arith.extui %sign3A_10 : i1 to i32
    %sign3A_12 = arith.constant 0 : i32
    %sign3A_13 = arith.cmpi slt, %jit3A_2, %sign3A_12 : i32
    %sign3A_14 = arith.extui %sign3A_13 : i1 to i32
    %sign3A_15 = arith.subi %sign3A_11, %sign3A_14 : i32
    %ne3A = arith.cmpi ne, %sign3A_8, %sign3A_15 : i32
    %rem3A = arith.remsi %select_n3A, %jit3A_2 : i32
    %ne3A_16 = arith.constant 0 : i32
    %ne3A_17 = arith.cmpi ne, %rem3A, %ne3A_16 : i32
    %and3A = arith.andi %ne3A, %ne3A_17 : i1
    %sub3A = arith.constant 1 : i32
    %sub3A_18 = arith.subi %div3A, %sub3A : i32
    %select_n3A_19 = arith.select %and3A, %sub3A_18, %div3A : i32
    %eq3A_20 = arith.constant 0 : i32
    %eq3A_21 = arith.cmpi eq, %arg0, %eq3A_20 : i32
    %mul3A = arith.constant 304 : i32
    %mul3A_22 = arith.muli %arg1, %mul3A : i32
    %mul3A_23 = arith.constant 16 : i32
    %mul3A_24 = arith.muli %arg1, %mul3A_23 : i32
    %add3A = arith.constant 4864 : i32
    %add3A_25 = arith.addi %add3A, %mul3A_24 : i32
    %select_n3A_26 = arith.select %eq3A_21, %mul3A_22, %add3A_25 : i32
    %eq3A_27 = arith.constant 0 : i32
    %eq3A_28 = arith.cmpi eq, %arg0, %eq3A_27 : i32
    %convert_element_type3A = arith.extui %eq3A_28 : i1 to i32
    %cond3A = arith.constant 0 : i32
    %cond3A_29 = arith.cmpi ne, %convert_element_type3A, %cond3A : i32
    scf.if %cond3A_29 {
      %mul3A_119 = arith.constant 640 : i32
      %mul3A_120 = arith.muli %arg1, %mul3A_119 : i32
      "tpu.region"() ({
        %run_scoped3A_121 = tpu.sem_alloc : memref<!tpu.dma_semaphore, #tpu.memory_space<semaphore_mem>>
        %dma_start3A_122 = arith.constant 0 : i32
        %dma_start3A_123 = tpu.memref_slice %arg12[%mul3A_120, %dma_start3A_122] : memref<10240x128xf32, #tpu.memory_space<vmem_shared>> -> memref<640x128xf32, #tpu.memory_space<vmem_shared>>
        tpu.enqueue_dma source(%arg5 : memref<640x128xf32, #tpu.memory_space<hbm>>) target(%dma_start3A_123 : memref<640x128xf32, #tpu.memory_space<vmem_shared>>) target_semaphore(%run_scoped3A_121 : memref<!tpu.dma_semaphore, #tpu.memory_space<semaphore_mem>>)
        %dma_wait3A = arith.constant 0 : i32
        %dma_wait3A_124 = tpu.memref_slice %arg12[%mul3A_120, %dma_wait3A] : memref<10240x128xf32, #tpu.memory_space<vmem_shared>> -> memref<640x128xf32, #tpu.memory_space<vmem_shared>>
        tpu.wait_dma2 semaphore(%run_scoped3A_121 : memref<!tpu.dma_semaphore, #tpu.memory_space<semaphore_mem>>) src(%arg5 : memref<640x128xf32, #tpu.memory_space<hbm>>) dst(%dma_wait3A_124 : memref<640x128xf32, #tpu.memory_space<vmem_shared>>)
        tpu.yield
      }) : () -> ()
    } else {
    }
    %eq3A_30 = arith.constant 1 : i32
    %eq3A_31 = arith.cmpi eq, %arg0, %eq3A_30 : i32
    %convert_element_type3A_32 = arith.extui %eq3A_31 : i1 to i32
    %cond3A_33 = arith.constant 0 : i32
    %cond3A_34 = arith.cmpi ne, %convert_element_type3A_32, %cond3A_33 : i32
    scf.if %cond3A_34 {
      "tpu.region"() ({
        %run_scoped3A_159 = tpu.sem_alloc : memref<!tpu.dma_semaphore, #tpu.memory_space<semaphore_mem>>
        %dma_start3A_160 = arith.constant 0 : i32
        %dma_start3A_161 = arith.constant 0 : i32
        %dma_start3A_162 = tpu.memref_slice %arg5[%dma_start3A_160, %dma_start3A_161] : memref<640x128xf32, #tpu.memory_space<hbm>> -> memref<64x128xf32, #tpu.memory_space<hbm>>
        %dma_start3A_163 = arith.constant 0 : i32
        %dma_start3A_164 = arith.constant 0 : i32
        %dma_start3A_165 = tpu.memref_slice %arg5[%dma_start3A_163, %dma_start3A_164] : memref<640x128xf32, #tpu.memory_space<hbm>> -> memref<64x128xf32, #tpu.memory_space<hbm>>
        tpu.enqueue_dma source(%dma_start3A_165 : memref<64x128xf32, #tpu.memory_space<hbm>>) target(%arg11 : memref<64x128xf32, #tpu.memory_space<vmem>>) target_semaphore(%run_scoped3A_159 : memref<!tpu.dma_semaphore, #tpu.memory_space<semaphore_mem>>)
        %dma_wait3A = arith.constant 0 : i32
        %dma_wait3A_166 = arith.constant 0 : i32
        %dma_wait3A_167 = tpu.memref_slice %arg5[%dma_wait3A, %dma_wait3A_166] : memref<640x128xf32, #tpu.memory_space<hbm>> -> memref<64x128xf32, #tpu.memory_space<hbm>>
        %dma_wait3A_168 = arith.constant 0 : i32
        %dma_wait3A_169 = arith.constant 0 : i32
        %dma_wait3A_170 = tpu.memref_slice %arg5[%dma_wait3A_168, %dma_wait3A_169] : memref<640x128xf32, #tpu.memory_space<hbm>> -> memref<64x128xf32, #tpu.memory_space<hbm>>
        tpu.wait_dma2 semaphore(%run_scoped3A_159 : memref<!tpu.dma_semaphore, #tpu.memory_space<semaphore_mem>>) src(%dma_wait3A_170 : memref<64x128xf32, #tpu.memory_space<hbm>>) dst(%arg11 : memref<64x128xf32, #tpu.memory_space<vmem>>)
        tpu.yield
      }) : () -> ()
      %mul3A_119 = arith.constant 640 : i32
      %mul3A_120 = arith.muli %arg1, %mul3A_119 : i32
      %add3A_121 = arith.constant 0 : i32
      %add3A_122 = arith.addi %mul3A_120, %add3A_121 : i32
      "tpu.region"() ({
        %run_scoped3A_159 = tpu.sem_alloc : memref<!tpu.dma_semaphore, #tpu.memory_space<semaphore_mem>>
        %dma_start3A_160 = arith.constant 0 : i32
        %dma_start3A_161 = tpu.memref_slice %arg12[%add3A_122, %dma_start3A_160] : memref<10240x128xf32, #tpu.memory_space<vmem_shared>> -> memref<64x128xf32, #tpu.memory_space<vmem_shared>>
        %dma_start3A_162 = arith.constant 0 : i32
        %dma_start3A_163 = tpu.memref_slice %arg12[%add3A_122, %dma_start3A_162] : memref<10240x128xf32, #tpu.memory_space<vmem_shared>> -> memref<64x128xf32, #tpu.memory_space<vmem_shared>>
        tpu.enqueue_dma source(%arg11 : memref<64x128xf32, #tpu.memory_space<vmem>>) target(%dma_start3A_163 : memref<64x128xf32, #tpu.memory_space<vmem_shared>>) target_semaphore(%run_scoped3A_159 : memref<!tpu.dma_semaphore, #tpu.memory_space<semaphore_mem>>)
        %dma_wait3A = arith.constant 0 : i32
        %dma_wait3A_164 = tpu.memref_slice %arg12[%add3A_122, %dma_wait3A] : memref<10240x128xf32, #tpu.memory_space<vmem_shared>> -> memref<64x128xf32, #tpu.memory_space<vmem_shared>>
        %dma_wait3A_165 = arith.constant 0 : i32
        %dma_wait3A_166 = tpu.memref_slice %arg12[%add3A_122, %dma_wait3A_165] : memref<10240x128xf32, #tpu.memory_space<vmem_shared>> -> memref<64x128xf32, #tpu.memory_space<vmem_shared>>
        tpu.wait_dma2 semaphore(%run_scoped3A_159 : memref<!tpu.dma_semaphore, #tpu.memory_space<semaphore_mem>>) src(%arg11 : memref<64x128xf32, #tpu.memory_space<vmem>>) dst(%dma_wait3A_166 : memref<64x128xf32, #tpu.memory_space<vmem_shared>>)
        tpu.yield
      }) : () -> ()
      %mul3A_123 = arith.constant 640 : i32
      %mul3A_124 = arith.muli %arg1, %mul3A_123 : i32
      %add3A_125 = arith.constant 64 : i32
      %add3A_126 = arith.addi %mul3A_124, %add3A_125 : i32
      "tpu.region"() ({
        %run_scoped3A_159 = tpu.sem_alloc : memref<!tpu.dma_semaphore, #tpu.memory_space<semaphore_mem>>
        %dma_start3A_160 = arith.constant 0 : i32
        %dma_start3A_161 = tpu.memref_slice %arg12[%add3A_126, %dma_start3A_160] : memref<10240x128xf32, #tpu.memory_space<vmem_shared>> -> memref<64x128xf32, #tpu.memory_space<vmem_shared>>
        %dma_start3A_162 = arith.constant 0 : i32
        %dma_start3A_163 = tpu.memref_slice %arg12[%add3A_126, %dma_start3A_162] : memref<10240x128xf32, #tpu.memory_space<vmem_shared>> -> memref<64x128xf32, #tpu.memory_space<vmem_shared>>
        tpu.enqueue_dma source(%arg11 : memref<64x128xf32, #tpu.memory_space<vmem>>) target(%dma_start3A_163 : memref<64x128xf32, #tpu.memory_space<vmem_shared>>) target_semaphore(%run_scoped3A_159 : memref<!tpu.dma_semaphore, #tpu.memory_space<semaphore_mem>>)
        %dma_wait3A = arith.constant 0 : i32
        %dma_wait3A_164 = tpu.memref_slice %arg12[%add3A_126, %dma_wait3A] : memref<10240x128xf32, #tpu.memory_space<vmem_shared>> -> memref<64x128xf32, #tpu.memory_space<vmem_shared>>
        %dma_wait3A_165 = arith.constant 0 : i32
        %dma_wait3A_166 = tpu.memref_slice %arg12[%add3A_126, %dma_wait3A_165] : memref<10240x128xf32, #tpu.memory_space<vmem_shared>> -> memref<64x128xf32, #tpu.memory_space<vmem_shared>>
        tpu.wait_dma2 semaphore(%run_scoped3A_159 : memref<!tpu.dma_semaphore, #tpu.memory_space<semaphore_mem>>) src(%arg11 : memref<64x128xf32, #tpu.memory_space<vmem>>) dst(%dma_wait3A_166 : memref<64x128xf32, #tpu.memory_space<vmem_shared>>)
        tpu.yield
      }) : () -> ()
      %mul3A_127 = arith.constant 640 : i32
      %mul3A_128 = arith.muli %arg1, %mul3A_127 : i32
      %add3A_129 = arith.constant 128 : i32
      %add3A_130 = arith.addi %mul3A_128, %add3A_129 : i32
      "tpu.region"() ({
        %run_scoped3A_159 = tpu.sem_alloc : memref<!tpu.dma_semaphore, #tpu.memory_space<semaphore_mem>>
        %dma_start3A_160 = arith.constant 0 : i32
        %dma_start3A_161 = tpu.memref_slice %arg12[%add3A_130, %dma_start3A_160] : memref<10240x128xf32, #tpu.memory_space<vmem_shared>> -> memref<64x128xf32, #tpu.memory_space<vmem_shared>>
        %dma_start3A_162 = arith.constant 0 : i32
        %dma_start3A_163 = tpu.memref_slice %arg12[%add3A_130, %dma_start3A_162] : memref<10240x128xf32, #tpu.memory_space<vmem_shared>> -> memref<64x128xf32, #tpu.memory_space<vmem_shared>>
        tpu.enqueue_dma source(%arg11 : memref<64x128xf32, #tpu.memory_space<vmem>>) target(%dma_start3A_163 : memref<64x128xf32, #tpu.memory_space<vmem_shared>>) target_semaphore(%run_scoped3A_159 : memref<!tpu.dma_semaphore, #tpu.memory_space<semaphore_mem>>)
        %dma_wait3A = arith.constant 0 : i32
        %dma_wait3A_164 = tpu.memref_slice %arg12[%add3A_130, %dma_wait3A] : memref<10240x128xf32, #tpu.memory_space<vmem_shared>> -> memref<64x128xf32, #tpu.memory_space<vmem_shared>>
        %dma_wait3A_165 = arith.constant 0 : i32
        %dma_wait3A_166 = tpu.memref_slice %arg12[%add3A_130, %dma_wait3A_165] : memref<10240x128xf32, #tpu.memory_space<vmem_shared>> -> memref<64x128xf32, #tpu.memory_space<vmem_shared>>
        tpu.wait_dma2 semaphore(%run_scoped3A_159 : memref<!tpu.dma_semaphore, #tpu.memory_space<semaphore_mem>>) src(%arg11 : memref<64x128xf32, #tpu.memory_space<vmem>>) dst(%dma_wait3A_166 : memref<64x128xf32, #tpu.memory_space<vmem_shared>>)
        tpu.yield
      }) : () -> ()
      %mul3A_131 = arith.constant 640 : i32
      %mul3A_132 = arith.muli %arg1, %mul3A_131 : i32
      %add3A_133 = arith.constant 192 : i32
      %add3A_134 = arith.addi %mul3A_132, %add3A_133 : i32
      "tpu.region"() ({
        %run_scoped3A_159 = tpu.sem_alloc : memref<!tpu.dma_semaphore, #tpu.memory_space<semaphore_mem>>
        %dma_start3A_160 = arith.constant 0 : i32
        %dma_start3A_161 = tpu.memref_slice %arg12[%add3A_134, %dma_start3A_160] : memref<10240x128xf32, #tpu.memory_space<vmem_shared>> -> memref<64x128xf32, #tpu.memory_space<vmem_shared>>
        %dma_start3A_162 = arith.constant 0 : i32
        %dma_start3A_163 = tpu.memref_slice %arg12[%add3A_134, %dma_start3A_162] : memref<10240x128xf32, #tpu.memory_space<vmem_shared>> -> memref<64x128xf32, #tpu.memory_space<vmem_shared>>
        tpu.enqueue_dma source(%arg11 : memref<64x128xf32, #tpu.memory_space<vmem>>) target(%dma_start3A_163 : memref<64x128xf32, #tpu.memory_space<vmem_shared>>) target_semaphore(%run_scoped3A_159 : memref<!tpu.dma_semaphore, #tpu.memory_space<semaphore_mem>>)
        %dma_wait3A = arith.constant 0 : i32
        %dma_wait3A_164 = tpu.memref_slice %arg12[%add3A_134, %dma_wait3A] : memref<10240x128xf32, #tpu.memory_space<vmem_shared>> -> memref<64x128xf32, #tpu.memory_space<vmem_shared>>
        %dma_wait3A_165 = arith.constant 0 : i32
        %dma_wait3A_166 = tpu.memref_slice %arg12[%add3A_134, %dma_wait3A_165] : memref<10240x128xf32, #tpu.memory_space<vmem_shared>> -> memref<64x128xf32, #tpu.memory_space<vmem_shared>>
        tpu.wait_dma2 semaphore(%run_scoped3A_159 : memref<!tpu.dma_semaphore, #tpu.memory_space<semaphore_mem>>) src(%arg11 : memref<64x128xf32, #tpu.memory_space<vmem>>) dst(%dma_wait3A_166 : memref<64x128xf32, #tpu.memory_space<vmem_shared>>)
        tpu.yield
      }) : () -> ()
      %mul3A_135 = arith.constant 640 : i32
      %mul3A_136 = arith.muli %arg1, %mul3A_135 : i32
      %add3A_137 = arith.constant 256 : i32
      %add3A_138 = arith.addi %mul3A_136, %add3A_137 : i32
      "tpu.region"() ({
        %run_scoped3A_159 = tpu.sem_alloc : memref<!tpu.dma_semaphore, #tpu.memory_space<semaphore_mem>>
        %dma_start3A_160 = arith.constant 0 : i32
        %dma_start3A_161 = tpu.memref_slice %arg12[%add3A_138, %dma_start3A_160] : memref<10240x128xf32, #tpu.memory_space<vmem_shared>> -> memref<64x128xf32, #tpu.memory_space<vmem_shared>>
        %dma_start3A_162 = arith.constant 0 : i32
        %dma_start3A_163 = tpu.memref_slice %arg12[%add3A_138, %dma_start3A_162] : memref<10240x128xf32, #tpu.memory_space<vmem_shared>> -> memref<64x128xf32, #tpu.memory_space<vmem_shared>>
        tpu.enqueue_dma source(%arg11 : memref<64x128xf32, #tpu.memory_space<vmem>>) target(%dma_start3A_163 : memref<64x128xf32, #tpu.memory_space<vmem_shared>>) target_semaphore(%run_scoped3A_159 : memref<!tpu.dma_semaphore, #tpu.memory_space<semaphore_mem>>)
        %dma_wait3A = arith.constant 0 : i32
        %dma_wait3A_164 = tpu.memref_slice %arg12[%add3A_138, %dma_wait3A] : memref<10240x128xf32, #tpu.memory_space<vmem_shared>> -> memref<64x128xf32, #tpu.memory_space<vmem_shared>>
        %dma_wait3A_165 = arith.constant 0 : i32
        %dma_wait3A_166 = tpu.memref_slice %arg12[%add3A_138, %dma_wait3A_165] : memref<10240x128xf32, #tpu.memory_space<vmem_shared>> -> memref<64x128xf32, #tpu.memory_space<vmem_shared>>
        tpu.wait_dma2 semaphore(%run_scoped3A_159 : memref<!tpu.dma_semaphore, #tpu.memory_space<semaphore_mem>>) src(%arg11 : memref<64x128xf32, #tpu.memory_space<vmem>>) dst(%dma_wait3A_166 : memref<64x128xf32, #tpu.memory_space<vmem_shared>>)
        tpu.yield
      }) : () -> ()
      %mul3A_139 = arith.constant 640 : i32
      %mul3A_140 = arith.muli %arg1, %mul3A_139 : i32
      %add3A_141 = arith.constant 320 : i32
      %add3A_142 = arith.addi %mul3A_140, %add3A_141 : i32
      "tpu.region"() ({
        %run_scoped3A_159 = tpu.sem_alloc : memref<!tpu.dma_semaphore, #tpu.memory_space<semaphore_mem>>
        %dma_start3A_160 = arith.constant 0 : i32
        %dma_start3A_161 = tpu.memref_slice %arg12[%add3A_142, %dma_start3A_160] : memref<10240x128xf32, #tpu.memory_space<vmem_shared>> -> memref<64x128xf32, #tpu.memory_space<vmem_shared>>
        %dma_start3A_162 = arith.constant 0 : i32
        %dma_start3A_163 = tpu.memref_slice %arg12[%add3A_142, %dma_start3A_162] : memref<10240x128xf32, #tpu.memory_space<vmem_shared>> -> memref<64x128xf32, #tpu.memory_space<vmem_shared>>
        tpu.enqueue_dma source(%arg11 : memref<64x128xf32, #tpu.memory_space<vmem>>) target(%dma_start3A_163 : memref<64x128xf32, #tpu.memory_space<vmem_shared>>) target_semaphore(%run_scoped3A_159 : memref<!tpu.dma_semaphore, #tpu.memory_space<semaphore_mem>>)
        %dma_wait3A = arith.constant 0 : i32
        %dma_wait3A_164 = tpu.memref_slice %arg12[%add3A_142, %dma_wait3A] : memref<10240x128xf32, #tpu.memory_space<vmem_shared>> -> memref<64x128xf32, #tpu.memory_space<vmem_shared>>
        %dma_wait3A_165 = arith.constant 0 : i32
        %dma_wait3A_166 = tpu.memref_slice %arg12[%add3A_142, %dma_wait3A_165] : memref<10240x128xf32, #tpu.memory_space<vmem_shared>> -> memref<64x128xf32, #tpu.memory_space<vmem_shared>>
        tpu.wait_dma2 semaphore(%run_scoped3A_159 : memref<!tpu.dma_semaphore, #tpu.memory_space<semaphore_mem>>) src(%arg11 : memref<64x128xf32, #tpu.memory_space<vmem>>) dst(%dma_wait3A_166 : memref<64x128xf32, #tpu.memory_space<vmem_shared>>)
        tpu.yield
      }) : () -> ()
      %mul3A_143 = arith.constant 640 : i32
      %mul3A_144 = arith.muli %arg1, %mul3A_143 : i32
      %add3A_145 = arith.constant 384 : i32
      %add3A_146 = arith.addi %mul3A_144, %add3A_145 : i32
      "tpu.region"() ({
        %run_scoped3A_159 = tpu.sem_alloc : memref<!tpu.dma_semaphore, #tpu.memory_space<semaphore_mem>>
        %dma_start3A_160 = arith.constant 0 : i32
        %dma_start3A_161 = tpu.memref_slice %arg12[%add3A_146, %dma_start3A_160] : memref<10240x128xf32, #tpu.memory_space<vmem_shared>> -> memref<64x128xf32, #tpu.memory_space<vmem_shared>>
        %dma_start3A_162 = arith.constant 0 : i32
        %dma_start3A_163 = tpu.memref_slice %arg12[%add3A_146, %dma_start3A_162] : memref<10240x128xf32, #tpu.memory_space<vmem_shared>> -> memref<64x128xf32, #tpu.memory_space<vmem_shared>>
        tpu.enqueue_dma source(%arg11 : memref<64x128xf32, #tpu.memory_space<vmem>>) target(%dma_start3A_163 : memref<64x128xf32, #tpu.memory_space<vmem_shared>>) target_semaphore(%run_scoped3A_159 : memref<!tpu.dma_semaphore, #tpu.memory_space<semaphore_mem>>)
        %dma_wait3A = arith.constant 0 : i32
        %dma_wait3A_164 = tpu.memref_slice %arg12[%add3A_146, %dma_wait3A] : memref<10240x128xf32, #tpu.memory_space<vmem_shared>> -> memref<64x128xf32, #tpu.memory_space<vmem_shared>>
        %dma_wait3A_165 = arith.constant 0 : i32
        %dma_wait3A_166 = tpu.memref_slice %arg12[%add3A_146, %dma_wait3A_165] : memref<10240x128xf32, #tpu.memory_space<vmem_shared>> -> memref<64x128xf32, #tpu.memory_space<vmem_shared>>
        tpu.wait_dma2 semaphore(%run_scoped3A_159 : memref<!tpu.dma_semaphore, #tpu.memory_space<semaphore_mem>>) src(%arg11 : memref<64x128xf32, #tpu.memory_space<vmem>>) dst(%dma_wait3A_166 : memref<64x128xf32, #tpu.memory_space<vmem_shared>>)
        tpu.yield
      }) : () -> ()
      %mul3A_147 = arith.constant 640 : i32
      %mul3A_148 = arith.muli %arg1, %mul3A_147 : i32
      %add3A_149 = arith.constant 448 : i32
      %add3A_150 = arith.addi %mul3A_148, %add3A_149 : i32
      "tpu.region"() ({
        %run_scoped3A_159 = tpu.sem_alloc : memref<!tpu.dma_semaphore, #tpu.memory_space<semaphore_mem>>
        %dma_start3A_160 = arith.constant 0 : i32
        %dma_start3A_161 = tpu.memref_slice %arg12[%add3A_150, %dma_start3A_160] : memref<10240x128xf32, #tpu.memory_space<vmem_shared>> -> memref<64x128xf32, #tpu.memory_space<vmem_shared>>
        %dma_start3A_162 = arith.constant 0 : i32
        %dma_start3A_163 = tpu.memref_slice %arg12[%add3A_150, %dma_start3A_162] : memref<10240x128xf32, #tpu.memory_space<vmem_shared>> -> memref<64x128xf32, #tpu.memory_space<vmem_shared>>
        tpu.enqueue_dma source(%arg11 : memref<64x128xf32, #tpu.memory_space<vmem>>) target(%dma_start3A_163 : memref<64x128xf32, #tpu.memory_space<vmem_shared>>) target_semaphore(%run_scoped3A_159 : memref<!tpu.dma_semaphore, #tpu.memory_space<semaphore_mem>>)
        %dma_wait3A = arith.constant 0 : i32
        %dma_wait3A_164 = tpu.memref_slice %arg12[%add3A_150, %dma_wait3A] : memref<10240x128xf32, #tpu.memory_space<vmem_shared>> -> memref<64x128xf32, #tpu.memory_space<vmem_shared>>
        %dma_wait3A_165 = arith.constant 0 : i32
        %dma_wait3A_166 = tpu.memref_slice %arg12[%add3A_150, %dma_wait3A_165] : memref<10240x128xf32, #tpu.memory_space<vmem_shared>> -> memref<64x128xf32, #tpu.memory_space<vmem_shared>>
        tpu.wait_dma2 semaphore(%run_scoped3A_159 : memref<!tpu.dma_semaphore, #tpu.memory_space<semaphore_mem>>) src(%arg11 : memref<64x128xf32, #tpu.memory_space<vmem>>) dst(%dma_wait3A_166 : memref<64x128xf32, #tpu.memory_space<vmem_shared>>)
        tpu.yield
      }) : () -> ()
      %mul3A_151 = arith.constant 640 : i32
      %mul3A_152 = arith.muli %arg1, %mul3A_151 : i32
      %add3A_153 = arith.constant 512 : i32
      %add3A_154 = arith.addi %mul3A_152, %add3A_153 : i32
      "tpu.region"() ({
        %run_scoped3A_159 = tpu.sem_alloc : memref<!tpu.dma_semaphore, #tpu.memory_space<semaphore_mem>>
        %dma_start3A_160 = arith.constant 0 : i32
        %dma_start3A_161 = tpu.memref_slice %arg12[%add3A_154, %dma_start3A_160] : memref<10240x128xf32, #tpu.memory_space<vmem_shared>> -> memref<64x128xf32, #tpu.memory_space<vmem_shared>>
        %dma_start3A_162 = arith.constant 0 : i32
        %dma_start3A_163 = tpu.memref_slice %arg12[%add3A_154, %dma_start3A_162] : memref<10240x128xf32, #tpu.memory_space<vmem_shared>> -> memref<64x128xf32, #tpu.memory_space<vmem_shared>>
        tpu.enqueue_dma source(%arg11 : memref<64x128xf32, #tpu.memory_space<vmem>>) target(%dma_start3A_163 : memref<64x128xf32, #tpu.memory_space<vmem_shared>>) target_semaphore(%run_scoped3A_159 : memref<!tpu.dma_semaphore, #tpu.memory_space<semaphore_mem>>)
        %dma_wait3A = arith.constant 0 : i32
        %dma_wait3A_164 = tpu.memref_slice %arg12[%add3A_154, %dma_wait3A] : memref<10240x128xf32, #tpu.memory_space<vmem_shared>> -> memref<64x128xf32, #tpu.memory_space<vmem_shared>>
        %dma_wait3A_165 = arith.constant 0 : i32
        %dma_wait3A_166 = tpu.memref_slice %arg12[%add3A_154, %dma_wait3A_165] : memref<10240x128xf32, #tpu.memory_space<vmem_shared>> -> memref<64x128xf32, #tpu.memory_space<vmem_shared>>
        tpu.wait_dma2 semaphore(%run_scoped3A_159 : memref<!tpu.dma_semaphore, #tpu.memory_space<semaphore_mem>>) src(%arg11 : memref<64x128xf32, #tpu.memory_space<vmem>>) dst(%dma_wait3A_166 : memref<64x128xf32, #tpu.memory_space<vmem_shared>>)
        tpu.yield
      }) : () -> ()
      %mul3A_155 = arith.constant 640 : i32
      %mul3A_156 = arith.muli %arg1, %mul3A_155 : i32
      %add3A_157 = arith.constant 576 : i32
      %add3A_158 = arith.addi %mul3A_156, %add3A_157 : i32
      "tpu.region"() ({
        %run_scoped3A_159 = tpu.sem_alloc : memref<!tpu.dma_semaphore, #tpu.memory_space<semaphore_mem>>
        %dma_start3A_160 = arith.constant 0 : i32
        %dma_start3A_161 = tpu.memref_slice %arg12[%add3A_158, %dma_start3A_160] : memref<10240x128xf32, #tpu.memory_space<vmem_shared>> -> memref<64x128xf32, #tpu.memory_space<vmem_shared>>
        %dma_start3A_162 = arith.constant 0 : i32
        %dma_start3A_163 = tpu.memref_slice %arg12[%add3A_158, %dma_start3A_162] : memref<10240x128xf32, #tpu.memory_space<vmem_shared>> -> memref<64x128xf32, #tpu.memory_space<vmem_shared>>
        tpu.enqueue_dma source(%arg11 : memref<64x128xf32, #tpu.memory_space<vmem>>) target(%dma_start3A_163 : memref<64x128xf32, #tpu.memory_space<vmem_shared>>) target_semaphore(%run_scoped3A_159 : memref<!tpu.dma_semaphore, #tpu.memory_space<semaphore_mem>>)
        %dma_wait3A = arith.constant 0 : i32
        %dma_wait3A_164 = tpu.memref_slice %arg12[%add3A_158, %dma_wait3A] : memref<10240x128xf32, #tpu.memory_space<vmem_shared>> -> memref<64x128xf32, #tpu.memory_space<vmem_shared>>
        %dma_wait3A_165 = arith.constant 0 : i32
        %dma_wait3A_166 = tpu.memref_slice %arg12[%add3A_158, %dma_wait3A_165] : memref<10240x128xf32, #tpu.memory_space<vmem_shared>> -> memref<64x128xf32, #tpu.memory_space<vmem_shared>>
        tpu.wait_dma2 semaphore(%run_scoped3A_159 : memref<!tpu.dma_semaphore, #tpu.memory_space<semaphore_mem>>) src(%arg11 : memref<64x128xf32, #tpu.memory_space<vmem>>) dst(%dma_wait3A_166 : memref<64x128xf32, #tpu.memory_space<vmem_shared>>)
        tpu.yield
      }) : () -> ()
    } else {
    }
    %run_scoped3A = arith.constant 0 : i32
    "tpu.region"() ({
      %run_scoped3A_119 = tpu.sem_alloc : memref<!tpu.dma_semaphore, #tpu.memory_space<semaphore_mem>>
      %dma_start3A_120 = arith.constant 0 : i32
      %dma_start3A_121 = arith.constant 0 : i32
      %dma_start3A_122 = tpu.memref_slice %arg7[%run_scoped3A, %dma_start3A_120, %dma_start3A_121] : memref<2x16x64xi32, #tpu.memory_space<vmem>> -> memref<1x16x64xi32, #tpu.memory_space<vmem>>
      %dma_start3A_123 = tpu.memref_squeeze %dma_start3A_122 : memref<1x16x64xi32, #tpu.memory_space<vmem>> -> memref<16x64xi32, #tpu.memory_space<vmem>>
      %dma_start3A_124 = arith.constant 0 : i32
      %dma_start3A_125 = tpu.memref_slice %arg3[%select_n3A_26, %dma_start3A_124] : memref<5120x64xi32, #tpu.memory_space<hbm>> -> memref<16x64xi32, #tpu.memory_space<hbm>>
      %dma_start3A_126 = arith.constant 0 : i32
      %dma_start3A_127 = arith.constant 0 : i32
      %dma_start3A_128 = tpu.memref_slice %arg7[%run_scoped3A, %dma_start3A_126, %dma_start3A_127] : memref<2x16x64xi32, #tpu.memory_space<vmem>> -> memref<1x16x64xi32, #tpu.memory_space<vmem>>
      %dma_start3A_129 = tpu.memref_squeeze %dma_start3A_128 : memref<1x16x64xi32, #tpu.memory_space<vmem>> -> memref<16x64xi32, #tpu.memory_space<vmem>>
      %dma_start3A_130 = arith.constant 0 : i32
      %dma_start3A_131 = tpu.memref_slice %arg3[%select_n3A_26, %dma_start3A_130] : memref<5120x64xi32, #tpu.memory_space<hbm>> -> memref<16x64xi32, #tpu.memory_space<hbm>>
      tpu.enqueue_dma source(%dma_start3A_131 : memref<16x64xi32, #tpu.memory_space<hbm>>) target(%dma_start3A_129 : memref<16x64xi32, #tpu.memory_space<vmem>>) target_semaphore(%run_scoped3A_119 : memref<!tpu.dma_semaphore, #tpu.memory_space<semaphore_mem>>)
      %dma_wait3A = arith.constant 0 : i32
      %dma_wait3A_132 = arith.constant 0 : i32
      %dma_wait3A_133 = tpu.memref_slice %arg7[%run_scoped3A, %dma_wait3A, %dma_wait3A_132] : memref<2x16x64xi32, #tpu.memory_space<vmem>> -> memref<1x16x64xi32, #tpu.memory_space<vmem>>
      %dma_wait3A_134 = tpu.memref_squeeze %dma_wait3A_133 : memref<1x16x64xi32, #tpu.memory_space<vmem>> -> memref<16x64xi32, #tpu.memory_space<vmem>>
      %dma_wait3A_135 = arith.constant 0 : i32
      %dma_wait3A_136 = tpu.memref_slice %arg3[%select_n3A_26, %dma_wait3A_135] : memref<5120x64xi32, #tpu.memory_space<hbm>> -> memref<16x64xi32, #tpu.memory_space<hbm>>
      %dma_wait3A_137 = arith.constant 0 : i32
      %dma_wait3A_138 = arith.constant 0 : i32
      %dma_wait3A_139 = tpu.memref_slice %arg7[%run_scoped3A, %dma_wait3A_137, %dma_wait3A_138] : memref<2x16x64xi32, #tpu.memory_space<vmem>> -> memref<1x16x64xi32, #tpu.memory_space<vmem>>
      %dma_wait3A_140 = tpu.memref_squeeze %dma_wait3A_139 : memref<1x16x64xi32, #tpu.memory_space<vmem>> -> memref<16x64xi32, #tpu.memory_space<vmem>>
      %dma_wait3A_141 = arith.constant 0 : i32
      %dma_wait3A_142 = tpu.memref_slice %arg3[%select_n3A_26, %dma_wait3A_141] : memref<5120x64xi32, #tpu.memory_space<hbm>> -> memref<16x64xi32, #tpu.memory_space<hbm>>
      tpu.wait_dma2 semaphore(%run_scoped3A_119 : memref<!tpu.dma_semaphore, #tpu.memory_space<semaphore_mem>>) src(%dma_wait3A_142 : memref<16x64xi32, #tpu.memory_space<hbm>>) dst(%dma_wait3A_140 : memref<16x64xi32, #tpu.memory_space<vmem>>)
      tpu.yield
    }) : () -> ()
    %run_scoped3A_35 = arith.constant 0 : i32
    "tpu.region"() ({
      %run_scoped3A_119 = tpu.sem_alloc : memref<!tpu.dma_semaphore, #tpu.memory_space<semaphore_mem>>
      %dma_start3A_120 = arith.constant 0 : i32
      %dma_start3A_121 = arith.constant 0 : i32
      %dma_start3A_122 = tpu.memref_slice %arg8[%run_scoped3A_35, %dma_start3A_120, %dma_start3A_121] : memref<2x16x64xi32, #tpu.memory_space<vmem>> -> memref<1x16x64xi32, #tpu.memory_space<vmem>>
      %dma_start3A_123 = tpu.memref_squeeze %dma_start3A_122 : memref<1x16x64xi32, #tpu.memory_space<vmem>> -> memref<16x64xi32, #tpu.memory_space<vmem>>
      %dma_start3A_124 = arith.constant 0 : i32
      %dma_start3A_125 = tpu.memref_slice %arg4[%select_n3A_26, %dma_start3A_124] : memref<5120x64xi32, #tpu.memory_space<hbm>> -> memref<16x64xi32, #tpu.memory_space<hbm>>
      %dma_start3A_126 = arith.constant 0 : i32
      %dma_start3A_127 = arith.constant 0 : i32
      %dma_start3A_128 = tpu.memref_slice %arg8[%run_scoped3A_35, %dma_start3A_126, %dma_start3A_127] : memref<2x16x64xi32, #tpu.memory_space<vmem>> -> memref<1x16x64xi32, #tpu.memory_space<vmem>>
      %dma_start3A_129 = tpu.memref_squeeze %dma_start3A_128 : memref<1x16x64xi32, #tpu.memory_space<vmem>> -> memref<16x64xi32, #tpu.memory_space<vmem>>
      %dma_start3A_130 = arith.constant 0 : i32
      %dma_start3A_131 = tpu.memref_slice %arg4[%select_n3A_26, %dma_start3A_130] : memref<5120x64xi32, #tpu.memory_space<hbm>> -> memref<16x64xi32, #tpu.memory_space<hbm>>
      tpu.enqueue_dma source(%dma_start3A_131 : memref<16x64xi32, #tpu.memory_space<hbm>>) target(%dma_start3A_129 : memref<16x64xi32, #tpu.memory_space<vmem>>) target_semaphore(%run_scoped3A_119 : memref<!tpu.dma_semaphore, #tpu.memory_space<semaphore_mem>>)
      %dma_wait3A = arith.constant 0 : i32
      %dma_wait3A_132 = arith.constant 0 : i32
      %dma_wait3A_133 = tpu.memref_slice %arg8[%run_scoped3A_35, %dma_wait3A, %dma_wait3A_132] : memref<2x16x64xi32, #tpu.memory_space<vmem>> -> memref<1x16x64xi32, #tpu.memory_space<vmem>>
      %dma_wait3A_134 = tpu.memref_squeeze %dma_wait3A_133 : memref<1x16x64xi32, #tpu.memory_space<vmem>> -> memref<16x64xi32, #tpu.memory_space<vmem>>
      %dma_wait3A_135 = arith.constant 0 : i32
      %dma_wait3A_136 = tpu.memref_slice %arg4[%select_n3A_26, %dma_wait3A_135] : memref<5120x64xi32, #tpu.memory_space<hbm>> -> memref<16x64xi32, #tpu.memory_space<hbm>>
      %dma_wait3A_137 = arith.constant 0 : i32
      %dma_wait3A_138 = arith.constant 0 : i32
      %dma_wait3A_139 = tpu.memref_slice %arg8[%run_scoped3A_35, %dma_wait3A_137, %dma_wait3A_138] : memref<2x16x64xi32, #tpu.memory_space<vmem>> -> memref<1x16x64xi32, #tpu.memory_space<vmem>>
      %dma_wait3A_140 = tpu.memref_squeeze %dma_wait3A_139 : memref<1x16x64xi32, #tpu.memory_space<vmem>> -> memref<16x64xi32, #tpu.memory_space<vmem>>
      %dma_wait3A_141 = arith.constant 0 : i32
      %dma_wait3A_142 = tpu.memref_slice %arg4[%select_n3A_26, %dma_wait3A_141] : memref<5120x64xi32, #tpu.memory_space<hbm>> -> memref<16x64xi32, #tpu.memory_space<hbm>>
      tpu.wait_dma2 semaphore(%run_scoped3A_119 : memref<!tpu.dma_semaphore, #tpu.memory_space<semaphore_mem>>) src(%dma_wait3A_142 : memref<16x64xi32, #tpu.memory_space<hbm>>) dst(%dma_wait3A_140 : memref<16x64xi32, #tpu.memory_space<vmem>>)
      tpu.yield
    }) : () -> ()
    %barrier3A = arith.constant 0 : index
    tpu.barrier barrier_id(%barrier3A)
    %add3A_36 = arith.constant 16 : i32
    %add3A_37 = arith.addi %select_n3A_26, %add3A_36 : i32
    %dma_start3A = arith.constant 1 : i32
    %dma_start3A_38 = arith.constant 0 : i32
    %dma_start3A_39 = arith.constant 0 : i32
    %dma_start3A_40 = tpu.memref_slice %arg7[%dma_start3A, %dma_start3A_38, %dma_start3A_39] : memref<2x16x64xi32, #tpu.memory_space<vmem>> -> memref<1x16x64xi32, #tpu.memory_space<vmem>>
    %dma_start3A_41 = tpu.memref_squeeze %dma_start3A_40 : memref<1x16x64xi32, #tpu.memory_space<vmem>> -> memref<16x64xi32, #tpu.memory_space<vmem>>
    %dma_start3A_42 = arith.constant 0 : i32
    %dma_start3A_43 = tpu.memref_slice %arg3[%add3A_37, %dma_start3A_42] : memref<5120x64xi32, #tpu.memory_space<hbm>> -> memref<16x64xi32, #tpu.memory_space<hbm>>
    %dma_start3A_44 = arith.constant 0 : i32
    %dma_start3A_45 = arith.constant 0 : i32
    %dma_start3A_46 = tpu.memref_slice %arg7[%dma_start3A, %dma_start3A_44, %dma_start3A_45] : memref<2x16x64xi32, #tpu.memory_space<vmem>> -> memref<1x16x64xi32, #tpu.memory_space<vmem>>
    %dma_start3A_47 = tpu.memref_squeeze %dma_start3A_46 : memref<1x16x64xi32, #tpu.memory_space<vmem>> -> memref<16x64xi32, #tpu.memory_space<vmem>>
    %dma_start3A_48 = arith.constant 0 : i32
    %dma_start3A_49 = tpu.memref_slice %arg3[%add3A_37, %dma_start3A_48] : memref<5120x64xi32, #tpu.memory_space<hbm>> -> memref<16x64xi32, #tpu.memory_space<hbm>>
    tpu.enqueue_dma source(%dma_start3A_49 : memref<16x64xi32, #tpu.memory_space<hbm>>) target(%dma_start3A_47 : memref<16x64xi32, #tpu.memory_space<vmem>>) target_semaphore(%arg15 : memref<!tpu.dma_semaphore, #tpu.memory_space<semaphore_mem>>)
    %add3A_50 = arith.constant 16 : i32
    %add3A_51 = arith.addi %select_n3A_26, %add3A_50 : i32
    %dma_start3A_52 = arith.constant 1 : i32
    %dma_start3A_53 = arith.constant 0 : i32
    %dma_start3A_54 = arith.constant 0 : i32
    %dma_start3A_55 = tpu.memref_slice %arg8[%dma_start3A_52, %dma_start3A_53, %dma_start3A_54] : memref<2x16x64xi32, #tpu.memory_space<vmem>> -> memref<1x16x64xi32, #tpu.memory_space<vmem>>
    %dma_start3A_56 = tpu.memref_squeeze %dma_start3A_55 : memref<1x16x64xi32, #tpu.memory_space<vmem>> -> memref<16x64xi32, #tpu.memory_space<vmem>>
    %dma_start3A_57 = arith.constant 0 : i32
    %dma_start3A_58 = tpu.memref_slice %arg4[%add3A_51, %dma_start3A_57] : memref<5120x64xi32, #tpu.memory_space<hbm>> -> memref<16x64xi32, #tpu.memory_space<hbm>>
    %dma_start3A_59 = arith.constant 0 : i32
    %dma_start3A_60 = arith.constant 0 : i32
    %dma_start3A_61 = tpu.memref_slice %arg8[%dma_start3A_52, %dma_start3A_59, %dma_start3A_60] : memref<2x16x64xi32, #tpu.memory_space<vmem>> -> memref<1x16x64xi32, #tpu.memory_space<vmem>>
    %dma_start3A_62 = tpu.memref_squeeze %dma_start3A_61 : memref<1x16x64xi32, #tpu.memory_space<vmem>> -> memref<16x64xi32, #tpu.memory_space<vmem>>
    %dma_start3A_63 = arith.constant 0 : i32
    %dma_start3A_64 = tpu.memref_slice %arg4[%add3A_51, %dma_start3A_63] : memref<5120x64xi32, #tpu.memory_space<hbm>> -> memref<16x64xi32, #tpu.memory_space<hbm>>
    tpu.enqueue_dma source(%dma_start3A_64 : memref<16x64xi32, #tpu.memory_space<hbm>>) target(%dma_start3A_62 : memref<16x64xi32, #tpu.memory_space<vmem>>) target_semaphore(%arg16 : memref<!tpu.dma_semaphore, #tpu.memory_space<semaphore_mem>>)
    %dma_start3A_65 = arith.constant 0 : i32
    %dma_start3A_66 = arith.constant 0 : i32
    %dma_start3A_67 = arith.constant 0 : i32
    %dma_start3A_68 = tpu.memref_slice %arg7[%dma_start3A_65, %dma_start3A_66, %dma_start3A_67] : memref<2x16x64xi32, #tpu.memory_space<vmem>> -> memref<1x1x64xi32, #tpu.memory_space<vmem>>
    %dma_start3A_69 = tpu.memref_squeeze %dma_start3A_68 : memref<1x1x64xi32, #tpu.memory_space<vmem>> -> memref<64xi32, #tpu.memory_space<vmem>>
    %dma_start3A_70 = arith.constant 0 : i32
    %dma_start3A_71 = arith.constant 0 : i32
    %dma_start3A_72 = tpu.memref_slice %arg2[%dma_start3A_70, %dma_start3A_71] : memref<10240x128xf32, #tpu.memory_space<hbm>> -> memref<10240x128xf32, #tpu.memory_space<hbm>>
    tpu.enqueue_indirect_dma source(%dma_start3A_72 : memref<10240x128xf32, #tpu.memory_space<hbm>>) target(%arg9 : memref<64x128xf32, #tpu.memory_space<vmem>>) offsets(%dma_start3A_69 : memref<64xi32, #tpu.memory_space<vmem>>) semaphore(%arg13 : memref<!tpu.dma_semaphore, #tpu.memory_space<semaphore_mem>>)
    %dma_start3A_73 = arith.constant 0 : i32
    %dma_start3A_74 = arith.constant 1 : i32
    %dma_start3A_75 = arith.constant 0 : i32
    %dma_start3A_76 = tpu.memref_slice %arg7[%dma_start3A_73, %dma_start3A_74, %dma_start3A_75] : memref<2x16x64xi32, #tpu.memory_space<vmem>> -> memref<1x1x64xi32, #tpu.memory_space<vmem>>
    %dma_start3A_77 = tpu.memref_squeeze %dma_start3A_76 : memref<1x1x64xi32, #tpu.memory_space<vmem>> -> memref<64xi32, #tpu.memory_space<vmem>>
    %dma_start3A_78 = arith.constant 0 : i32
    %dma_start3A_79 = arith.constant 0 : i32
    %dma_start3A_80 = tpu.memref_slice %arg2[%dma_start3A_78, %dma_start3A_79] : memref<10240x128xf32, #tpu.memory_space<hbm>> -> memref<10240x128xf32, #tpu.memory_space<hbm>>
    tpu.enqueue_indirect_dma source(%dma_start3A_80 : memref<10240x128xf32, #tpu.memory_space<hbm>>) target(%arg10 : memref<64x128xf32, #tpu.memory_space<vmem>>) offsets(%dma_start3A_77 : memref<64xi32, #tpu.memory_space<vmem>>) semaphore(%arg14 : memref<!tpu.dma_semaphore, #tpu.memory_space<semaphore_mem>>)
    %jit3A_81 = arith.constant 2 : i32
    %div3A_82 = arith.divsi %select_n3A, %jit3A_81 : i32
    %sign3A_83 = arith.constant 0 : i32
    %sign3A_84 = arith.cmpi sgt, %select_n3A, %sign3A_83 : i32
    %sign3A_85 = arith.extui %sign3A_84 : i1 to i32
    %sign3A_86 = arith.constant 0 : i32
    %sign3A_87 = arith.cmpi slt, %select_n3A, %sign3A_86 : i32
    %sign3A_88 = arith.extui %sign3A_87 : i1 to i32
    %sign3A_89 = arith.subi %sign3A_85, %sign3A_88 : i32
    %sign3A_90 = arith.constant 0 : i32
    %sign3A_91 = arith.cmpi sgt, %jit3A_81, %sign3A_90 : i32
    %sign3A_92 = arith.extui %sign3A_91 : i1 to i32
    %sign3A_93 = arith.constant 0 : i32
    %sign3A_94 = arith.cmpi slt, %jit3A_81, %sign3A_93 : i32
    %sign3A_95 = arith.extui %sign3A_94 : i1 to i32
    %sign3A_96 = arith.subi %sign3A_92, %sign3A_95 : i32
    %ne3A_97 = arith.cmpi ne, %sign3A_89, %sign3A_96 : i32
    %rem3A_98 = arith.remsi %select_n3A, %jit3A_81 : i32
    %ne3A_99 = arith.constant 0 : i32
    %ne3A_100 = arith.cmpi ne, %rem3A_98, %ne3A_99 : i32
    %and3A_101 = arith.andi %ne3A_97, %ne3A_100 : i1
    %sub3A_102 = arith.constant 1 : i32
    %sub3A_103 = arith.subi %div3A_82, %sub3A_102 : i32
    %select_n3A_104 = arith.select %and3A_101, %sub3A_103, %div3A_82 : i32
    %while3A = arith.constant 0 : i32
    %while3A_105 = arith.constant 0 : i32
    %while3A_106 = arith.subi %select_n3A_104, %while3A_105 : i32
    %while3A_107 = arith.addi %while3A_105, %while3A_106 : i32
    %while3A_108 = arith.constant 1 : i32
    %while3A_109 = arith.divsi %while3A_106, %while3A_108 : i32
    %while3A_110 = arith.muli %while3A_109, %while3A_108 : i32
    %while3A_111 = arith.addi %while3A_105, %while3A_110 : i32
    %while3A_112 = arith.constant 1 : i32
    scf.for %while3A_119 = %while3A_105 to %while3A_111 step %while3A_112  : i32 {
      %mul3A_120 = arith.constant 2 : i32
      %mul3A_121 = arith.muli %mul3A_120, %while3A_119 : i32
      %jit3A_122 = arith.constant 16 : i32
      %div3A_123 = arith.divsi %mul3A_121, %jit3A_122 : i32
      %sign3A_124 = arith.constant 0 : i32
      %sign3A_125 = arith.cmpi sgt, %mul3A_121, %sign3A_124 : i32
      %sign3A_126 = arith.extui %sign3A_125 : i1 to i32
      %sign3A_127 = arith.constant 0 : i32
      %sign3A_128 = arith.cmpi slt, %mul3A_121, %sign3A_127 : i32
      %sign3A_129 = arith.extui %sign3A_128 : i1 to i32
      %sign3A_130 = arith.subi %sign3A_126, %sign3A_129 : i32
      %sign3A_131 = arith.constant 0 : i32
      %sign3A_132 = arith.cmpi sgt, %jit3A_122, %sign3A_131 : i32
      %sign3A_133 = arith.extui %sign3A_132 : i1 to i32
      %sign3A_134 = arith.constant 0 : i32
      %sign3A_135 = arith.cmpi slt, %jit3A_122, %sign3A_134 : i32
      %sign3A_136 = arith.extui %sign3A_135 : i1 to i32
      %sign3A_137 = arith.subi %sign3A_133, %sign3A_136 : i32
      %ne3A_138 = arith.cmpi ne, %sign3A_130, %sign3A_137 : i32
      %rem3A_139 = arith.remsi %mul3A_121, %jit3A_122 : i32
      %ne3A_140 = arith.constant 0 : i32
      %ne3A_141 = arith.cmpi ne, %rem3A_139, %ne3A_140 : i32
      %and3A_142 = arith.andi %ne3A_138, %ne3A_141 : i1
      %sub3A_143 = arith.constant 1 : i32
      %sub3A_144 = arith.subi %div3A_123, %sub3A_143 : i32
      %select_n3A_145 = arith.select %and3A_142, %sub3A_144, %div3A_123 : i32
      %mul3A_146 = arith.constant 16 : i32
      %mul3A_147 = arith.muli %select_n3A_145, %mul3A_146 : i32
      %sub3A_148 = arith.subi %mul3A_121, %mul3A_147 : i32
      %eq3A_149 = arith.constant 14 : i32
      %eq3A_150 = arith.cmpi eq, %sub3A_148, %eq3A_149 : i32
      %add3A_151 = arith.constant 1 : i32
      %add3A_152 = arith.addi %select_n3A_145, %add3A_151 : i32
      %lt3A = arith.cmpi slt, %add3A_152, %select_n3A_19 : i32
      %and3A_153 = arith.andi %eq3A_150, %lt3A : i1
      %convert_element_type3A_154 = arith.extui %and3A_153 : i1 to i32
      %cond3A_155 = arith.constant 0 : i32
      %cond3A_156 = arith.cmpi ne, %convert_element_type3A_154, %cond3A_155 : i32
      scf.if %cond3A_156 {
        %dma_wait3A_222 = arith.constant 0 : i32
        %dma_wait3A_223 = arith.constant 0 : i32
        %dma_wait3A_224 = arith.constant 0 : i32
        %dma_wait3A_225 = tpu.memref_slice %arg7[%dma_wait3A_222, %dma_wait3A_223, %dma_wait3A_224] : memref<2x16x64xi32, #tpu.memory_space<vmem>> -> memref<1x16x64xi32, #tpu.memory_space<vmem>>
        %dma_wait3A_226 = tpu.memref_squeeze %dma_wait3A_225 : memref<1x16x64xi32, #tpu.memory_space<vmem>> -> memref<16x64xi32, #tpu.memory_space<vmem>>
        %dma_wait3A_227 = arith.constant 0 : i32
        %dma_wait3A_228 = tpu.memref_slice %arg3[%select_n3A_26, %dma_wait3A_227] : memref<5120x64xi32, #tpu.memory_space<hbm>> -> memref<16x64xi32, #tpu.memory_space<hbm>>
        %dma_wait3A_229 = arith.constant 0 : i32
        %dma_wait3A_230 = arith.constant 0 : i32
        %dma_wait3A_231 = tpu.memref_slice %arg7[%dma_wait3A_222, %dma_wait3A_229, %dma_wait3A_230] : memref<2x16x64xi32, #tpu.memory_space<vmem>> -> memref<1x16x64xi32, #tpu.memory_space<vmem>>
        %dma_wait3A_232 = tpu.memref_squeeze %dma_wait3A_231 : memref<1x16x64xi32, #tpu.memory_space<vmem>> -> memref<16x64xi32, #tpu.memory_space<vmem>>
        %dma_wait3A_233 = arith.constant 0 : i32
        %dma_wait3A_234 = tpu.memref_slice %arg3[%select_n3A_26, %dma_wait3A_233] : memref<5120x64xi32, #tpu.memory_space<hbm>> -> memref<16x64xi32, #tpu.memory_space<hbm>>
        tpu.wait_dma2 semaphore(%arg15 : memref<!tpu.dma_semaphore, #tpu.memory_space<semaphore_mem>>) src(%dma_wait3A_234 : memref<16x64xi32, #tpu.memory_space<hbm>>) dst(%dma_wait3A_232 : memref<16x64xi32, #tpu.memory_space<vmem>>)
        %dma_wait3A_235 = arith.constant 0 : i32
        %dma_wait3A_236 = arith.constant 0 : i32
        %dma_wait3A_237 = arith.constant 0 : i32
        %dma_wait3A_238 = tpu.memref_slice %arg8[%dma_wait3A_235, %dma_wait3A_236, %dma_wait3A_237] : memref<2x16x64xi32, #tpu.memory_space<vmem>> -> memref<1x16x64xi32, #tpu.memory_space<vmem>>
        %dma_wait3A_239 = tpu.memref_squeeze %dma_wait3A_238 : memref<1x16x64xi32, #tpu.memory_space<vmem>> -> memref<16x64xi32, #tpu.memory_space<vmem>>
        %dma_wait3A_240 = arith.constant 0 : i32
        %dma_wait3A_241 = tpu.memref_slice %arg4[%select_n3A_26, %dma_wait3A_240] : memref<5120x64xi32, #tpu.memory_space<hbm>> -> memref<16x64xi32, #tpu.memory_space<hbm>>
        %dma_wait3A_242 = arith.constant 0 : i32
        %dma_wait3A_243 = arith.constant 0 : i32
        %dma_wait3A_244 = tpu.memref_slice %arg8[%dma_wait3A_235, %dma_wait3A_242, %dma_wait3A_243] : memref<2x16x64xi32, #tpu.memory_space<vmem>> -> memref<1x16x64xi32, #tpu.memory_space<vmem>>
        %dma_wait3A_245 = tpu.memref_squeeze %dma_wait3A_244 : memref<1x16x64xi32, #tpu.memory_space<vmem>> -> memref<16x64xi32, #tpu.memory_space<vmem>>
        %dma_wait3A_246 = arith.constant 0 : i32
        %dma_wait3A_247 = tpu.memref_slice %arg4[%select_n3A_26, %dma_wait3A_246] : memref<5120x64xi32, #tpu.memory_space<hbm>> -> memref<16x64xi32, #tpu.memory_space<hbm>>
        tpu.wait_dma2 semaphore(%arg16 : memref<!tpu.dma_semaphore, #tpu.memory_space<semaphore_mem>>) src(%dma_wait3A_247 : memref<16x64xi32, #tpu.memory_space<hbm>>) dst(%dma_wait3A_245 : memref<16x64xi32, #tpu.memory_space<vmem>>)
      } else {
      }
      %rem3A_157 = arith.constant 2 : i32
      %rem3A_158 = arith.remsi %select_n3A_145, %rem3A_157 : i32
      %dma_wait3A = arith.constant 0 : i32
      %dma_wait3A_159 = tpu.memref_slice %arg7[%rem3A_158, %sub3A_148, %dma_wait3A] : memref<2x16x64xi32, #tpu.memory_space<vmem>> -> memref<1x1x64xi32, #tpu.memory_space<vmem>>
      %dma_wait3A_160 = tpu.memref_squeeze %dma_wait3A_159 : memref<1x1x64xi32, #tpu.memory_space<vmem>> -> memref<64xi32, #tpu.memory_space<vmem>>
      %dma_wait3A_161 = arith.constant 0 : i32
      %dma_wait3A_162 = arith.constant 0 : i32
      %dma_wait3A_163 = tpu.memref_slice %arg2[%dma_wait3A_161, %dma_wait3A_162] : memref<10240x128xf32, #tpu.memory_space<hbm>> -> memref<10240x128xf32, #tpu.memory_space<hbm>>
      tpu.wait_indirect_dma semaphore(%arg13 : memref<!tpu.dma_semaphore, #tpu.memory_space<semaphore_mem>>) src(%dma_wait3A_163 : memref<10240x128xf32, #tpu.memory_space<hbm>>) dst(%arg9 : memref<64x128xf32, #tpu.memory_space<vmem>>)
      "tpu.region"() ({
        %run_scoped3A_222 = tpu.sem_alloc : memref<!tpu.dma_semaphore, #tpu.memory_space<semaphore_mem>>
        %dma_start3A_223 = arith.constant 0 : i32
        %dma_start3A_224 = tpu.memref_slice %arg8[%rem3A_158, %sub3A_148, %dma_start3A_223] : memref<2x16x64xi32, #tpu.memory_space<vmem>> -> memref<1x1x64xi32, #tpu.memory_space<vmem>>
        %dma_start3A_225 = tpu.memref_squeeze %dma_start3A_224 : memref<1x1x64xi32, #tpu.memory_space<vmem>> -> memref<64xi32, #tpu.memory_space<vmem>>
        %dma_start3A_226 = arith.constant 0 : i32
        %dma_start3A_227 = arith.constant 0 : i32
        %dma_start3A_228 = tpu.memref_slice %arg12[%dma_start3A_226, %dma_start3A_227] : memref<10240x128xf32, #tpu.memory_space<vmem_shared>> -> memref<10240x128xf32, #tpu.memory_space<vmem_shared>>
        tpu.enqueue_indirect_dma source(%arg9 : memref<64x128xf32, #tpu.memory_space<vmem>>) target(%dma_start3A_228 : memref<10240x128xf32, #tpu.memory_space<vmem_shared>>) offsets(%dma_start3A_225 : memref<64xi32, #tpu.memory_space<vmem>>) semaphore(%run_scoped3A_222 : memref<!tpu.dma_semaphore, #tpu.memory_space<semaphore_mem>>) {add = true}
        %dma_wait3A_229 = arith.constant 0 : i32
        %dma_wait3A_230 = tpu.memref_slice %arg8[%rem3A_158, %sub3A_148, %dma_wait3A_229] : memref<2x16x64xi32, #tpu.memory_space<vmem>> -> memref<1x1x64xi32, #tpu.memory_space<vmem>>
        %dma_wait3A_231 = tpu.memref_squeeze %dma_wait3A_230 : memref<1x1x64xi32, #tpu.memory_space<vmem>> -> memref<64xi32, #tpu.memory_space<vmem>>
        %dma_wait3A_232 = arith.constant 0 : i32
        %dma_wait3A_233 = arith.constant 0 : i32
        %dma_wait3A_234 = tpu.memref_slice %arg12[%dma_wait3A_232, %dma_wait3A_233] : memref<10240x128xf32, #tpu.memory_space<vmem_shared>> -> memref<10240x128xf32, #tpu.memory_space<vmem_shared>>
        tpu.wait_indirect_dma semaphore(%run_scoped3A_222 : memref<!tpu.dma_semaphore, #tpu.memory_space<semaphore_mem>>) src(%arg9 : memref<64x128xf32, #tpu.memory_space<vmem>>) dst(%dma_wait3A_234 : memref<10240x128xf32, #tpu.memory_space<vmem_shared>>)
        tpu.yield
      }) : () -> ()
      %add3A_164 = arith.constant 2 : i32
      %add3A_165 = arith.addi %mul3A_121, %add3A_164 : i32
      %lt3A_166 = arith.cmpi slt, %add3A_165, %select_n3A : i32
      %convert_element_type3A_167 = arith.extui %lt3A_166 : i1 to i32
      %cond3A_168 = arith.constant 0 : i32
      %cond3A_169 = arith.cmpi ne, %convert_element_type3A_167, %cond3A_168 : i32
      scf.if %cond3A_169 {
        %add3A_222 = arith.constant 2 : i32
        %add3A_223 = arith.addi %mul3A_121, %add3A_222 : i32
        %jit3A_224 = arith.constant 16 : i32
        %div3A_225 = arith.divsi %add3A_223, %jit3A_224 : i32
        %sign3A_226 = arith.constant 0 : i32
        %sign3A_227 = arith.cmpi sgt, %add3A_223, %sign3A_226 : i32
        %sign3A_228 = arith.extui %sign3A_227 : i1 to i32
        %sign3A_229 = arith.constant 0 : i32
        %sign3A_230 = arith.cmpi slt, %add3A_223, %sign3A_229 : i32
        %sign3A_231 = arith.extui %sign3A_230 : i1 to i32
        %sign3A_232 = arith.subi %sign3A_228, %sign3A_231 : i32
        %sign3A_233 = arith.constant 0 : i32
        %sign3A_234 = arith.cmpi sgt, %jit3A_224, %sign3A_233 : i32
        %sign3A_235 = arith.extui %sign3A_234 : i1 to i32
        %sign3A_236 = arith.constant 0 : i32
        %sign3A_237 = arith.cmpi slt, %jit3A_224, %sign3A_236 : i32
        %sign3A_238 = arith.extui %sign3A_237 : i1 to i32
        %sign3A_239 = arith.subi %sign3A_235, %sign3A_238 : i32
        %ne3A_240 = arith.cmpi ne, %sign3A_232, %sign3A_239 : i32
        %rem3A_241 = arith.remsi %add3A_223, %jit3A_224 : i32
        %ne3A_242 = arith.constant 0 : i32
        %ne3A_243 = arith.cmpi ne, %rem3A_241, %ne3A_242 : i32
        %and3A_244 = arith.andi %ne3A_240, %ne3A_243 : i1
        %sub3A_245 = arith.constant 1 : i32
        %sub3A_246 = arith.subi %div3A_225, %sub3A_245 : i32
        %select_n3A_247 = arith.select %and3A_244, %sub3A_246, %div3A_225 : i32
        %rem3A_248 = arith.constant 2 : i32
        %rem3A_249 = arith.remsi %select_n3A_247, %rem3A_248 : i32
        %mul3A_250 = arith.constant 16 : i32
        %mul3A_251 = arith.muli %select_n3A_247, %mul3A_250 : i32
        %sub3A_252 = arith.subi %add3A_223, %mul3A_251 : i32
        %dma_start3A_253 = arith.constant 0 : i32
        %dma_start3A_254 = tpu.memref_slice %arg7[%rem3A_249, %sub3A_252, %dma_start3A_253] : memref<2x16x64xi32, #tpu.memory_space<vmem>> -> memref<1x1x64xi32, #tpu.memory_space<vmem>>
        %dma_start3A_255 = tpu.memref_squeeze %dma_start3A_254 : memref<1x1x64xi32, #tpu.memory_space<vmem>> -> memref<64xi32, #tpu.memory_space<vmem>>
        %dma_start3A_256 = arith.constant 0 : i32
        %dma_start3A_257 = arith.constant 0 : i32
        %dma_start3A_258 = tpu.memref_slice %arg2[%dma_start3A_256, %dma_start3A_257] : memref<10240x128xf32, #tpu.memory_space<hbm>> -> memref<10240x128xf32, #tpu.memory_space<hbm>>
        tpu.enqueue_indirect_dma source(%dma_start3A_258 : memref<10240x128xf32, #tpu.memory_space<hbm>>) target(%arg9 : memref<64x128xf32, #tpu.memory_space<vmem>>) offsets(%dma_start3A_255 : memref<64xi32, #tpu.memory_space<vmem>>) semaphore(%arg13 : memref<!tpu.dma_semaphore, #tpu.memory_space<semaphore_mem>>)
      } else {
      }
      %add3A_170 = arith.constant 1 : i32
      %add3A_171 = arith.addi %mul3A_121, %add3A_170 : i32
      %jit3A_172 = arith.constant 16 : i32
      %div3A_173 = arith.divsi %add3A_171, %jit3A_172 : i32
      %sign3A_174 = arith.constant 0 : i32
      %sign3A_175 = arith.cmpi sgt, %add3A_171, %sign3A_174 : i32
      %sign3A_176 = arith.extui %sign3A_175 : i1 to i32
      %sign3A_177 = arith.constant 0 : i32
      %sign3A_178 = arith.cmpi slt, %add3A_171, %sign3A_177 : i32
      %sign3A_179 = arith.extui %sign3A_178 : i1 to i32
      %sign3A_180 = arith.subi %sign3A_176, %sign3A_179 : i32
      %sign3A_181 = arith.constant 0 : i32
      %sign3A_182 = arith.cmpi sgt, %jit3A_172, %sign3A_181 : i32
      %sign3A_183 = arith.extui %sign3A_182 : i1 to i32
      %sign3A_184 = arith.constant 0 : i32
      %sign3A_185 = arith.cmpi slt, %jit3A_172, %sign3A_184 : i32
      %sign3A_186 = arith.extui %sign3A_185 : i1 to i32
      %sign3A_187 = arith.subi %sign3A_183, %sign3A_186 : i32
      %ne3A_188 = arith.cmpi ne, %sign3A_180, %sign3A_187 : i32
      %rem3A_189 = arith.remsi %add3A_171, %jit3A_172 : i32
      %ne3A_190 = arith.constant 0 : i32
      %ne3A_191 = arith.cmpi ne, %rem3A_189, %ne3A_190 : i32
      %and3A_192 = arith.andi %ne3A_188, %ne3A_191 : i1
      %sub3A_193 = arith.constant 1 : i32
      %sub3A_194 = arith.subi %div3A_173, %sub3A_193 : i32
      %select_n3A_195 = arith.select %and3A_192, %sub3A_194, %div3A_173 : i32
      %rem3A_196 = arith.constant 2 : i32
      %rem3A_197 = arith.remsi %select_n3A_195, %rem3A_196 : i32
      %mul3A_198 = arith.constant 16 : i32
      %mul3A_199 = arith.muli %select_n3A_195, %mul3A_198 : i32
      %sub3A_200 = arith.subi %add3A_171, %mul3A_199 : i32
      %dma_wait3A_201 = arith.constant 0 : i32
      %dma_wait3A_202 = tpu.memref_slice %arg7[%rem3A_197, %sub3A_200, %dma_wait3A_201] : memref<2x16x64xi32, #tpu.memory_space<vmem>> -> memref<1x1x64xi32, #tpu.memory_space<vmem>>
      %dma_wait3A_203 = tpu.memref_squeeze %dma_wait3A_202 : memref<1x1x64xi32, #tpu.memory_space<vmem>> -> memref<64xi32, #tpu.memory_space<vmem>>
      %dma_wait3A_204 = arith.constant 0 : i32
      %dma_wait3A_205 = arith.constant 0 : i32
      %dma_wait3A_206 = tpu.memref_slice %arg2[%dma_wait3A_204, %dma_wait3A_205] : memref<10240x128xf32, #tpu.memory_space<hbm>> -> memref<10240x128xf32, #tpu.memory_space<hbm>>
      tpu.wait_indirect_dma semaphore(%arg14 : memref<!tpu.dma_semaphore, #tpu.memory_space<semaphore_mem>>) src(%dma_wait3A_206 : memref<10240x128xf32, #tpu.memory_space<hbm>>) dst(%arg10 : memref<64x128xf32, #tpu.memory_space<vmem>>)
      "tpu.region"() ({
        %run_scoped3A_222 = tpu.sem_alloc : memref<!tpu.dma_semaphore, #tpu.memory_space<semaphore_mem>>
        %dma_start3A_223 = arith.constant 0 : i32
        %dma_start3A_224 = tpu.memref_slice %arg8[%rem3A_197, %sub3A_200, %dma_start3A_223] : memref<2x16x64xi32, #tpu.memory_space<vmem>> -> memref<1x1x64xi32, #tpu.memory_space<vmem>>
        %dma_start3A_225 = tpu.memref_squeeze %dma_start3A_224 : memref<1x1x64xi32, #tpu.memory_space<vmem>> -> memref<64xi32, #tpu.memory_space<vmem>>
        %dma_start3A_226 = arith.constant 0 : i32
        %dma_start3A_227 = arith.constant 0 : i32
        %dma_start3A_228 = tpu.memref_slice %arg12[%dma_start3A_226, %dma_start3A_227] : memref<10240x128xf32, #tpu.memory_space<vmem_shared>> -> memref<10240x128xf32, #tpu.memory_space<vmem_shared>>
        tpu.enqueue_indirect_dma source(%arg10 : memref<64x128xf32, #tpu.memory_space<vmem>>) target(%dma_start3A_228 : memref<10240x128xf32, #tpu.memory_space<vmem_shared>>) offsets(%dma_start3A_225 : memref<64xi32, #tpu.memory_space<vmem>>) semaphore(%run_scoped3A_222 : memref<!tpu.dma_semaphore, #tpu.memory_space<semaphore_mem>>) {add = true}
        %dma_wait3A_229 = arith.constant 0 : i32
        %dma_wait3A_230 = tpu.memref_slice %arg8[%rem3A_197, %sub3A_200, %dma_wait3A_229] : memref<2x16x64xi32, #tpu.memory_space<vmem>> -> memref<1x1x64xi32, #tpu.memory_space<vmem>>
        %dma_wait3A_231 = tpu.memref_squeeze %dma_wait3A_230 : memref<1x1x64xi32, #tpu.memory_space<vmem>> -> memref<64xi32, #tpu.memory_space<vmem>>
        %dma_wait3A_232 = arith.constant 0 : i32
        %dma_wait3A_233 = arith.constant 0 : i32
        %dma_wait3A_234 = tpu.memref_slice %arg12[%dma_wait3A_232, %dma_wait3A_233] : memref<10240x128xf32, #tpu.memory_space<vmem_shared>> -> memref<10240x128xf32, #tpu.memory_space<vmem_shared>>
        tpu.wait_indirect_dma semaphore(%run_scoped3A_222 : memref<!tpu.dma_semaphore, #tpu.memory_space<semaphore_mem>>) src(%arg10 : memref<64x128xf32, #tpu.memory_space<vmem>>) dst(%dma_wait3A_234 : memref<10240x128xf32, #tpu.memory_space<vmem_shared>>)
        tpu.yield
      }) : () -> ()
      %add3A_207 = arith.constant 3 : i32
      %add3A_208 = arith.addi %mul3A_121, %add3A_207 : i32
      %lt3A_209 = arith.cmpi slt, %add3A_208, %select_n3A : i32
      %convert_element_type3A_210 = arith.extui %lt3A_209 : i1 to i32
      %cond3A_211 = arith.constant 0 : i32
      %cond3A_212 = arith.cmpi ne, %convert_element_type3A_210, %cond3A_211 : i32
      scf.if %cond3A_212 {
        %add3A_222 = arith.constant 3 : i32
        %add3A_223 = arith.addi %mul3A_121, %add3A_222 : i32
        %jit3A_224 = arith.constant 16 : i32
        %div3A_225 = arith.divsi %add3A_223, %jit3A_224 : i32
        %sign3A_226 = arith.constant 0 : i32
        %sign3A_227 = arith.cmpi sgt, %add3A_223, %sign3A_226 : i32
        %sign3A_228 = arith.extui %sign3A_227 : i1 to i32
        %sign3A_229 = arith.constant 0 : i32
        %sign3A_230 = arith.cmpi slt, %add3A_223, %sign3A_229 : i32
        %sign3A_231 = arith.extui %sign3A_230 : i1 to i32
        %sign3A_232 = arith.subi %sign3A_228, %sign3A_231 : i32
        %sign3A_233 = arith.constant 0 : i32
        %sign3A_234 = arith.cmpi sgt, %jit3A_224, %sign3A_233 : i32
        %sign3A_235 = arith.extui %sign3A_234 : i1 to i32
        %sign3A_236 = arith.constant 0 : i32
        %sign3A_237 = arith.cmpi slt, %jit3A_224, %sign3A_236 : i32
        %sign3A_238 = arith.extui %sign3A_237 : i1 to i32
        %sign3A_239 = arith.subi %sign3A_235, %sign3A_238 : i32
        %ne3A_240 = arith.cmpi ne, %sign3A_232, %sign3A_239 : i32
        %rem3A_241 = arith.remsi %add3A_223, %jit3A_224 : i32
        %ne3A_242 = arith.constant 0 : i32
        %ne3A_243 = arith.cmpi ne, %rem3A_241, %ne3A_242 : i32
        %and3A_244 = arith.andi %ne3A_240, %ne3A_243 : i1
        %sub3A_245 = arith.constant 1 : i32
        %sub3A_246 = arith.subi %div3A_225, %sub3A_245 : i32
        %select_n3A_247 = arith.select %and3A_244, %sub3A_246, %div3A_225 : i32
        %rem3A_248 = arith.constant 2 : i32
        %rem3A_249 = arith.remsi %select_n3A_247, %rem3A_248 : i32
        %mul3A_250 = arith.constant 16 : i32
        %mul3A_251 = arith.muli %select_n3A_247, %mul3A_250 : i32
        %sub3A_252 = arith.subi %add3A_223, %mul3A_251 : i32
        %dma_start3A_253 = arith.constant 0 : i32
        %dma_start3A_254 = tpu.memref_slice %arg7[%rem3A_249, %sub3A_252, %dma_start3A_253] : memref<2x16x64xi32, #tpu.memory_space<vmem>> -> memref<1x1x64xi32, #tpu.memory_space<vmem>>
        %dma_start3A_255 = tpu.memref_squeeze %dma_start3A_254 : memref<1x1x64xi32, #tpu.memory_space<vmem>> -> memref<64xi32, #tpu.memory_space<vmem>>
        %dma_start3A_256 = arith.constant 0 : i32
        %dma_start3A_257 = arith.constant 0 : i32
        %dma_start3A_258 = tpu.memref_slice %arg2[%dma_start3A_256, %dma_start3A_257] : memref<10240x128xf32, #tpu.memory_space<hbm>> -> memref<10240x128xf32, #tpu.memory_space<hbm>>
        tpu.enqueue_indirect_dma source(%dma_start3A_258 : memref<10240x128xf32, #tpu.memory_space<hbm>>) target(%arg10 : memref<64x128xf32, #tpu.memory_space<vmem>>) offsets(%dma_start3A_255 : memref<64xi32, #tpu.memory_space<vmem>>) semaphore(%arg14 : memref<!tpu.dma_semaphore, #tpu.memory_space<semaphore_mem>>)
      } else {
      }
      %eq3A_213 = arith.constant 14 : i32
      %eq3A_214 = arith.cmpi eq, %sub3A_148, %eq3A_213 : i32
      %add3A_215 = arith.constant 2 : i32
      %add3A_216 = arith.addi %select_n3A_145, %add3A_215 : i32
      %lt3A_217 = arith.cmpi slt, %add3A_216, %select_n3A_19 : i32
      %and3A_218 = arith.andi %eq3A_214, %lt3A_217 : i1
      %convert_element_type3A_219 = arith.extui %and3A_218 : i1 to i32
      %cond3A_220 = arith.constant 0 : i32
      %cond3A_221 = arith.cmpi ne, %convert_element_type3A_219, %cond3A_220 : i32
      scf.if %cond3A_221 {
        %rem3A_222 = arith.constant 2 : i32
        %rem3A_223 = arith.remsi %select_n3A_145, %rem3A_222 : i32
        %add3A_224 = arith.constant 2 : i32
        %add3A_225 = arith.addi %select_n3A_145, %add3A_224 : i32
        %mul3A_226 = arith.constant 16 : i32
        %mul3A_227 = arith.muli %add3A_225, %mul3A_226 : i32
        %add3A_228 = arith.addi %select_n3A_26, %mul3A_227 : i32
        %dma_start3A_229 = arith.constant 0 : i32
        %dma_start3A_230 = arith.constant 0 : i32
        %dma_start3A_231 = tpu.memref_slice %arg7[%rem3A_223, %dma_start3A_229, %dma_start3A_230] : memref<2x16x64xi32, #tpu.memory_space<vmem>> -> memref<1x16x64xi32, #tpu.memory_space<vmem>>
        %dma_start3A_232 = tpu.memref_squeeze %dma_start3A_231 : memref<1x16x64xi32, #tpu.memory_space<vmem>> -> memref<16x64xi32, #tpu.memory_space<vmem>>
        %dma_start3A_233 = arith.constant 0 : i32
        %dma_start3A_234 = tpu.memref_slice %arg3[%add3A_228, %dma_start3A_233] : memref<5120x64xi32, #tpu.memory_space<hbm>> -> memref<16x64xi32, #tpu.memory_space<hbm>>
        %dma_start3A_235 = arith.constant 0 : i32
        %dma_start3A_236 = arith.constant 0 : i32
        %dma_start3A_237 = tpu.memref_slice %arg7[%rem3A_223, %dma_start3A_235, %dma_start3A_236] : memref<2x16x64xi32, #tpu.memory_space<vmem>> -> memref<1x16x64xi32, #tpu.memory_space<vmem>>
        %dma_start3A_238 = tpu.memref_squeeze %dma_start3A_237 : memref<1x16x64xi32, #tpu.memory_space<vmem>> -> memref<16x64xi32, #tpu.memory_space<vmem>>
        %dma_start3A_239 = arith.constant 0 : i32
        %dma_start3A_240 = tpu.memref_slice %arg3[%add3A_228, %dma_start3A_239] : memref<5120x64xi32, #tpu.memory_space<hbm>> -> memref<16x64xi32, #tpu.memory_space<hbm>>
        tpu.enqueue_dma source(%dma_start3A_240 : memref<16x64xi32, #tpu.memory_space<hbm>>) target(%dma_start3A_238 : memref<16x64xi32, #tpu.memory_space<vmem>>) target_semaphore(%arg15 : memref<!tpu.dma_semaphore, #tpu.memory_space<semaphore_mem>>)
        %dma_start3A_241 = arith.constant 0 : i32
        %dma_start3A_242 = arith.constant 0 : i32
        %dma_start3A_243 = tpu.memref_slice %arg8[%rem3A_223, %dma_start3A_241, %dma_start3A_242] : memref<2x16x64xi32, #tpu.memory_space<vmem>> -> memref<1x16x64xi32, #tpu.memory_space<vmem>>
        %dma_start3A_244 = tpu.memref_squeeze %dma_start3A_243 : memref<1x16x64xi32, #tpu.memory_space<vmem>> -> memref<16x64xi32, #tpu.memory_space<vmem>>
        %dma_start3A_245 = arith.constant 0 : i32
        %dma_start3A_246 = tpu.memref_slice %arg4[%add3A_228, %dma_start3A_245] : memref<5120x64xi32, #tpu.memory_space<hbm>> -> memref<16x64xi32, #tpu.memory_space<hbm>>
        %dma_start3A_247 = arith.constant 0 : i32
        %dma_start3A_248 = arith.constant 0 : i32
        %dma_start3A_249 = tpu.memref_slice %arg8[%rem3A_223, %dma_start3A_247, %dma_start3A_248] : memref<2x16x64xi32, #tpu.memory_space<vmem>> -> memref<1x16x64xi32, #tpu.memory_space<vmem>>
        %dma_start3A_250 = tpu.memref_squeeze %dma_start3A_249 : memref<1x16x64xi32, #tpu.memory_space<vmem>> -> memref<16x64xi32, #tpu.memory_space<vmem>>
        %dma_start3A_251 = arith.constant 0 : i32
        %dma_start3A_252 = tpu.memref_slice %arg4[%add3A_228, %dma_start3A_251] : memref<5120x64xi32, #tpu.memory_space<hbm>> -> memref<16x64xi32, #tpu.memory_space<hbm>>
        tpu.enqueue_dma source(%dma_start3A_252 : memref<16x64xi32, #tpu.memory_space<hbm>>) target(%dma_start3A_250 : memref<16x64xi32, #tpu.memory_space<vmem>>) target_semaphore(%arg16 : memref<!tpu.dma_semaphore, #tpu.memory_space<semaphore_mem>>)
      } else {
      }
    }
    %while3A_113 = arith.constant 1 : i32
    scf.for %while3A_119 = %while3A_111 to %while3A_107 step %while3A_113  : i32 {
      %mul3A_120 = arith.constant 2 : i32
      %mul3A_121 = arith.muli %mul3A_120, %while3A_119 : i32
      %jit3A_122 = arith.constant 16 : i32
      %div3A_123 = arith.divsi %mul3A_121, %jit3A_122 : i32
      %sign3A_124 = arith.constant 0 : i32
      %sign3A_125 = arith.cmpi sgt, %mul3A_121, %sign3A_124 : i32
      %sign3A_126 = arith.extui %sign3A_125 : i1 to i32
      %sign3A_127 = arith.constant 0 : i32
      %sign3A_128 = arith.cmpi slt, %mul3A_121, %sign3A_127 : i32
      %sign3A_129 = arith.extui %sign3A_128 : i1 to i32
      %sign3A_130 = arith.subi %sign3A_126, %sign3A_129 : i32
      %sign3A_131 = arith.constant 0 : i32
      %sign3A_132 = arith.cmpi sgt, %jit3A_122, %sign3A_131 : i32
      %sign3A_133 = arith.extui %sign3A_132 : i1 to i32
      %sign3A_134 = arith.constant 0 : i32
      %sign3A_135 = arith.cmpi slt, %jit3A_122, %sign3A_134 : i32
      %sign3A_136 = arith.extui %sign3A_135 : i1 to i32
      %sign3A_137 = arith.subi %sign3A_133, %sign3A_136 : i32
      %ne3A_138 = arith.cmpi ne, %sign3A_130, %sign3A_137 : i32
      %rem3A_139 = arith.remsi %mul3A_121, %jit3A_122 : i32
      %ne3A_140 = arith.constant 0 : i32
      %ne3A_141 = arith.cmpi ne, %rem3A_139, %ne3A_140 : i32
      %and3A_142 = arith.andi %ne3A_138, %ne3A_141 : i1
      %sub3A_143 = arith.constant 1 : i32
      %sub3A_144 = arith.subi %div3A_123, %sub3A_143 : i32
      %select_n3A_145 = arith.select %and3A_142, %sub3A_144, %div3A_123 : i32
      %mul3A_146 = arith.constant 16 : i32
      %mul3A_147 = arith.muli %select_n3A_145, %mul3A_146 : i32
      %sub3A_148 = arith.subi %mul3A_121, %mul3A_147 : i32
      %eq3A_149 = arith.constant 14 : i32
      %eq3A_150 = arith.cmpi eq, %sub3A_148, %eq3A_149 : i32
      %add3A_151 = arith.constant 1 : i32
      %add3A_152 = arith.addi %select_n3A_145, %add3A_151 : i32
      %lt3A = arith.cmpi slt, %add3A_152, %select_n3A_19 : i32
      %and3A_153 = arith.andi %eq3A_150, %lt3A : i1
      %convert_element_type3A_154 = arith.extui %and3A_153 : i1 to i32
      %cond3A_155 = arith.constant 0 : i32
      %cond3A_156 = arith.cmpi ne, %convert_element_type3A_154, %cond3A_155 : i32
      scf.if %cond3A_156 {
        %dma_wait3A_222 = arith.constant 0 : i32
        %dma_wait3A_223 = arith.constant 0 : i32
        %dma_wait3A_224 = arith.constant 0 : i32
        %dma_wait3A_225 = tpu.memref_slice %arg7[%dma_wait3A_222, %dma_wait3A_223, %dma_wait3A_224] : memref<2x16x64xi32, #tpu.memory_space<vmem>> -> memref<1x16x64xi32, #tpu.memory_space<vmem>>
        %dma_wait3A_226 = tpu.memref_squeeze %dma_wait3A_225 : memref<1x16x64xi32, #tpu.memory_space<vmem>> -> memref<16x64xi32, #tpu.memory_space<vmem>>
        %dma_wait3A_227 = arith.constant 0 : i32
        %dma_wait3A_228 = tpu.memref_slice %arg3[%select_n3A_26, %dma_wait3A_227] : memref<5120x64xi32, #tpu.memory_space<hbm>> -> memref<16x64xi32, #tpu.memory_space<hbm>>
        %dma_wait3A_229 = arith.constant 0 : i32
        %dma_wait3A_230 = arith.constant 0 : i32
        %dma_wait3A_231 = tpu.memref_slice %arg7[%dma_wait3A_222, %dma_wait3A_229, %dma_wait3A_230] : memref<2x16x64xi32, #tpu.memory_space<vmem>> -> memref<1x16x64xi32, #tpu.memory_space<vmem>>
        %dma_wait3A_232 = tpu.memref_squeeze %dma_wait3A_231 : memref<1x16x64xi32, #tpu.memory_space<vmem>> -> memref<16x64xi32, #tpu.memory_space<vmem>>
        %dma_wait3A_233 = arith.constant 0 : i32
        %dma_wait3A_234 = tpu.memref_slice %arg3[%select_n3A_26, %dma_wait3A_233] : memref<5120x64xi32, #tpu.memory_space<hbm>> -> memref<16x64xi32, #tpu.memory_space<hbm>>
        tpu.wait_dma2 semaphore(%arg15 : memref<!tpu.dma_semaphore, #tpu.memory_space<semaphore_mem>>) src(%dma_wait3A_234 : memref<16x64xi32, #tpu.memory_space<hbm>>) dst(%dma_wait3A_232 : memref<16x64xi32, #tpu.memory_space<vmem>>)
        %dma_wait3A_235 = arith.constant 0 : i32
        %dma_wait3A_236 = arith.constant 0 : i32
        %dma_wait3A_237 = arith.constant 0 : i32
        %dma_wait3A_238 = tpu.memref_slice %arg8[%dma_wait3A_235, %dma_wait3A_236, %dma_wait3A_237] : memref<2x16x64xi32, #tpu.memory_space<vmem>> -> memref<1x16x64xi32, #tpu.memory_space<vmem>>
        %dma_wait3A_239 = tpu.memref_squeeze %dma_wait3A_238 : memref<1x16x64xi32, #tpu.memory_space<vmem>> -> memref<16x64xi32, #tpu.memory_space<vmem>>
        %dma_wait3A_240 = arith.constant 0 : i32
        %dma_wait3A_241 = tpu.memref_slice %arg4[%select_n3A_26, %dma_wait3A_240] : memref<5120x64xi32, #tpu.memory_space<hbm>> -> memref<16x64xi32, #tpu.memory_space<hbm>>
        %dma_wait3A_242 = arith.constant 0 : i32
        %dma_wait3A_243 = arith.constant 0 : i32
        %dma_wait3A_244 = tpu.memref_slice %arg8[%dma_wait3A_235, %dma_wait3A_242, %dma_wait3A_243] : memref<2x16x64xi32, #tpu.memory_space<vmem>> -> memref<1x16x64xi32, #tpu.memory_space<vmem>>
        %dma_wait3A_245 = tpu.memref_squeeze %dma_wait3A_244 : memref<1x16x64xi32, #tpu.memory_space<vmem>> -> memref<16x64xi32, #tpu.memory_space<vmem>>
        %dma_wait3A_246 = arith.constant 0 : i32
        %dma_wait3A_247 = tpu.memref_slice %arg4[%select_n3A_26, %dma_wait3A_246] : memref<5120x64xi32, #tpu.memory_space<hbm>> -> memref<16x64xi32, #tpu.memory_space<hbm>>
        tpu.wait_dma2 semaphore(%arg16 : memref<!tpu.dma_semaphore, #tpu.memory_space<semaphore_mem>>) src(%dma_wait3A_247 : memref<16x64xi32, #tpu.memory_space<hbm>>) dst(%dma_wait3A_245 : memref<16x64xi32, #tpu.memory_space<vmem>>)
      } else {
      }
      %rem3A_157 = arith.constant 2 : i32
      %rem3A_158 = arith.remsi %select_n3A_145, %rem3A_157 : i32
      %dma_wait3A = arith.constant 0 : i32
      %dma_wait3A_159 = tpu.memref_slice %arg7[%rem3A_158, %sub3A_148, %dma_wait3A] : memref<2x16x64xi32, #tpu.memory_space<vmem>> -> memref<1x1x64xi32, #tpu.memory_space<vmem>>
      %dma_wait3A_160 = tpu.memref_squeeze %dma_wait3A_159 : memref<1x1x64xi32, #tpu.memory_space<vmem>> -> memref<64xi32, #tpu.memory_space<vmem>>
      %dma_wait3A_161 = arith.constant 0 : i32
      %dma_wait3A_162 = arith.constant 0 : i32
      %dma_wait3A_163 = tpu.memref_slice %arg2[%dma_wait3A_161, %dma_wait3A_162] : memref<10240x128xf32, #tpu.memory_space<hbm>> -> memref<10240x128xf32, #tpu.memory_space<hbm>>
      tpu.wait_indirect_dma semaphore(%arg13 : memref<!tpu.dma_semaphore, #tpu.memory_space<semaphore_mem>>) src(%dma_wait3A_163 : memref<10240x128xf32, #tpu.memory_space<hbm>>) dst(%arg9 : memref<64x128xf32, #tpu.memory_space<vmem>>)
      "tpu.region"() ({
        %run_scoped3A_222 = tpu.sem_alloc : memref<!tpu.dma_semaphore, #tpu.memory_space<semaphore_mem>>
        %dma_start3A_223 = arith.constant 0 : i32
        %dma_start3A_224 = tpu.memref_slice %arg8[%rem3A_158, %sub3A_148, %dma_start3A_223] : memref<2x16x64xi32, #tpu.memory_space<vmem>> -> memref<1x1x64xi32, #tpu.memory_space<vmem>>
        %dma_start3A_225 = tpu.memref_squeeze %dma_start3A_224 : memref<1x1x64xi32, #tpu.memory_space<vmem>> -> memref<64xi32, #tpu.memory_space<vmem>>
        %dma_start3A_226 = arith.constant 0 : i32
        %dma_start3A_227 = arith.constant 0 : i32
        %dma_start3A_228 = tpu.memref_slice %arg12[%dma_start3A_226, %dma_start3A_227] : memref<10240x128xf32, #tpu.memory_space<vmem_shared>> -> memref<10240x128xf32, #tpu.memory_space<vmem_shared>>
        tpu.enqueue_indirect_dma source(%arg9 : memref<64x128xf32, #tpu.memory_space<vmem>>) target(%dma_start3A_228 : memref<10240x128xf32, #tpu.memory_space<vmem_shared>>) offsets(%dma_start3A_225 : memref<64xi32, #tpu.memory_space<vmem>>) semaphore(%run_scoped3A_222 : memref<!tpu.dma_semaphore, #tpu.memory_space<semaphore_mem>>) {add = true}
        %dma_wait3A_229 = arith.constant 0 : i32
        %dma_wait3A_230 = tpu.memref_slice %arg8[%rem3A_158, %sub3A_148, %dma_wait3A_229] : memref<2x16x64xi32, #tpu.memory_space<vmem>> -> memref<1x1x64xi32, #tpu.memory_space<vmem>>
        %dma_wait3A_231 = tpu.memref_squeeze %dma_wait3A_230 : memref<1x1x64xi32, #tpu.memory_space<vmem>> -> memref<64xi32, #tpu.memory_space<vmem>>
        %dma_wait3A_232 = arith.constant 0 : i32
        %dma_wait3A_233 = arith.constant 0 : i32
        %dma_wait3A_234 = tpu.memref_slice %arg12[%dma_wait3A_232, %dma_wait3A_233] : memref<10240x128xf32, #tpu.memory_space<vmem_shared>> -> memref<10240x128xf32, #tpu.memory_space<vmem_shared>>
        tpu.wait_indirect_dma semaphore(%run_scoped3A_222 : memref<!tpu.dma_semaphore, #tpu.memory_space<semaphore_mem>>) src(%arg9 : memref<64x128xf32, #tpu.memory_space<vmem>>) dst(%dma_wait3A_234 : memref<10240x128xf32, #tpu.memory_space<vmem_shared>>)
        tpu.yield
      }) : () -> ()
      %add3A_164 = arith.constant 2 : i32
      %add3A_165 = arith.addi %mul3A_121, %add3A_164 : i32
      %lt3A_166 = arith.cmpi slt, %add3A_165, %select_n3A : i32
      %convert_element_type3A_167 = arith.extui %lt3A_166 : i1 to i32
      %cond3A_168 = arith.constant 0 : i32
      %cond3A_169 = arith.cmpi ne, %convert_element_type3A_167, %cond3A_168 : i32
      scf.if %cond3A_169 {
        %add3A_222 = arith.constant 2 : i32
        %add3A_223 = arith.addi %mul3A_121, %add3A_222 : i32
        %jit3A_224 = arith.constant 16 : i32
        %div3A_225 = arith.divsi %add3A_223, %jit3A_224 : i32
        %sign3A_226 = arith.constant 0 : i32
        %sign3A_227 = arith.cmpi sgt, %add3A_223, %sign3A_226 : i32
        %sign3A_228 = arith.extui %sign3A_227 : i1 to i32
        %sign3A_229 = arith.constant 0 : i32
        %sign3A_230 = arith.cmpi slt, %add3A_223, %sign3A_229 : i32
        %sign3A_231 = arith.extui %sign3A_230 : i1 to i32
        %sign3A_232 = arith.subi %sign3A_228, %sign3A_231 : i32
        %sign3A_233 = arith.constant 0 : i32
        %sign3A_234 = arith.cmpi sgt, %jit3A_224, %sign3A_233 : i32
        %sign3A_235 = arith.extui %sign3A_234 : i1 to i32
        %sign3A_236 = arith.constant 0 : i32
        %sign3A_237 = arith.cmpi slt, %jit3A_224, %sign3A_236 : i32
        %sign3A_238 = arith.extui %sign3A_237 : i1 to i32
        %sign3A_239 = arith.subi %sign3A_235, %sign3A_238 : i32
        %ne3A_240 = arith.cmpi ne, %sign3A_232, %sign3A_239 : i32
        %rem3A_241 = arith.remsi %add3A_223, %jit3A_224 : i32
        %ne3A_242 = arith.constant 0 : i32
        %ne3A_243 = arith.cmpi ne, %rem3A_241, %ne3A_242 : i32
        %and3A_244 = arith.andi %ne3A_240, %ne3A_243 : i1
        %sub3A_245 = arith.constant 1 : i32
        %sub3A_246 = arith.subi %div3A_225, %sub3A_245 : i32
        %select_n3A_247 = arith.select %and3A_244, %sub3A_246, %div3A_225 : i32
        %rem3A_248 = arith.constant 2 : i32
        %rem3A_249 = arith.remsi %select_n3A_247, %rem3A_248 : i32
        %mul3A_250 = arith.constant 16 : i32
        %mul3A_251 = arith.muli %select_n3A_247, %mul3A_250 : i32
        %sub3A_252 = arith.subi %add3A_223, %mul3A_251 : i32
        %dma_start3A_253 = arith.constant 0 : i32
        %dma_start3A_254 = tpu.memref_slice %arg7[%rem3A_249, %sub3A_252, %dma_start3A_253] : memref<2x16x64xi32, #tpu.memory_space<vmem>> -> memref<1x1x64xi32, #tpu.memory_space<vmem>>
        %dma_start3A_255 = tpu.memref_squeeze %dma_start3A_254 : memref<1x1x64xi32, #tpu.memory_space<vmem>> -> memref<64xi32, #tpu.memory_space<vmem>>
        %dma_start3A_256 = arith.constant 0 : i32
        %dma_start3A_257 = arith.constant 0 : i32
        %dma_start3A_258 = tpu.memref_slice %arg2[%dma_start3A_256, %dma_start3A_257] : memref<10240x128xf32, #tpu.memory_space<hbm>> -> memref<10240x128xf32, #tpu.memory_space<hbm>>
        tpu.enqueue_indirect_dma source(%dma_start3A_258 : memref<10240x128xf32, #tpu.memory_space<hbm>>) target(%arg9 : memref<64x128xf32, #tpu.memory_space<vmem>>) offsets(%dma_start3A_255 : memref<64xi32, #tpu.memory_space<vmem>>) semaphore(%arg13 : memref<!tpu.dma_semaphore, #tpu.memory_space<semaphore_mem>>)
      } else {
      }
      %add3A_170 = arith.constant 1 : i32
      %add3A_171 = arith.addi %mul3A_121, %add3A_170 : i32
      %jit3A_172 = arith.constant 16 : i32
      %div3A_173 = arith.divsi %add3A_171, %jit3A_172 : i32
      %sign3A_174 = arith.constant 0 : i32
      %sign3A_175 = arith.cmpi sgt, %add3A_171, %sign3A_174 : i32
      %sign3A_176 = arith.extui %sign3A_175 : i1 to i32
      %sign3A_177 = arith.constant 0 : i32
      %sign3A_178 = arith.cmpi slt, %add3A_171, %sign3A_177 : i32
      %sign3A_179 = arith.extui %sign3A_178 : i1 to i32
      %sign3A_180 = arith.subi %sign3A_176, %sign3A_179 : i32
      %sign3A_181 = arith.constant 0 : i32
      %sign3A_182 = arith.cmpi sgt, %jit3A_172, %sign3A_181 : i32
      %sign3A_183 = arith.extui %sign3A_182 : i1 to i32
      %sign3A_184 = arith.constant 0 : i32
      %sign3A_185 = arith.cmpi slt, %jit3A_172, %sign3A_184 : i32
      %sign3A_186 = arith.extui %sign3A_185 : i1 to i32
      %sign3A_187 = arith.subi %sign3A_183, %sign3A_186 : i32
      %ne3A_188 = arith.cmpi ne, %sign3A_180, %sign3A_187 : i32
      %rem3A_189 = arith.remsi %add3A_171, %jit3A_172 : i32
      %ne3A_190 = arith.constant 0 : i32
      %ne3A_191 = arith.cmpi ne, %rem3A_189, %ne3A_190 : i32
      %and3A_192 = arith.andi %ne3A_188, %ne3A_191 : i1
      %sub3A_193 = arith.constant 1 : i32
      %sub3A_194 = arith.subi %div3A_173, %sub3A_193 : i32
      %select_n3A_195 = arith.select %and3A_192, %sub3A_194, %div3A_173 : i32
      %rem3A_196 = arith.constant 2 : i32
      %rem3A_197 = arith.remsi %select_n3A_195, %rem3A_196 : i32
      %mul3A_198 = arith.constant 16 : i32
      %mul3A_199 = arith.muli %select_n3A_195, %mul3A_198 : i32
      %sub3A_200 = arith.subi %add3A_171, %mul3A_199 : i32
      %dma_wait3A_201 = arith.constant 0 : i32
      %dma_wait3A_202 = tpu.memref_slice %arg7[%rem3A_197, %sub3A_200, %dma_wait3A_201] : memref<2x16x64xi32, #tpu.memory_space<vmem>> -> memref<1x1x64xi32, #tpu.memory_space<vmem>>
      %dma_wait3A_203 = tpu.memref_squeeze %dma_wait3A_202 : memref<1x1x64xi32, #tpu.memory_space<vmem>> -> memref<64xi32, #tpu.memory_space<vmem>>
      %dma_wait3A_204 = arith.constant 0 : i32
      %dma_wait3A_205 = arith.constant 0 : i32
      %dma_wait3A_206 = tpu.memref_slice %arg2[%dma_wait3A_204, %dma_wait3A_205] : memref<10240x128xf32, #tpu.memory_space<hbm>> -> memref<10240x128xf32, #tpu.memory_space<hbm>>
      tpu.wait_indirect_dma semaphore(%arg14 : memref<!tpu.dma_semaphore, #tpu.memory_space<semaphore_mem>>) src(%dma_wait3A_206 : memref<10240x128xf32, #tpu.memory_space<hbm>>) dst(%arg10 : memref<64x128xf32, #tpu.memory_space<vmem>>)
      "tpu.region"() ({
        %run_scoped3A_222 = tpu.sem_alloc : memref<!tpu.dma_semaphore, #tpu.memory_space<semaphore_mem>>
        %dma_start3A_223 = arith.constant 0 : i32
        %dma_start3A_224 = tpu.memref_slice %arg8[%rem3A_197, %sub3A_200, %dma_start3A_223] : memref<2x16x64xi32, #tpu.memory_space<vmem>> -> memref<1x1x64xi32, #tpu.memory_space<vmem>>
        %dma_start3A_225 = tpu.memref_squeeze %dma_start3A_224 : memref<1x1x64xi32, #tpu.memory_space<vmem>> -> memref<64xi32, #tpu.memory_space<vmem>>
        %dma_start3A_226 = arith.constant 0 : i32
        %dma_start3A_227 = arith.constant 0 : i32
        %dma_start3A_228 = tpu.memref_slice %arg12[%dma_start3A_226, %dma_start3A_227] : memref<10240x128xf32, #tpu.memory_space<vmem_shared>> -> memref<10240x128xf32, #tpu.memory_space<vmem_shared>>
        tpu.enqueue_indirect_dma source(%arg10 : memref<64x128xf32, #tpu.memory_space<vmem>>) target(%dma_start3A_228 : memref<10240x128xf32, #tpu.memory_space<vmem_shared>>) offsets(%dma_start3A_225 : memref<64xi32, #tpu.memory_space<vmem>>) semaphore(%run_scoped3A_222 : memref<!tpu.dma_semaphore, #tpu.memory_space<semaphore_mem>>) {add = true}
        %dma_wait3A_229 = arith.constant 0 : i32
        %dma_wait3A_230 = tpu.memref_slice %arg8[%rem3A_197, %sub3A_200, %dma_wait3A_229] : memref<2x16x64xi32, #tpu.memory_space<vmem>> -> memref<1x1x64xi32, #tpu.memory_space<vmem>>
        %dma_wait3A_231 = tpu.memref_squeeze %dma_wait3A_230 : memref<1x1x64xi32, #tpu.memory_space<vmem>> -> memref<64xi32, #tpu.memory_space<vmem>>
        %dma_wait3A_232 = arith.constant 0 : i32
        %dma_wait3A_233 = arith.constant 0 : i32
        %dma_wait3A_234 = tpu.memref_slice %arg12[%dma_wait3A_232, %dma_wait3A_233] : memref<10240x128xf32, #tpu.memory_space<vmem_shared>> -> memref<10240x128xf32, #tpu.memory_space<vmem_shared>>
        tpu.wait_indirect_dma semaphore(%run_scoped3A_222 : memref<!tpu.dma_semaphore, #tpu.memory_space<semaphore_mem>>) src(%arg10 : memref<64x128xf32, #tpu.memory_space<vmem>>) dst(%dma_wait3A_234 : memref<10240x128xf32, #tpu.memory_space<vmem_shared>>)
        tpu.yield
      }) : () -> ()
      %add3A_207 = arith.constant 3 : i32
      %add3A_208 = arith.addi %mul3A_121, %add3A_207 : i32
      %lt3A_209 = arith.cmpi slt, %add3A_208, %select_n3A : i32
      %convert_element_type3A_210 = arith.extui %lt3A_209 : i1 to i32
      %cond3A_211 = arith.constant 0 : i32
      %cond3A_212 = arith.cmpi ne, %convert_element_type3A_210, %cond3A_211 : i32
      scf.if %cond3A_212 {
        %add3A_222 = arith.constant 3 : i32
        %add3A_223 = arith.addi %mul3A_121, %add3A_222 : i32
        %jit3A_224 = arith.constant 16 : i32
        %div3A_225 = arith.divsi %add3A_223, %jit3A_224 : i32
        %sign3A_226 = arith.constant 0 : i32
        %sign3A_227 = arith.cmpi sgt, %add3A_223, %sign3A_226 : i32
        %sign3A_228 = arith.extui %sign3A_227 : i1 to i32
        %sign3A_229 = arith.constant 0 : i32
        %sign3A_230 = arith.cmpi slt, %add3A_223, %sign3A_229 : i32
        %sign3A_231 = arith.extui %sign3A_230 : i1 to i32
        %sign3A_232 = arith.subi %sign3A_228, %sign3A_231 : i32
        %sign3A_233 = arith.constant 0 : i32
        %sign3A_234 = arith.cmpi sgt, %jit3A_224, %sign3A_233 : i32
        %sign3A_235 = arith.extui %sign3A_234 : i1 to i32
        %sign3A_236 = arith.constant 0 : i32
        %sign3A_237 = arith.cmpi slt, %jit3A_224, %sign3A_236 : i32
        %sign3A_238 = arith.extui %sign3A_237 : i1 to i32
        %sign3A_239 = arith.subi %sign3A_235, %sign3A_238 : i32
        %ne3A_240 = arith.cmpi ne, %sign3A_232, %sign3A_239 : i32
        %rem3A_241 = arith.remsi %add3A_223, %jit3A_224 : i32
        %ne3A_242 = arith.constant 0 : i32
        %ne3A_243 = arith.cmpi ne, %rem3A_241, %ne3A_242 : i32
        %and3A_244 = arith.andi %ne3A_240, %ne3A_243 : i1
        %sub3A_245 = arith.constant 1 : i32
        %sub3A_246 = arith.subi %div3A_225, %sub3A_245 : i32
        %select_n3A_247 = arith.select %and3A_244, %sub3A_246, %div3A_225 : i32
        %rem3A_248 = arith.constant 2 : i32
        %rem3A_249 = arith.remsi %select_n3A_247, %rem3A_248 : i32
        %mul3A_250 = arith.constant 16 : i32
        %mul3A_251 = arith.muli %select_n3A_247, %mul3A_250 : i32
        %sub3A_252 = arith.subi %add3A_223, %mul3A_251 : i32
        %dma_start3A_253 = arith.constant 0 : i32
        %dma_start3A_254 = tpu.memref_slice %arg7[%rem3A_249, %sub3A_252, %dma_start3A_253] : memref<2x16x64xi32, #tpu.memory_space<vmem>> -> memref<1x1x64xi32, #tpu.memory_space<vmem>>
        %dma_start3A_255 = tpu.memref_squeeze %dma_start3A_254 : memref<1x1x64xi32, #tpu.memory_space<vmem>> -> memref<64xi32, #tpu.memory_space<vmem>>
        %dma_start3A_256 = arith.constant 0 : i32
        %dma_start3A_257 = arith.constant 0 : i32
        %dma_start3A_258 = tpu.memref_slice %arg2[%dma_start3A_256, %dma_start3A_257] : memref<10240x128xf32, #tpu.memory_space<hbm>> -> memref<10240x128xf32, #tpu.memory_space<hbm>>
        tpu.enqueue_indirect_dma source(%dma_start3A_258 : memref<10240x128xf32, #tpu.memory_space<hbm>>) target(%arg10 : memref<64x128xf32, #tpu.memory_space<vmem>>) offsets(%dma_start3A_255 : memref<64xi32, #tpu.memory_space<vmem>>) semaphore(%arg14 : memref<!tpu.dma_semaphore, #tpu.memory_space<semaphore_mem>>)
      } else {
      }
      %eq3A_213 = arith.constant 14 : i32
      %eq3A_214 = arith.cmpi eq, %sub3A_148, %eq3A_213 : i32
      %add3A_215 = arith.constant 2 : i32
      %add3A_216 = arith.addi %select_n3A_145, %add3A_215 : i32
      %lt3A_217 = arith.cmpi slt, %add3A_216, %select_n3A_19 : i32
      %and3A_218 = arith.andi %eq3A_214, %lt3A_217 : i1
      %convert_element_type3A_219 = arith.extui %and3A_218 : i1 to i32
      %cond3A_220 = arith.constant 0 : i32
      %cond3A_221 = arith.cmpi ne, %convert_element_type3A_219, %cond3A_220 : i32
      scf.if %cond3A_221 {
        %rem3A_222 = arith.constant 2 : i32
        %rem3A_223 = arith.remsi %select_n3A_145, %rem3A_222 : i32
        %add3A_224 = arith.constant 2 : i32
        %add3A_225 = arith.addi %select_n3A_145, %add3A_224 : i32
        %mul3A_226 = arith.constant 16 : i32
        %mul3A_227 = arith.muli %add3A_225, %mul3A_226 : i32
        %add3A_228 = arith.addi %select_n3A_26, %mul3A_227 : i32
        %dma_start3A_229 = arith.constant 0 : i32
        %dma_start3A_230 = arith.constant 0 : i32
        %dma_start3A_231 = tpu.memref_slice %arg7[%rem3A_223, %dma_start3A_229, %dma_start3A_230] : memref<2x16x64xi32, #tpu.memory_space<vmem>> -> memref<1x16x64xi32, #tpu.memory_space<vmem>>
        %dma_start3A_232 = tpu.memref_squeeze %dma_start3A_231 : memref<1x16x64xi32, #tpu.memory_space<vmem>> -> memref<16x64xi32, #tpu.memory_space<vmem>>
        %dma_start3A_233 = arith.constant 0 : i32
        %dma_start3A_234 = tpu.memref_slice %arg3[%add3A_228, %dma_start3A_233] : memref<5120x64xi32, #tpu.memory_space<hbm>> -> memref<16x64xi32, #tpu.memory_space<hbm>>
        %dma_start3A_235 = arith.constant 0 : i32
        %dma_start3A_236 = arith.constant 0 : i32
        %dma_start3A_237 = tpu.memref_slice %arg7[%rem3A_223, %dma_start3A_235, %dma_start3A_236] : memref<2x16x64xi32, #tpu.memory_space<vmem>> -> memref<1x16x64xi32, #tpu.memory_space<vmem>>
        %dma_start3A_238 = tpu.memref_squeeze %dma_start3A_237 : memref<1x16x64xi32, #tpu.memory_space<vmem>> -> memref<16x64xi32, #tpu.memory_space<vmem>>
        %dma_start3A_239 = arith.constant 0 : i32
        %dma_start3A_240 = tpu.memref_slice %arg3[%add3A_228, %dma_start3A_239] : memref<5120x64xi32, #tpu.memory_space<hbm>> -> memref<16x64xi32, #tpu.memory_space<hbm>>
        tpu.enqueue_dma source(%dma_start3A_240 : memref<16x64xi32, #tpu.memory_space<hbm>>) target(%dma_start3A_238 : memref<16x64xi32, #tpu.memory_space<vmem>>) target_semaphore(%arg15 : memref<!tpu.dma_semaphore, #tpu.memory_space<semaphore_mem>>)
        %dma_start3A_241 = arith.constant 0 : i32
        %dma_start3A_242 = arith.constant 0 : i32
        %dma_start3A_243 = tpu.memref_slice %arg8[%rem3A_223, %dma_start3A_241, %dma_start3A_242] : memref<2x16x64xi32, #tpu.memory_space<vmem>> -> memref<1x16x64xi32, #tpu.memory_space<vmem>>
        %dma_start3A_244 = tpu.memref_squeeze %dma_start3A_243 : memref<1x16x64xi32, #tpu.memory_space<vmem>> -> memref<16x64xi32, #tpu.memory_space<vmem>>
        %dma_start3A_245 = arith.constant 0 : i32
        %dma_start3A_246 = tpu.memref_slice %arg4[%add3A_228, %dma_start3A_245] : memref<5120x64xi32, #tpu.memory_space<hbm>> -> memref<16x64xi32, #tpu.memory_space<hbm>>
        %dma_start3A_247 = arith.constant 0 : i32
        %dma_start3A_248 = arith.constant 0 : i32
        %dma_start3A_249 = tpu.memref_slice %arg8[%rem3A_223, %dma_start3A_247, %dma_start3A_248] : memref<2x16x64xi32, #tpu.memory_space<vmem>> -> memref<1x16x64xi32, #tpu.memory_space<vmem>>
        %dma_start3A_250 = tpu.memref_squeeze %dma_start3A_249 : memref<1x16x64xi32, #tpu.memory_space<vmem>> -> memref<16x64xi32, #tpu.memory_space<vmem>>
        %dma_start3A_251 = arith.constant 0 : i32
        %dma_start3A_252 = tpu.memref_slice %arg4[%add3A_228, %dma_start3A_251] : memref<5120x64xi32, #tpu.memory_space<hbm>> -> memref<16x64xi32, #tpu.memory_space<hbm>>
        tpu.enqueue_dma source(%dma_start3A_252 : memref<16x64xi32, #tpu.memory_space<hbm>>) target(%dma_start3A_250 : memref<16x64xi32, #tpu.memory_space<vmem>>) target_semaphore(%arg16 : memref<!tpu.dma_semaphore, #tpu.memory_space<semaphore_mem>>)
      } else {
      }
    }
    %barrier3A_114 = arith.constant 0 : index
    tpu.barrier barrier_id(%barrier3A_114)
    %mul3A_115 = arith.constant 640 : i32
    %mul3A_116 = arith.muli %arg1, %mul3A_115 : i32
    %mul3A_117 = arith.constant 640 : i32
    %mul3A_118 = arith.muli %arg1, %mul3A_117 : i32
    "tpu.region"() ({
      %run_scoped3A_119 = tpu.sem_alloc : memref<!tpu.dma_semaphore, #tpu.memory_space<semaphore_mem>>
      %dma_start3A_120 = arith.constant 0 : i32
      %dma_start3A_121 = tpu.memref_slice %arg6[%arg0, %mul3A_118, %dma_start3A_120] : memref<2x10240x128xf32, #tpu.memory_space<hbm>> -> memref<1x640x128xf32, #tpu.memory_space<hbm>>
      %dma_start3A_122 = tpu.memref_squeeze %dma_start3A_121 : memref<1x640x128xf32, #tpu.memory_space<hbm>> -> memref<640x128xf32, #tpu.memory_space<hbm>>
      %dma_start3A_123 = arith.constant 0 : i32
      %dma_start3A_124 = tpu.memref_slice %arg12[%mul3A_116, %dma_start3A_123] : memref<10240x128xf32, #tpu.memory_space<vmem_shared>> -> memref<640x128xf32, #tpu.memory_space<vmem_shared>>
      tpu.enqueue_dma source(%dma_start3A_124 : memref<640x128xf32, #tpu.memory_space<vmem_shared>>) target(%dma_start3A_122 : memref<640x128xf32, #tpu.memory_space<hbm>>) target_semaphore(%run_scoped3A_119 : memref<!tpu.dma_semaphore, #tpu.memory_space<semaphore_mem>>)
      %dma_wait3A = arith.constant 0 : i32
      %dma_wait3A_125 = tpu.memref_slice %arg6[%arg0, %mul3A_118, %dma_wait3A] : memref<2x10240x128xf32, #tpu.memory_space<hbm>> -> memref<1x640x128xf32, #tpu.memory_space<hbm>>
      %dma_wait3A_126 = tpu.memref_squeeze %dma_wait3A_125 : memref<1x640x128xf32, #tpu.memory_space<hbm>> -> memref<640x128xf32, #tpu.memory_space<hbm>>
      %dma_wait3A_127 = arith.constant 0 : i32
      %dma_wait3A_128 = tpu.memref_slice %arg12[%mul3A_116, %dma_wait3A_127] : memref<10240x128xf32, #tpu.memory_space<vmem_shared>> -> memref<640x128xf32, #tpu.memory_space<vmem_shared>>
      tpu.wait_dma2 semaphore(%run_scoped3A_119 : memref<!tpu.dma_semaphore, #tpu.memory_space<semaphore_mem>>) src(%dma_wait3A_128 : memref<640x128xf32, #tpu.memory_space<vmem_shared>>) dst(%dma_wait3A_126 : memref<640x128xf32, #tpu.memory_space<hbm>>)
      tpu.yield
    }) : () -> ()
    return
  }
}

#map = affine_map<(d0, d1) -> (0, 0)>
#map1 = affine_map<(d0, d1) -> (0, 0, 0)>
module attributes {stable_mosaic.version = 14 : i64} {
  func.func @_scatter_kernel(%arg0: i32, %arg1: i32, %arg2: memref<10240x128xf32, #tpu.memory_space<hbm>>, %arg3: memref<5120x64xi32, #tpu.memory_space<hbm>>, %arg4: memref<5120x64xi32, #tpu.memory_space<hbm>>, %arg5: memref<640x128xf32, #tpu.memory_space<hbm>>, %arg6: memref<2x10240x128xf32, #tpu.memory_space<hbm>>, %arg7: memref<2x16x64xi32, #tpu.memory_space<vmem>>, %arg8: memref<2x16x64xi32, #tpu.memory_space<vmem>>, %arg9: memref<64x128xf32, #tpu.memory_space<vmem>>, %arg10: memref<64x128xf32, #tpu.memory_space<vmem>>, %arg11: memref<64x128xf32, #tpu.memory_space<vmem>>, %arg12: memref<10240x128xf32, #tpu.memory_space<vmem_shared>>, %arg13: memref<!tpu.dma_semaphore, #tpu.memory_space<semaphore_mem>>, %arg14: memref<!tpu.dma_semaphore, #tpu.memory_space<semaphore_mem>>, %arg15: memref<!tpu.dma_semaphore, #tpu.memory_space<semaphore_mem>>, %arg16: memref<!tpu.dma_semaphore, #tpu.memory_space<semaphore_mem>>) attributes {dimension_semantics = [#tpu.dimension_semantics<core_parallel>, #tpu.dimension_semantics<subcore_parallel>], iteration_bounds = array<i64: 2, 16>, scalar_prefetch = 0 : i64, scratch_operands = 10 : i64, tpu.core_type = #tpu.core_type<sc_vector_subcore>, window_params = [{transform_indices = #map}, {transform_indices = #map}, {transform_indices = #map}, {transform_indices = #map}, {transform_indices = #map1}]} {
    %eq3A = arith.constant 0 : i32
    %eq3A_0 = arith.cmpi eq, %arg0, %eq3A : i32
    %jit3A = arith.constant 304 : i32
    %jit3A_1 = arith.constant 16 : i32
    %select_n3A = arith.select %eq3A_0, %jit3A, %jit3A_1 : i32
    %jit3A_2 = arith.constant 16 : i32
    %div3A = arith.divsi %select_n3A, %jit3A_2 : i32
    %sign3A = arith.constant 0 : i32
    %sign3A_3 = arith.cmpi sgt, %select_n3A, %sign3A : i32
    %sign3A_4 = arith.extui %sign3A_3 : i1 to i32
    %sign3A_5 = arith.constant 0 : i32
    %sign3A_6 = arith.cmpi slt, %select_n3A, %sign3A_5 : i32
    %sign3A_7 = arith.extui %sign3A_6 : i1 to i32
    %sign3A_8 = arith.subi %sign3A_4, %sign3A_7 : i32
    %sign3A_9 = arith.constant 0 : i32
    %sign3A_10 = arith.cmpi sgt, %jit3A_2, %sign3A_9 : i32
    %sign3A_11 = arith.extui %sign3A_10 : i1 to i32
    %sign3A_12 = arith.constant 0 : i32
    %sign3A_13 = arith.cmpi slt, %jit3A_2, %sign3A_12 : i32
    %sign3A_14 = arith.extui %sign3A_13 : i1 to i32
    %sign3A_15 = arith.subi %sign3A_11, %sign3A_14 : i32
    %ne3A = arith.cmpi ne, %sign3A_8, %sign3A_15 : i32
    %rem3A = arith.remsi %select_n3A, %jit3A_2 : i32
    %ne3A_16 = arith.constant 0 : i32
    %ne3A_17 = arith.cmpi ne, %rem3A, %ne3A_16 : i32
    %and3A = arith.andi %ne3A, %ne3A_17 : i1
    %sub3A = arith.constant 1 : i32
    %sub3A_18 = arith.subi %div3A, %sub3A : i32
    %select_n3A_19 = arith.select %and3A, %sub3A_18, %div3A : i32
    %eq3A_20 = arith.constant 0 : i32
    %eq3A_21 = arith.cmpi eq, %arg0, %eq3A_20 : i32
    %mul3A = arith.constant 304 : i32
    %mul3A_22 = arith.muli %arg1, %mul3A : i32
    %mul3A_23 = arith.constant 16 : i32
    %mul3A_24 = arith.muli %arg1, %mul3A_23 : i32
    %add3A = arith.constant 4864 : i32
    %add3A_25 = arith.addi %add3A, %mul3A_24 : i32
    %select_n3A_26 = arith.select %eq3A_21, %mul3A_22, %add3A_25 : i32
    %eq3A_27 = arith.constant 0 : i32
    %eq3A_28 = arith.cmpi eq, %arg0, %eq3A_27 : i32
    %convert_element_type3A = arith.extui %eq3A_28 : i1 to i32
    %cond3A = arith.constant 0 : i32
    %cond3A_29 = arith.cmpi ne, %convert_element_type3A, %cond3A : i32
    scf.if %cond3A_29 {
      %mul3A_119 = arith.constant 640 : i32
      %mul3A_120 = arith.muli %arg1, %mul3A_119 : i32
      "tpu.region"() ({
        %run_scoped3A_121 = tpu.sem_alloc : memref<!tpu.dma_semaphore, #tpu.memory_space<semaphore_mem>>
        %dma_start3A_122 = arith.constant 0 : i32
        %dma_start3A_123 = tpu.memref_slice %arg12[%mul3A_120, %dma_start3A_122] : memref<10240x128xf32, #tpu.memory_space<vmem_shared>> -> memref<640x128xf32, #tpu.memory_space<vmem_shared>>
        tpu.enqueue_dma source(%arg5 : memref<640x128xf32, #tpu.memory_space<hbm>>) target(%dma_start3A_123 : memref<640x128xf32, #tpu.memory_space<vmem_shared>>) target_semaphore(%run_scoped3A_121 : memref<!tpu.dma_semaphore, #tpu.memory_space<semaphore_mem>>)
        %dma_wait3A = arith.constant 0 : i32
        %dma_wait3A_124 = tpu.memref_slice %arg12[%mul3A_120, %dma_wait3A] : memref<10240x128xf32, #tpu.memory_space<vmem_shared>> -> memref<640x128xf32, #tpu.memory_space<vmem_shared>>
        tpu.wait_dma2 semaphore(%run_scoped3A_121 : memref<!tpu.dma_semaphore, #tpu.memory_space<semaphore_mem>>) src(%arg5 : memref<640x128xf32, #tpu.memory_space<hbm>>) dst(%dma_wait3A_124 : memref<640x128xf32, #tpu.memory_space<vmem_shared>>)
        tpu.yield
      }) : () -> ()
    } else {
    }
    %eq3A_30 = arith.constant 1 : i32
    %eq3A_31 = arith.cmpi eq, %arg0, %eq3A_30 : i32
    %convert_element_type3A_32 = arith.extui %eq3A_31 : i1 to i32
    %cond3A_33 = arith.constant 0 : i32
    %cond3A_34 = arith.cmpi ne, %convert_element_type3A_32, %cond3A_33 : i32
    scf.if %cond3A_34 {
      "tpu.region"() ({
        %run_scoped3A_159 = tpu.sem_alloc : memref<!tpu.dma_semaphore, #tpu.memory_space<semaphore_mem>>
        %dma_start3A_160 = arith.constant 0 : i32
        %dma_start3A_161 = arith.constant 0 : i32
        %dma_start3A_162 = tpu.memref_slice %arg5[%dma_start3A_160, %dma_start3A_161] : memref<640x128xf32, #tpu.memory_space<hbm>> -> memref<64x128xf32, #tpu.memory_space<hbm>>
        %dma_start3A_163 = arith.constant 0 : i32
        %dma_start3A_164 = arith.constant 0 : i32
        %dma_start3A_165 = tpu.memref_slice %arg5[%dma_start3A_163, %dma_start3A_164] : memref<640x128xf32, #tpu.memory_space<hbm>> -> memref<64x128xf32, #tpu.memory_space<hbm>>
        tpu.enqueue_dma source(%dma_start3A_165 : memref<64x128xf32, #tpu.memory_space<hbm>>) target(%arg11 : memref<64x128xf32, #tpu.memory_space<vmem>>) target_semaphore(%run_scoped3A_159 : memref<!tpu.dma_semaphore, #tpu.memory_space<semaphore_mem>>)
        %dma_wait3A = arith.constant 0 : i32
        %dma_wait3A_166 = arith.constant 0 : i32
        %dma_wait3A_167 = tpu.memref_slice %arg5[%dma_wait3A, %dma_wait3A_166] : memref<640x128xf32, #tpu.memory_space<hbm>> -> memref<64x128xf32, #tpu.memory_space<hbm>>
        %dma_wait3A_168 = arith.constant 0 : i32
        %dma_wait3A_169 = arith.constant 0 : i32
        %dma_wait3A_170 = tpu.memref_slice %arg5[%dma_wait3A_168, %dma_wait3A_169] : memref<640x128xf32, #tpu.memory_space<hbm>> -> memref<64x128xf32, #tpu.memory_space<hbm>>
        tpu.wait_dma2 semaphore(%run_scoped3A_159 : memref<!tpu.dma_semaphore, #tpu.memory_space<semaphore_mem>>) src(%dma_wait3A_170 : memref<64x128xf32, #tpu.memory_space<hbm>>) dst(%arg11 : memref<64x128xf32, #tpu.memory_space<vmem>>)
        tpu.yield
      }) : () -> ()
      %mul3A_119 = arith.constant 640 : i32
      %mul3A_120 = arith.muli %arg1, %mul3A_119 : i32
      %add3A_121 = arith.constant 0 : i32
      %add3A_122 = arith.addi %mul3A_120, %add3A_121 : i32
      "tpu.region"() ({
        %run_scoped3A_159 = tpu.sem_alloc : memref<!tpu.dma_semaphore, #tpu.memory_space<semaphore_mem>>
        %dma_start3A_160 = arith.constant 0 : i32
        %dma_start3A_161 = tpu.memref_slice %arg12[%add3A_122, %dma_start3A_160] : memref<10240x128xf32, #tpu.memory_space<vmem_shared>> -> memref<64x128xf32, #tpu.memory_space<vmem_shared>>
        %dma_start3A_162 = arith.constant 0 : i32
        %dma_start3A_163 = tpu.memref_slice %arg12[%add3A_122, %dma_start3A_162] : memref<10240x128xf32, #tpu.memory_space<vmem_shared>> -> memref<64x128xf32, #tpu.memory_space<vmem_shared>>
        tpu.enqueue_dma source(%arg11 : memref<64x128xf32, #tpu.memory_space<vmem>>) target(%dma_start3A_163 : memref<64x128xf32, #tpu.memory_space<vmem_shared>>) target_semaphore(%run_scoped3A_159 : memref<!tpu.dma_semaphore, #tpu.memory_space<semaphore_mem>>)
        %dma_wait3A = arith.constant 0 : i32
        %dma_wait3A_164 = tpu.memref_slice %arg12[%add3A_122, %dma_wait3A] : memref<10240x128xf32, #tpu.memory_space<vmem_shared>> -> memref<64x128xf32, #tpu.memory_space<vmem_shared>>
        %dma_wait3A_165 = arith.constant 0 : i32
        %dma_wait3A_166 = tpu.memref_slice %arg12[%add3A_122, %dma_wait3A_165] : memref<10240x128xf32, #tpu.memory_space<vmem_shared>> -> memref<64x128xf32, #tpu.memory_space<vmem_shared>>
        tpu.wait_dma2 semaphore(%run_scoped3A_159 : memref<!tpu.dma_semaphore, #tpu.memory_space<semaphore_mem>>) src(%arg11 : memref<64x128xf32, #tpu.memory_space<vmem>>) dst(%dma_wait3A_166 : memref<64x128xf32, #tpu.memory_space<vmem_shared>>)
        tpu.yield
      }) : () -> ()
      %mul3A_123 = arith.constant 640 : i32
      %mul3A_124 = arith.muli %arg1, %mul3A_123 : i32
      %add3A_125 = arith.constant 64 : i32
      %add3A_126 = arith.addi %mul3A_124, %add3A_125 : i32
      "tpu.region"() ({
        %run_scoped3A_159 = tpu.sem_alloc : memref<!tpu.dma_semaphore, #tpu.memory_space<semaphore_mem>>
        %dma_start3A_160 = arith.constant 0 : i32
        %dma_start3A_161 = tpu.memref_slice %arg12[%add3A_126, %dma_start3A_160] : memref<10240x128xf32, #tpu.memory_space<vmem_shared>> -> memref<64x128xf32, #tpu.memory_space<vmem_shared>>
        %dma_start3A_162 = arith.constant 0 : i32
        %dma_start3A_163 = tpu.memref_slice %arg12[%add3A_126, %dma_start3A_162] : memref<10240x128xf32, #tpu.memory_space<vmem_shared>> -> memref<64x128xf32, #tpu.memory_space<vmem_shared>>
        tpu.enqueue_dma source(%arg11 : memref<64x128xf32, #tpu.memory_space<vmem>>) target(%dma_start3A_163 : memref<64x128xf32, #tpu.memory_space<vmem_shared>>) target_semaphore(%run_scoped3A_159 : memref<!tpu.dma_semaphore, #tpu.memory_space<semaphore_mem>>)
        %dma_wait3A = arith.constant 0 : i32
        %dma_wait3A_164 = tpu.memref_slice %arg12[%add3A_126, %dma_wait3A] : memref<10240x128xf32, #tpu.memory_space<vmem_shared>> -> memref<64x128xf32, #tpu.memory_space<vmem_shared>>
        %dma_wait3A_165 = arith.constant 0 : i32
        %dma_wait3A_166 = tpu.memref_slice %arg12[%add3A_126, %dma_wait3A_165] : memref<10240x128xf32, #tpu.memory_space<vmem_shared>> -> memref<64x128xf32, #tpu.memory_space<vmem_shared>>
        tpu.wait_dma2 semaphore(%run_scoped3A_159 : memref<!tpu.dma_semaphore, #tpu.memory_space<semaphore_mem>>) src(%arg11 : memref<64x128xf32, #tpu.memory_space<vmem>>) dst(%dma_wait3A_166 : memref<64x128xf32, #tpu.memory_space<vmem_shared>>)
        tpu.yield
      }) : () -> ()
      %mul3A_127 = arith.constant 640 : i32
      %mul3A_128 = arith.muli %arg1, %mul3A_127 : i32
      %add3A_129 = arith.constant 128 : i32
      %add3A_130 = arith.addi %mul3A_128, %add3A_129 : i32
      "tpu.region"() ({
        %run_scoped3A_159 = tpu.sem_alloc : memref<!tpu.dma_semaphore, #tpu.memory_space<semaphore_mem>>
        %dma_start3A_160 = arith.constant 0 : i32
        %dma_start3A_161 = tpu.memref_slice %arg12[%add3A_130, %dma_start3A_160] : memref<10240x128xf32, #tpu.memory_space<vmem_shared>> -> memref<64x128xf32, #tpu.memory_space<vmem_shared>>
        %dma_start3A_162 = arith.constant 0 : i32
        %dma_start3A_163 = tpu.memref_slice %arg12[%add3A_130, %dma_start3A_162] : memref<10240x128xf32, #tpu.memory_space<vmem_shared>> -> memref<64x128xf32, #tpu.memory_space<vmem_shared>>
        tpu.enqueue_dma source(%arg11 : memref<64x128xf32, #tpu.memory_space<vmem>>) target(%dma_start3A_163 : memref<64x128xf32, #tpu.memory_space<vmem_shared>>) target_semaphore(%run_scoped3A_159 : memref<!tpu.dma_semaphore, #tpu.memory_space<semaphore_mem>>)
        %dma_wait3A = arith.constant 0 : i32
        %dma_wait3A_164 = tpu.memref_slice %arg12[%add3A_130, %dma_wait3A] : memref<10240x128xf32, #tpu.memory_space<vmem_shared>> -> memref<64x128xf32, #tpu.memory_space<vmem_shared>>
        %dma_wait3A_165 = arith.constant 0 : i32
        %dma_wait3A_166 = tpu.memref_slice %arg12[%add3A_130, %dma_wait3A_165] : memref<10240x128xf32, #tpu.memory_space<vmem_shared>> -> memref<64x128xf32, #tpu.memory_space<vmem_shared>>
        tpu.wait_dma2 semaphore(%run_scoped3A_159 : memref<!tpu.dma_semaphore, #tpu.memory_space<semaphore_mem>>) src(%arg11 : memref<64x128xf32, #tpu.memory_space<vmem>>) dst(%dma_wait3A_166 : memref<64x128xf32, #tpu.memory_space<vmem_shared>>)
        tpu.yield
      }) : () -> ()
      %mul3A_131 = arith.constant 640 : i32
      %mul3A_132 = arith.muli %arg1, %mul3A_131 : i32
      %add3A_133 = arith.constant 192 : i32
      %add3A_134 = arith.addi %mul3A_132, %add3A_133 : i32
      "tpu.region"() ({
        %run_scoped3A_159 = tpu.sem_alloc : memref<!tpu.dma_semaphore, #tpu.memory_space<semaphore_mem>>
        %dma_start3A_160 = arith.constant 0 : i32
        %dma_start3A_161 = tpu.memref_slice %arg12[%add3A_134, %dma_start3A_160] : memref<10240x128xf32, #tpu.memory_space<vmem_shared>> -> memref<64x128xf32, #tpu.memory_space<vmem_shared>>
        %dma_start3A_162 = arith.constant 0 : i32
        %dma_start3A_163 = tpu.memref_slice %arg12[%add3A_134, %dma_start3A_162] : memref<10240x128xf32, #tpu.memory_space<vmem_shared>> -> memref<64x128xf32, #tpu.memory_space<vmem_shared>>
        tpu.enqueue_dma source(%arg11 : memref<64x128xf32, #tpu.memory_space<vmem>>) target(%dma_start3A_163 : memref<64x128xf32, #tpu.memory_space<vmem_shared>>) target_semaphore(%run_scoped3A_159 : memref<!tpu.dma_semaphore, #tpu.memory_space<semaphore_mem>>)
        %dma_wait3A = arith.constant 0 : i32
        %dma_wait3A_164 = tpu.memref_slice %arg12[%add3A_134, %dma_wait3A] : memref<10240x128xf32, #tpu.memory_space<vmem_shared>> -> memref<64x128xf32, #tpu.memory_space<vmem_shared>>
        %dma_wait3A_165 = arith.constant 0 : i32
        %dma_wait3A_166 = tpu.memref_slice %arg12[%add3A_134, %dma_wait3A_165] : memref<10240x128xf32, #tpu.memory_space<vmem_shared>> -> memref<64x128xf32, #tpu.memory_space<vmem_shared>>
        tpu.wait_dma2 semaphore(%run_scoped3A_159 : memref<!tpu.dma_semaphore, #tpu.memory_space<semaphore_mem>>) src(%arg11 : memref<64x128xf32, #tpu.memory_space<vmem>>) dst(%dma_wait3A_166 : memref<64x128xf32, #tpu.memory_space<vmem_shared>>)
        tpu.yield
      }) : () -> ()
      %mul3A_135 = arith.constant 640 : i32
      %mul3A_136 = arith.muli %arg1, %mul3A_135 : i32
      %add3A_137 = arith.constant 256 : i32
      %add3A_138 = arith.addi %mul3A_136, %add3A_137 : i32
      "tpu.region"() ({
        %run_scoped3A_159 = tpu.sem_alloc : memref<!tpu.dma_semaphore, #tpu.memory_space<semaphore_mem>>
        %dma_start3A_160 = arith.constant 0 : i32
        %dma_start3A_161 = tpu.memref_slice %arg12[%add3A_138, %dma_start3A_160] : memref<10240x128xf32, #tpu.memory_space<vmem_shared>> -> memref<64x128xf32, #tpu.memory_space<vmem_shared>>
        %dma_start3A_162 = arith.constant 0 : i32
        %dma_start3A_163 = tpu.memref_slice %arg12[%add3A_138, %dma_start3A_162] : memref<10240x128xf32, #tpu.memory_space<vmem_shared>> -> memref<64x128xf32, #tpu.memory_space<vmem_shared>>
        tpu.enqueue_dma source(%arg11 : memref<64x128xf32, #tpu.memory_space<vmem>>) target(%dma_start3A_163 : memref<64x128xf32, #tpu.memory_space<vmem_shared>>) target_semaphore(%run_scoped3A_159 : memref<!tpu.dma_semaphore, #tpu.memory_space<semaphore_mem>>)
        %dma_wait3A = arith.constant 0 : i32
        %dma_wait3A_164 = tpu.memref_slice %arg12[%add3A_138, %dma_wait3A] : memref<10240x128xf32, #tpu.memory_space<vmem_shared>> -> memref<64x128xf32, #tpu.memory_space<vmem_shared>>
        %dma_wait3A_165 = arith.constant 0 : i32
        %dma_wait3A_166 = tpu.memref_slice %arg12[%add3A_138, %dma_wait3A_165] : memref<10240x128xf32, #tpu.memory_space<vmem_shared>> -> memref<64x128xf32, #tpu.memory_space<vmem_shared>>
        tpu.wait_dma2 semaphore(%run_scoped3A_159 : memref<!tpu.dma_semaphore, #tpu.memory_space<semaphore_mem>>) src(%arg11 : memref<64x128xf32, #tpu.memory_space<vmem>>) dst(%dma_wait3A_166 : memref<64x128xf32, #tpu.memory_space<vmem_shared>>)
        tpu.yield
      }) : () -> ()
      %mul3A_139 = arith.constant 640 : i32
      %mul3A_140 = arith.muli %arg1, %mul3A_139 : i32
      %add3A_141 = arith.constant 320 : i32
      %add3A_142 = arith.addi %mul3A_140, %add3A_141 : i32
      "tpu.region"() ({
        %run_scoped3A_159 = tpu.sem_alloc : memref<!tpu.dma_semaphore, #tpu.memory_space<semaphore_mem>>
        %dma_start3A_160 = arith.constant 0 : i32
        %dma_start3A_161 = tpu.memref_slice %arg12[%add3A_142, %dma_start3A_160] : memref<10240x128xf32, #tpu.memory_space<vmem_shared>> -> memref<64x128xf32, #tpu.memory_space<vmem_shared>>
        %dma_start3A_162 = arith.constant 0 : i32
        %dma_start3A_163 = tpu.memref_slice %arg12[%add3A_142, %dma_start3A_162] : memref<10240x128xf32, #tpu.memory_space<vmem_shared>> -> memref<64x128xf32, #tpu.memory_space<vmem_shared>>
        tpu.enqueue_dma source(%arg11 : memref<64x128xf32, #tpu.memory_space<vmem>>) target(%dma_start3A_163 : memref<64x128xf32, #tpu.memory_space<vmem_shared>>) target_semaphore(%run_scoped3A_159 : memref<!tpu.dma_semaphore, #tpu.memory_space<semaphore_mem>>)
        %dma_wait3A = arith.constant 0 : i32
        %dma_wait3A_164 = tpu.memref_slice %arg12[%add3A_142, %dma_wait3A] : memref<10240x128xf32, #tpu.memory_space<vmem_shared>> -> memref<64x128xf32, #tpu.memory_space<vmem_shared>>
        %dma_wait3A_165 = arith.constant 0 : i32
        %dma_wait3A_166 = tpu.memref_slice %arg12[%add3A_142, %dma_wait3A_165] : memref<10240x128xf32, #tpu.memory_space<vmem_shared>> -> memref<64x128xf32, #tpu.memory_space<vmem_shared>>
        tpu.wait_dma2 semaphore(%run_scoped3A_159 : memref<!tpu.dma_semaphore, #tpu.memory_space<semaphore_mem>>) src(%arg11 : memref<64x128xf32, #tpu.memory_space<vmem>>) dst(%dma_wait3A_166 : memref<64x128xf32, #tpu.memory_space<vmem_shared>>)
        tpu.yield
      }) : () -> ()
      %mul3A_143 = arith.constant 640 : i32
      %mul3A_144 = arith.muli %arg1, %mul3A_143 : i32
      %add3A_145 = arith.constant 384 : i32
      %add3A_146 = arith.addi %mul3A_144, %add3A_145 : i32
      "tpu.region"() ({
        %run_scoped3A_159 = tpu.sem_alloc : memref<!tpu.dma_semaphore, #tpu.memory_space<semaphore_mem>>
        %dma_start3A_160 = arith.constant 0 : i32
        %dma_start3A_161 = tpu.memref_slice %arg12[%add3A_146, %dma_start3A_160] : memref<10240x128xf32, #tpu.memory_space<vmem_shared>> -> memref<64x128xf32, #tpu.memory_space<vmem_shared>>
        %dma_start3A_162 = arith.constant 0 : i32
        %dma_start3A_163 = tpu.memref_slice %arg12[%add3A_146, %dma_start3A_162] : memref<10240x128xf32, #tpu.memory_space<vmem_shared>> -> memref<64x128xf32, #tpu.memory_space<vmem_shared>>
        tpu.enqueue_dma source(%arg11 : memref<64x128xf32, #tpu.memory_space<vmem>>) target(%dma_start3A_163 : memref<64x128xf32, #tpu.memory_space<vmem_shared>>) target_semaphore(%run_scoped3A_159 : memref<!tpu.dma_semaphore, #tpu.memory_space<semaphore_mem>>)
        %dma_wait3A = arith.constant 0 : i32
        %dma_wait3A_164 = tpu.memref_slice %arg12[%add3A_146, %dma_wait3A] : memref<10240x128xf32, #tpu.memory_space<vmem_shared>> -> memref<64x128xf32, #tpu.memory_space<vmem_shared>>
        %dma_wait3A_165 = arith.constant 0 : i32
        %dma_wait3A_166 = tpu.memref_slice %arg12[%add3A_146, %dma_wait3A_165] : memref<10240x128xf32, #tpu.memory_space<vmem_shared>> -> memref<64x128xf32, #tpu.memory_space<vmem_shared>>
        tpu.wait_dma2 semaphore(%run_scoped3A_159 : memref<!tpu.dma_semaphore, #tpu.memory_space<semaphore_mem>>) src(%arg11 : memref<64x128xf32, #tpu.memory_space<vmem>>) dst(%dma_wait3A_166 : memref<64x128xf32, #tpu.memory_space<vmem_shared>>)
        tpu.yield
      }) : () -> ()
      %mul3A_147 = arith.constant 640 : i32
      %mul3A_148 = arith.muli %arg1, %mul3A_147 : i32
      %add3A_149 = arith.constant 448 : i32
      %add3A_150 = arith.addi %mul3A_148, %add3A_149 : i32
      "tpu.region"() ({
        %run_scoped3A_159 = tpu.sem_alloc : memref<!tpu.dma_semaphore, #tpu.memory_space<semaphore_mem>>
        %dma_start3A_160 = arith.constant 0 : i32
        %dma_start3A_161 = tpu.memref_slice %arg12[%add3A_150, %dma_start3A_160] : memref<10240x128xf32, #tpu.memory_space<vmem_shared>> -> memref<64x128xf32, #tpu.memory_space<vmem_shared>>
        %dma_start3A_162 = arith.constant 0 : i32
        %dma_start3A_163 = tpu.memref_slice %arg12[%add3A_150, %dma_start3A_162] : memref<10240x128xf32, #tpu.memory_space<vmem_shared>> -> memref<64x128xf32, #tpu.memory_space<vmem_shared>>
        tpu.enqueue_dma source(%arg11 : memref<64x128xf32, #tpu.memory_space<vmem>>) target(%dma_start3A_163 : memref<64x128xf32, #tpu.memory_space<vmem_shared>>) target_semaphore(%run_scoped3A_159 : memref<!tpu.dma_semaphore, #tpu.memory_space<semaphore_mem>>)
        %dma_wait3A = arith.constant 0 : i32
        %dma_wait3A_164 = tpu.memref_slice %arg12[%add3A_150, %dma_wait3A] : memref<10240x128xf32, #tpu.memory_space<vmem_shared>> -> memref<64x128xf32, #tpu.memory_space<vmem_shared>>
        %dma_wait3A_165 = arith.constant 0 : i32
        %dma_wait3A_166 = tpu.memref_slice %arg12[%add3A_150, %dma_wait3A_165] : memref<10240x128xf32, #tpu.memory_space<vmem_shared>> -> memref<64x128xf32, #tpu.memory_space<vmem_shared>>
        tpu.wait_dma2 semaphore(%run_scoped3A_159 : memref<!tpu.dma_semaphore, #tpu.memory_space<semaphore_mem>>) src(%arg11 : memref<64x128xf32, #tpu.memory_space<vmem>>) dst(%dma_wait3A_166 : memref<64x128xf32, #tpu.memory_space<vmem_shared>>)
        tpu.yield
      }) : () -> ()
      %mul3A_151 = arith.constant 640 : i32
      %mul3A_152 = arith.muli %arg1, %mul3A_151 : i32
      %add3A_153 = arith.constant 512 : i32
      %add3A_154 = arith.addi %mul3A_152, %add3A_153 : i32
      "tpu.region"() ({
        %run_scoped3A_159 = tpu.sem_alloc : memref<!tpu.dma_semaphore, #tpu.memory_space<semaphore_mem>>
        %dma_start3A_160 = arith.constant 0 : i32
        %dma_start3A_161 = tpu.memref_slice %arg12[%add3A_154, %dma_start3A_160] : memref<10240x128xf32, #tpu.memory_space<vmem_shared>> -> memref<64x128xf32, #tpu.memory_space<vmem_shared>>
        %dma_start3A_162 = arith.constant 0 : i32
        %dma_start3A_163 = tpu.memref_slice %arg12[%add3A_154, %dma_start3A_162] : memref<10240x128xf32, #tpu.memory_space<vmem_shared>> -> memref<64x128xf32, #tpu.memory_space<vmem_shared>>
        tpu.enqueue_dma source(%arg11 : memref<64x128xf32, #tpu.memory_space<vmem>>) target(%dma_start3A_163 : memref<64x128xf32, #tpu.memory_space<vmem_shared>>) target_semaphore(%run_scoped3A_159 : memref<!tpu.dma_semaphore, #tpu.memory_space<semaphore_mem>>)
        %dma_wait3A = arith.constant 0 : i32
        %dma_wait3A_164 = tpu.memref_slice %arg12[%add3A_154, %dma_wait3A] : memref<10240x128xf32, #tpu.memory_space<vmem_shared>> -> memref<64x128xf32, #tpu.memory_space<vmem_shared>>
        %dma_wait3A_165 = arith.constant 0 : i32
        %dma_wait3A_166 = tpu.memref_slice %arg12[%add3A_154, %dma_wait3A_165] : memref<10240x128xf32, #tpu.memory_space<vmem_shared>> -> memref<64x128xf32, #tpu.memory_space<vmem_shared>>
        tpu.wait_dma2 semaphore(%run_scoped3A_159 : memref<!tpu.dma_semaphore, #tpu.memory_space<semaphore_mem>>) src(%arg11 : memref<64x128xf32, #tpu.memory_space<vmem>>) dst(%dma_wait3A_166 : memref<64x128xf32, #tpu.memory_space<vmem_shared>>)
        tpu.yield
      }) : () -> ()
      %mul3A_155 = arith.constant 640 : i32
      %mul3A_156 = arith.muli %arg1, %mul3A_155 : i32
      %add3A_157 = arith.constant 576 : i32
      %add3A_158 = arith.addi %mul3A_156, %add3A_157 : i32
      "tpu.region"() ({
        %run_scoped3A_159 = tpu.sem_alloc : memref<!tpu.dma_semaphore, #tpu.memory_space<semaphore_mem>>
        %dma_start3A_160 = arith.constant 0 : i32
        %dma_start3A_161 = tpu.memref_slice %arg12[%add3A_158, %dma_start3A_160] : memref<10240x128xf32, #tpu.memory_space<vmem_shared>> -> memref<64x128xf32, #tpu.memory_space<vmem_shared>>
        %dma_start3A_162 = arith.constant 0 : i32
        %dma_start3A_163 = tpu.memref_slice %arg12[%add3A_158, %dma_start3A_162] : memref<10240x128xf32, #tpu.memory_space<vmem_shared>> -> memref<64x128xf32, #tpu.memory_space<vmem_shared>>
        tpu.enqueue_dma source(%arg11 : memref<64x128xf32, #tpu.memory_space<vmem>>) target(%dma_start3A_163 : memref<64x128xf32, #tpu.memory_space<vmem_shared>>) target_semaphore(%run_scoped3A_159 : memref<!tpu.dma_semaphore, #tpu.memory_space<semaphore_mem>>)
        %dma_wait3A = arith.constant 0 : i32
        %dma_wait3A_164 = tpu.memref_slice %arg12[%add3A_158, %dma_wait3A] : memref<10240x128xf32, #tpu.memory_space<vmem_shared>> -> memref<64x128xf32, #tpu.memory_space<vmem_shared>>
        %dma_wait3A_165 = arith.constant 0 : i32
        %dma_wait3A_166 = tpu.memref_slice %arg12[%add3A_158, %dma_wait3A_165] : memref<10240x128xf32, #tpu.memory_space<vmem_shared>> -> memref<64x128xf32, #tpu.memory_space<vmem_shared>>
        tpu.wait_dma2 semaphore(%run_scoped3A_159 : memref<!tpu.dma_semaphore, #tpu.memory_space<semaphore_mem>>) src(%arg11 : memref<64x128xf32, #tpu.memory_space<vmem>>) dst(%dma_wait3A_166 : memref<64x128xf32, #tpu.memory_space<vmem_shared>>)
        tpu.yield
      }) : () -> ()
    } else {
    }
    %run_scoped3A = arith.constant 0 : i32
    "tpu.region"() ({
      %run_scoped3A_119 = tpu.sem_alloc : memref<!tpu.dma_semaphore, #tpu.memory_space<semaphore_mem>>
      %dma_start3A_120 = arith.constant 0 : i32
      %dma_start3A_121 = arith.constant 0 : i32
      %dma_start3A_122 = tpu.memref_slice %arg7[%run_scoped3A, %dma_start3A_120, %dma_start3A_121] : memref<2x16x64xi32, #tpu.memory_space<vmem>> -> memref<1x16x64xi32, #tpu.memory_space<vmem>>
      %dma_start3A_123 = tpu.memref_squeeze %dma_start3A_122 : memref<1x16x64xi32, #tpu.memory_space<vmem>> -> memref<16x64xi32, #tpu.memory_space<vmem>>
      %dma_start3A_124 = arith.constant 0 : i32
      %dma_start3A_125 = tpu.memref_slice %arg3[%select_n3A_26, %dma_start3A_124] : memref<5120x64xi32, #tpu.memory_space<hbm>> -> memref<16x64xi32, #tpu.memory_space<hbm>>
      %dma_start3A_126 = arith.constant 0 : i32
      %dma_start3A_127 = arith.constant 0 : i32
      %dma_start3A_128 = tpu.memref_slice %arg7[%run_scoped3A, %dma_start3A_126, %dma_start3A_127] : memref<2x16x64xi32, #tpu.memory_space<vmem>> -> memref<1x16x64xi32, #tpu.memory_space<vmem>>
      %dma_start3A_129 = tpu.memref_squeeze %dma_start3A_128 : memref<1x16x64xi32, #tpu.memory_space<vmem>> -> memref<16x64xi32, #tpu.memory_space<vmem>>
      %dma_start3A_130 = arith.constant 0 : i32
      %dma_start3A_131 = tpu.memref_slice %arg3[%select_n3A_26, %dma_start3A_130] : memref<5120x64xi32, #tpu.memory_space<hbm>> -> memref<16x64xi32, #tpu.memory_space<hbm>>
      tpu.enqueue_dma source(%dma_start3A_131 : memref<16x64xi32, #tpu.memory_space<hbm>>) target(%dma_start3A_129 : memref<16x64xi32, #tpu.memory_space<vmem>>) target_semaphore(%run_scoped3A_119 : memref<!tpu.dma_semaphore, #tpu.memory_space<semaphore_mem>>)
      %dma_wait3A = arith.constant 0 : i32
      %dma_wait3A_132 = arith.constant 0 : i32
      %dma_wait3A_133 = tpu.memref_slice %arg7[%run_scoped3A, %dma_wait3A, %dma_wait3A_132] : memref<2x16x64xi32, #tpu.memory_space<vmem>> -> memref<1x16x64xi32, #tpu.memory_space<vmem>>
      %dma_wait3A_134 = tpu.memref_squeeze %dma_wait3A_133 : memref<1x16x64xi32, #tpu.memory_space<vmem>> -> memref<16x64xi32, #tpu.memory_space<vmem>>
      %dma_wait3A_135 = arith.constant 0 : i32
      %dma_wait3A_136 = tpu.memref_slice %arg3[%select_n3A_26, %dma_wait3A_135] : memref<5120x64xi32, #tpu.memory_space<hbm>> -> memref<16x64xi32, #tpu.memory_space<hbm>>
      %dma_wait3A_137 = arith.constant 0 : i32
      %dma_wait3A_138 = arith.constant 0 : i32
      %dma_wait3A_139 = tpu.memref_slice %arg7[%run_scoped3A, %dma_wait3A_137, %dma_wait3A_138] : memref<2x16x64xi32, #tpu.memory_space<vmem>> -> memref<1x16x64xi32, #tpu.memory_space<vmem>>
      %dma_wait3A_140 = tpu.memref_squeeze %dma_wait3A_139 : memref<1x16x64xi32, #tpu.memory_space<vmem>> -> memref<16x64xi32, #tpu.memory_space<vmem>>
      %dma_wait3A_141 = arith.constant 0 : i32
      %dma_wait3A_142 = tpu.memref_slice %arg3[%select_n3A_26, %dma_wait3A_141] : memref<5120x64xi32, #tpu.memory_space<hbm>> -> memref<16x64xi32, #tpu.memory_space<hbm>>
      tpu.wait_dma2 semaphore(%run_scoped3A_119 : memref<!tpu.dma_semaphore, #tpu.memory_space<semaphore_mem>>) src(%dma_wait3A_142 : memref<16x64xi32, #tpu.memory_space<hbm>>) dst(%dma_wait3A_140 : memref<16x64xi32, #tpu.memory_space<vmem>>)
      tpu.yield
    }) : () -> ()
    %run_scoped3A_35 = arith.constant 0 : i32
    "tpu.region"() ({
      %run_scoped3A_119 = tpu.sem_alloc : memref<!tpu.dma_semaphore, #tpu.memory_space<semaphore_mem>>
      %dma_start3A_120 = arith.constant 0 : i32
      %dma_start3A_121 = arith.constant 0 : i32
      %dma_start3A_122 = tpu.memref_slice %arg8[%run_scoped3A_35, %dma_start3A_120, %dma_start3A_121] : memref<2x16x64xi32, #tpu.memory_space<vmem>> -> memref<1x16x64xi32, #tpu.memory_space<vmem>>
      %dma_start3A_123 = tpu.memref_squeeze %dma_start3A_122 : memref<1x16x64xi32, #tpu.memory_space<vmem>> -> memref<16x64xi32, #tpu.memory_space<vmem>>
      %dma_start3A_124 = arith.constant 0 : i32
      %dma_start3A_125 = tpu.memref_slice %arg4[%select_n3A_26, %dma_start3A_124] : memref<5120x64xi32, #tpu.memory_space<hbm>> -> memref<16x64xi32, #tpu.memory_space<hbm>>
      %dma_start3A_126 = arith.constant 0 : i32
      %dma_start3A_127 = arith.constant 0 : i32
      %dma_start3A_128 = tpu.memref_slice %arg8[%run_scoped3A_35, %dma_start3A_126, %dma_start3A_127] : memref<2x16x64xi32, #tpu.memory_space<vmem>> -> memref<1x16x64xi32, #tpu.memory_space<vmem>>
      %dma_start3A_129 = tpu.memref_squeeze %dma_start3A_128 : memref<1x16x64xi32, #tpu.memory_space<vmem>> -> memref<16x64xi32, #tpu.memory_space<vmem>>
      %dma_start3A_130 = arith.constant 0 : i32
      %dma_start3A_131 = tpu.memref_slice %arg4[%select_n3A_26, %dma_start3A_130] : memref<5120x64xi32, #tpu.memory_space<hbm>> -> memref<16x64xi32, #tpu.memory_space<hbm>>
      tpu.enqueue_dma source(%dma_start3A_131 : memref<16x64xi32, #tpu.memory_space<hbm>>) target(%dma_start3A_129 : memref<16x64xi32, #tpu.memory_space<vmem>>) target_semaphore(%run_scoped3A_119 : memref<!tpu.dma_semaphore, #tpu.memory_space<semaphore_mem>>)
      %dma_wait3A = arith.constant 0 : i32
      %dma_wait3A_132 = arith.constant 0 : i32
      %dma_wait3A_133 = tpu.memref_slice %arg8[%run_scoped3A_35, %dma_wait3A, %dma_wait3A_132] : memref<2x16x64xi32, #tpu.memory_space<vmem>> -> memref<1x16x64xi32, #tpu.memory_space<vmem>>
      %dma_wait3A_134 = tpu.memref_squeeze %dma_wait3A_133 : memref<1x16x64xi32, #tpu.memory_space<vmem>> -> memref<16x64xi32, #tpu.memory_space<vmem>>
      %dma_wait3A_135 = arith.constant 0 : i32
      %dma_wait3A_136 = tpu.memref_slice %arg4[%select_n3A_26, %dma_wait3A_135] : memref<5120x64xi32, #tpu.memory_space<hbm>> -> memref<16x64xi32, #tpu.memory_space<hbm>>
      %dma_wait3A_137 = arith.constant 0 : i32
      %dma_wait3A_138 = arith.constant 0 : i32
      %dma_wait3A_139 = tpu.memref_slice %arg8[%run_scoped3A_35, %dma_wait3A_137, %dma_wait3A_138] : memref<2x16x64xi32, #tpu.memory_space<vmem>> -> memref<1x16x64xi32, #tpu.memory_space<vmem>>
      %dma_wait3A_140 = tpu.memref_squeeze %dma_wait3A_139 : memref<1x16x64xi32, #tpu.memory_space<vmem>> -> memref<16x64xi32, #tpu.memory_space<vmem>>
      %dma_wait3A_141 = arith.constant 0 : i32
      %dma_wait3A_142 = tpu.memref_slice %arg4[%select_n3A_26, %dma_wait3A_141] : memref<5120x64xi32, #tpu.memory_space<hbm>> -> memref<16x64xi32, #tpu.memory_space<hbm>>
      tpu.wait_dma2 semaphore(%run_scoped3A_119 : memref<!tpu.dma_semaphore, #tpu.memory_space<semaphore_mem>>) src(%dma_wait3A_142 : memref<16x64xi32, #tpu.memory_space<hbm>>) dst(%dma_wait3A_140 : memref<16x64xi32, #tpu.memory_space<vmem>>)
      tpu.yield
    }) : () -> ()
    %barrier3A = arith.constant 0 : index
    tpu.barrier barrier_id(%barrier3A)
    %add3A_36 = arith.constant 16 : i32
    %add3A_37 = arith.addi %select_n3A_26, %add3A_36 : i32
    %dma_start3A = arith.constant 1 : i32
    %dma_start3A_38 = arith.constant 0 : i32
    %dma_start3A_39 = arith.constant 0 : i32
    %dma_start3A_40 = tpu.memref_slice %arg7[%dma_start3A, %dma_start3A_38, %dma_start3A_39] : memref<2x16x64xi32, #tpu.memory_space<vmem>> -> memref<1x16x64xi32, #tpu.memory_space<vmem>>
    %dma_start3A_41 = tpu.memref_squeeze %dma_start3A_40 : memref<1x16x64xi32, #tpu.memory_space<vmem>> -> memref<16x64xi32, #tpu.memory_space<vmem>>
    %dma_start3A_42 = arith.constant 0 : i32
    %dma_start3A_43 = tpu.memref_slice %arg3[%add3A_37, %dma_start3A_42] : memref<5120x64xi32, #tpu.memory_space<hbm>> -> memref<16x64xi32, #tpu.memory_space<hbm>>
    %dma_start3A_44 = arith.constant 0 : i32
    %dma_start3A_45 = arith.constant 0 : i32
    %dma_start3A_46 = tpu.memref_slice %arg7[%dma_start3A, %dma_start3A_44, %dma_start3A_45] : memref<2x16x64xi32, #tpu.memory_space<vmem>> -> memref<1x16x64xi32, #tpu.memory_space<vmem>>
    %dma_start3A_47 = tpu.memref_squeeze %dma_start3A_46 : memref<1x16x64xi32, #tpu.memory_space<vmem>> -> memref<16x64xi32, #tpu.memory_space<vmem>>
    %dma_start3A_48 = arith.constant 0 : i32
    %dma_start3A_49 = tpu.memref_slice %arg3[%add3A_37, %dma_start3A_48] : memref<5120x64xi32, #tpu.memory_space<hbm>> -> memref<16x64xi32, #tpu.memory_space<hbm>>
    tpu.enqueue_dma source(%dma_start3A_49 : memref<16x64xi32, #tpu.memory_space<hbm>>) target(%dma_start3A_47 : memref<16x64xi32, #tpu.memory_space<vmem>>) target_semaphore(%arg15 : memref<!tpu.dma_semaphore, #tpu.memory_space<semaphore_mem>>)
    %add3A_50 = arith.constant 16 : i32
    %add3A_51 = arith.addi %select_n3A_26, %add3A_50 : i32
    %dma_start3A_52 = arith.constant 1 : i32
    %dma_start3A_53 = arith.constant 0 : i32
    %dma_start3A_54 = arith.constant 0 : i32
    %dma_start3A_55 = tpu.memref_slice %arg8[%dma_start3A_52, %dma_start3A_53, %dma_start3A_54] : memref<2x16x64xi32, #tpu.memory_space<vmem>> -> memref<1x16x64xi32, #tpu.memory_space<vmem>>
    %dma_start3A_56 = tpu.memref_squeeze %dma_start3A_55 : memref<1x16x64xi32, #tpu.memory_space<vmem>> -> memref<16x64xi32, #tpu.memory_space<vmem>>
    %dma_start3A_57 = arith.constant 0 : i32
    %dma_start3A_58 = tpu.memref_slice %arg4[%add3A_51, %dma_start3A_57] : memref<5120x64xi32, #tpu.memory_space<hbm>> -> memref<16x64xi32, #tpu.memory_space<hbm>>
    %dma_start3A_59 = arith.constant 0 : i32
    %dma_start3A_60 = arith.constant 0 : i32
    %dma_start3A_61 = tpu.memref_slice %arg8[%dma_start3A_52, %dma_start3A_59, %dma_start3A_60] : memref<2x16x64xi32, #tpu.memory_space<vmem>> -> memref<1x16x64xi32, #tpu.memory_space<vmem>>
    %dma_start3A_62 = tpu.memref_squeeze %dma_start3A_61 : memref<1x16x64xi32, #tpu.memory_space<vmem>> -> memref<16x64xi32, #tpu.memory_space<vmem>>
    %dma_start3A_63 = arith.constant 0 : i32
    %dma_start3A_64 = tpu.memref_slice %arg4[%add3A_51, %dma_start3A_63] : memref<5120x64xi32, #tpu.memory_space<hbm>> -> memref<16x64xi32, #tpu.memory_space<hbm>>
    tpu.enqueue_dma source(%dma_start3A_64 : memref<16x64xi32, #tpu.memory_space<hbm>>) target(%dma_start3A_62 : memref<16x64xi32, #tpu.memory_space<vmem>>) target_semaphore(%arg16 : memref<!tpu.dma_semaphore, #tpu.memory_space<semaphore_mem>>)
    %dma_start3A_65 = arith.constant 0 : i32
    %dma_start3A_66 = arith.constant 0 : i32
    %dma_start3A_67 = arith.constant 0 : i32
    %dma_start3A_68 = tpu.memref_slice %arg7[%dma_start3A_65, %dma_start3A_66, %dma_start3A_67] : memref<2x16x64xi32, #tpu.memory_space<vmem>> -> memref<1x1x64xi32, #tpu.memory_space<vmem>>
    %dma_start3A_69 = tpu.memref_squeeze %dma_start3A_68 : memref<1x1x64xi32, #tpu.memory_space<vmem>> -> memref<64xi32, #tpu.memory_space<vmem>>
    %dma_start3A_70 = arith.constant 0 : i32
    %dma_start3A_71 = arith.constant 0 : i32
    %dma_start3A_72 = tpu.memref_slice %arg2[%dma_start3A_70, %dma_start3A_71] : memref<10240x128xf32, #tpu.memory_space<hbm>> -> memref<10240x128xf32, #tpu.memory_space<hbm>>
    tpu.enqueue_indirect_dma source(%dma_start3A_72 : memref<10240x128xf32, #tpu.memory_space<hbm>>) target(%arg9 : memref<64x128xf32, #tpu.memory_space<vmem>>) offsets(%dma_start3A_69 : memref<64xi32, #tpu.memory_space<vmem>>) semaphore(%arg13 : memref<!tpu.dma_semaphore, #tpu.memory_space<semaphore_mem>>)
    %dma_start3A_73 = arith.constant 0 : i32
    %dma_start3A_74 = arith.constant 1 : i32
    %dma_start3A_75 = arith.constant 0 : i32
    %dma_start3A_76 = tpu.memref_slice %arg7[%dma_start3A_73, %dma_start3A_74, %dma_start3A_75] : memref<2x16x64xi32, #tpu.memory_space<vmem>> -> memref<1x1x64xi32, #tpu.memory_space<vmem>>
    %dma_start3A_77 = tpu.memref_squeeze %dma_start3A_76 : memref<1x1x64xi32, #tpu.memory_space<vmem>> -> memref<64xi32, #tpu.memory_space<vmem>>
    %dma_start3A_78 = arith.constant 0 : i32
    %dma_start3A_79 = arith.constant 0 : i32
    %dma_start3A_80 = tpu.memref_slice %arg2[%dma_start3A_78, %dma_start3A_79] : memref<10240x128xf32, #tpu.memory_space<hbm>> -> memref<10240x128xf32, #tpu.memory_space<hbm>>
    tpu.enqueue_indirect_dma source(%dma_start3A_80 : memref<10240x128xf32, #tpu.memory_space<hbm>>) target(%arg10 : memref<64x128xf32, #tpu.memory_space<vmem>>) offsets(%dma_start3A_77 : memref<64xi32, #tpu.memory_space<vmem>>) semaphore(%arg14 : memref<!tpu.dma_semaphore, #tpu.memory_space<semaphore_mem>>)
    %jit3A_81 = arith.constant 2 : i32
    %div3A_82 = arith.divsi %select_n3A, %jit3A_81 : i32
    %sign3A_83 = arith.constant 0 : i32
    %sign3A_84 = arith.cmpi sgt, %select_n3A, %sign3A_83 : i32
    %sign3A_85 = arith.extui %sign3A_84 : i1 to i32
    %sign3A_86 = arith.constant 0 : i32
    %sign3A_87 = arith.cmpi slt, %select_n3A, %sign3A_86 : i32
    %sign3A_88 = arith.extui %sign3A_87 : i1 to i32
    %sign3A_89 = arith.subi %sign3A_85, %sign3A_88 : i32
    %sign3A_90 = arith.constant 0 : i32
    %sign3A_91 = arith.cmpi sgt, %jit3A_81, %sign3A_90 : i32
    %sign3A_92 = arith.extui %sign3A_91 : i1 to i32
    %sign3A_93 = arith.constant 0 : i32
    %sign3A_94 = arith.cmpi slt, %jit3A_81, %sign3A_93 : i32
    %sign3A_95 = arith.extui %sign3A_94 : i1 to i32
    %sign3A_96 = arith.subi %sign3A_92, %sign3A_95 : i32
    %ne3A_97 = arith.cmpi ne, %sign3A_89, %sign3A_96 : i32
    %rem3A_98 = arith.remsi %select_n3A, %jit3A_81 : i32
    %ne3A_99 = arith.constant 0 : i32
    %ne3A_100 = arith.cmpi ne, %rem3A_98, %ne3A_99 : i32
    %and3A_101 = arith.andi %ne3A_97, %ne3A_100 : i1
    %sub3A_102 = arith.constant 1 : i32
    %sub3A_103 = arith.subi %div3A_82, %sub3A_102 : i32
    %select_n3A_104 = arith.select %and3A_101, %sub3A_103, %div3A_82 : i32
    %while3A = arith.constant 0 : i32
    %while3A_105 = arith.constant 0 : i32
    %while3A_106 = arith.subi %select_n3A_104, %while3A_105 : i32
    %while3A_107 = arith.addi %while3A_105, %while3A_106 : i32
    %while3A_108 = arith.constant 1 : i32
    %while3A_109 = arith.divsi %while3A_106, %while3A_108 : i32
    %while3A_110 = arith.muli %while3A_109, %while3A_108 : i32
    %while3A_111 = arith.addi %while3A_105, %while3A_110 : i32
    %while3A_112 = arith.constant 1 : i32
    scf.for %while3A_119 = %while3A_105 to %while3A_111 step %while3A_112  : i32 {
      %mul3A_120 = arith.constant 2 : i32
      %mul3A_121 = arith.muli %mul3A_120, %while3A_119 : i32
      %jit3A_122 = arith.constant 16 : i32
      %div3A_123 = arith.divsi %mul3A_121, %jit3A_122 : i32
      %sign3A_124 = arith.constant 0 : i32
      %sign3A_125 = arith.cmpi sgt, %mul3A_121, %sign3A_124 : i32
      %sign3A_126 = arith.extui %sign3A_125 : i1 to i32
      %sign3A_127 = arith.constant 0 : i32
      %sign3A_128 = arith.cmpi slt, %mul3A_121, %sign3A_127 : i32
      %sign3A_129 = arith.extui %sign3A_128 : i1 to i32
      %sign3A_130 = arith.subi %sign3A_126, %sign3A_129 : i32
      %sign3A_131 = arith.constant 0 : i32
      %sign3A_132 = arith.cmpi sgt, %jit3A_122, %sign3A_131 : i32
      %sign3A_133 = arith.extui %sign3A_132 : i1 to i32
      %sign3A_134 = arith.constant 0 : i32
      %sign3A_135 = arith.cmpi slt, %jit3A_122, %sign3A_134 : i32
      %sign3A_136 = arith.extui %sign3A_135 : i1 to i32
      %sign3A_137 = arith.subi %sign3A_133, %sign3A_136 : i32
      %ne3A_138 = arith.cmpi ne, %sign3A_130, %sign3A_137 : i32
      %rem3A_139 = arith.remsi %mul3A_121, %jit3A_122 : i32
      %ne3A_140 = arith.constant 0 : i32
      %ne3A_141 = arith.cmpi ne, %rem3A_139, %ne3A_140 : i32
      %and3A_142 = arith.andi %ne3A_138, %ne3A_141 : i1
      %sub3A_143 = arith.constant 1 : i32
      %sub3A_144 = arith.subi %div3A_123, %sub3A_143 : i32
      %select_n3A_145 = arith.select %and3A_142, %sub3A_144, %div3A_123 : i32
      %mul3A_146 = arith.constant 16 : i32
      %mul3A_147 = arith.muli %select_n3A_145, %mul3A_146 : i32
      %sub3A_148 = arith.subi %mul3A_121, %mul3A_147 : i32
      %eq3A_149 = arith.constant 14 : i32
      %eq3A_150 = arith.cmpi eq, %sub3A_148, %eq3A_149 : i32
      %add3A_151 = arith.constant 1 : i32
      %add3A_152 = arith.addi %select_n3A_145, %add3A_151 : i32
      %lt3A = arith.cmpi slt, %add3A_152, %select_n3A_19 : i32
      %and3A_153 = arith.andi %eq3A_150, %lt3A : i1
      %convert_element_type3A_154 = arith.extui %and3A_153 : i1 to i32
      %cond3A_155 = arith.constant 0 : i32
      %cond3A_156 = arith.cmpi ne, %convert_element_type3A_154, %cond3A_155 : i32
      scf.if %cond3A_156 {
        %dma_wait3A_222 = arith.constant 0 : i32
        %dma_wait3A_223 = arith.constant 0 : i32
        %dma_wait3A_224 = arith.constant 0 : i32
        %dma_wait3A_225 = tpu.memref_slice %arg7[%dma_wait3A_222, %dma_wait3A_223, %dma_wait3A_224] : memref<2x16x64xi32, #tpu.memory_space<vmem>> -> memref<1x16x64xi32, #tpu.memory_space<vmem>>
        %dma_wait3A_226 = tpu.memref_squeeze %dma_wait3A_225 : memref<1x16x64xi32, #tpu.memory_space<vmem>> -> memref<16x64xi32, #tpu.memory_space<vmem>>
        %dma_wait3A_227 = arith.constant 0 : i32
        %dma_wait3A_228 = tpu.memref_slice %arg3[%select_n3A_26, %dma_wait3A_227] : memref<5120x64xi32, #tpu.memory_space<hbm>> -> memref<16x64xi32, #tpu.memory_space<hbm>>
        %dma_wait3A_229 = arith.constant 0 : i32
        %dma_wait3A_230 = arith.constant 0 : i32
        %dma_wait3A_231 = tpu.memref_slice %arg7[%dma_wait3A_222, %dma_wait3A_229, %dma_wait3A_230] : memref<2x16x64xi32, #tpu.memory_space<vmem>> -> memref<1x16x64xi32, #tpu.memory_space<vmem>>
        %dma_wait3A_232 = tpu.memref_squeeze %dma_wait3A_231 : memref<1x16x64xi32, #tpu.memory_space<vmem>> -> memref<16x64xi32, #tpu.memory_space<vmem>>
        %dma_wait3A_233 = arith.constant 0 : i32
        %dma_wait3A_234 = tpu.memref_slice %arg3[%select_n3A_26, %dma_wait3A_233] : memref<5120x64xi32, #tpu.memory_space<hbm>> -> memref<16x64xi32, #tpu.memory_space<hbm>>
        tpu.wait_dma2 semaphore(%arg15 : memref<!tpu.dma_semaphore, #tpu.memory_space<semaphore_mem>>) src(%dma_wait3A_234 : memref<16x64xi32, #tpu.memory_space<hbm>>) dst(%dma_wait3A_232 : memref<16x64xi32, #tpu.memory_space<vmem>>)
        %dma_wait3A_235 = arith.constant 0 : i32
        %dma_wait3A_236 = arith.constant 0 : i32
        %dma_wait3A_237 = arith.constant 0 : i32
        %dma_wait3A_238 = tpu.memref_slice %arg8[%dma_wait3A_235, %dma_wait3A_236, %dma_wait3A_237] : memref<2x16x64xi32, #tpu.memory_space<vmem>> -> memref<1x16x64xi32, #tpu.memory_space<vmem>>
        %dma_wait3A_239 = tpu.memref_squeeze %dma_wait3A_238 : memref<1x16x64xi32, #tpu.memory_space<vmem>> -> memref<16x64xi32, #tpu.memory_space<vmem>>
        %dma_wait3A_240 = arith.constant 0 : i32
        %dma_wait3A_241 = tpu.memref_slice %arg4[%select_n3A_26, %dma_wait3A_240] : memref<5120x64xi32, #tpu.memory_space<hbm>> -> memref<16x64xi32, #tpu.memory_space<hbm>>
        %dma_wait3A_242 = arith.constant 0 : i32
        %dma_wait3A_243 = arith.constant 0 : i32
        %dma_wait3A_244 = tpu.memref_slice %arg8[%dma_wait3A_235, %dma_wait3A_242, %dma_wait3A_243] : memref<2x16x64xi32, #tpu.memory_space<vmem>> -> memref<1x16x64xi32, #tpu.memory_space<vmem>>
        %dma_wait3A_245 = tpu.memref_squeeze %dma_wait3A_244 : memref<1x16x64xi32, #tpu.memory_space<vmem>> -> memref<16x64xi32, #tpu.memory_space<vmem>>
        %dma_wait3A_246 = arith.constant 0 : i32
        %dma_wait3A_247 = tpu.memref_slice %arg4[%select_n3A_26, %dma_wait3A_246] : memref<5120x64xi32, #tpu.memory_space<hbm>> -> memref<16x64xi32, #tpu.memory_space<hbm>>
        tpu.wait_dma2 semaphore(%arg16 : memref<!tpu.dma_semaphore, #tpu.memory_space<semaphore_mem>>) src(%dma_wait3A_247 : memref<16x64xi32, #tpu.memory_space<hbm>>) dst(%dma_wait3A_245 : memref<16x64xi32, #tpu.memory_space<vmem>>)
      } else {
      }
      %rem3A_157 = arith.constant 2 : i32
      %rem3A_158 = arith.remsi %select_n3A_145, %rem3A_157 : i32
      %dma_wait3A = arith.constant 0 : i32
      %dma_wait3A_159 = tpu.memref_slice %arg7[%rem3A_158, %sub3A_148, %dma_wait3A] : memref<2x16x64xi32, #tpu.memory_space<vmem>> -> memref<1x1x64xi32, #tpu.memory_space<vmem>>
      %dma_wait3A_160 = tpu.memref_squeeze %dma_wait3A_159 : memref<1x1x64xi32, #tpu.memory_space<vmem>> -> memref<64xi32, #tpu.memory_space<vmem>>
      %dma_wait3A_161 = arith.constant 0 : i32
      %dma_wait3A_162 = arith.constant 0 : i32
      %dma_wait3A_163 = tpu.memref_slice %arg2[%dma_wait3A_161, %dma_wait3A_162] : memref<10240x128xf32, #tpu.memory_space<hbm>> -> memref<10240x128xf32, #tpu.memory_space<hbm>>
      tpu.wait_indirect_dma semaphore(%arg13 : memref<!tpu.dma_semaphore, #tpu.memory_space<semaphore_mem>>) src(%dma_wait3A_163 : memref<10240x128xf32, #tpu.memory_space<hbm>>) dst(%arg9 : memref<64x128xf32, #tpu.memory_space<vmem>>)
      "tpu.region"() ({
        %run_scoped3A_222 = tpu.sem_alloc : memref<!tpu.dma_semaphore, #tpu.memory_space<semaphore_mem>>
        %dma_start3A_223 = arith.constant 0 : i32
        %dma_start3A_224 = tpu.memref_slice %arg8[%rem3A_158, %sub3A_148, %dma_start3A_223] : memref<2x16x64xi32, #tpu.memory_space<vmem>> -> memref<1x1x64xi32, #tpu.memory_space<vmem>>
        %dma_start3A_225 = tpu.memref_squeeze %dma_start3A_224 : memref<1x1x64xi32, #tpu.memory_space<vmem>> -> memref<64xi32, #tpu.memory_space<vmem>>
        %dma_start3A_226 = arith.constant 0 : i32
        %dma_start3A_227 = arith.constant 0 : i32
        %dma_start3A_228 = tpu.memref_slice %arg12[%dma_start3A_226, %dma_start3A_227] : memref<10240x128xf32, #tpu.memory_space<vmem_shared>> -> memref<10240x128xf32, #tpu.memory_space<vmem_shared>>
        tpu.enqueue_indirect_dma source(%arg9 : memref<64x128xf32, #tpu.memory_space<vmem>>) target(%dma_start3A_228 : memref<10240x128xf32, #tpu.memory_space<vmem_shared>>) offsets(%dma_start3A_225 : memref<64xi32, #tpu.memory_space<vmem>>) semaphore(%run_scoped3A_222 : memref<!tpu.dma_semaphore, #tpu.memory_space<semaphore_mem>>) {add = true}
        %dma_wait3A_229 = arith.constant 0 : i32
        %dma_wait3A_230 = tpu.memref_slice %arg8[%rem3A_158, %sub3A_148, %dma_wait3A_229] : memref<2x16x64xi32, #tpu.memory_space<vmem>> -> memref<1x1x64xi32, #tpu.memory_space<vmem>>
        %dma_wait3A_231 = tpu.memref_squeeze %dma_wait3A_230 : memref<1x1x64xi32, #tpu.memory_space<vmem>> -> memref<64xi32, #tpu.memory_space<vmem>>
        %dma_wait3A_232 = arith.constant 0 : i32
        %dma_wait3A_233 = arith.constant 0 : i32
        %dma_wait3A_234 = tpu.memref_slice %arg12[%dma_wait3A_232, %dma_wait3A_233] : memref<10240x128xf32, #tpu.memory_space<vmem_shared>> -> memref<10240x128xf32, #tpu.memory_space<vmem_shared>>
        tpu.wait_indirect_dma semaphore(%run_scoped3A_222 : memref<!tpu.dma_semaphore, #tpu.memory_space<semaphore_mem>>) src(%arg9 : memref<64x128xf32, #tpu.memory_space<vmem>>) dst(%dma_wait3A_234 : memref<10240x128xf32, #tpu.memory_space<vmem_shared>>)
        tpu.yield
      }) : () -> ()
      %add3A_164 = arith.constant 2 : i32
      %add3A_165 = arith.addi %mul3A_121, %add3A_164 : i32
      %lt3A_166 = arith.cmpi slt, %add3A_165, %select_n3A : i32
      %convert_element_type3A_167 = arith.extui %lt3A_166 : i1 to i32
      %cond3A_168 = arith.constant 0 : i32
      %cond3A_169 = arith.cmpi ne, %convert_element_type3A_167, %cond3A_168 : i32
      scf.if %cond3A_169 {
        %add3A_222 = arith.constant 2 : i32
        %add3A_223 = arith.addi %mul3A_121, %add3A_222 : i32
        %jit3A_224 = arith.constant 16 : i32
        %div3A_225 = arith.divsi %add3A_223, %jit3A_224 : i32
        %sign3A_226 = arith.constant 0 : i32
        %sign3A_227 = arith.cmpi sgt, %add3A_223, %sign3A_226 : i32
        %sign3A_228 = arith.extui %sign3A_227 : i1 to i32
        %sign3A_229 = arith.constant 0 : i32
        %sign3A_230 = arith.cmpi slt, %add3A_223, %sign3A_229 : i32
        %sign3A_231 = arith.extui %sign3A_230 : i1 to i32
        %sign3A_232 = arith.subi %sign3A_228, %sign3A_231 : i32
        %sign3A_233 = arith.constant 0 : i32
        %sign3A_234 = arith.cmpi sgt, %jit3A_224, %sign3A_233 : i32
        %sign3A_235 = arith.extui %sign3A_234 : i1 to i32
        %sign3A_236 = arith.constant 0 : i32
        %sign3A_237 = arith.cmpi slt, %jit3A_224, %sign3A_236 : i32
        %sign3A_238 = arith.extui %sign3A_237 : i1 to i32
        %sign3A_239 = arith.subi %sign3A_235, %sign3A_238 : i32
        %ne3A_240 = arith.cmpi ne, %sign3A_232, %sign3A_239 : i32
        %rem3A_241 = arith.remsi %add3A_223, %jit3A_224 : i32
        %ne3A_242 = arith.constant 0 : i32
        %ne3A_243 = arith.cmpi ne, %rem3A_241, %ne3A_242 : i32
        %and3A_244 = arith.andi %ne3A_240, %ne3A_243 : i1
        %sub3A_245 = arith.constant 1 : i32
        %sub3A_246 = arith.subi %div3A_225, %sub3A_245 : i32
        %select_n3A_247 = arith.select %and3A_244, %sub3A_246, %div3A_225 : i32
        %rem3A_248 = arith.constant 2 : i32
        %rem3A_249 = arith.remsi %select_n3A_247, %rem3A_248 : i32
        %mul3A_250 = arith.constant 16 : i32
        %mul3A_251 = arith.muli %select_n3A_247, %mul3A_250 : i32
        %sub3A_252 = arith.subi %add3A_223, %mul3A_251 : i32
        %dma_start3A_253 = arith.constant 0 : i32
        %dma_start3A_254 = tpu.memref_slice %arg7[%rem3A_249, %sub3A_252, %dma_start3A_253] : memref<2x16x64xi32, #tpu.memory_space<vmem>> -> memref<1x1x64xi32, #tpu.memory_space<vmem>>
        %dma_start3A_255 = tpu.memref_squeeze %dma_start3A_254 : memref<1x1x64xi32, #tpu.memory_space<vmem>> -> memref<64xi32, #tpu.memory_space<vmem>>
        %dma_start3A_256 = arith.constant 0 : i32
        %dma_start3A_257 = arith.constant 0 : i32
        %dma_start3A_258 = tpu.memref_slice %arg2[%dma_start3A_256, %dma_start3A_257] : memref<10240x128xf32, #tpu.memory_space<hbm>> -> memref<10240x128xf32, #tpu.memory_space<hbm>>
        tpu.enqueue_indirect_dma source(%dma_start3A_258 : memref<10240x128xf32, #tpu.memory_space<hbm>>) target(%arg9 : memref<64x128xf32, #tpu.memory_space<vmem>>) offsets(%dma_start3A_255 : memref<64xi32, #tpu.memory_space<vmem>>) semaphore(%arg13 : memref<!tpu.dma_semaphore, #tpu.memory_space<semaphore_mem>>)
      } else {
      }
      %add3A_170 = arith.constant 1 : i32
      %add3A_171 = arith.addi %mul3A_121, %add3A_170 : i32
      %jit3A_172 = arith.constant 16 : i32
      %div3A_173 = arith.divsi %add3A_171, %jit3A_172 : i32
      %sign3A_174 = arith.constant 0 : i32
      %sign3A_175 = arith.cmpi sgt, %add3A_171, %sign3A_174 : i32
      %sign3A_176 = arith.extui %sign3A_175 : i1 to i32
      %sign3A_177 = arith.constant 0 : i32
      %sign3A_178 = arith.cmpi slt, %add3A_171, %sign3A_177 : i32
      %sign3A_179 = arith.extui %sign3A_178 : i1 to i32
      %sign3A_180 = arith.subi %sign3A_176, %sign3A_179 : i32
      %sign3A_181 = arith.constant 0 : i32
      %sign3A_182 = arith.cmpi sgt, %jit3A_172, %sign3A_181 : i32
      %sign3A_183 = arith.extui %sign3A_182 : i1 to i32
      %sign3A_184 = arith.constant 0 : i32
      %sign3A_185 = arith.cmpi slt, %jit3A_172, %sign3A_184 : i32
      %sign3A_186 = arith.extui %sign3A_185 : i1 to i32
      %sign3A_187 = arith.subi %sign3A_183, %sign3A_186 : i32
      %ne3A_188 = arith.cmpi ne, %sign3A_180, %sign3A_187 : i32
      %rem3A_189 = arith.remsi %add3A_171, %jit3A_172 : i32
      %ne3A_190 = arith.constant 0 : i32
      %ne3A_191 = arith.cmpi ne, %rem3A_189, %ne3A_190 : i32
      %and3A_192 = arith.andi %ne3A_188, %ne3A_191 : i1
      %sub3A_193 = arith.constant 1 : i32
      %sub3A_194 = arith.subi %div3A_173, %sub3A_193 : i32
      %select_n3A_195 = arith.select %and3A_192, %sub3A_194, %div3A_173 : i32
      %rem3A_196 = arith.constant 2 : i32
      %rem3A_197 = arith.remsi %select_n3A_195, %rem3A_196 : i32
      %mul3A_198 = arith.constant 16 : i32
      %mul3A_199 = arith.muli %select_n3A_195, %mul3A_198 : i32
      %sub3A_200 = arith.subi %add3A_171, %mul3A_199 : i32
      %dma_wait3A_201 = arith.constant 0 : i32
      %dma_wait3A_202 = tpu.memref_slice %arg7[%rem3A_197, %sub3A_200, %dma_wait3A_201] : memref<2x16x64xi32, #tpu.memory_space<vmem>> -> memref<1x1x64xi32, #tpu.memory_space<vmem>>
      %dma_wait3A_203 = tpu.memref_squeeze %dma_wait3A_202 : memref<1x1x64xi32, #tpu.memory_space<vmem>> -> memref<64xi32, #tpu.memory_space<vmem>>
      %dma_wait3A_204 = arith.constant 0 : i32
      %dma_wait3A_205 = arith.constant 0 : i32
      %dma_wait3A_206 = tpu.memref_slice %arg2[%dma_wait3A_204, %dma_wait3A_205] : memref<10240x128xf32, #tpu.memory_space<hbm>> -> memref<10240x128xf32, #tpu.memory_space<hbm>>
      tpu.wait_indirect_dma semaphore(%arg14 : memref<!tpu.dma_semaphore, #tpu.memory_space<semaphore_mem>>) src(%dma_wait3A_206 : memref<10240x128xf32, #tpu.memory_space<hbm>>) dst(%arg10 : memref<64x128xf32, #tpu.memory_space<vmem>>)
      "tpu.region"() ({
        %run_scoped3A_222 = tpu.sem_alloc : memref<!tpu.dma_semaphore, #tpu.memory_space<semaphore_mem>>
        %dma_start3A_223 = arith.constant 0 : i32
        %dma_start3A_224 = tpu.memref_slice %arg8[%rem3A_197, %sub3A_200, %dma_start3A_223] : memref<2x16x64xi32, #tpu.memory_space<vmem>> -> memref<1x1x64xi32, #tpu.memory_space<vmem>>
        %dma_start3A_225 = tpu.memref_squeeze %dma_start3A_224 : memref<1x1x64xi32, #tpu.memory_space<vmem>> -> memref<64xi32, #tpu.memory_space<vmem>>
        %dma_start3A_226 = arith.constant 0 : i32
        %dma_start3A_227 = arith.constant 0 : i32
        %dma_start3A_228 = tpu.memref_slice %arg12[%dma_start3A_226, %dma_start3A_227] : memref<10240x128xf32, #tpu.memory_space<vmem_shared>> -> memref<10240x128xf32, #tpu.memory_space<vmem_shared>>
        tpu.enqueue_indirect_dma source(%arg10 : memref<64x128xf32, #tpu.memory_space<vmem>>) target(%dma_start3A_228 : memref<10240x128xf32, #tpu.memory_space<vmem_shared>>) offsets(%dma_start3A_225 : memref<64xi32, #tpu.memory_space<vmem>>) semaphore(%run_scoped3A_222 : memref<!tpu.dma_semaphore, #tpu.memory_space<semaphore_mem>>) {add = true}
        %dma_wait3A_229 = arith.constant 0 : i32
        %dma_wait3A_230 = tpu.memref_slice %arg8[%rem3A_197, %sub3A_200, %dma_wait3A_229] : memref<2x16x64xi32, #tpu.memory_space<vmem>> -> memref<1x1x64xi32, #tpu.memory_space<vmem>>
        %dma_wait3A_231 = tpu.memref_squeeze %dma_wait3A_230 : memref<1x1x64xi32, #tpu.memory_space<vmem>> -> memref<64xi32, #tpu.memory_space<vmem>>
        %dma_wait3A_232 = arith.constant 0 : i32
        %dma_wait3A_233 = arith.constant 0 : i32
        %dma_wait3A_234 = tpu.memref_slice %arg12[%dma_wait3A_232, %dma_wait3A_233] : memref<10240x128xf32, #tpu.memory_space<vmem_shared>> -> memref<10240x128xf32, #tpu.memory_space<vmem_shared>>
        tpu.wait_indirect_dma semaphore(%run_scoped3A_222 : memref<!tpu.dma_semaphore, #tpu.memory_space<semaphore_mem>>) src(%arg10 : memref<64x128xf32, #tpu.memory_space<vmem>>) dst(%dma_wait3A_234 : memref<10240x128xf32, #tpu.memory_space<vmem_shared>>)
        tpu.yield
      }) : () -> ()
      %add3A_207 = arith.constant 3 : i32
      %add3A_208 = arith.addi %mul3A_121, %add3A_207 : i32
      %lt3A_209 = arith.cmpi slt, %add3A_208, %select_n3A : i32
      %convert_element_type3A_210 = arith.extui %lt3A_209 : i1 to i32
      %cond3A_211 = arith.constant 0 : i32
      %cond3A_212 = arith.cmpi ne, %convert_element_type3A_210, %cond3A_211 : i32
      scf.if %cond3A_212 {
        %add3A_222 = arith.constant 3 : i32
        %add3A_223 = arith.addi %mul3A_121, %add3A_222 : i32
        %jit3A_224 = arith.constant 16 : i32
        %div3A_225 = arith.divsi %add3A_223, %jit3A_224 : i32
        %sign3A_226 = arith.constant 0 : i32
        %sign3A_227 = arith.cmpi sgt, %add3A_223, %sign3A_226 : i32
        %sign3A_228 = arith.extui %sign3A_227 : i1 to i32
        %sign3A_229 = arith.constant 0 : i32
        %sign3A_230 = arith.cmpi slt, %add3A_223, %sign3A_229 : i32
        %sign3A_231 = arith.extui %sign3A_230 : i1 to i32
        %sign3A_232 = arith.subi %sign3A_228, %sign3A_231 : i32
        %sign3A_233 = arith.constant 0 : i32
        %sign3A_234 = arith.cmpi sgt, %jit3A_224, %sign3A_233 : i32
        %sign3A_235 = arith.extui %sign3A_234 : i1 to i32
        %sign3A_236 = arith.constant 0 : i32
        %sign3A_237 = arith.cmpi slt, %jit3A_224, %sign3A_236 : i32
        %sign3A_238 = arith.extui %sign3A_237 : i1 to i32
        %sign3A_239 = arith.subi %sign3A_235, %sign3A_238 : i32
        %ne3A_240 = arith.cmpi ne, %sign3A_232, %sign3A_239 : i32
        %rem3A_241 = arith.remsi %add3A_223, %jit3A_224 : i32
        %ne3A_242 = arith.constant 0 : i32
        %ne3A_243 = arith.cmpi ne, %rem3A_241, %ne3A_242 : i32
        %and3A_244 = arith.andi %ne3A_240, %ne3A_243 : i1
        %sub3A_245 = arith.constant 1 : i32
        %sub3A_246 = arith.subi %div3A_225, %sub3A_245 : i32
        %select_n3A_247 = arith.select %and3A_244, %sub3A_246, %div3A_225 : i32
        %rem3A_248 = arith.constant 2 : i32
        %rem3A_249 = arith.remsi %select_n3A_247, %rem3A_248 : i32
        %mul3A_250 = arith.constant 16 : i32
        %mul3A_251 = arith.muli %select_n3A_247, %mul3A_250 : i32
        %sub3A_252 = arith.subi %add3A_223, %mul3A_251 : i32
        %dma_start3A_253 = arith.constant 0 : i32
        %dma_start3A_254 = tpu.memref_slice %arg7[%rem3A_249, %sub3A_252, %dma_start3A_253] : memref<2x16x64xi32, #tpu.memory_space<vmem>> -> memref<1x1x64xi32, #tpu.memory_space<vmem>>
        %dma_start3A_255 = tpu.memref_squeeze %dma_start3A_254 : memref<1x1x64xi32, #tpu.memory_space<vmem>> -> memref<64xi32, #tpu.memory_space<vmem>>
        %dma_start3A_256 = arith.constant 0 : i32
        %dma_start3A_257 = arith.constant 0 : i32
        %dma_start3A_258 = tpu.memref_slice %arg2[%dma_start3A_256, %dma_start3A_257] : memref<10240x128xf32, #tpu.memory_space<hbm>> -> memref<10240x128xf32, #tpu.memory_space<hbm>>
        tpu.enqueue_indirect_dma source(%dma_start3A_258 : memref<10240x128xf32, #tpu.memory_space<hbm>>) target(%arg10 : memref<64x128xf32, #tpu.memory_space<vmem>>) offsets(%dma_start3A_255 : memref<64xi32, #tpu.memory_space<vmem>>) semaphore(%arg14 : memref<!tpu.dma_semaphore, #tpu.memory_space<semaphore_mem>>)
      } else {
      }
      %eq3A_213 = arith.constant 14 : i32
      %eq3A_214 = arith.cmpi eq, %sub3A_148, %eq3A_213 : i32
      %add3A_215 = arith.constant 2 : i32
      %add3A_216 = arith.addi %select_n3A_145, %add3A_215 : i32
      %lt3A_217 = arith.cmpi slt, %add3A_216, %select_n3A_19 : i32
      %and3A_218 = arith.andi %eq3A_214, %lt3A_217 : i1
      %convert_element_type3A_219 = arith.extui %and3A_218 : i1 to i32
      %cond3A_220 = arith.constant 0 : i32
      %cond3A_221 = arith.cmpi ne, %convert_element_type3A_219, %cond3A_220 : i32
      scf.if %cond3A_221 {
        %rem3A_222 = arith.constant 2 : i32
        %rem3A_223 = arith.remsi %select_n3A_145, %rem3A_222 : i32
        %add3A_224 = arith.constant 2 : i32
        %add3A_225 = arith.addi %select_n3A_145, %add3A_224 : i32
        %mul3A_226 = arith.constant 16 : i32
        %mul3A_227 = arith.muli %add3A_225, %mul3A_226 : i32
        %add3A_228 = arith.addi %select_n3A_26, %mul3A_227 : i32
        %dma_start3A_229 = arith.constant 0 : i32
        %dma_start3A_230 = arith.constant 0 : i32
        %dma_start3A_231 = tpu.memref_slice %arg7[%rem3A_223, %dma_start3A_229, %dma_start3A_230] : memref<2x16x64xi32, #tpu.memory_space<vmem>> -> memref<1x16x64xi32, #tpu.memory_space<vmem>>
        %dma_start3A_232 = tpu.memref_squeeze %dma_start3A_231 : memref<1x16x64xi32, #tpu.memory_space<vmem>> -> memref<16x64xi32, #tpu.memory_space<vmem>>
        %dma_start3A_233 = arith.constant 0 : i32
        %dma_start3A_234 = tpu.memref_slice %arg3[%add3A_228, %dma_start3A_233] : memref<5120x64xi32, #tpu.memory_space<hbm>> -> memref<16x64xi32, #tpu.memory_space<hbm>>
        %dma_start3A_235 = arith.constant 0 : i32
        %dma_start3A_236 = arith.constant 0 : i32
        %dma_start3A_237 = tpu.memref_slice %arg7[%rem3A_223, %dma_start3A_235, %dma_start3A_236] : memref<2x16x64xi32, #tpu.memory_space<vmem>> -> memref<1x16x64xi32, #tpu.memory_space<vmem>>
        %dma_start3A_238 = tpu.memref_squeeze %dma_start3A_237 : memref<1x16x64xi32, #tpu.memory_space<vmem>> -> memref<16x64xi32, #tpu.memory_space<vmem>>
        %dma_start3A_239 = arith.constant 0 : i32
        %dma_start3A_240 = tpu.memref_slice %arg3[%add3A_228, %dma_start3A_239] : memref<5120x64xi32, #tpu.memory_space<hbm>> -> memref<16x64xi32, #tpu.memory_space<hbm>>
        tpu.enqueue_dma source(%dma_start3A_240 : memref<16x64xi32, #tpu.memory_space<hbm>>) target(%dma_start3A_238 : memref<16x64xi32, #tpu.memory_space<vmem>>) target_semaphore(%arg15 : memref<!tpu.dma_semaphore, #tpu.memory_space<semaphore_mem>>)
        %dma_start3A_241 = arith.constant 0 : i32
        %dma_start3A_242 = arith.constant 0 : i32
        %dma_start3A_243 = tpu.memref_slice %arg8[%rem3A_223, %dma_start3A_241, %dma_start3A_242] : memref<2x16x64xi32, #tpu.memory_space<vmem>> -> memref<1x16x64xi32, #tpu.memory_space<vmem>>
        %dma_start3A_244 = tpu.memref_squeeze %dma_start3A_243 : memref<1x16x64xi32, #tpu.memory_space<vmem>> -> memref<16x64xi32, #tpu.memory_space<vmem>>
        %dma_start3A_245 = arith.constant 0 : i32
        %dma_start3A_246 = tpu.memref_slice %arg4[%add3A_228, %dma_start3A_245] : memref<5120x64xi32, #tpu.memory_space<hbm>> -> memref<16x64xi32, #tpu.memory_space<hbm>>
        %dma_start3A_247 = arith.constant 0 : i32
        %dma_start3A_248 = arith.constant 0 : i32
        %dma_start3A_249 = tpu.memref_slice %arg8[%rem3A_223, %dma_start3A_247, %dma_start3A_248] : memref<2x16x64xi32, #tpu.memory_space<vmem>> -> memref<1x16x64xi32, #tpu.memory_space<vmem>>
        %dma_start3A_250 = tpu.memref_squeeze %dma_start3A_249 : memref<1x16x64xi32, #tpu.memory_space<vmem>> -> memref<16x64xi32, #tpu.memory_space<vmem>>
        %dma_start3A_251 = arith.constant 0 : i32
        %dma_start3A_252 = tpu.memref_slice %arg4[%add3A_228, %dma_start3A_251] : memref<5120x64xi32, #tpu.memory_space<hbm>> -> memref<16x64xi32, #tpu.memory_space<hbm>>
        tpu.enqueue_dma source(%dma_start3A_252 : memref<16x64xi32, #tpu.memory_space<hbm>>) target(%dma_start3A_250 : memref<16x64xi32, #tpu.memory_space<vmem>>) target_semaphore(%arg16 : memref<!tpu.dma_semaphore, #tpu.memory_space<semaphore_mem>>)
      } else {
      }
    }
    %while3A_113 = arith.constant 1 : i32
    scf.for %while3A_119 = %while3A_111 to %while3A_107 step %while3A_113  : i32 {
      %mul3A_120 = arith.constant 2 : i32
      %mul3A_121 = arith.muli %mul3A_120, %while3A_119 : i32
      %jit3A_122 = arith.constant 16 : i32
      %div3A_123 = arith.divsi %mul3A_121, %jit3A_122 : i32
      %sign3A_124 = arith.constant 0 : i32
      %sign3A_125 = arith.cmpi sgt, %mul3A_121, %sign3A_124 : i32
      %sign3A_126 = arith.extui %sign3A_125 : i1 to i32
      %sign3A_127 = arith.constant 0 : i32
      %sign3A_128 = arith.cmpi slt, %mul3A_121, %sign3A_127 : i32
      %sign3A_129 = arith.extui %sign3A_128 : i1 to i32
      %sign3A_130 = arith.subi %sign3A_126, %sign3A_129 : i32
      %sign3A_131 = arith.constant 0 : i32
      %sign3A_132 = arith.cmpi sgt, %jit3A_122, %sign3A_131 : i32
      %sign3A_133 = arith.extui %sign3A_132 : i1 to i32
      %sign3A_134 = arith.constant 0 : i32
      %sign3A_135 = arith.cmpi slt, %jit3A_122, %sign3A_134 : i32
      %sign3A_136 = arith.extui %sign3A_135 : i1 to i32
      %sign3A_137 = arith.subi %sign3A_133, %sign3A_136 : i32
      %ne3A_138 = arith.cmpi ne, %sign3A_130, %sign3A_137 : i32
      %rem3A_139 = arith.remsi %mul3A_121, %jit3A_122 : i32
      %ne3A_140 = arith.constant 0 : i32
      %ne3A_141 = arith.cmpi ne, %rem3A_139, %ne3A_140 : i32
      %and3A_142 = arith.andi %ne3A_138, %ne3A_141 : i1
      %sub3A_143 = arith.constant 1 : i32
      %sub3A_144 = arith.subi %div3A_123, %sub3A_143 : i32
      %select_n3A_145 = arith.select %and3A_142, %sub3A_144, %div3A_123 : i32
      %mul3A_146 = arith.constant 16 : i32
      %mul3A_147 = arith.muli %select_n3A_145, %mul3A_146 : i32
      %sub3A_148 = arith.subi %mul3A_121, %mul3A_147 : i32
      %eq3A_149 = arith.constant 14 : i32
      %eq3A_150 = arith.cmpi eq, %sub3A_148, %eq3A_149 : i32
      %add3A_151 = arith.constant 1 : i32
      %add3A_152 = arith.addi %select_n3A_145, %add3A_151 : i32
      %lt3A = arith.cmpi slt, %add3A_152, %select_n3A_19 : i32
      %and3A_153 = arith.andi %eq3A_150, %lt3A : i1
      %convert_element_type3A_154 = arith.extui %and3A_153 : i1 to i32
      %cond3A_155 = arith.constant 0 : i32
      %cond3A_156 = arith.cmpi ne, %convert_element_type3A_154, %cond3A_155 : i32
      scf.if %cond3A_156 {
        %dma_wait3A_222 = arith.constant 0 : i32
        %dma_wait3A_223 = arith.constant 0 : i32
        %dma_wait3A_224 = arith.constant 0 : i32
        %dma_wait3A_225 = tpu.memref_slice %arg7[%dma_wait3A_222, %dma_wait3A_223, %dma_wait3A_224] : memref<2x16x64xi32, #tpu.memory_space<vmem>> -> memref<1x16x64xi32, #tpu.memory_space<vmem>>
        %dma_wait3A_226 = tpu.memref_squeeze %dma_wait3A_225 : memref<1x16x64xi32, #tpu.memory_space<vmem>> -> memref<16x64xi32, #tpu.memory_space<vmem>>
        %dma_wait3A_227 = arith.constant 0 : i32
        %dma_wait3A_228 = tpu.memref_slice %arg3[%select_n3A_26, %dma_wait3A_227] : memref<5120x64xi32, #tpu.memory_space<hbm>> -> memref<16x64xi32, #tpu.memory_space<hbm>>
        %dma_wait3A_229 = arith.constant 0 : i32
        %dma_wait3A_230 = arith.constant 0 : i32
        %dma_wait3A_231 = tpu.memref_slice %arg7[%dma_wait3A_222, %dma_wait3A_229, %dma_wait3A_230] : memref<2x16x64xi32, #tpu.memory_space<vmem>> -> memref<1x16x64xi32, #tpu.memory_space<vmem>>
        %dma_wait3A_232 = tpu.memref_squeeze %dma_wait3A_231 : memref<1x16x64xi32, #tpu.memory_space<vmem>> -> memref<16x64xi32, #tpu.memory_space<vmem>>
        %dma_wait3A_233 = arith.constant 0 : i32
        %dma_wait3A_234 = tpu.memref_slice %arg3[%select_n3A_26, %dma_wait3A_233] : memref<5120x64xi32, #tpu.memory_space<hbm>> -> memref<16x64xi32, #tpu.memory_space<hbm>>
        tpu.wait_dma2 semaphore(%arg15 : memref<!tpu.dma_semaphore, #tpu.memory_space<semaphore_mem>>) src(%dma_wait3A_234 : memref<16x64xi32, #tpu.memory_space<hbm>>) dst(%dma_wait3A_232 : memref<16x64xi32, #tpu.memory_space<vmem>>)
        %dma_wait3A_235 = arith.constant 0 : i32
        %dma_wait3A_236 = arith.constant 0 : i32
        %dma_wait3A_237 = arith.constant 0 : i32
        %dma_wait3A_238 = tpu.memref_slice %arg8[%dma_wait3A_235, %dma_wait3A_236, %dma_wait3A_237] : memref<2x16x64xi32, #tpu.memory_space<vmem>> -> memref<1x16x64xi32, #tpu.memory_space<vmem>>
        %dma_wait3A_239 = tpu.memref_squeeze %dma_wait3A_238 : memref<1x16x64xi32, #tpu.memory_space<vmem>> -> memref<16x64xi32, #tpu.memory_space<vmem>>
        %dma_wait3A_240 = arith.constant 0 : i32
        %dma_wait3A_241 = tpu.memref_slice %arg4[%select_n3A_26, %dma_wait3A_240] : memref<5120x64xi32, #tpu.memory_space<hbm>> -> memref<16x64xi32, #tpu.memory_space<hbm>>
        %dma_wait3A_242 = arith.constant 0 : i32
        %dma_wait3A_243 = arith.constant 0 : i32
        %dma_wait3A_244 = tpu.memref_slice %arg8[%dma_wait3A_235, %dma_wait3A_242, %dma_wait3A_243] : memref<2x16x64xi32, #tpu.memory_space<vmem>> -> memref<1x16x64xi32, #tpu.memory_space<vmem>>
        %dma_wait3A_245 = tpu.memref_squeeze %dma_wait3A_244 : memref<1x16x64xi32, #tpu.memory_space<vmem>> -> memref<16x64xi32, #tpu.memory_space<vmem>>
        %dma_wait3A_246 = arith.constant 0 : i32
        %dma_wait3A_247 = tpu.memref_slice %arg4[%select_n3A_26, %dma_wait3A_246] : memref<5120x64xi32, #tpu.memory_space<hbm>> -> memref<16x64xi32, #tpu.memory_space<hbm>>
        tpu.wait_dma2 semaphore(%arg16 : memref<!tpu.dma_semaphore, #tpu.memory_space<semaphore_mem>>) src(%dma_wait3A_247 : memref<16x64xi32, #tpu.memory_space<hbm>>) dst(%dma_wait3A_245 : memref<16x64xi32, #tpu.memory_space<vmem>>)
      } else {
      }
      %rem3A_157 = arith.constant 2 : i32
      %rem3A_158 = arith.remsi %select_n3A_145, %rem3A_157 : i32
      %dma_wait3A = arith.constant 0 : i32
      %dma_wait3A_159 = tpu.memref_slice %arg7[%rem3A_158, %sub3A_148, %dma_wait3A] : memref<2x16x64xi32, #tpu.memory_space<vmem>> -> memref<1x1x64xi32, #tpu.memory_space<vmem>>
      %dma_wait3A_160 = tpu.memref_squeeze %dma_wait3A_159 : memref<1x1x64xi32, #tpu.memory_space<vmem>> -> memref<64xi32, #tpu.memory_space<vmem>>
      %dma_wait3A_161 = arith.constant 0 : i32
      %dma_wait3A_162 = arith.constant 0 : i32
      %dma_wait3A_163 = tpu.memref_slice %arg2[%dma_wait3A_161, %dma_wait3A_162] : memref<10240x128xf32, #tpu.memory_space<hbm>> -> memref<10240x128xf32, #tpu.memory_space<hbm>>
      tpu.wait_indirect_dma semaphore(%arg13 : memref<!tpu.dma_semaphore, #tpu.memory_space<semaphore_mem>>) src(%dma_wait3A_163 : memref<10240x128xf32, #tpu.memory_space<hbm>>) dst(%arg9 : memref<64x128xf32, #tpu.memory_space<vmem>>)
      "tpu.region"() ({
        %run_scoped3A_222 = tpu.sem_alloc : memref<!tpu.dma_semaphore, #tpu.memory_space<semaphore_mem>>
        %dma_start3A_223 = arith.constant 0 : i32
        %dma_start3A_224 = tpu.memref_slice %arg8[%rem3A_158, %sub3A_148, %dma_start3A_223] : memref<2x16x64xi32, #tpu.memory_space<vmem>> -> memref<1x1x64xi32, #tpu.memory_space<vmem>>
        %dma_start3A_225 = tpu.memref_squeeze %dma_start3A_224 : memref<1x1x64xi32, #tpu.memory_space<vmem>> -> memref<64xi32, #tpu.memory_space<vmem>>
        %dma_start3A_226 = arith.constant 0 : i32
        %dma_start3A_227 = arith.constant 0 : i32
        %dma_start3A_228 = tpu.memref_slice %arg12[%dma_start3A_226, %dma_start3A_227] : memref<10240x128xf32, #tpu.memory_space<vmem_shared>> -> memref<10240x128xf32, #tpu.memory_space<vmem_shared>>
        tpu.enqueue_indirect_dma source(%arg9 : memref<64x128xf32, #tpu.memory_space<vmem>>) target(%dma_start3A_228 : memref<10240x128xf32, #tpu.memory_space<vmem_shared>>) offsets(%dma_start3A_225 : memref<64xi32, #tpu.memory_space<vmem>>) semaphore(%run_scoped3A_222 : memref<!tpu.dma_semaphore, #tpu.memory_space<semaphore_mem>>) {add = true}
        %dma_wait3A_229 = arith.constant 0 : i32
        %dma_wait3A_230 = tpu.memref_slice %arg8[%rem3A_158, %sub3A_148, %dma_wait3A_229] : memref<2x16x64xi32, #tpu.memory_space<vmem>> -> memref<1x1x64xi32, #tpu.memory_space<vmem>>
        %dma_wait3A_231 = tpu.memref_squeeze %dma_wait3A_230 : memref<1x1x64xi32, #tpu.memory_space<vmem>> -> memref<64xi32, #tpu.memory_space<vmem>>
        %dma_wait3A_232 = arith.constant 0 : i32
        %dma_wait3A_233 = arith.constant 0 : i32
        %dma_wait3A_234 = tpu.memref_slice %arg12[%dma_wait3A_232, %dma_wait3A_233] : memref<10240x128xf32, #tpu.memory_space<vmem_shared>> -> memref<10240x128xf32, #tpu.memory_space<vmem_shared>>
        tpu.wait_indirect_dma semaphore(%run_scoped3A_222 : memref<!tpu.dma_semaphore, #tpu.memory_space<semaphore_mem>>) src(%arg9 : memref<64x128xf32, #tpu.memory_space<vmem>>) dst(%dma_wait3A_234 : memref<10240x128xf32, #tpu.memory_space<vmem_shared>>)
        tpu.yield
      }) : () -> ()
      %add3A_164 = arith.constant 2 : i32
      %add3A_165 = arith.addi %mul3A_121, %add3A_164 : i32
      %lt3A_166 = arith.cmpi slt, %add3A_165, %select_n3A : i32
      %convert_element_type3A_167 = arith.extui %lt3A_166 : i1 to i32
      %cond3A_168 = arith.constant 0 : i32
      %cond3A_169 = arith.cmpi ne, %convert_element_type3A_167, %cond3A_168 : i32
      scf.if %cond3A_169 {
        %add3A_222 = arith.constant 2 : i32
        %add3A_223 = arith.addi %mul3A_121, %add3A_222 : i32
        %jit3A_224 = arith.constant 16 : i32
        %div3A_225 = arith.divsi %add3A_223, %jit3A_224 : i32
        %sign3A_226 = arith.constant 0 : i32
        %sign3A_227 = arith.cmpi sgt, %add3A_223, %sign3A_226 : i32
        %sign3A_228 = arith.extui %sign3A_227 : i1 to i32
        %sign3A_229 = arith.constant 0 : i32
        %sign3A_230 = arith.cmpi slt, %add3A_223, %sign3A_229 : i32
        %sign3A_231 = arith.extui %sign3A_230 : i1 to i32
        %sign3A_232 = arith.subi %sign3A_228, %sign3A_231 : i32
        %sign3A_233 = arith.constant 0 : i32
        %sign3A_234 = arith.cmpi sgt, %jit3A_224, %sign3A_233 : i32
        %sign3A_235 = arith.extui %sign3A_234 : i1 to i32
        %sign3A_236 = arith.constant 0 : i32
        %sign3A_237 = arith.cmpi slt, %jit3A_224, %sign3A_236 : i32
        %sign3A_238 = arith.extui %sign3A_237 : i1 to i32
        %sign3A_239 = arith.subi %sign3A_235, %sign3A_238 : i32
        %ne3A_240 = arith.cmpi ne, %sign3A_232, %sign3A_239 : i32
        %rem3A_241 = arith.remsi %add3A_223, %jit3A_224 : i32
        %ne3A_242 = arith.constant 0 : i32
        %ne3A_243 = arith.cmpi ne, %rem3A_241, %ne3A_242 : i32
        %and3A_244 = arith.andi %ne3A_240, %ne3A_243 : i1
        %sub3A_245 = arith.constant 1 : i32
        %sub3A_246 = arith.subi %div3A_225, %sub3A_245 : i32
        %select_n3A_247 = arith.select %and3A_244, %sub3A_246, %div3A_225 : i32
        %rem3A_248 = arith.constant 2 : i32
        %rem3A_249 = arith.remsi %select_n3A_247, %rem3A_248 : i32
        %mul3A_250 = arith.constant 16 : i32
        %mul3A_251 = arith.muli %select_n3A_247, %mul3A_250 : i32
        %sub3A_252 = arith.subi %add3A_223, %mul3A_251 : i32
        %dma_start3A_253 = arith.constant 0 : i32
        %dma_start3A_254 = tpu.memref_slice %arg7[%rem3A_249, %sub3A_252, %dma_start3A_253] : memref<2x16x64xi32, #tpu.memory_space<vmem>> -> memref<1x1x64xi32, #tpu.memory_space<vmem>>
        %dma_start3A_255 = tpu.memref_squeeze %dma_start3A_254 : memref<1x1x64xi32, #tpu.memory_space<vmem>> -> memref<64xi32, #tpu.memory_space<vmem>>
        %dma_start3A_256 = arith.constant 0 : i32
        %dma_start3A_257 = arith.constant 0 : i32
        %dma_start3A_258 = tpu.memref_slice %arg2[%dma_start3A_256, %dma_start3A_257] : memref<10240x128xf32, #tpu.memory_space<hbm>> -> memref<10240x128xf32, #tpu.memory_space<hbm>>
        tpu.enqueue_indirect_dma source(%dma_start3A_258 : memref<10240x128xf32, #tpu.memory_space<hbm>>) target(%arg9 : memref<64x128xf32, #tpu.memory_space<vmem>>) offsets(%dma_start3A_255 : memref<64xi32, #tpu.memory_space<vmem>>) semaphore(%arg13 : memref<!tpu.dma_semaphore, #tpu.memory_space<semaphore_mem>>)
      } else {
      }
      %add3A_170 = arith.constant 1 : i32
      %add3A_171 = arith.addi %mul3A_121, %add3A_170 : i32
      %jit3A_172 = arith.constant 16 : i32
      %div3A_173 = arith.divsi %add3A_171, %jit3A_172 : i32
      %sign3A_174 = arith.constant 0 : i32
      %sign3A_175 = arith.cmpi sgt, %add3A_171, %sign3A_174 : i32
      %sign3A_176 = arith.extui %sign3A_175 : i1 to i32
      %sign3A_177 = arith.constant 0 : i32
      %sign3A_178 = arith.cmpi slt, %add3A_171, %sign3A_177 : i32
      %sign3A_179 = arith.extui %sign3A_178 : i1 to i32
      %sign3A_180 = arith.subi %sign3A_176, %sign3A_179 : i32
      %sign3A_181 = arith.constant 0 : i32
      %sign3A_182 = arith.cmpi sgt, %jit3A_172, %sign3A_181 : i32
      %sign3A_183 = arith.extui %sign3A_182 : i1 to i32
      %sign3A_184 = arith.constant 0 : i32
      %sign3A_185 = arith.cmpi slt, %jit3A_172, %sign3A_184 : i32
      %sign3A_186 = arith.extui %sign3A_185 : i1 to i32
      %sign3A_187 = arith.subi %sign3A_183, %sign3A_186 : i32
      %ne3A_188 = arith.cmpi ne, %sign3A_180, %sign3A_187 : i32
      %rem3A_189 = arith.remsi %add3A_171, %jit3A_172 : i32
      %ne3A_190 = arith.constant 0 : i32
      %ne3A_191 = arith.cmpi ne, %rem3A_189, %ne3A_190 : i32
      %and3A_192 = arith.andi %ne3A_188, %ne3A_191 : i1
      %sub3A_193 = arith.constant 1 : i32
      %sub3A_194 = arith.subi %div3A_173, %sub3A_193 : i32
      %select_n3A_195 = arith.select %and3A_192, %sub3A_194, %div3A_173 : i32
      %rem3A_196 = arith.constant 2 : i32
      %rem3A_197 = arith.remsi %select_n3A_195, %rem3A_196 : i32
      %mul3A_198 = arith.constant 16 : i32
      %mul3A_199 = arith.muli %select_n3A_195, %mul3A_198 : i32
      %sub3A_200 = arith.subi %add3A_171, %mul3A_199 : i32
      %dma_wait3A_201 = arith.constant 0 : i32
      %dma_wait3A_202 = tpu.memref_slice %arg7[%rem3A_197, %sub3A_200, %dma_wait3A_201] : memref<2x16x64xi32, #tpu.memory_space<vmem>> -> memref<1x1x64xi32, #tpu.memory_space<vmem>>
      %dma_wait3A_203 = tpu.memref_squeeze %dma_wait3A_202 : memref<1x1x64xi32, #tpu.memory_space<vmem>> -> memref<64xi32, #tpu.memory_space<vmem>>
      %dma_wait3A_204 = arith.constant 0 : i32
      %dma_wait3A_205 = arith.constant 0 : i32
      %dma_wait3A_206 = tpu.memref_slice %arg2[%dma_wait3A_204, %dma_wait3A_205] : memref<10240x128xf32, #tpu.memory_space<hbm>> -> memref<10240x128xf32, #tpu.memory_space<hbm>>
      tpu.wait_indirect_dma semaphore(%arg14 : memref<!tpu.dma_semaphore, #tpu.memory_space<semaphore_mem>>) src(%dma_wait3A_206 : memref<10240x128xf32, #tpu.memory_space<hbm>>) dst(%arg10 : memref<64x128xf32, #tpu.memory_space<vmem>>)
      "tpu.region"() ({
        %run_scoped3A_222 = tpu.sem_alloc : memref<!tpu.dma_semaphore, #tpu.memory_space<semaphore_mem>>
        %dma_start3A_223 = arith.constant 0 : i32
        %dma_start3A_224 = tpu.memref_slice %arg8[%rem3A_197, %sub3A_200, %dma_start3A_223] : memref<2x16x64xi32, #tpu.memory_space<vmem>> -> memref<1x1x64xi32, #tpu.memory_space<vmem>>
        %dma_start3A_225 = tpu.memref_squeeze %dma_start3A_224 : memref<1x1x64xi32, #tpu.memory_space<vmem>> -> memref<64xi32, #tpu.memory_space<vmem>>
        %dma_start3A_226 = arith.constant 0 : i32
        %dma_start3A_227 = arith.constant 0 : i32
        %dma_start3A_228 = tpu.memref_slice %arg12[%dma_start3A_226, %dma_start3A_227] : memref<10240x128xf32, #tpu.memory_space<vmem_shared>> -> memref<10240x128xf32, #tpu.memory_space<vmem_shared>>
        tpu.enqueue_indirect_dma source(%arg10 : memref<64x128xf32, #tpu.memory_space<vmem>>) target(%dma_start3A_228 : memref<10240x128xf32, #tpu.memory_space<vmem_shared>>) offsets(%dma_start3A_225 : memref<64xi32, #tpu.memory_space<vmem>>) semaphore(%run_scoped3A_222 : memref<!tpu.dma_semaphore, #tpu.memory_space<semaphore_mem>>) {add = true}
        %dma_wait3A_229 = arith.constant 0 : i32
        %dma_wait3A_230 = tpu.memref_slice %arg8[%rem3A_197, %sub3A_200, %dma_wait3A_229] : memref<2x16x64xi32, #tpu.memory_space<vmem>> -> memref<1x1x64xi32, #tpu.memory_space<vmem>>
        %dma_wait3A_231 = tpu.memref_squeeze %dma_wait3A_230 : memref<1x1x64xi32, #tpu.memory_space<vmem>> -> memref<64xi32, #tpu.memory_space<vmem>>
        %dma_wait3A_232 = arith.constant 0 : i32
        %dma_wait3A_233 = arith.constant 0 : i32
        %dma_wait3A_234 = tpu.memref_slice %arg12[%dma_wait3A_232, %dma_wait3A_233] : memref<10240x128xf32, #tpu.memory_space<vmem_shared>> -> memref<10240x128xf32, #tpu.memory_space<vmem_shared>>
        tpu.wait_indirect_dma semaphore(%run_scoped3A_222 : memref<!tpu.dma_semaphore, #tpu.memory_space<semaphore_mem>>) src(%arg10 : memref<64x128xf32, #tpu.memory_space<vmem>>) dst(%dma_wait3A_234 : memref<10240x128xf32, #tpu.memory_space<vmem_shared>>)
        tpu.yield
      }) : () -> ()
      %add3A_207 = arith.constant 3 : i32
      %add3A_208 = arith.addi %mul3A_121, %add3A_207 : i32
      %lt3A_209 = arith.cmpi slt, %add3A_208, %select_n3A : i32
      %convert_element_type3A_210 = arith.extui %lt3A_209 : i1 to i32
      %cond3A_211 = arith.constant 0 : i32
      %cond3A_212 = arith.cmpi ne, %convert_element_type3A_210, %cond3A_211 : i32
      scf.if %cond3A_212 {
        %add3A_222 = arith.constant 3 : i32
        %add3A_223 = arith.addi %mul3A_121, %add3A_222 : i32
        %jit3A_224 = arith.constant 16 : i32
        %div3A_225 = arith.divsi %add3A_223, %jit3A_224 : i32
        %sign3A_226 = arith.constant 0 : i32
        %sign3A_227 = arith.cmpi sgt, %add3A_223, %sign3A_226 : i32
        %sign3A_228 = arith.extui %sign3A_227 : i1 to i32
        %sign3A_229 = arith.constant 0 : i32
        %sign3A_230 = arith.cmpi slt, %add3A_223, %sign3A_229 : i32
        %sign3A_231 = arith.extui %sign3A_230 : i1 to i32
        %sign3A_232 = arith.subi %sign3A_228, %sign3A_231 : i32
        %sign3A_233 = arith.constant 0 : i32
        %sign3A_234 = arith.cmpi sgt, %jit3A_224, %sign3A_233 : i32
        %sign3A_235 = arith.extui %sign3A_234 : i1 to i32
        %sign3A_236 = arith.constant 0 : i32
        %sign3A_237 = arith.cmpi slt, %jit3A_224, %sign3A_236 : i32
        %sign3A_238 = arith.extui %sign3A_237 : i1 to i32
        %sign3A_239 = arith.subi %sign3A_235, %sign3A_238 : i32
        %ne3A_240 = arith.cmpi ne, %sign3A_232, %sign3A_239 : i32
        %rem3A_241 = arith.remsi %add3A_223, %jit3A_224 : i32
        %ne3A_242 = arith.constant 0 : i32
        %ne3A_243 = arith.cmpi ne, %rem3A_241, %ne3A_242 : i32
        %and3A_244 = arith.andi %ne3A_240, %ne3A_243 : i1
        %sub3A_245 = arith.constant 1 : i32
        %sub3A_246 = arith.subi %div3A_225, %sub3A_245 : i32
        %select_n3A_247 = arith.select %and3A_244, %sub3A_246, %div3A_225 : i32
        %rem3A_248 = arith.constant 2 : i32
        %rem3A_249 = arith.remsi %select_n3A_247, %rem3A_248 : i32
        %mul3A_250 = arith.constant 16 : i32
        %mul3A_251 = arith.muli %select_n3A_247, %mul3A_250 : i32
        %sub3A_252 = arith.subi %add3A_223, %mul3A_251 : i32
        %dma_start3A_253 = arith.constant 0 : i32
        %dma_start3A_254 = tpu.memref_slice %arg7[%rem3A_249, %sub3A_252, %dma_start3A_253] : memref<2x16x64xi32, #tpu.memory_space<vmem>> -> memref<1x1x64xi32, #tpu.memory_space<vmem>>
        %dma_start3A_255 = tpu.memref_squeeze %dma_start3A_254 : memref<1x1x64xi32, #tpu.memory_space<vmem>> -> memref<64xi32, #tpu.memory_space<vmem>>
        %dma_start3A_256 = arith.constant 0 : i32
        %dma_start3A_257 = arith.constant 0 : i32
        %dma_start3A_258 = tpu.memref_slice %arg2[%dma_start3A_256, %dma_start3A_257] : memref<10240x128xf32, #tpu.memory_space<hbm>> -> memref<10240x128xf32, #tpu.memory_space<hbm>>
        tpu.enqueue_indirect_dma source(%dma_start3A_258 : memref<10240x128xf32, #tpu.memory_space<hbm>>) target(%arg10 : memref<64x128xf32, #tpu.memory_space<vmem>>) offsets(%dma_start3A_255 : memref<64xi32, #tpu.memory_space<vmem>>) semaphore(%arg14 : memref<!tpu.dma_semaphore, #tpu.memory_space<semaphore_mem>>)
      } else {
      }
      %eq3A_213 = arith.constant 14 : i32
      %eq3A_214 = arith.cmpi eq, %sub3A_148, %eq3A_213 : i32
      %add3A_215 = arith.constant 2 : i32
      %add3A_216 = arith.addi %select_n3A_145, %add3A_215 : i32
      %lt3A_217 = arith.cmpi slt, %add3A_216, %select_n3A_19 : i32
      %and3A_218 = arith.andi %eq3A_214, %lt3A_217 : i1
      %convert_element_type3A_219 = arith.extui %and3A_218 : i1 to i32
      %cond3A_220 = arith.constant 0 : i32
      %cond3A_221 = arith.cmpi ne, %convert_element_type3A_219, %cond3A_220 : i32
      scf.if %cond3A_221 {
        %rem3A_222 = arith.constant 2 : i32
        %rem3A_223 = arith.remsi %select_n3A_145, %rem3A_222 : i32
        %add3A_224 = arith.constant 2 : i32
        %add3A_225 = arith.addi %select_n3A_145, %add3A_224 : i32
        %mul3A_226 = arith.constant 16 : i32
        %mul3A_227 = arith.muli %add3A_225, %mul3A_226 : i32
        %add3A_228 = arith.addi %select_n3A_26, %mul3A_227 : i32
        %dma_start3A_229 = arith.constant 0 : i32
        %dma_start3A_230 = arith.constant 0 : i32
        %dma_start3A_231 = tpu.memref_slice %arg7[%rem3A_223, %dma_start3A_229, %dma_start3A_230] : memref<2x16x64xi32, #tpu.memory_space<vmem>> -> memref<1x16x64xi32, #tpu.memory_space<vmem>>
        %dma_start3A_232 = tpu.memref_squeeze %dma_start3A_231 : memref<1x16x64xi32, #tpu.memory_space<vmem>> -> memref<16x64xi32, #tpu.memory_space<vmem>>
        %dma_start3A_233 = arith.constant 0 : i32
        %dma_start3A_234 = tpu.memref_slice %arg3[%add3A_228, %dma_start3A_233] : memref<5120x64xi32, #tpu.memory_space<hbm>> -> memref<16x64xi32, #tpu.memory_space<hbm>>
        %dma_start3A_235 = arith.constant 0 : i32
        %dma_start3A_236 = arith.constant 0 : i32
        %dma_start3A_237 = tpu.memref_slice %arg7[%rem3A_223, %dma_start3A_235, %dma_start3A_236] : memref<2x16x64xi32, #tpu.memory_space<vmem>> -> memref<1x16x64xi32, #tpu.memory_space<vmem>>
        %dma_start3A_238 = tpu.memref_squeeze %dma_start3A_237 : memref<1x16x64xi32, #tpu.memory_space<vmem>> -> memref<16x64xi32, #tpu.memory_space<vmem>>
        %dma_start3A_239 = arith.constant 0 : i32
        %dma_start3A_240 = tpu.memref_slice %arg3[%add3A_228, %dma_start3A_239] : memref<5120x64xi32, #tpu.memory_space<hbm>> -> memref<16x64xi32, #tpu.memory_space<hbm>>
        tpu.enqueue_dma source(%dma_start3A_240 : memref<16x64xi32, #tpu.memory_space<hbm>>) target(%dma_start3A_238 : memref<16x64xi32, #tpu.memory_space<vmem>>) target_semaphore(%arg15 : memref<!tpu.dma_semaphore, #tpu.memory_space<semaphore_mem>>)
        %dma_start3A_241 = arith.constant 0 : i32
        %dma_start3A_242 = arith.constant 0 : i32
        %dma_start3A_243 = tpu.memref_slice %arg8[%rem3A_223, %dma_start3A_241, %dma_start3A_242] : memref<2x16x64xi32, #tpu.memory_space<vmem>> -> memref<1x16x64xi32, #tpu.memory_space<vmem>>
        %dma_start3A_244 = tpu.memref_squeeze %dma_start3A_243 : memref<1x16x64xi32, #tpu.memory_space<vmem>> -> memref<16x64xi32, #tpu.memory_space<vmem>>
        %dma_start3A_245 = arith.constant 0 : i32
        %dma_start3A_246 = tpu.memref_slice %arg4[%add3A_228, %dma_start3A_245] : memref<5120x64xi32, #tpu.memory_space<hbm>> -> memref<16x64xi32, #tpu.memory_space<hbm>>
        %dma_start3A_247 = arith.constant 0 : i32
        %dma_start3A_248 = arith.constant 0 : i32
        %dma_start3A_249 = tpu.memref_slice %arg8[%rem3A_223, %dma_start3A_247, %dma_start3A_248] : memref<2x16x64xi32, #tpu.memory_space<vmem>> -> memref<1x16x64xi32, #tpu.memory_space<vmem>>
        %dma_start3A_250 = tpu.memref_squeeze %dma_start3A_249 : memref<1x16x64xi32, #tpu.memory_space<vmem>> -> memref<16x64xi32, #tpu.memory_space<vmem>>
        %dma_start3A_251 = arith.constant 0 : i32
        %dma_start3A_252 = tpu.memref_slice %arg4[%add3A_228, %dma_start3A_251] : memref<5120x64xi32, #tpu.memory_space<hbm>> -> memref<16x64xi32, #tpu.memory_space<hbm>>
        tpu.enqueue_dma source(%dma_start3A_252 : memref<16x64xi32, #tpu.memory_space<hbm>>) target(%dma_start3A_250 : memref<16x64xi32, #tpu.memory_space<vmem>>) target_semaphore(%arg16 : memref<!tpu.dma_semaphore, #tpu.memory_space<semaphore_mem>>)
      } else {
      }
    }
    %barrier3A_114 = arith.constant 0 : index
    tpu.barrier barrier_id(%barrier3A_114)
    %mul3A_115 = arith.constant 640 : i32
    %mul3A_116 = arith.muli %arg1, %mul3A_115 : i32
    %mul3A_117 = arith.constant 640 : i32
    %mul3A_118 = arith.muli %arg1, %mul3A_117 : i32
    "tpu.region"() ({
      %run_scoped3A_119 = tpu.sem_alloc : memref<!tpu.dma_semaphore, #tpu.memory_space<semaphore_mem>>
      %dma_start3A_120 = arith.constant 0 : i32
      %dma_start3A_121 = tpu.memref_slice %arg6[%arg0, %mul3A_118, %dma_start3A_120] : memref<2x10240x128xf32, #tpu.memory_space<hbm>> -> memref<1x640x128xf32, #tpu.memory_space<hbm>>
      %dma_start3A_122 = tpu.memref_squeeze %dma_start3A_121 : memref<1x640x128xf32, #tpu.memory_space<hbm>> -> memref<640x128xf32, #tpu.memory_space<hbm>>
      %dma_start3A_123 = arith.constant 0 : i32
      %dma_start3A_124 = tpu.memref_slice %arg12[%mul3A_116, %dma_start3A_123] : memref<10240x128xf32, #tpu.memory_space<vmem_shared>> -> memref<640x128xf32, #tpu.memory_space<vmem_shared>>
      tpu.enqueue_dma source(%dma_start3A_124 : memref<640x128xf32, #tpu.memory_space<vmem_shared>>) target(%dma_start3A_122 : memref<640x128xf32, #tpu.memory_space<hbm>>) target_semaphore(%run_scoped3A_119 : memref<!tpu.dma_semaphore, #tpu.memory_space<semaphore_mem>>)
      %dma_wait3A = arith.constant 0 : i32
      %dma_wait3A_125 = tpu.memref_slice %arg6[%arg0, %mul3A_118, %dma_wait3A] : memref<2x10240x128xf32, #tpu.memory_space<hbm>> -> memref<1x640x128xf32, #tpu.memory_space<hbm>>
      %dma_wait3A_126 = tpu.memref_squeeze %dma_wait3A_125 : memref<1x640x128xf32, #tpu.memory_space<hbm>> -> memref<640x128xf32, #tpu.memory_space<hbm>>
      %dma_wait3A_127 = arith.constant 0 : i32
      %dma_wait3A_128 = tpu.memref_slice %arg12[%mul3A_116, %dma_wait3A_127] : memref<10240x128xf32, #tpu.memory_space<vmem_shared>> -> memref<640x128xf32, #tpu.memory_space<vmem_shared>>
      tpu.wait_dma2 semaphore(%run_scoped3A_119 : memref<!tpu.dma_semaphore, #tpu.memory_space<semaphore_mem>>) src(%dma_wait3A_128 : memref<640x128xf32, #tpu.memory_space<vmem_shared>>) dst(%dma_wait3A_126 : memref<640x128xf32, #tpu.memory_space<hbm>>)
      tpu.yield
    }) : () -> ()
    return
  }
}

#map = affine_map<(d0, d1) -> (0, 0)>
#map1 = affine_map<(d0, d1) -> (0, 0, 0)>
module attributes {stable_mosaic.version = 14 : i64} {
  func.func @_scatter_kernel(%arg0: i32, %arg1: i32, %arg2: memref<10240x128xf32, #tpu.memory_space<hbm>>, %arg3: memref<5120x64xi32, #tpu.memory_space<hbm>>, %arg4: memref<5120x64xi32, #tpu.memory_space<hbm>>, %arg5: memref<640x128xf32, #tpu.memory_space<hbm>>, %arg6: memref<2x10240x128xf32, #tpu.memory_space<hbm>>, %arg7: memref<2x16x64xi32, #tpu.memory_space<vmem>>, %arg8: memref<2x16x64xi32, #tpu.memory_space<vmem>>, %arg9: memref<64x128xf32, #tpu.memory_space<vmem>>, %arg10: memref<64x128xf32, #tpu.memory_space<vmem>>, %arg11: memref<64x128xf32, #tpu.memory_space<vmem>>, %arg12: memref<10240x128xf32, #tpu.memory_space<vmem_shared>>, %arg13: memref<!tpu.dma_semaphore, #tpu.memory_space<semaphore_mem>>, %arg14: memref<!tpu.dma_semaphore, #tpu.memory_space<semaphore_mem>>, %arg15: memref<!tpu.dma_semaphore, #tpu.memory_space<semaphore_mem>>, %arg16: memref<!tpu.dma_semaphore, #tpu.memory_space<semaphore_mem>>) attributes {dimension_semantics = [#tpu.dimension_semantics<core_parallel>, #tpu.dimension_semantics<subcore_parallel>], iteration_bounds = array<i64: 2, 16>, scalar_prefetch = 0 : i64, scratch_operands = 10 : i64, tpu.core_type = #tpu.core_type<sc_vector_subcore>, window_params = [{transform_indices = #map}, {transform_indices = #map}, {transform_indices = #map}, {transform_indices = #map}, {transform_indices = #map1}]} {
    %eq3A = arith.constant 0 : i32
    %eq3A_0 = arith.cmpi eq, %arg0, %eq3A : i32
    %jit3A = arith.constant 304 : i32
    %jit3A_1 = arith.constant 16 : i32
    %select_n3A = arith.select %eq3A_0, %jit3A, %jit3A_1 : i32
    %jit3A_2 = arith.constant 16 : i32
    %div3A = arith.divsi %select_n3A, %jit3A_2 : i32
    %sign3A = arith.constant 0 : i32
    %sign3A_3 = arith.cmpi sgt, %select_n3A, %sign3A : i32
    %sign3A_4 = arith.extui %sign3A_3 : i1 to i32
    %sign3A_5 = arith.constant 0 : i32
    %sign3A_6 = arith.cmpi slt, %select_n3A, %sign3A_5 : i32
    %sign3A_7 = arith.extui %sign3A_6 : i1 to i32
    %sign3A_8 = arith.subi %sign3A_4, %sign3A_7 : i32
    %sign3A_9 = arith.constant 0 : i32
    %sign3A_10 = arith.cmpi sgt, %jit3A_2, %sign3A_9 : i32
    %sign3A_11 = arith.extui %sign3A_10 : i1 to i32
    %sign3A_12 = arith.constant 0 : i32
    %sign3A_13 = arith.cmpi slt, %jit3A_2, %sign3A_12 : i32
    %sign3A_14 = arith.extui %sign3A_13 : i1 to i32
    %sign3A_15 = arith.subi %sign3A_11, %sign3A_14 : i32
    %ne3A = arith.cmpi ne, %sign3A_8, %sign3A_15 : i32
    %rem3A = arith.remsi %select_n3A, %jit3A_2 : i32
    %ne3A_16 = arith.constant 0 : i32
    %ne3A_17 = arith.cmpi ne, %rem3A, %ne3A_16 : i32
    %and3A = arith.andi %ne3A, %ne3A_17 : i1
    %sub3A = arith.constant 1 : i32
    %sub3A_18 = arith.subi %div3A, %sub3A : i32
    %select_n3A_19 = arith.select %and3A, %sub3A_18, %div3A : i32
    %eq3A_20 = arith.constant 0 : i32
    %eq3A_21 = arith.cmpi eq, %arg0, %eq3A_20 : i32
    %mul3A = arith.constant 304 : i32
    %mul3A_22 = arith.muli %arg1, %mul3A : i32
    %mul3A_23 = arith.constant 16 : i32
    %mul3A_24 = arith.muli %arg1, %mul3A_23 : i32
    %add3A = arith.constant 4864 : i32
    %add3A_25 = arith.addi %add3A, %mul3A_24 : i32
    %select_n3A_26 = arith.select %eq3A_21, %mul3A_22, %add3A_25 : i32
    %eq3A_27 = arith.constant 0 : i32
    %eq3A_28 = arith.cmpi eq, %arg0, %eq3A_27 : i32
    %convert_element_type3A = arith.extui %eq3A_28 : i1 to i32
    %cond3A = arith.constant 0 : i32
    %cond3A_29 = arith.cmpi ne, %convert_element_type3A, %cond3A : i32
    scf.if %cond3A_29 {
      %mul3A_119 = arith.constant 640 : i32
      %mul3A_120 = arith.muli %arg1, %mul3A_119 : i32
      "tpu.region"() ({
        %run_scoped3A_121 = tpu.sem_alloc : memref<!tpu.dma_semaphore, #tpu.memory_space<semaphore_mem>>
        %dma_start3A_122 = arith.constant 0 : i32
        %dma_start3A_123 = tpu.memref_slice %arg12[%mul3A_120, %dma_start3A_122] : memref<10240x128xf32, #tpu.memory_space<vmem_shared>> -> memref<640x128xf32, #tpu.memory_space<vmem_shared>>
        tpu.enqueue_dma source(%arg5 : memref<640x128xf32, #tpu.memory_space<hbm>>) target(%dma_start3A_123 : memref<640x128xf32, #tpu.memory_space<vmem_shared>>) target_semaphore(%run_scoped3A_121 : memref<!tpu.dma_semaphore, #tpu.memory_space<semaphore_mem>>)
        %dma_wait3A = arith.constant 0 : i32
        %dma_wait3A_124 = tpu.memref_slice %arg12[%mul3A_120, %dma_wait3A] : memref<10240x128xf32, #tpu.memory_space<vmem_shared>> -> memref<640x128xf32, #tpu.memory_space<vmem_shared>>
        tpu.wait_dma2 semaphore(%run_scoped3A_121 : memref<!tpu.dma_semaphore, #tpu.memory_space<semaphore_mem>>) src(%arg5 : memref<640x128xf32, #tpu.memory_space<hbm>>) dst(%dma_wait3A_124 : memref<640x128xf32, #tpu.memory_space<vmem_shared>>)
        tpu.yield
      }) : () -> ()
    } else {
    }
    %eq3A_30 = arith.constant 1 : i32
    %eq3A_31 = arith.cmpi eq, %arg0, %eq3A_30 : i32
    %convert_element_type3A_32 = arith.extui %eq3A_31 : i1 to i32
    %cond3A_33 = arith.constant 0 : i32
    %cond3A_34 = arith.cmpi ne, %convert_element_type3A_32, %cond3A_33 : i32
    scf.if %cond3A_34 {
      "tpu.region"() ({
        %run_scoped3A_159 = tpu.sem_alloc : memref<!tpu.dma_semaphore, #tpu.memory_space<semaphore_mem>>
        %dma_start3A_160 = arith.constant 0 : i32
        %dma_start3A_161 = arith.constant 0 : i32
        %dma_start3A_162 = tpu.memref_slice %arg5[%dma_start3A_160, %dma_start3A_161] : memref<640x128xf32, #tpu.memory_space<hbm>> -> memref<64x128xf32, #tpu.memory_space<hbm>>
        %dma_start3A_163 = arith.constant 0 : i32
        %dma_start3A_164 = arith.constant 0 : i32
        %dma_start3A_165 = tpu.memref_slice %arg5[%dma_start3A_163, %dma_start3A_164] : memref<640x128xf32, #tpu.memory_space<hbm>> -> memref<64x128xf32, #tpu.memory_space<hbm>>
        tpu.enqueue_dma source(%dma_start3A_165 : memref<64x128xf32, #tpu.memory_space<hbm>>) target(%arg11 : memref<64x128xf32, #tpu.memory_space<vmem>>) target_semaphore(%run_scoped3A_159 : memref<!tpu.dma_semaphore, #tpu.memory_space<semaphore_mem>>)
        %dma_wait3A = arith.constant 0 : i32
        %dma_wait3A_166 = arith.constant 0 : i32
        %dma_wait3A_167 = tpu.memref_slice %arg5[%dma_wait3A, %dma_wait3A_166] : memref<640x128xf32, #tpu.memory_space<hbm>> -> memref<64x128xf32, #tpu.memory_space<hbm>>
        %dma_wait3A_168 = arith.constant 0 : i32
        %dma_wait3A_169 = arith.constant 0 : i32
        %dma_wait3A_170 = tpu.memref_slice %arg5[%dma_wait3A_168, %dma_wait3A_169] : memref<640x128xf32, #tpu.memory_space<hbm>> -> memref<64x128xf32, #tpu.memory_space<hbm>>
        tpu.wait_dma2 semaphore(%run_scoped3A_159 : memref<!tpu.dma_semaphore, #tpu.memory_space<semaphore_mem>>) src(%dma_wait3A_170 : memref<64x128xf32, #tpu.memory_space<hbm>>) dst(%arg11 : memref<64x128xf32, #tpu.memory_space<vmem>>)
        tpu.yield
      }) : () -> ()
      %mul3A_119 = arith.constant 640 : i32
      %mul3A_120 = arith.muli %arg1, %mul3A_119 : i32
      %add3A_121 = arith.constant 0 : i32
      %add3A_122 = arith.addi %mul3A_120, %add3A_121 : i32
      "tpu.region"() ({
        %run_scoped3A_159 = tpu.sem_alloc : memref<!tpu.dma_semaphore, #tpu.memory_space<semaphore_mem>>
        %dma_start3A_160 = arith.constant 0 : i32
        %dma_start3A_161 = tpu.memref_slice %arg12[%add3A_122, %dma_start3A_160] : memref<10240x128xf32, #tpu.memory_space<vmem_shared>> -> memref<64x128xf32, #tpu.memory_space<vmem_shared>>
        %dma_start3A_162 = arith.constant 0 : i32
        %dma_start3A_163 = tpu.memref_slice %arg12[%add3A_122, %dma_start3A_162] : memref<10240x128xf32, #tpu.memory_space<vmem_shared>> -> memref<64x128xf32, #tpu.memory_space<vmem_shared>>
        tpu.enqueue_dma source(%arg11 : memref<64x128xf32, #tpu.memory_space<vmem>>) target(%dma_start3A_163 : memref<64x128xf32, #tpu.memory_space<vmem_shared>>) target_semaphore(%run_scoped3A_159 : memref<!tpu.dma_semaphore, #tpu.memory_space<semaphore_mem>>)
        %dma_wait3A = arith.constant 0 : i32
        %dma_wait3A_164 = tpu.memref_slice %arg12[%add3A_122, %dma_wait3A] : memref<10240x128xf32, #tpu.memory_space<vmem_shared>> -> memref<64x128xf32, #tpu.memory_space<vmem_shared>>
        %dma_wait3A_165 = arith.constant 0 : i32
        %dma_wait3A_166 = tpu.memref_slice %arg12[%add3A_122, %dma_wait3A_165] : memref<10240x128xf32, #tpu.memory_space<vmem_shared>> -> memref<64x128xf32, #tpu.memory_space<vmem_shared>>
        tpu.wait_dma2 semaphore(%run_scoped3A_159 : memref<!tpu.dma_semaphore, #tpu.memory_space<semaphore_mem>>) src(%arg11 : memref<64x128xf32, #tpu.memory_space<vmem>>) dst(%dma_wait3A_166 : memref<64x128xf32, #tpu.memory_space<vmem_shared>>)
        tpu.yield
      }) : () -> ()
      %mul3A_123 = arith.constant 640 : i32
      %mul3A_124 = arith.muli %arg1, %mul3A_123 : i32
      %add3A_125 = arith.constant 64 : i32
      %add3A_126 = arith.addi %mul3A_124, %add3A_125 : i32
      "tpu.region"() ({
        %run_scoped3A_159 = tpu.sem_alloc : memref<!tpu.dma_semaphore, #tpu.memory_space<semaphore_mem>>
        %dma_start3A_160 = arith.constant 0 : i32
        %dma_start3A_161 = tpu.memref_slice %arg12[%add3A_126, %dma_start3A_160] : memref<10240x128xf32, #tpu.memory_space<vmem_shared>> -> memref<64x128xf32, #tpu.memory_space<vmem_shared>>
        %dma_start3A_162 = arith.constant 0 : i32
        %dma_start3A_163 = tpu.memref_slice %arg12[%add3A_126, %dma_start3A_162] : memref<10240x128xf32, #tpu.memory_space<vmem_shared>> -> memref<64x128xf32, #tpu.memory_space<vmem_shared>>
        tpu.enqueue_dma source(%arg11 : memref<64x128xf32, #tpu.memory_space<vmem>>) target(%dma_start3A_163 : memref<64x128xf32, #tpu.memory_space<vmem_shared>>) target_semaphore(%run_scoped3A_159 : memref<!tpu.dma_semaphore, #tpu.memory_space<semaphore_mem>>)
        %dma_wait3A = arith.constant 0 : i32
        %dma_wait3A_164 = tpu.memref_slice %arg12[%add3A_126, %dma_wait3A] : memref<10240x128xf32, #tpu.memory_space<vmem_shared>> -> memref<64x128xf32, #tpu.memory_space<vmem_shared>>
        %dma_wait3A_165 = arith.constant 0 : i32
        %dma_wait3A_166 = tpu.memref_slice %arg12[%add3A_126, %dma_wait3A_165] : memref<10240x128xf32, #tpu.memory_space<vmem_shared>> -> memref<64x128xf32, #tpu.memory_space<vmem_shared>>
        tpu.wait_dma2 semaphore(%run_scoped3A_159 : memref<!tpu.dma_semaphore, #tpu.memory_space<semaphore_mem>>) src(%arg11 : memref<64x128xf32, #tpu.memory_space<vmem>>) dst(%dma_wait3A_166 : memref<64x128xf32, #tpu.memory_space<vmem_shared>>)
        tpu.yield
      }) : () -> ()
      %mul3A_127 = arith.constant 640 : i32
      %mul3A_128 = arith.muli %arg1, %mul3A_127 : i32
      %add3A_129 = arith.constant 128 : i32
      %add3A_130 = arith.addi %mul3A_128, %add3A_129 : i32
      "tpu.region"() ({
        %run_scoped3A_159 = tpu.sem_alloc : memref<!tpu.dma_semaphore, #tpu.memory_space<semaphore_mem>>
        %dma_start3A_160 = arith.constant 0 : i32
        %dma_start3A_161 = tpu.memref_slice %arg12[%add3A_130, %dma_start3A_160] : memref<10240x128xf32, #tpu.memory_space<vmem_shared>> -> memref<64x128xf32, #tpu.memory_space<vmem_shared>>
        %dma_start3A_162 = arith.constant 0 : i32
        %dma_start3A_163 = tpu.memref_slice %arg12[%add3A_130, %dma_start3A_162] : memref<10240x128xf32, #tpu.memory_space<vmem_shared>> -> memref<64x128xf32, #tpu.memory_space<vmem_shared>>
        tpu.enqueue_dma source(%arg11 : memref<64x128xf32, #tpu.memory_space<vmem>>) target(%dma_start3A_163 : memref<64x128xf32, #tpu.memory_space<vmem_shared>>) target_semaphore(%run_scoped3A_159 : memref<!tpu.dma_semaphore, #tpu.memory_space<semaphore_mem>>)
        %dma_wait3A = arith.constant 0 : i32
        %dma_wait3A_164 = tpu.memref_slice %arg12[%add3A_130, %dma_wait3A] : memref<10240x128xf32, #tpu.memory_space<vmem_shared>> -> memref<64x128xf32, #tpu.memory_space<vmem_shared>>
        %dma_wait3A_165 = arith.constant 0 : i32
        %dma_wait3A_166 = tpu.memref_slice %arg12[%add3A_130, %dma_wait3A_165] : memref<10240x128xf32, #tpu.memory_space<vmem_shared>> -> memref<64x128xf32, #tpu.memory_space<vmem_shared>>
        tpu.wait_dma2 semaphore(%run_scoped3A_159 : memref<!tpu.dma_semaphore, #tpu.memory_space<semaphore_mem>>) src(%arg11 : memref<64x128xf32, #tpu.memory_space<vmem>>) dst(%dma_wait3A_166 : memref<64x128xf32, #tpu.memory_space<vmem_shared>>)
        tpu.yield
      }) : () -> ()
      %mul3A_131 = arith.constant 640 : i32
      %mul3A_132 = arith.muli %arg1, %mul3A_131 : i32
      %add3A_133 = arith.constant 192 : i32
      %add3A_134 = arith.addi %mul3A_132, %add3A_133 : i32
      "tpu.region"() ({
        %run_scoped3A_159 = tpu.sem_alloc : memref<!tpu.dma_semaphore, #tpu.memory_space<semaphore_mem>>
        %dma_start3A_160 = arith.constant 0 : i32
        %dma_start3A_161 = tpu.memref_slice %arg12[%add3A_134, %dma_start3A_160] : memref<10240x128xf32, #tpu.memory_space<vmem_shared>> -> memref<64x128xf32, #tpu.memory_space<vmem_shared>>
        %dma_start3A_162 = arith.constant 0 : i32
        %dma_start3A_163 = tpu.memref_slice %arg12[%add3A_134, %dma_start3A_162] : memref<10240x128xf32, #tpu.memory_space<vmem_shared>> -> memref<64x128xf32, #tpu.memory_space<vmem_shared>>
        tpu.enqueue_dma source(%arg11 : memref<64x128xf32, #tpu.memory_space<vmem>>) target(%dma_start3A_163 : memref<64x128xf32, #tpu.memory_space<vmem_shared>>) target_semaphore(%run_scoped3A_159 : memref<!tpu.dma_semaphore, #tpu.memory_space<semaphore_mem>>)
        %dma_wait3A = arith.constant 0 : i32
        %dma_wait3A_164 = tpu.memref_slice %arg12[%add3A_134, %dma_wait3A] : memref<10240x128xf32, #tpu.memory_space<vmem_shared>> -> memref<64x128xf32, #tpu.memory_space<vmem_shared>>
        %dma_wait3A_165 = arith.constant 0 : i32
        %dma_wait3A_166 = tpu.memref_slice %arg12[%add3A_134, %dma_wait3A_165] : memref<10240x128xf32, #tpu.memory_space<vmem_shared>> -> memref<64x128xf32, #tpu.memory_space<vmem_shared>>
        tpu.wait_dma2 semaphore(%run_scoped3A_159 : memref<!tpu.dma_semaphore, #tpu.memory_space<semaphore_mem>>) src(%arg11 : memref<64x128xf32, #tpu.memory_space<vmem>>) dst(%dma_wait3A_166 : memref<64x128xf32, #tpu.memory_space<vmem_shared>>)
        tpu.yield
      }) : () -> ()
      %mul3A_135 = arith.constant 640 : i32
      %mul3A_136 = arith.muli %arg1, %mul3A_135 : i32
      %add3A_137 = arith.constant 256 : i32
      %add3A_138 = arith.addi %mul3A_136, %add3A_137 : i32
      "tpu.region"() ({
        %run_scoped3A_159 = tpu.sem_alloc : memref<!tpu.dma_semaphore, #tpu.memory_space<semaphore_mem>>
        %dma_start3A_160 = arith.constant 0 : i32
        %dma_start3A_161 = tpu.memref_slice %arg12[%add3A_138, %dma_start3A_160] : memref<10240x128xf32, #tpu.memory_space<vmem_shared>> -> memref<64x128xf32, #tpu.memory_space<vmem_shared>>
        %dma_start3A_162 = arith.constant 0 : i32
        %dma_start3A_163 = tpu.memref_slice %arg12[%add3A_138, %dma_start3A_162] : memref<10240x128xf32, #tpu.memory_space<vmem_shared>> -> memref<64x128xf32, #tpu.memory_space<vmem_shared>>
        tpu.enqueue_dma source(%arg11 : memref<64x128xf32, #tpu.memory_space<vmem>>) target(%dma_start3A_163 : memref<64x128xf32, #tpu.memory_space<vmem_shared>>) target_semaphore(%run_scoped3A_159 : memref<!tpu.dma_semaphore, #tpu.memory_space<semaphore_mem>>)
        %dma_wait3A = arith.constant 0 : i32
        %dma_wait3A_164 = tpu.memref_slice %arg12[%add3A_138, %dma_wait3A] : memref<10240x128xf32, #tpu.memory_space<vmem_shared>> -> memref<64x128xf32, #tpu.memory_space<vmem_shared>>
        %dma_wait3A_165 = arith.constant 0 : i32
        %dma_wait3A_166 = tpu.memref_slice %arg12[%add3A_138, %dma_wait3A_165] : memref<10240x128xf32, #tpu.memory_space<vmem_shared>> -> memref<64x128xf32, #tpu.memory_space<vmem_shared>>
        tpu.wait_dma2 semaphore(%run_scoped3A_159 : memref<!tpu.dma_semaphore, #tpu.memory_space<semaphore_mem>>) src(%arg11 : memref<64x128xf32, #tpu.memory_space<vmem>>) dst(%dma_wait3A_166 : memref<64x128xf32, #tpu.memory_space<vmem_shared>>)
        tpu.yield
      }) : () -> ()
      %mul3A_139 = arith.constant 640 : i32
      %mul3A_140 = arith.muli %arg1, %mul3A_139 : i32
      %add3A_141 = arith.constant 320 : i32
      %add3A_142 = arith.addi %mul3A_140, %add3A_141 : i32
      "tpu.region"() ({
        %run_scoped3A_159 = tpu.sem_alloc : memref<!tpu.dma_semaphore, #tpu.memory_space<semaphore_mem>>
        %dma_start3A_160 = arith.constant 0 : i32
        %dma_start3A_161 = tpu.memref_slice %arg12[%add3A_142, %dma_start3A_160] : memref<10240x128xf32, #tpu.memory_space<vmem_shared>> -> memref<64x128xf32, #tpu.memory_space<vmem_shared>>
        %dma_start3A_162 = arith.constant 0 : i32
        %dma_start3A_163 = tpu.memref_slice %arg12[%add3A_142, %dma_start3A_162] : memref<10240x128xf32, #tpu.memory_space<vmem_shared>> -> memref<64x128xf32, #tpu.memory_space<vmem_shared>>
        tpu.enqueue_dma source(%arg11 : memref<64x128xf32, #tpu.memory_space<vmem>>) target(%dma_start3A_163 : memref<64x128xf32, #tpu.memory_space<vmem_shared>>) target_semaphore(%run_scoped3A_159 : memref<!tpu.dma_semaphore, #tpu.memory_space<semaphore_mem>>)
        %dma_wait3A = arith.constant 0 : i32
        %dma_wait3A_164 = tpu.memref_slice %arg12[%add3A_142, %dma_wait3A] : memref<10240x128xf32, #tpu.memory_space<vmem_shared>> -> memref<64x128xf32, #tpu.memory_space<vmem_shared>>
        %dma_wait3A_165 = arith.constant 0 : i32
        %dma_wait3A_166 = tpu.memref_slice %arg12[%add3A_142, %dma_wait3A_165] : memref<10240x128xf32, #tpu.memory_space<vmem_shared>> -> memref<64x128xf32, #tpu.memory_space<vmem_shared>>
        tpu.wait_dma2 semaphore(%run_scoped3A_159 : memref<!tpu.dma_semaphore, #tpu.memory_space<semaphore_mem>>) src(%arg11 : memref<64x128xf32, #tpu.memory_space<vmem>>) dst(%dma_wait3A_166 : memref<64x128xf32, #tpu.memory_space<vmem_shared>>)
        tpu.yield
      }) : () -> ()
      %mul3A_143 = arith.constant 640 : i32
      %mul3A_144 = arith.muli %arg1, %mul3A_143 : i32
      %add3A_145 = arith.constant 384 : i32
      %add3A_146 = arith.addi %mul3A_144, %add3A_145 : i32
      "tpu.region"() ({
        %run_scoped3A_159 = tpu.sem_alloc : memref<!tpu.dma_semaphore, #tpu.memory_space<semaphore_mem>>
        %dma_start3A_160 = arith.constant 0 : i32
        %dma_start3A_161 = tpu.memref_slice %arg12[%add3A_146, %dma_start3A_160] : memref<10240x128xf32, #tpu.memory_space<vmem_shared>> -> memref<64x128xf32, #tpu.memory_space<vmem_shared>>
        %dma_start3A_162 = arith.constant 0 : i32
        %dma_start3A_163 = tpu.memref_slice %arg12[%add3A_146, %dma_start3A_162] : memref<10240x128xf32, #tpu.memory_space<vmem_shared>> -> memref<64x128xf32, #tpu.memory_space<vmem_shared>>
        tpu.enqueue_dma source(%arg11 : memref<64x128xf32, #tpu.memory_space<vmem>>) target(%dma_start3A_163 : memref<64x128xf32, #tpu.memory_space<vmem_shared>>) target_semaphore(%run_scoped3A_159 : memref<!tpu.dma_semaphore, #tpu.memory_space<semaphore_mem>>)
        %dma_wait3A = arith.constant 0 : i32
        %dma_wait3A_164 = tpu.memref_slice %arg12[%add3A_146, %dma_wait3A] : memref<10240x128xf32, #tpu.memory_space<vmem_shared>> -> memref<64x128xf32, #tpu.memory_space<vmem_shared>>
        %dma_wait3A_165 = arith.constant 0 : i32
        %dma_wait3A_166 = tpu.memref_slice %arg12[%add3A_146, %dma_wait3A_165] : memref<10240x128xf32, #tpu.memory_space<vmem_shared>> -> memref<64x128xf32, #tpu.memory_space<vmem_shared>>
        tpu.wait_dma2 semaphore(%run_scoped3A_159 : memref<!tpu.dma_semaphore, #tpu.memory_space<semaphore_mem>>) src(%arg11 : memref<64x128xf32, #tpu.memory_space<vmem>>) dst(%dma_wait3A_166 : memref<64x128xf32, #tpu.memory_space<vmem_shared>>)
        tpu.yield
      }) : () -> ()
      %mul3A_147 = arith.constant 640 : i32
      %mul3A_148 = arith.muli %arg1, %mul3A_147 : i32
      %add3A_149 = arith.constant 448 : i32
      %add3A_150 = arith.addi %mul3A_148, %add3A_149 : i32
      "tpu.region"() ({
        %run_scoped3A_159 = tpu.sem_alloc : memref<!tpu.dma_semaphore, #tpu.memory_space<semaphore_mem>>
        %dma_start3A_160 = arith.constant 0 : i32
        %dma_start3A_161 = tpu.memref_slice %arg12[%add3A_150, %dma_start3A_160] : memref<10240x128xf32, #tpu.memory_space<vmem_shared>> -> memref<64x128xf32, #tpu.memory_space<vmem_shared>>
        %dma_start3A_162 = arith.constant 0 : i32
        %dma_start3A_163 = tpu.memref_slice %arg12[%add3A_150, %dma_start3A_162] : memref<10240x128xf32, #tpu.memory_space<vmem_shared>> -> memref<64x128xf32, #tpu.memory_space<vmem_shared>>
        tpu.enqueue_dma source(%arg11 : memref<64x128xf32, #tpu.memory_space<vmem>>) target(%dma_start3A_163 : memref<64x128xf32, #tpu.memory_space<vmem_shared>>) target_semaphore(%run_scoped3A_159 : memref<!tpu.dma_semaphore, #tpu.memory_space<semaphore_mem>>)
        %dma_wait3A = arith.constant 0 : i32
        %dma_wait3A_164 = tpu.memref_slice %arg12[%add3A_150, %dma_wait3A] : memref<10240x128xf32, #tpu.memory_space<vmem_shared>> -> memref<64x128xf32, #tpu.memory_space<vmem_shared>>
        %dma_wait3A_165 = arith.constant 0 : i32
        %dma_wait3A_166 = tpu.memref_slice %arg12[%add3A_150, %dma_wait3A_165] : memref<10240x128xf32, #tpu.memory_space<vmem_shared>> -> memref<64x128xf32, #tpu.memory_space<vmem_shared>>
        tpu.wait_dma2 semaphore(%run_scoped3A_159 : memref<!tpu.dma_semaphore, #tpu.memory_space<semaphore_mem>>) src(%arg11 : memref<64x128xf32, #tpu.memory_space<vmem>>) dst(%dma_wait3A_166 : memref<64x128xf32, #tpu.memory_space<vmem_shared>>)
        tpu.yield
      }) : () -> ()
      %mul3A_151 = arith.constant 640 : i32
      %mul3A_152 = arith.muli %arg1, %mul3A_151 : i32
      %add3A_153 = arith.constant 512 : i32
      %add3A_154 = arith.addi %mul3A_152, %add3A_153 : i32
      "tpu.region"() ({
        %run_scoped3A_159 = tpu.sem_alloc : memref<!tpu.dma_semaphore, #tpu.memory_space<semaphore_mem>>
        %dma_start3A_160 = arith.constant 0 : i32
        %dma_start3A_161 = tpu.memref_slice %arg12[%add3A_154, %dma_start3A_160] : memref<10240x128xf32, #tpu.memory_space<vmem_shared>> -> memref<64x128xf32, #tpu.memory_space<vmem_shared>>
        %dma_start3A_162 = arith.constant 0 : i32
        %dma_start3A_163 = tpu.memref_slice %arg12[%add3A_154, %dma_start3A_162] : memref<10240x128xf32, #tpu.memory_space<vmem_shared>> -> memref<64x128xf32, #tpu.memory_space<vmem_shared>>
        tpu.enqueue_dma source(%arg11 : memref<64x128xf32, #tpu.memory_space<vmem>>) target(%dma_start3A_163 : memref<64x128xf32, #tpu.memory_space<vmem_shared>>) target_semaphore(%run_scoped3A_159 : memref<!tpu.dma_semaphore, #tpu.memory_space<semaphore_mem>>)
        %dma_wait3A = arith.constant 0 : i32
        %dma_wait3A_164 = tpu.memref_slice %arg12[%add3A_154, %dma_wait3A] : memref<10240x128xf32, #tpu.memory_space<vmem_shared>> -> memref<64x128xf32, #tpu.memory_space<vmem_shared>>
        %dma_wait3A_165 = arith.constant 0 : i32
        %dma_wait3A_166 = tpu.memref_slice %arg12[%add3A_154, %dma_wait3A_165] : memref<10240x128xf32, #tpu.memory_space<vmem_shared>> -> memref<64x128xf32, #tpu.memory_space<vmem_shared>>
        tpu.wait_dma2 semaphore(%run_scoped3A_159 : memref<!tpu.dma_semaphore, #tpu.memory_space<semaphore_mem>>) src(%arg11 : memref<64x128xf32, #tpu.memory_space<vmem>>) dst(%dma_wait3A_166 : memref<64x128xf32, #tpu.memory_space<vmem_shared>>)
        tpu.yield
      }) : () -> ()
      %mul3A_155 = arith.constant 640 : i32
      %mul3A_156 = arith.muli %arg1, %mul3A_155 : i32
      %add3A_157 = arith.constant 576 : i32
      %add3A_158 = arith.addi %mul3A_156, %add3A_157 : i32
      "tpu.region"() ({
        %run_scoped3A_159 = tpu.sem_alloc : memref<!tpu.dma_semaphore, #tpu.memory_space<semaphore_mem>>
        %dma_start3A_160 = arith.constant 0 : i32
        %dma_start3A_161 = tpu.memref_slice %arg12[%add3A_158, %dma_start3A_160] : memref<10240x128xf32, #tpu.memory_space<vmem_shared>> -> memref<64x128xf32, #tpu.memory_space<vmem_shared>>
        %dma_start3A_162 = arith.constant 0 : i32
        %dma_start3A_163 = tpu.memref_slice %arg12[%add3A_158, %dma_start3A_162] : memref<10240x128xf32, #tpu.memory_space<vmem_shared>> -> memref<64x128xf32, #tpu.memory_space<vmem_shared>>
        tpu.enqueue_dma source(%arg11 : memref<64x128xf32, #tpu.memory_space<vmem>>) target(%dma_start3A_163 : memref<64x128xf32, #tpu.memory_space<vmem_shared>>) target_semaphore(%run_scoped3A_159 : memref<!tpu.dma_semaphore, #tpu.memory_space<semaphore_mem>>)
        %dma_wait3A = arith.constant 0 : i32
        %dma_wait3A_164 = tpu.memref_slice %arg12[%add3A_158, %dma_wait3A] : memref<10240x128xf32, #tpu.memory_space<vmem_shared>> -> memref<64x128xf32, #tpu.memory_space<vmem_shared>>
        %dma_wait3A_165 = arith.constant 0 : i32
        %dma_wait3A_166 = tpu.memref_slice %arg12[%add3A_158, %dma_wait3A_165] : memref<10240x128xf32, #tpu.memory_space<vmem_shared>> -> memref<64x128xf32, #tpu.memory_space<vmem_shared>>
        tpu.wait_dma2 semaphore(%run_scoped3A_159 : memref<!tpu.dma_semaphore, #tpu.memory_space<semaphore_mem>>) src(%arg11 : memref<64x128xf32, #tpu.memory_space<vmem>>) dst(%dma_wait3A_166 : memref<64x128xf32, #tpu.memory_space<vmem_shared>>)
        tpu.yield
      }) : () -> ()
    } else {
    }
    %run_scoped3A = arith.constant 0 : i32
    "tpu.region"() ({
      %run_scoped3A_119 = tpu.sem_alloc : memref<!tpu.dma_semaphore, #tpu.memory_space<semaphore_mem>>
      %dma_start3A_120 = arith.constant 0 : i32
      %dma_start3A_121 = arith.constant 0 : i32
      %dma_start3A_122 = tpu.memref_slice %arg7[%run_scoped3A, %dma_start3A_120, %dma_start3A_121] : memref<2x16x64xi32, #tpu.memory_space<vmem>> -> memref<1x16x64xi32, #tpu.memory_space<vmem>>
      %dma_start3A_123 = tpu.memref_squeeze %dma_start3A_122 : memref<1x16x64xi32, #tpu.memory_space<vmem>> -> memref<16x64xi32, #tpu.memory_space<vmem>>
      %dma_start3A_124 = arith.constant 0 : i32
      %dma_start3A_125 = tpu.memref_slice %arg3[%select_n3A_26, %dma_start3A_124] : memref<5120x64xi32, #tpu.memory_space<hbm>> -> memref<16x64xi32, #tpu.memory_space<hbm>>
      %dma_start3A_126 = arith.constant 0 : i32
      %dma_start3A_127 = arith.constant 0 : i32
      %dma_start3A_128 = tpu.memref_slice %arg7[%run_scoped3A, %dma_start3A_126, %dma_start3A_127] : memref<2x16x64xi32, #tpu.memory_space<vmem>> -> memref<1x16x64xi32, #tpu.memory_space<vmem>>
      %dma_start3A_129 = tpu.memref_squeeze %dma_start3A_128 : memref<1x16x64xi32, #tpu.memory_space<vmem>> -> memref<16x64xi32, #tpu.memory_space<vmem>>
      %dma_start3A_130 = arith.constant 0 : i32
      %dma_start3A_131 = tpu.memref_slice %arg3[%select_n3A_26, %dma_start3A_130] : memref<5120x64xi32, #tpu.memory_space<hbm>> -> memref<16x64xi32, #tpu.memory_space<hbm>>
      tpu.enqueue_dma source(%dma_start3A_131 : memref<16x64xi32, #tpu.memory_space<hbm>>) target(%dma_start3A_129 : memref<16x64xi32, #tpu.memory_space<vmem>>) target_semaphore(%run_scoped3A_119 : memref<!tpu.dma_semaphore, #tpu.memory_space<semaphore_mem>>)
      %dma_wait3A = arith.constant 0 : i32
      %dma_wait3A_132 = arith.constant 0 : i32
      %dma_wait3A_133 = tpu.memref_slice %arg7[%run_scoped3A, %dma_wait3A, %dma_wait3A_132] : memref<2x16x64xi32, #tpu.memory_space<vmem>> -> memref<1x16x64xi32, #tpu.memory_space<vmem>>
      %dma_wait3A_134 = tpu.memref_squeeze %dma_wait3A_133 : memref<1x16x64xi32, #tpu.memory_space<vmem>> -> memref<16x64xi32, #tpu.memory_space<vmem>>
      %dma_wait3A_135 = arith.constant 0 : i32
      %dma_wait3A_136 = tpu.memref_slice %arg3[%select_n3A_26, %dma_wait3A_135] : memref<5120x64xi32, #tpu.memory_space<hbm>> -> memref<16x64xi32, #tpu.memory_space<hbm>>
      %dma_wait3A_137 = arith.constant 0 : i32
      %dma_wait3A_138 = arith.constant 0 : i32
      %dma_wait3A_139 = tpu.memref_slice %arg7[%run_scoped3A, %dma_wait3A_137, %dma_wait3A_138] : memref<2x16x64xi32, #tpu.memory_space<vmem>> -> memref<1x16x64xi32, #tpu.memory_space<vmem>>
      %dma_wait3A_140 = tpu.memref_squeeze %dma_wait3A_139 : memref<1x16x64xi32, #tpu.memory_space<vmem>> -> memref<16x64xi32, #tpu.memory_space<vmem>>
      %dma_wait3A_141 = arith.constant 0 : i32
      %dma_wait3A_142 = tpu.memref_slice %arg3[%select_n3A_26, %dma_wait3A_141] : memref<5120x64xi32, #tpu.memory_space<hbm>> -> memref<16x64xi32, #tpu.memory_space<hbm>>
      tpu.wait_dma2 semaphore(%run_scoped3A_119 : memref<!tpu.dma_semaphore, #tpu.memory_space<semaphore_mem>>) src(%dma_wait3A_142 : memref<16x64xi32, #tpu.memory_space<hbm>>) dst(%dma_wait3A_140 : memref<16x64xi32, #tpu.memory_space<vmem>>)
      tpu.yield
    }) : () -> ()
    %run_scoped3A_35 = arith.constant 0 : i32
    "tpu.region"() ({
      %run_scoped3A_119 = tpu.sem_alloc : memref<!tpu.dma_semaphore, #tpu.memory_space<semaphore_mem>>
      %dma_start3A_120 = arith.constant 0 : i32
      %dma_start3A_121 = arith.constant 0 : i32
      %dma_start3A_122 = tpu.memref_slice %arg8[%run_scoped3A_35, %dma_start3A_120, %dma_start3A_121] : memref<2x16x64xi32, #tpu.memory_space<vmem>> -> memref<1x16x64xi32, #tpu.memory_space<vmem>>
      %dma_start3A_123 = tpu.memref_squeeze %dma_start3A_122 : memref<1x16x64xi32, #tpu.memory_space<vmem>> -> memref<16x64xi32, #tpu.memory_space<vmem>>
      %dma_start3A_124 = arith.constant 0 : i32
      %dma_start3A_125 = tpu.memref_slice %arg4[%select_n3A_26, %dma_start3A_124] : memref<5120x64xi32, #tpu.memory_space<hbm>> -> memref<16x64xi32, #tpu.memory_space<hbm>>
      %dma_start3A_126 = arith.constant 0 : i32
      %dma_start3A_127 = arith.constant 0 : i32
      %dma_start3A_128 = tpu.memref_slice %arg8[%run_scoped3A_35, %dma_start3A_126, %dma_start3A_127] : memref<2x16x64xi32, #tpu.memory_space<vmem>> -> memref<1x16x64xi32, #tpu.memory_space<vmem>>
      %dma_start3A_129 = tpu.memref_squeeze %dma_start3A_128 : memref<1x16x64xi32, #tpu.memory_space<vmem>> -> memref<16x64xi32, #tpu.memory_space<vmem>>
      %dma_start3A_130 = arith.constant 0 : i32
      %dma_start3A_131 = tpu.memref_slice %arg4[%select_n3A_26, %dma_start3A_130] : memref<5120x64xi32, #tpu.memory_space<hbm>> -> memref<16x64xi32, #tpu.memory_space<hbm>>
      tpu.enqueue_dma source(%dma_start3A_131 : memref<16x64xi32, #tpu.memory_space<hbm>>) target(%dma_start3A_129 : memref<16x64xi32, #tpu.memory_space<vmem>>) target_semaphore(%run_scoped3A_119 : memref<!tpu.dma_semaphore, #tpu.memory_space<semaphore_mem>>)
      %dma_wait3A = arith.constant 0 : i32
      %dma_wait3A_132 = arith.constant 0 : i32
      %dma_wait3A_133 = tpu.memref_slice %arg8[%run_scoped3A_35, %dma_wait3A, %dma_wait3A_132] : memref<2x16x64xi32, #tpu.memory_space<vmem>> -> memref<1x16x64xi32, #tpu.memory_space<vmem>>
      %dma_wait3A_134 = tpu.memref_squeeze %dma_wait3A_133 : memref<1x16x64xi32, #tpu.memory_space<vmem>> -> memref<16x64xi32, #tpu.memory_space<vmem>>
      %dma_wait3A_135 = arith.constant 0 : i32
      %dma_wait3A_136 = tpu.memref_slice %arg4[%select_n3A_26, %dma_wait3A_135] : memref<5120x64xi32, #tpu.memory_space<hbm>> -> memref<16x64xi32, #tpu.memory_space<hbm>>
      %dma_wait3A_137 = arith.constant 0 : i32
      %dma_wait3A_138 = arith.constant 0 : i32
      %dma_wait3A_139 = tpu.memref_slice %arg8[%run_scoped3A_35, %dma_wait3A_137, %dma_wait3A_138] : memref<2x16x64xi32, #tpu.memory_space<vmem>> -> memref<1x16x64xi32, #tpu.memory_space<vmem>>
      %dma_wait3A_140 = tpu.memref_squeeze %dma_wait3A_139 : memref<1x16x64xi32, #tpu.memory_space<vmem>> -> memref<16x64xi32, #tpu.memory_space<vmem>>
      %dma_wait3A_141 = arith.constant 0 : i32
      %dma_wait3A_142 = tpu.memref_slice %arg4[%select_n3A_26, %dma_wait3A_141] : memref<5120x64xi32, #tpu.memory_space<hbm>> -> memref<16x64xi32, #tpu.memory_space<hbm>>
      tpu.wait_dma2 semaphore(%run_scoped3A_119 : memref<!tpu.dma_semaphore, #tpu.memory_space<semaphore_mem>>) src(%dma_wait3A_142 : memref<16x64xi32, #tpu.memory_space<hbm>>) dst(%dma_wait3A_140 : memref<16x64xi32, #tpu.memory_space<vmem>>)
      tpu.yield
    }) : () -> ()
    %barrier3A = arith.constant 0 : index
    tpu.barrier barrier_id(%barrier3A)
    %add3A_36 = arith.constant 16 : i32
    %add3A_37 = arith.addi %select_n3A_26, %add3A_36 : i32
    %dma_start3A = arith.constant 1 : i32
    %dma_start3A_38 = arith.constant 0 : i32
    %dma_start3A_39 = arith.constant 0 : i32
    %dma_start3A_40 = tpu.memref_slice %arg7[%dma_start3A, %dma_start3A_38, %dma_start3A_39] : memref<2x16x64xi32, #tpu.memory_space<vmem>> -> memref<1x16x64xi32, #tpu.memory_space<vmem>>
    %dma_start3A_41 = tpu.memref_squeeze %dma_start3A_40 : memref<1x16x64xi32, #tpu.memory_space<vmem>> -> memref<16x64xi32, #tpu.memory_space<vmem>>
    %dma_start3A_42 = arith.constant 0 : i32
    %dma_start3A_43 = tpu.memref_slice %arg3[%add3A_37, %dma_start3A_42] : memref<5120x64xi32, #tpu.memory_space<hbm>> -> memref<16x64xi32, #tpu.memory_space<hbm>>
    %dma_start3A_44 = arith.constant 0 : i32
    %dma_start3A_45 = arith.constant 0 : i32
    %dma_start3A_46 = tpu.memref_slice %arg7[%dma_start3A, %dma_start3A_44, %dma_start3A_45] : memref<2x16x64xi32, #tpu.memory_space<vmem>> -> memref<1x16x64xi32, #tpu.memory_space<vmem>>
    %dma_start3A_47 = tpu.memref_squeeze %dma_start3A_46 : memref<1x16x64xi32, #tpu.memory_space<vmem>> -> memref<16x64xi32, #tpu.memory_space<vmem>>
    %dma_start3A_48 = arith.constant 0 : i32
    %dma_start3A_49 = tpu.memref_slice %arg3[%add3A_37, %dma_start3A_48] : memref<5120x64xi32, #tpu.memory_space<hbm>> -> memref<16x64xi32, #tpu.memory_space<hbm>>
    tpu.enqueue_dma source(%dma_start3A_49 : memref<16x64xi32, #tpu.memory_space<hbm>>) target(%dma_start3A_47 : memref<16x64xi32, #tpu.memory_space<vmem>>) target_semaphore(%arg15 : memref<!tpu.dma_semaphore, #tpu.memory_space<semaphore_mem>>)
    %add3A_50 = arith.constant 16 : i32
    %add3A_51 = arith.addi %select_n3A_26, %add3A_50 : i32
    %dma_start3A_52 = arith.constant 1 : i32
    %dma_start3A_53 = arith.constant 0 : i32
    %dma_start3A_54 = arith.constant 0 : i32
    %dma_start3A_55 = tpu.memref_slice %arg8[%dma_start3A_52, %dma_start3A_53, %dma_start3A_54] : memref<2x16x64xi32, #tpu.memory_space<vmem>> -> memref<1x16x64xi32, #tpu.memory_space<vmem>>
    %dma_start3A_56 = tpu.memref_squeeze %dma_start3A_55 : memref<1x16x64xi32, #tpu.memory_space<vmem>> -> memref<16x64xi32, #tpu.memory_space<vmem>>
    %dma_start3A_57 = arith.constant 0 : i32
    %dma_start3A_58 = tpu.memref_slice %arg4[%add3A_51, %dma_start3A_57] : memref<5120x64xi32, #tpu.memory_space<hbm>> -> memref<16x64xi32, #tpu.memory_space<hbm>>
    %dma_start3A_59 = arith.constant 0 : i32
    %dma_start3A_60 = arith.constant 0 : i32
    %dma_start3A_61 = tpu.memref_slice %arg8[%dma_start3A_52, %dma_start3A_59, %dma_start3A_60] : memref<2x16x64xi32, #tpu.memory_space<vmem>> -> memref<1x16x64xi32, #tpu.memory_space<vmem>>
    %dma_start3A_62 = tpu.memref_squeeze %dma_start3A_61 : memref<1x16x64xi32, #tpu.memory_space<vmem>> -> memref<16x64xi32, #tpu.memory_space<vmem>>
    %dma_start3A_63 = arith.constant 0 : i32
    %dma_start3A_64 = tpu.memref_slice %arg4[%add3A_51, %dma_start3A_63] : memref<5120x64xi32, #tpu.memory_space<hbm>> -> memref<16x64xi32, #tpu.memory_space<hbm>>
    tpu.enqueue_dma source(%dma_start3A_64 : memref<16x64xi32, #tpu.memory_space<hbm>>) target(%dma_start3A_62 : memref<16x64xi32, #tpu.memory_space<vmem>>) target_semaphore(%arg16 : memref<!tpu.dma_semaphore, #tpu.memory_space<semaphore_mem>>)
    %dma_start3A_65 = arith.constant 0 : i32
    %dma_start3A_66 = arith.constant 0 : i32
    %dma_start3A_67 = arith.constant 0 : i32
    %dma_start3A_68 = tpu.memref_slice %arg7[%dma_start3A_65, %dma_start3A_66, %dma_start3A_67] : memref<2x16x64xi32, #tpu.memory_space<vmem>> -> memref<1x1x64xi32, #tpu.memory_space<vmem>>
    %dma_start3A_69 = tpu.memref_squeeze %dma_start3A_68 : memref<1x1x64xi32, #tpu.memory_space<vmem>> -> memref<64xi32, #tpu.memory_space<vmem>>
    %dma_start3A_70 = arith.constant 0 : i32
    %dma_start3A_71 = arith.constant 0 : i32
    %dma_start3A_72 = tpu.memref_slice %arg2[%dma_start3A_70, %dma_start3A_71] : memref<10240x128xf32, #tpu.memory_space<hbm>> -> memref<10240x128xf32, #tpu.memory_space<hbm>>
    tpu.enqueue_indirect_dma source(%dma_start3A_72 : memref<10240x128xf32, #tpu.memory_space<hbm>>) target(%arg9 : memref<64x128xf32, #tpu.memory_space<vmem>>) offsets(%dma_start3A_69 : memref<64xi32, #tpu.memory_space<vmem>>) semaphore(%arg13 : memref<!tpu.dma_semaphore, #tpu.memory_space<semaphore_mem>>)
    %dma_start3A_73 = arith.constant 0 : i32
    %dma_start3A_74 = arith.constant 1 : i32
    %dma_start3A_75 = arith.constant 0 : i32
    %dma_start3A_76 = tpu.memref_slice %arg7[%dma_start3A_73, %dma_start3A_74, %dma_start3A_75] : memref<2x16x64xi32, #tpu.memory_space<vmem>> -> memref<1x1x64xi32, #tpu.memory_space<vmem>>
    %dma_start3A_77 = tpu.memref_squeeze %dma_start3A_76 : memref<1x1x64xi32, #tpu.memory_space<vmem>> -> memref<64xi32, #tpu.memory_space<vmem>>
    %dma_start3A_78 = arith.constant 0 : i32
    %dma_start3A_79 = arith.constant 0 : i32
    %dma_start3A_80 = tpu.memref_slice %arg2[%dma_start3A_78, %dma_start3A_79] : memref<10240x128xf32, #tpu.memory_space<hbm>> -> memref<10240x128xf32, #tpu.memory_space<hbm>>
    tpu.enqueue_indirect_dma source(%dma_start3A_80 : memref<10240x128xf32, #tpu.memory_space<hbm>>) target(%arg10 : memref<64x128xf32, #tpu.memory_space<vmem>>) offsets(%dma_start3A_77 : memref<64xi32, #tpu.memory_space<vmem>>) semaphore(%arg14 : memref<!tpu.dma_semaphore, #tpu.memory_space<semaphore_mem>>)
    %jit3A_81 = arith.constant 2 : i32
    %div3A_82 = arith.divsi %select_n3A, %jit3A_81 : i32
    %sign3A_83 = arith.constant 0 : i32
    %sign3A_84 = arith.cmpi sgt, %select_n3A, %sign3A_83 : i32
    %sign3A_85 = arith.extui %sign3A_84 : i1 to i32
    %sign3A_86 = arith.constant 0 : i32
    %sign3A_87 = arith.cmpi slt, %select_n3A, %sign3A_86 : i32
    %sign3A_88 = arith.extui %sign3A_87 : i1 to i32
    %sign3A_89 = arith.subi %sign3A_85, %sign3A_88 : i32
    %sign3A_90 = arith.constant 0 : i32
    %sign3A_91 = arith.cmpi sgt, %jit3A_81, %sign3A_90 : i32
    %sign3A_92 = arith.extui %sign3A_91 : i1 to i32
    %sign3A_93 = arith.constant 0 : i32
    %sign3A_94 = arith.cmpi slt, %jit3A_81, %sign3A_93 : i32
    %sign3A_95 = arith.extui %sign3A_94 : i1 to i32
    %sign3A_96 = arith.subi %sign3A_92, %sign3A_95 : i32
    %ne3A_97 = arith.cmpi ne, %sign3A_89, %sign3A_96 : i32
    %rem3A_98 = arith.remsi %select_n3A, %jit3A_81 : i32
    %ne3A_99 = arith.constant 0 : i32
    %ne3A_100 = arith.cmpi ne, %rem3A_98, %ne3A_99 : i32
    %and3A_101 = arith.andi %ne3A_97, %ne3A_100 : i1
    %sub3A_102 = arith.constant 1 : i32
    %sub3A_103 = arith.subi %div3A_82, %sub3A_102 : i32
    %select_n3A_104 = arith.select %and3A_101, %sub3A_103, %div3A_82 : i32
    %while3A = arith.constant 0 : i32
    %while3A_105 = arith.constant 0 : i32
    %while3A_106 = arith.subi %select_n3A_104, %while3A_105 : i32
    %while3A_107 = arith.addi %while3A_105, %while3A_106 : i32
    %while3A_108 = arith.constant 1 : i32
    %while3A_109 = arith.divsi %while3A_106, %while3A_108 : i32
    %while3A_110 = arith.muli %while3A_109, %while3A_108 : i32
    %while3A_111 = arith.addi %while3A_105, %while3A_110 : i32
    %while3A_112 = arith.constant 1 : i32
    scf.for %while3A_119 = %while3A_105 to %while3A_111 step %while3A_112  : i32 {
      %mul3A_120 = arith.constant 2 : i32
      %mul3A_121 = arith.muli %mul3A_120, %while3A_119 : i32
      %jit3A_122 = arith.constant 16 : i32
      %div3A_123 = arith.divsi %mul3A_121, %jit3A_122 : i32
      %sign3A_124 = arith.constant 0 : i32
      %sign3A_125 = arith.cmpi sgt, %mul3A_121, %sign3A_124 : i32
      %sign3A_126 = arith.extui %sign3A_125 : i1 to i32
      %sign3A_127 = arith.constant 0 : i32
      %sign3A_128 = arith.cmpi slt, %mul3A_121, %sign3A_127 : i32
      %sign3A_129 = arith.extui %sign3A_128 : i1 to i32
      %sign3A_130 = arith.subi %sign3A_126, %sign3A_129 : i32
      %sign3A_131 = arith.constant 0 : i32
      %sign3A_132 = arith.cmpi sgt, %jit3A_122, %sign3A_131 : i32
      %sign3A_133 = arith.extui %sign3A_132 : i1 to i32
      %sign3A_134 = arith.constant 0 : i32
      %sign3A_135 = arith.cmpi slt, %jit3A_122, %sign3A_134 : i32
      %sign3A_136 = arith.extui %sign3A_135 : i1 to i32
      %sign3A_137 = arith.subi %sign3A_133, %sign3A_136 : i32
      %ne3A_138 = arith.cmpi ne, %sign3A_130, %sign3A_137 : i32
      %rem3A_139 = arith.remsi %mul3A_121, %jit3A_122 : i32
      %ne3A_140 = arith.constant 0 : i32
      %ne3A_141 = arith.cmpi ne, %rem3A_139, %ne3A_140 : i32
      %and3A_142 = arith.andi %ne3A_138, %ne3A_141 : i1
      %sub3A_143 = arith.constant 1 : i32
      %sub3A_144 = arith.subi %div3A_123, %sub3A_143 : i32
      %select_n3A_145 = arith.select %and3A_142, %sub3A_144, %div3A_123 : i32
      %mul3A_146 = arith.constant 16 : i32
      %mul3A_147 = arith.muli %select_n3A_145, %mul3A_146 : i32
      %sub3A_148 = arith.subi %mul3A_121, %mul3A_147 : i32
      %eq3A_149 = arith.constant 14 : i32
      %eq3A_150 = arith.cmpi eq, %sub3A_148, %eq3A_149 : i32
      %add3A_151 = arith.constant 1 : i32
      %add3A_152 = arith.addi %select_n3A_145, %add3A_151 : i32
      %lt3A = arith.cmpi slt, %add3A_152, %select_n3A_19 : i32
      %and3A_153 = arith.andi %eq3A_150, %lt3A : i1
      %convert_element_type3A_154 = arith.extui %and3A_153 : i1 to i32
      %cond3A_155 = arith.constant 0 : i32
      %cond3A_156 = arith.cmpi ne, %convert_element_type3A_154, %cond3A_155 : i32
      scf.if %cond3A_156 {
        %dma_wait3A_222 = arith.constant 0 : i32
        %dma_wait3A_223 = arith.constant 0 : i32
        %dma_wait3A_224 = arith.constant 0 : i32
        %dma_wait3A_225 = tpu.memref_slice %arg7[%dma_wait3A_222, %dma_wait3A_223, %dma_wait3A_224] : memref<2x16x64xi32, #tpu.memory_space<vmem>> -> memref<1x16x64xi32, #tpu.memory_space<vmem>>
        %dma_wait3A_226 = tpu.memref_squeeze %dma_wait3A_225 : memref<1x16x64xi32, #tpu.memory_space<vmem>> -> memref<16x64xi32, #tpu.memory_space<vmem>>
        %dma_wait3A_227 = arith.constant 0 : i32
        %dma_wait3A_228 = tpu.memref_slice %arg3[%select_n3A_26, %dma_wait3A_227] : memref<5120x64xi32, #tpu.memory_space<hbm>> -> memref<16x64xi32, #tpu.memory_space<hbm>>
        %dma_wait3A_229 = arith.constant 0 : i32
        %dma_wait3A_230 = arith.constant 0 : i32
        %dma_wait3A_231 = tpu.memref_slice %arg7[%dma_wait3A_222, %dma_wait3A_229, %dma_wait3A_230] : memref<2x16x64xi32, #tpu.memory_space<vmem>> -> memref<1x16x64xi32, #tpu.memory_space<vmem>>
        %dma_wait3A_232 = tpu.memref_squeeze %dma_wait3A_231 : memref<1x16x64xi32, #tpu.memory_space<vmem>> -> memref<16x64xi32, #tpu.memory_space<vmem>>
        %dma_wait3A_233 = arith.constant 0 : i32
        %dma_wait3A_234 = tpu.memref_slice %arg3[%select_n3A_26, %dma_wait3A_233] : memref<5120x64xi32, #tpu.memory_space<hbm>> -> memref<16x64xi32, #tpu.memory_space<hbm>>
        tpu.wait_dma2 semaphore(%arg15 : memref<!tpu.dma_semaphore, #tpu.memory_space<semaphore_mem>>) src(%dma_wait3A_234 : memref<16x64xi32, #tpu.memory_space<hbm>>) dst(%dma_wait3A_232 : memref<16x64xi32, #tpu.memory_space<vmem>>)
        %dma_wait3A_235 = arith.constant 0 : i32
        %dma_wait3A_236 = arith.constant 0 : i32
        %dma_wait3A_237 = arith.constant 0 : i32
        %dma_wait3A_238 = tpu.memref_slice %arg8[%dma_wait3A_235, %dma_wait3A_236, %dma_wait3A_237] : memref<2x16x64xi32, #tpu.memory_space<vmem>> -> memref<1x16x64xi32, #tpu.memory_space<vmem>>
        %dma_wait3A_239 = tpu.memref_squeeze %dma_wait3A_238 : memref<1x16x64xi32, #tpu.memory_space<vmem>> -> memref<16x64xi32, #tpu.memory_space<vmem>>
        %dma_wait3A_240 = arith.constant 0 : i32
        %dma_wait3A_241 = tpu.memref_slice %arg4[%select_n3A_26, %dma_wait3A_240] : memref<5120x64xi32, #tpu.memory_space<hbm>> -> memref<16x64xi32, #tpu.memory_space<hbm>>
        %dma_wait3A_242 = arith.constant 0 : i32
        %dma_wait3A_243 = arith.constant 0 : i32
        %dma_wait3A_244 = tpu.memref_slice %arg8[%dma_wait3A_235, %dma_wait3A_242, %dma_wait3A_243] : memref<2x16x64xi32, #tpu.memory_space<vmem>> -> memref<1x16x64xi32, #tpu.memory_space<vmem>>
        %dma_wait3A_245 = tpu.memref_squeeze %dma_wait3A_244 : memref<1x16x64xi32, #tpu.memory_space<vmem>> -> memref<16x64xi32, #tpu.memory_space<vmem>>
        %dma_wait3A_246 = arith.constant 0 : i32
        %dma_wait3A_247 = tpu.memref_slice %arg4[%select_n3A_26, %dma_wait3A_246] : memref<5120x64xi32, #tpu.memory_space<hbm>> -> memref<16x64xi32, #tpu.memory_space<hbm>>
        tpu.wait_dma2 semaphore(%arg16 : memref<!tpu.dma_semaphore, #tpu.memory_space<semaphore_mem>>) src(%dma_wait3A_247 : memref<16x64xi32, #tpu.memory_space<hbm>>) dst(%dma_wait3A_245 : memref<16x64xi32, #tpu.memory_space<vmem>>)
      } else {
      }
      %rem3A_157 = arith.constant 2 : i32
      %rem3A_158 = arith.remsi %select_n3A_145, %rem3A_157 : i32
      %dma_wait3A = arith.constant 0 : i32
      %dma_wait3A_159 = tpu.memref_slice %arg7[%rem3A_158, %sub3A_148, %dma_wait3A] : memref<2x16x64xi32, #tpu.memory_space<vmem>> -> memref<1x1x64xi32, #tpu.memory_space<vmem>>
      %dma_wait3A_160 = tpu.memref_squeeze %dma_wait3A_159 : memref<1x1x64xi32, #tpu.memory_space<vmem>> -> memref<64xi32, #tpu.memory_space<vmem>>
      %dma_wait3A_161 = arith.constant 0 : i32
      %dma_wait3A_162 = arith.constant 0 : i32
      %dma_wait3A_163 = tpu.memref_slice %arg2[%dma_wait3A_161, %dma_wait3A_162] : memref<10240x128xf32, #tpu.memory_space<hbm>> -> memref<10240x128xf32, #tpu.memory_space<hbm>>
      tpu.wait_indirect_dma semaphore(%arg13 : memref<!tpu.dma_semaphore, #tpu.memory_space<semaphore_mem>>) src(%dma_wait3A_163 : memref<10240x128xf32, #tpu.memory_space<hbm>>) dst(%arg9 : memref<64x128xf32, #tpu.memory_space<vmem>>)
      "tpu.region"() ({
        %run_scoped3A_222 = tpu.sem_alloc : memref<!tpu.dma_semaphore, #tpu.memory_space<semaphore_mem>>
        %dma_start3A_223 = arith.constant 0 : i32
        %dma_start3A_224 = tpu.memref_slice %arg8[%rem3A_158, %sub3A_148, %dma_start3A_223] : memref<2x16x64xi32, #tpu.memory_space<vmem>> -> memref<1x1x64xi32, #tpu.memory_space<vmem>>
        %dma_start3A_225 = tpu.memref_squeeze %dma_start3A_224 : memref<1x1x64xi32, #tpu.memory_space<vmem>> -> memref<64xi32, #tpu.memory_space<vmem>>
        %dma_start3A_226 = arith.constant 0 : i32
        %dma_start3A_227 = arith.constant 0 : i32
        %dma_start3A_228 = tpu.memref_slice %arg12[%dma_start3A_226, %dma_start3A_227] : memref<10240x128xf32, #tpu.memory_space<vmem_shared>> -> memref<10240x128xf32, #tpu.memory_space<vmem_shared>>
        tpu.enqueue_indirect_dma source(%arg9 : memref<64x128xf32, #tpu.memory_space<vmem>>) target(%dma_start3A_228 : memref<10240x128xf32, #tpu.memory_space<vmem_shared>>) offsets(%dma_start3A_225 : memref<64xi32, #tpu.memory_space<vmem>>) semaphore(%run_scoped3A_222 : memref<!tpu.dma_semaphore, #tpu.memory_space<semaphore_mem>>) {add = true}
        %dma_wait3A_229 = arith.constant 0 : i32
        %dma_wait3A_230 = tpu.memref_slice %arg8[%rem3A_158, %sub3A_148, %dma_wait3A_229] : memref<2x16x64xi32, #tpu.memory_space<vmem>> -> memref<1x1x64xi32, #tpu.memory_space<vmem>>
        %dma_wait3A_231 = tpu.memref_squeeze %dma_wait3A_230 : memref<1x1x64xi32, #tpu.memory_space<vmem>> -> memref<64xi32, #tpu.memory_space<vmem>>
        %dma_wait3A_232 = arith.constant 0 : i32
        %dma_wait3A_233 = arith.constant 0 : i32
        %dma_wait3A_234 = tpu.memref_slice %arg12[%dma_wait3A_232, %dma_wait3A_233] : memref<10240x128xf32, #tpu.memory_space<vmem_shared>> -> memref<10240x128xf32, #tpu.memory_space<vmem_shared>>
        tpu.wait_indirect_dma semaphore(%run_scoped3A_222 : memref<!tpu.dma_semaphore, #tpu.memory_space<semaphore_mem>>) src(%arg9 : memref<64x128xf32, #tpu.memory_space<vmem>>) dst(%dma_wait3A_234 : memref<10240x128xf32, #tpu.memory_space<vmem_shared>>)
        tpu.yield
      }) : () -> ()
      %add3A_164 = arith.constant 2 : i32
      %add3A_165 = arith.addi %mul3A_121, %add3A_164 : i32
      %lt3A_166 = arith.cmpi slt, %add3A_165, %select_n3A : i32
      %convert_element_type3A_167 = arith.extui %lt3A_166 : i1 to i32
      %cond3A_168 = arith.constant 0 : i32
      %cond3A_169 = arith.cmpi ne, %convert_element_type3A_167, %cond3A_168 : i32
      scf.if %cond3A_169 {
        %add3A_222 = arith.constant 2 : i32
        %add3A_223 = arith.addi %mul3A_121, %add3A_222 : i32
        %jit3A_224 = arith.constant 16 : i32
        %div3A_225 = arith.divsi %add3A_223, %jit3A_224 : i32
        %sign3A_226 = arith.constant 0 : i32
        %sign3A_227 = arith.cmpi sgt, %add3A_223, %sign3A_226 : i32
        %sign3A_228 = arith.extui %sign3A_227 : i1 to i32
        %sign3A_229 = arith.constant 0 : i32
        %sign3A_230 = arith.cmpi slt, %add3A_223, %sign3A_229 : i32
        %sign3A_231 = arith.extui %sign3A_230 : i1 to i32
        %sign3A_232 = arith.subi %sign3A_228, %sign3A_231 : i32
        %sign3A_233 = arith.constant 0 : i32
        %sign3A_234 = arith.cmpi sgt, %jit3A_224, %sign3A_233 : i32
        %sign3A_235 = arith.extui %sign3A_234 : i1 to i32
        %sign3A_236 = arith.constant 0 : i32
        %sign3A_237 = arith.cmpi slt, %jit3A_224, %sign3A_236 : i32
        %sign3A_238 = arith.extui %sign3A_237 : i1 to i32
        %sign3A_239 = arith.subi %sign3A_235, %sign3A_238 : i32
        %ne3A_240 = arith.cmpi ne, %sign3A_232, %sign3A_239 : i32
        %rem3A_241 = arith.remsi %add3A_223, %jit3A_224 : i32
        %ne3A_242 = arith.constant 0 : i32
        %ne3A_243 = arith.cmpi ne, %rem3A_241, %ne3A_242 : i32
        %and3A_244 = arith.andi %ne3A_240, %ne3A_243 : i1
        %sub3A_245 = arith.constant 1 : i32
        %sub3A_246 = arith.subi %div3A_225, %sub3A_245 : i32
        %select_n3A_247 = arith.select %and3A_244, %sub3A_246, %div3A_225 : i32
        %rem3A_248 = arith.constant 2 : i32
        %rem3A_249 = arith.remsi %select_n3A_247, %rem3A_248 : i32
        %mul3A_250 = arith.constant 16 : i32
        %mul3A_251 = arith.muli %select_n3A_247, %mul3A_250 : i32
        %sub3A_252 = arith.subi %add3A_223, %mul3A_251 : i32
        %dma_start3A_253 = arith.constant 0 : i32
        %dma_start3A_254 = tpu.memref_slice %arg7[%rem3A_249, %sub3A_252, %dma_start3A_253] : memref<2x16x64xi32, #tpu.memory_space<vmem>> -> memref<1x1x64xi32, #tpu.memory_space<vmem>>
        %dma_start3A_255 = tpu.memref_squeeze %dma_start3A_254 : memref<1x1x64xi32, #tpu.memory_space<vmem>> -> memref<64xi32, #tpu.memory_space<vmem>>
        %dma_start3A_256 = arith.constant 0 : i32
        %dma_start3A_257 = arith.constant 0 : i32
        %dma_start3A_258 = tpu.memref_slice %arg2[%dma_start3A_256, %dma_start3A_257] : memref<10240x128xf32, #tpu.memory_space<hbm>> -> memref<10240x128xf32, #tpu.memory_space<hbm>>
        tpu.enqueue_indirect_dma source(%dma_start3A_258 : memref<10240x128xf32, #tpu.memory_space<hbm>>) target(%arg9 : memref<64x128xf32, #tpu.memory_space<vmem>>) offsets(%dma_start3A_255 : memref<64xi32, #tpu.memory_space<vmem>>) semaphore(%arg13 : memref<!tpu.dma_semaphore, #tpu.memory_space<semaphore_mem>>)
      } else {
      }
      %add3A_170 = arith.constant 1 : i32
      %add3A_171 = arith.addi %mul3A_121, %add3A_170 : i32
      %jit3A_172 = arith.constant 16 : i32
      %div3A_173 = arith.divsi %add3A_171, %jit3A_172 : i32
      %sign3A_174 = arith.constant 0 : i32
      %sign3A_175 = arith.cmpi sgt, %add3A_171, %sign3A_174 : i32
      %sign3A_176 = arith.extui %sign3A_175 : i1 to i32
      %sign3A_177 = arith.constant 0 : i32
      %sign3A_178 = arith.cmpi slt, %add3A_171, %sign3A_177 : i32
      %sign3A_179 = arith.extui %sign3A_178 : i1 to i32
      %sign3A_180 = arith.subi %sign3A_176, %sign3A_179 : i32
      %sign3A_181 = arith.constant 0 : i32
      %sign3A_182 = arith.cmpi sgt, %jit3A_172, %sign3A_181 : i32
      %sign3A_183 = arith.extui %sign3A_182 : i1 to i32
      %sign3A_184 = arith.constant 0 : i32
      %sign3A_185 = arith.cmpi slt, %jit3A_172, %sign3A_184 : i32
      %sign3A_186 = arith.extui %sign3A_185 : i1 to i32
      %sign3A_187 = arith.subi %sign3A_183, %sign3A_186 : i32
      %ne3A_188 = arith.cmpi ne, %sign3A_180, %sign3A_187 : i32
      %rem3A_189 = arith.remsi %add3A_171, %jit3A_172 : i32
      %ne3A_190 = arith.constant 0 : i32
      %ne3A_191 = arith.cmpi ne, %rem3A_189, %ne3A_190 : i32
      %and3A_192 = arith.andi %ne3A_188, %ne3A_191 : i1
      %sub3A_193 = arith.constant 1 : i32
      %sub3A_194 = arith.subi %div3A_173, %sub3A_193 : i32
      %select_n3A_195 = arith.select %and3A_192, %sub3A_194, %div3A_173 : i32
      %rem3A_196 = arith.constant 2 : i32
      %rem3A_197 = arith.remsi %select_n3A_195, %rem3A_196 : i32
      %mul3A_198 = arith.constant 16 : i32
      %mul3A_199 = arith.muli %select_n3A_195, %mul3A_198 : i32
      %sub3A_200 = arith.subi %add3A_171, %mul3A_199 : i32
      %dma_wait3A_201 = arith.constant 0 : i32
      %dma_wait3A_202 = tpu.memref_slice %arg7[%rem3A_197, %sub3A_200, %dma_wait3A_201] : memref<2x16x64xi32, #tpu.memory_space<vmem>> -> memref<1x1x64xi32, #tpu.memory_space<vmem>>
      %dma_wait3A_203 = tpu.memref_squeeze %dma_wait3A_202 : memref<1x1x64xi32, #tpu.memory_space<vmem>> -> memref<64xi32, #tpu.memory_space<vmem>>
      %dma_wait3A_204 = arith.constant 0 : i32
      %dma_wait3A_205 = arith.constant 0 : i32
      %dma_wait3A_206 = tpu.memref_slice %arg2[%dma_wait3A_204, %dma_wait3A_205] : memref<10240x128xf32, #tpu.memory_space<hbm>> -> memref<10240x128xf32, #tpu.memory_space<hbm>>
      tpu.wait_indirect_dma semaphore(%arg14 : memref<!tpu.dma_semaphore, #tpu.memory_space<semaphore_mem>>) src(%dma_wait3A_206 : memref<10240x128xf32, #tpu.memory_space<hbm>>) dst(%arg10 : memref<64x128xf32, #tpu.memory_space<vmem>>)
      "tpu.region"() ({
        %run_scoped3A_222 = tpu.sem_alloc : memref<!tpu.dma_semaphore, #tpu.memory_space<semaphore_mem>>
        %dma_start3A_223 = arith.constant 0 : i32
        %dma_start3A_224 = tpu.memref_slice %arg8[%rem3A_197, %sub3A_200, %dma_start3A_223] : memref<2x16x64xi32, #tpu.memory_space<vmem>> -> memref<1x1x64xi32, #tpu.memory_space<vmem>>
        %dma_start3A_225 = tpu.memref_squeeze %dma_start3A_224 : memref<1x1x64xi32, #tpu.memory_space<vmem>> -> memref<64xi32, #tpu.memory_space<vmem>>
        %dma_start3A_226 = arith.constant 0 : i32
        %dma_start3A_227 = arith.constant 0 : i32
        %dma_start3A_228 = tpu.memref_slice %arg12[%dma_start3A_226, %dma_start3A_227] : memref<10240x128xf32, #tpu.memory_space<vmem_shared>> -> memref<10240x128xf32, #tpu.memory_space<vmem_shared>>
        tpu.enqueue_indirect_dma source(%arg10 : memref<64x128xf32, #tpu.memory_space<vmem>>) target(%dma_start3A_228 : memref<10240x128xf32, #tpu.memory_space<vmem_shared>>) offsets(%dma_start3A_225 : memref<64xi32, #tpu.memory_space<vmem>>) semaphore(%run_scoped3A_222 : memref<!tpu.dma_semaphore, #tpu.memory_space<semaphore_mem>>) {add = true}
        %dma_wait3A_229 = arith.constant 0 : i32
        %dma_wait3A_230 = tpu.memref_slice %arg8[%rem3A_197, %sub3A_200, %dma_wait3A_229] : memref<2x16x64xi32, #tpu.memory_space<vmem>> -> memref<1x1x64xi32, #tpu.memory_space<vmem>>
        %dma_wait3A_231 = tpu.memref_squeeze %dma_wait3A_230 : memref<1x1x64xi32, #tpu.memory_space<vmem>> -> memref<64xi32, #tpu.memory_space<vmem>>
        %dma_wait3A_232 = arith.constant 0 : i32
        %dma_wait3A_233 = arith.constant 0 : i32
        %dma_wait3A_234 = tpu.memref_slice %arg12[%dma_wait3A_232, %dma_wait3A_233] : memref<10240x128xf32, #tpu.memory_space<vmem_shared>> -> memref<10240x128xf32, #tpu.memory_space<vmem_shared>>
        tpu.wait_indirect_dma semaphore(%run_scoped3A_222 : memref<!tpu.dma_semaphore, #tpu.memory_space<semaphore_mem>>) src(%arg10 : memref<64x128xf32, #tpu.memory_space<vmem>>) dst(%dma_wait3A_234 : memref<10240x128xf32, #tpu.memory_space<vmem_shared>>)
        tpu.yield
      }) : () -> ()
      %add3A_207 = arith.constant 3 : i32
      %add3A_208 = arith.addi %mul3A_121, %add3A_207 : i32
      %lt3A_209 = arith.cmpi slt, %add3A_208, %select_n3A : i32
      %convert_element_type3A_210 = arith.extui %lt3A_209 : i1 to i32
      %cond3A_211 = arith.constant 0 : i32
      %cond3A_212 = arith.cmpi ne, %convert_element_type3A_210, %cond3A_211 : i32
      scf.if %cond3A_212 {
        %add3A_222 = arith.constant 3 : i32
        %add3A_223 = arith.addi %mul3A_121, %add3A_222 : i32
        %jit3A_224 = arith.constant 16 : i32
        %div3A_225 = arith.divsi %add3A_223, %jit3A_224 : i32
        %sign3A_226 = arith.constant 0 : i32
        %sign3A_227 = arith.cmpi sgt, %add3A_223, %sign3A_226 : i32
        %sign3A_228 = arith.extui %sign3A_227 : i1 to i32
        %sign3A_229 = arith.constant 0 : i32
        %sign3A_230 = arith.cmpi slt, %add3A_223, %sign3A_229 : i32
        %sign3A_231 = arith.extui %sign3A_230 : i1 to i32
        %sign3A_232 = arith.subi %sign3A_228, %sign3A_231 : i32
        %sign3A_233 = arith.constant 0 : i32
        %sign3A_234 = arith.cmpi sgt, %jit3A_224, %sign3A_233 : i32
        %sign3A_235 = arith.extui %sign3A_234 : i1 to i32
        %sign3A_236 = arith.constant 0 : i32
        %sign3A_237 = arith.cmpi slt, %jit3A_224, %sign3A_236 : i32
        %sign3A_238 = arith.extui %sign3A_237 : i1 to i32
        %sign3A_239 = arith.subi %sign3A_235, %sign3A_238 : i32
        %ne3A_240 = arith.cmpi ne, %sign3A_232, %sign3A_239 : i32
        %rem3A_241 = arith.remsi %add3A_223, %jit3A_224 : i32
        %ne3A_242 = arith.constant 0 : i32
        %ne3A_243 = arith.cmpi ne, %rem3A_241, %ne3A_242 : i32
        %and3A_244 = arith.andi %ne3A_240, %ne3A_243 : i1
        %sub3A_245 = arith.constant 1 : i32
        %sub3A_246 = arith.subi %div3A_225, %sub3A_245 : i32
        %select_n3A_247 = arith.select %and3A_244, %sub3A_246, %div3A_225 : i32
        %rem3A_248 = arith.constant 2 : i32
        %rem3A_249 = arith.remsi %select_n3A_247, %rem3A_248 : i32
        %mul3A_250 = arith.constant 16 : i32
        %mul3A_251 = arith.muli %select_n3A_247, %mul3A_250 : i32
        %sub3A_252 = arith.subi %add3A_223, %mul3A_251 : i32
        %dma_start3A_253 = arith.constant 0 : i32
        %dma_start3A_254 = tpu.memref_slice %arg7[%rem3A_249, %sub3A_252, %dma_start3A_253] : memref<2x16x64xi32, #tpu.memory_space<vmem>> -> memref<1x1x64xi32, #tpu.memory_space<vmem>>
        %dma_start3A_255 = tpu.memref_squeeze %dma_start3A_254 : memref<1x1x64xi32, #tpu.memory_space<vmem>> -> memref<64xi32, #tpu.memory_space<vmem>>
        %dma_start3A_256 = arith.constant 0 : i32
        %dma_start3A_257 = arith.constant 0 : i32
        %dma_start3A_258 = tpu.memref_slice %arg2[%dma_start3A_256, %dma_start3A_257] : memref<10240x128xf32, #tpu.memory_space<hbm>> -> memref<10240x128xf32, #tpu.memory_space<hbm>>
        tpu.enqueue_indirect_dma source(%dma_start3A_258 : memref<10240x128xf32, #tpu.memory_space<hbm>>) target(%arg10 : memref<64x128xf32, #tpu.memory_space<vmem>>) offsets(%dma_start3A_255 : memref<64xi32, #tpu.memory_space<vmem>>) semaphore(%arg14 : memref<!tpu.dma_semaphore, #tpu.memory_space<semaphore_mem>>)
      } else {
      }
      %eq3A_213 = arith.constant 14 : i32
      %eq3A_214 = arith.cmpi eq, %sub3A_148, %eq3A_213 : i32
      %add3A_215 = arith.constant 2 : i32
      %add3A_216 = arith.addi %select_n3A_145, %add3A_215 : i32
      %lt3A_217 = arith.cmpi slt, %add3A_216, %select_n3A_19 : i32
      %and3A_218 = arith.andi %eq3A_214, %lt3A_217 : i1
      %convert_element_type3A_219 = arith.extui %and3A_218 : i1 to i32
      %cond3A_220 = arith.constant 0 : i32
      %cond3A_221 = arith.cmpi ne, %convert_element_type3A_219, %cond3A_220 : i32
      scf.if %cond3A_221 {
        %rem3A_222 = arith.constant 2 : i32
        %rem3A_223 = arith.remsi %select_n3A_145, %rem3A_222 : i32
        %add3A_224 = arith.constant 2 : i32
        %add3A_225 = arith.addi %select_n3A_145, %add3A_224 : i32
        %mul3A_226 = arith.constant 16 : i32
        %mul3A_227 = arith.muli %add3A_225, %mul3A_226 : i32
        %add3A_228 = arith.addi %select_n3A_26, %mul3A_227 : i32
        %dma_start3A_229 = arith.constant 0 : i32
        %dma_start3A_230 = arith.constant 0 : i32
        %dma_start3A_231 = tpu.memref_slice %arg7[%rem3A_223, %dma_start3A_229, %dma_start3A_230] : memref<2x16x64xi32, #tpu.memory_space<vmem>> -> memref<1x16x64xi32, #tpu.memory_space<vmem>>
        %dma_start3A_232 = tpu.memref_squeeze %dma_start3A_231 : memref<1x16x64xi32, #tpu.memory_space<vmem>> -> memref<16x64xi32, #tpu.memory_space<vmem>>
        %dma_start3A_233 = arith.constant 0 : i32
        %dma_start3A_234 = tpu.memref_slice %arg3[%add3A_228, %dma_start3A_233] : memref<5120x64xi32, #tpu.memory_space<hbm>> -> memref<16x64xi32, #tpu.memory_space<hbm>>
        %dma_start3A_235 = arith.constant 0 : i32
        %dma_start3A_236 = arith.constant 0 : i32
        %dma_start3A_237 = tpu.memref_slice %arg7[%rem3A_223, %dma_start3A_235, %dma_start3A_236] : memref<2x16x64xi32, #tpu.memory_space<vmem>> -> memref<1x16x64xi32, #tpu.memory_space<vmem>>
        %dma_start3A_238 = tpu.memref_squeeze %dma_start3A_237 : memref<1x16x64xi32, #tpu.memory_space<vmem>> -> memref<16x64xi32, #tpu.memory_space<vmem>>
        %dma_start3A_239 = arith.constant 0 : i32
        %dma_start3A_240 = tpu.memref_slice %arg3[%add3A_228, %dma_start3A_239] : memref<5120x64xi32, #tpu.memory_space<hbm>> -> memref<16x64xi32, #tpu.memory_space<hbm>>
        tpu.enqueue_dma source(%dma_start3A_240 : memref<16x64xi32, #tpu.memory_space<hbm>>) target(%dma_start3A_238 : memref<16x64xi32, #tpu.memory_space<vmem>>) target_semaphore(%arg15 : memref<!tpu.dma_semaphore, #tpu.memory_space<semaphore_mem>>)
        %dma_start3A_241 = arith.constant 0 : i32
        %dma_start3A_242 = arith.constant 0 : i32
        %dma_start3A_243 = tpu.memref_slice %arg8[%rem3A_223, %dma_start3A_241, %dma_start3A_242] : memref<2x16x64xi32, #tpu.memory_space<vmem>> -> memref<1x16x64xi32, #tpu.memory_space<vmem>>
        %dma_start3A_244 = tpu.memref_squeeze %dma_start3A_243 : memref<1x16x64xi32, #tpu.memory_space<vmem>> -> memref<16x64xi32, #tpu.memory_space<vmem>>
        %dma_start3A_245 = arith.constant 0 : i32
        %dma_start3A_246 = tpu.memref_slice %arg4[%add3A_228, %dma_start3A_245] : memref<5120x64xi32, #tpu.memory_space<hbm>> -> memref<16x64xi32, #tpu.memory_space<hbm>>
        %dma_start3A_247 = arith.constant 0 : i32
        %dma_start3A_248 = arith.constant 0 : i32
        %dma_start3A_249 = tpu.memref_slice %arg8[%rem3A_223, %dma_start3A_247, %dma_start3A_248] : memref<2x16x64xi32, #tpu.memory_space<vmem>> -> memref<1x16x64xi32, #tpu.memory_space<vmem>>
        %dma_start3A_250 = tpu.memref_squeeze %dma_start3A_249 : memref<1x16x64xi32, #tpu.memory_space<vmem>> -> memref<16x64xi32, #tpu.memory_space<vmem>>
        %dma_start3A_251 = arith.constant 0 : i32
        %dma_start3A_252 = tpu.memref_slice %arg4[%add3A_228, %dma_start3A_251] : memref<5120x64xi32, #tpu.memory_space<hbm>> -> memref<16x64xi32, #tpu.memory_space<hbm>>
        tpu.enqueue_dma source(%dma_start3A_252 : memref<16x64xi32, #tpu.memory_space<hbm>>) target(%dma_start3A_250 : memref<16x64xi32, #tpu.memory_space<vmem>>) target_semaphore(%arg16 : memref<!tpu.dma_semaphore, #tpu.memory_space<semaphore_mem>>)
      } else {
      }
    }
    %while3A_113 = arith.constant 1 : i32
    scf.for %while3A_119 = %while3A_111 to %while3A_107 step %while3A_113  : i32 {
      %mul3A_120 = arith.constant 2 : i32
      %mul3A_121 = arith.muli %mul3A_120, %while3A_119 : i32
      %jit3A_122 = arith.constant 16 : i32
      %div3A_123 = arith.divsi %mul3A_121, %jit3A_122 : i32
      %sign3A_124 = arith.constant 0 : i32
      %sign3A_125 = arith.cmpi sgt, %mul3A_121, %sign3A_124 : i32
      %sign3A_126 = arith.extui %sign3A_125 : i1 to i32
      %sign3A_127 = arith.constant 0 : i32
      %sign3A_128 = arith.cmpi slt, %mul3A_121, %sign3A_127 : i32
      %sign3A_129 = arith.extui %sign3A_128 : i1 to i32
      %sign3A_130 = arith.subi %sign3A_126, %sign3A_129 : i32
      %sign3A_131 = arith.constant 0 : i32
      %sign3A_132 = arith.cmpi sgt, %jit3A_122, %sign3A_131 : i32
      %sign3A_133 = arith.extui %sign3A_132 : i1 to i32
      %sign3A_134 = arith.constant 0 : i32
      %sign3A_135 = arith.cmpi slt, %jit3A_122, %sign3A_134 : i32
      %sign3A_136 = arith.extui %sign3A_135 : i1 to i32
      %sign3A_137 = arith.subi %sign3A_133, %sign3A_136 : i32
      %ne3A_138 = arith.cmpi ne, %sign3A_130, %sign3A_137 : i32
      %rem3A_139 = arith.remsi %mul3A_121, %jit3A_122 : i32
      %ne3A_140 = arith.constant 0 : i32
      %ne3A_141 = arith.cmpi ne, %rem3A_139, %ne3A_140 : i32
      %and3A_142 = arith.andi %ne3A_138, %ne3A_141 : i1
      %sub3A_143 = arith.constant 1 : i32
      %sub3A_144 = arith.subi %div3A_123, %sub3A_143 : i32
      %select_n3A_145 = arith.select %and3A_142, %sub3A_144, %div3A_123 : i32
      %mul3A_146 = arith.constant 16 : i32
      %mul3A_147 = arith.muli %select_n3A_145, %mul3A_146 : i32
      %sub3A_148 = arith.subi %mul3A_121, %mul3A_147 : i32
      %eq3A_149 = arith.constant 14 : i32
      %eq3A_150 = arith.cmpi eq, %sub3A_148, %eq3A_149 : i32
      %add3A_151 = arith.constant 1 : i32
      %add3A_152 = arith.addi %select_n3A_145, %add3A_151 : i32
      %lt3A = arith.cmpi slt, %add3A_152, %select_n3A_19 : i32
      %and3A_153 = arith.andi %eq3A_150, %lt3A : i1
      %convert_element_type3A_154 = arith.extui %and3A_153 : i1 to i32
      %cond3A_155 = arith.constant 0 : i32
      %cond3A_156 = arith.cmpi ne, %convert_element_type3A_154, %cond3A_155 : i32
      scf.if %cond3A_156 {
        %dma_wait3A_222 = arith.constant 0 : i32
        %dma_wait3A_223 = arith.constant 0 : i32
        %dma_wait3A_224 = arith.constant 0 : i32
        %dma_wait3A_225 = tpu.memref_slice %arg7[%dma_wait3A_222, %dma_wait3A_223, %dma_wait3A_224] : memref<2x16x64xi32, #tpu.memory_space<vmem>> -> memref<1x16x64xi32, #tpu.memory_space<vmem>>
        %dma_wait3A_226 = tpu.memref_squeeze %dma_wait3A_225 : memref<1x16x64xi32, #tpu.memory_space<vmem>> -> memref<16x64xi32, #tpu.memory_space<vmem>>
        %dma_wait3A_227 = arith.constant 0 : i32
        %dma_wait3A_228 = tpu.memref_slice %arg3[%select_n3A_26, %dma_wait3A_227] : memref<5120x64xi32, #tpu.memory_space<hbm>> -> memref<16x64xi32, #tpu.memory_space<hbm>>
        %dma_wait3A_229 = arith.constant 0 : i32
        %dma_wait3A_230 = arith.constant 0 : i32
        %dma_wait3A_231 = tpu.memref_slice %arg7[%dma_wait3A_222, %dma_wait3A_229, %dma_wait3A_230] : memref<2x16x64xi32, #tpu.memory_space<vmem>> -> memref<1x16x64xi32, #tpu.memory_space<vmem>>
        %dma_wait3A_232 = tpu.memref_squeeze %dma_wait3A_231 : memref<1x16x64xi32, #tpu.memory_space<vmem>> -> memref<16x64xi32, #tpu.memory_space<vmem>>
        %dma_wait3A_233 = arith.constant 0 : i32
        %dma_wait3A_234 = tpu.memref_slice %arg3[%select_n3A_26, %dma_wait3A_233] : memref<5120x64xi32, #tpu.memory_space<hbm>> -> memref<16x64xi32, #tpu.memory_space<hbm>>
        tpu.wait_dma2 semaphore(%arg15 : memref<!tpu.dma_semaphore, #tpu.memory_space<semaphore_mem>>) src(%dma_wait3A_234 : memref<16x64xi32, #tpu.memory_space<hbm>>) dst(%dma_wait3A_232 : memref<16x64xi32, #tpu.memory_space<vmem>>)
        %dma_wait3A_235 = arith.constant 0 : i32
        %dma_wait3A_236 = arith.constant 0 : i32
        %dma_wait3A_237 = arith.constant 0 : i32
        %dma_wait3A_238 = tpu.memref_slice %arg8[%dma_wait3A_235, %dma_wait3A_236, %dma_wait3A_237] : memref<2x16x64xi32, #tpu.memory_space<vmem>> -> memref<1x16x64xi32, #tpu.memory_space<vmem>>
        %dma_wait3A_239 = tpu.memref_squeeze %dma_wait3A_238 : memref<1x16x64xi32, #tpu.memory_space<vmem>> -> memref<16x64xi32, #tpu.memory_space<vmem>>
        %dma_wait3A_240 = arith.constant 0 : i32
        %dma_wait3A_241 = tpu.memref_slice %arg4[%select_n3A_26, %dma_wait3A_240] : memref<5120x64xi32, #tpu.memory_space<hbm>> -> memref<16x64xi32, #tpu.memory_space<hbm>>
        %dma_wait3A_242 = arith.constant 0 : i32
        %dma_wait3A_243 = arith.constant 0 : i32
        %dma_wait3A_244 = tpu.memref_slice %arg8[%dma_wait3A_235, %dma_wait3A_242, %dma_wait3A_243] : memref<2x16x64xi32, #tpu.memory_space<vmem>> -> memref<1x16x64xi32, #tpu.memory_space<vmem>>
        %dma_wait3A_245 = tpu.memref_squeeze %dma_wait3A_244 : memref<1x16x64xi32, #tpu.memory_space<vmem>> -> memref<16x64xi32, #tpu.memory_space<vmem>>
        %dma_wait3A_246 = arith.constant 0 : i32
        %dma_wait3A_247 = tpu.memref_slice %arg4[%select_n3A_26, %dma_wait3A_246] : memref<5120x64xi32, #tpu.memory_space<hbm>> -> memref<16x64xi32, #tpu.memory_space<hbm>>
        tpu.wait_dma2 semaphore(%arg16 : memref<!tpu.dma_semaphore, #tpu.memory_space<semaphore_mem>>) src(%dma_wait3A_247 : memref<16x64xi32, #tpu.memory_space<hbm>>) dst(%dma_wait3A_245 : memref<16x64xi32, #tpu.memory_space<vmem>>)
      } else {
      }
      %rem3A_157 = arith.constant 2 : i32
      %rem3A_158 = arith.remsi %select_n3A_145, %rem3A_157 : i32
      %dma_wait3A = arith.constant 0 : i32
      %dma_wait3A_159 = tpu.memref_slice %arg7[%rem3A_158, %sub3A_148, %dma_wait3A] : memref<2x16x64xi32, #tpu.memory_space<vmem>> -> memref<1x1x64xi32, #tpu.memory_space<vmem>>
      %dma_wait3A_160 = tpu.memref_squeeze %dma_wait3A_159 : memref<1x1x64xi32, #tpu.memory_space<vmem>> -> memref<64xi32, #tpu.memory_space<vmem>>
      %dma_wait3A_161 = arith.constant 0 : i32
      %dma_wait3A_162 = arith.constant 0 : i32
      %dma_wait3A_163 = tpu.memref_slice %arg2[%dma_wait3A_161, %dma_wait3A_162] : memref<10240x128xf32, #tpu.memory_space<hbm>> -> memref<10240x128xf32, #tpu.memory_space<hbm>>
      tpu.wait_indirect_dma semaphore(%arg13 : memref<!tpu.dma_semaphore, #tpu.memory_space<semaphore_mem>>) src(%dma_wait3A_163 : memref<10240x128xf32, #tpu.memory_space<hbm>>) dst(%arg9 : memref<64x128xf32, #tpu.memory_space<vmem>>)
      "tpu.region"() ({
        %run_scoped3A_222 = tpu.sem_alloc : memref<!tpu.dma_semaphore, #tpu.memory_space<semaphore_mem>>
        %dma_start3A_223 = arith.constant 0 : i32
        %dma_start3A_224 = tpu.memref_slice %arg8[%rem3A_158, %sub3A_148, %dma_start3A_223] : memref<2x16x64xi32, #tpu.memory_space<vmem>> -> memref<1x1x64xi32, #tpu.memory_space<vmem>>
        %dma_start3A_225 = tpu.memref_squeeze %dma_start3A_224 : memref<1x1x64xi32, #tpu.memory_space<vmem>> -> memref<64xi32, #tpu.memory_space<vmem>>
        %dma_start3A_226 = arith.constant 0 : i32
        %dma_start3A_227 = arith.constant 0 : i32
        %dma_start3A_228 = tpu.memref_slice %arg12[%dma_start3A_226, %dma_start3A_227] : memref<10240x128xf32, #tpu.memory_space<vmem_shared>> -> memref<10240x128xf32, #tpu.memory_space<vmem_shared>>
        tpu.enqueue_indirect_dma source(%arg9 : memref<64x128xf32, #tpu.memory_space<vmem>>) target(%dma_start3A_228 : memref<10240x128xf32, #tpu.memory_space<vmem_shared>>) offsets(%dma_start3A_225 : memref<64xi32, #tpu.memory_space<vmem>>) semaphore(%run_scoped3A_222 : memref<!tpu.dma_semaphore, #tpu.memory_space<semaphore_mem>>) {add = true}
        %dma_wait3A_229 = arith.constant 0 : i32
        %dma_wait3A_230 = tpu.memref_slice %arg8[%rem3A_158, %sub3A_148, %dma_wait3A_229] : memref<2x16x64xi32, #tpu.memory_space<vmem>> -> memref<1x1x64xi32, #tpu.memory_space<vmem>>
        %dma_wait3A_231 = tpu.memref_squeeze %dma_wait3A_230 : memref<1x1x64xi32, #tpu.memory_space<vmem>> -> memref<64xi32, #tpu.memory_space<vmem>>
        %dma_wait3A_232 = arith.constant 0 : i32
        %dma_wait3A_233 = arith.constant 0 : i32
        %dma_wait3A_234 = tpu.memref_slice %arg12[%dma_wait3A_232, %dma_wait3A_233] : memref<10240x128xf32, #tpu.memory_space<vmem_shared>> -> memref<10240x128xf32, #tpu.memory_space<vmem_shared>>
        tpu.wait_indirect_dma semaphore(%run_scoped3A_222 : memref<!tpu.dma_semaphore, #tpu.memory_space<semaphore_mem>>) src(%arg9 : memref<64x128xf32, #tpu.memory_space<vmem>>) dst(%dma_wait3A_234 : memref<10240x128xf32, #tpu.memory_space<vmem_shared>>)
        tpu.yield
      }) : () -> ()
      %add3A_164 = arith.constant 2 : i32
      %add3A_165 = arith.addi %mul3A_121, %add3A_164 : i32
      %lt3A_166 = arith.cmpi slt, %add3A_165, %select_n3A : i32
      %convert_element_type3A_167 = arith.extui %lt3A_166 : i1 to i32
      %cond3A_168 = arith.constant 0 : i32
      %cond3A_169 = arith.cmpi ne, %convert_element_type3A_167, %cond3A_168 : i32
      scf.if %cond3A_169 {
        %add3A_222 = arith.constant 2 : i32
        %add3A_223 = arith.addi %mul3A_121, %add3A_222 : i32
        %jit3A_224 = arith.constant 16 : i32
        %div3A_225 = arith.divsi %add3A_223, %jit3A_224 : i32
        %sign3A_226 = arith.constant 0 : i32
        %sign3A_227 = arith.cmpi sgt, %add3A_223, %sign3A_226 : i32
        %sign3A_228 = arith.extui %sign3A_227 : i1 to i32
        %sign3A_229 = arith.constant 0 : i32
        %sign3A_230 = arith.cmpi slt, %add3A_223, %sign3A_229 : i32
        %sign3A_231 = arith.extui %sign3A_230 : i1 to i32
        %sign3A_232 = arith.subi %sign3A_228, %sign3A_231 : i32
        %sign3A_233 = arith.constant 0 : i32
        %sign3A_234 = arith.cmpi sgt, %jit3A_224, %sign3A_233 : i32
        %sign3A_235 = arith.extui %sign3A_234 : i1 to i32
        %sign3A_236 = arith.constant 0 : i32
        %sign3A_237 = arith.cmpi slt, %jit3A_224, %sign3A_236 : i32
        %sign3A_238 = arith.extui %sign3A_237 : i1 to i32
        %sign3A_239 = arith.subi %sign3A_235, %sign3A_238 : i32
        %ne3A_240 = arith.cmpi ne, %sign3A_232, %sign3A_239 : i32
        %rem3A_241 = arith.remsi %add3A_223, %jit3A_224 : i32
        %ne3A_242 = arith.constant 0 : i32
        %ne3A_243 = arith.cmpi ne, %rem3A_241, %ne3A_242 : i32
        %and3A_244 = arith.andi %ne3A_240, %ne3A_243 : i1
        %sub3A_245 = arith.constant 1 : i32
        %sub3A_246 = arith.subi %div3A_225, %sub3A_245 : i32
        %select_n3A_247 = arith.select %and3A_244, %sub3A_246, %div3A_225 : i32
        %rem3A_248 = arith.constant 2 : i32
        %rem3A_249 = arith.remsi %select_n3A_247, %rem3A_248 : i32
        %mul3A_250 = arith.constant 16 : i32
        %mul3A_251 = arith.muli %select_n3A_247, %mul3A_250 : i32
        %sub3A_252 = arith.subi %add3A_223, %mul3A_251 : i32
        %dma_start3A_253 = arith.constant 0 : i32
        %dma_start3A_254 = tpu.memref_slice %arg7[%rem3A_249, %sub3A_252, %dma_start3A_253] : memref<2x16x64xi32, #tpu.memory_space<vmem>> -> memref<1x1x64xi32, #tpu.memory_space<vmem>>
        %dma_start3A_255 = tpu.memref_squeeze %dma_start3A_254 : memref<1x1x64xi32, #tpu.memory_space<vmem>> -> memref<64xi32, #tpu.memory_space<vmem>>
        %dma_start3A_256 = arith.constant 0 : i32
        %dma_start3A_257 = arith.constant 0 : i32
        %dma_start3A_258 = tpu.memref_slice %arg2[%dma_start3A_256, %dma_start3A_257] : memref<10240x128xf32, #tpu.memory_space<hbm>> -> memref<10240x128xf32, #tpu.memory_space<hbm>>
        tpu.enqueue_indirect_dma source(%dma_start3A_258 : memref<10240x128xf32, #tpu.memory_space<hbm>>) target(%arg9 : memref<64x128xf32, #tpu.memory_space<vmem>>) offsets(%dma_start3A_255 : memref<64xi32, #tpu.memory_space<vmem>>) semaphore(%arg13 : memref<!tpu.dma_semaphore, #tpu.memory_space<semaphore_mem>>)
      } else {
      }
      %add3A_170 = arith.constant 1 : i32
      %add3A_171 = arith.addi %mul3A_121, %add3A_170 : i32
      %jit3A_172 = arith.constant 16 : i32
      %div3A_173 = arith.divsi %add3A_171, %jit3A_172 : i32
      %sign3A_174 = arith.constant 0 : i32
      %sign3A_175 = arith.cmpi sgt, %add3A_171, %sign3A_174 : i32
      %sign3A_176 = arith.extui %sign3A_175 : i1 to i32
      %sign3A_177 = arith.constant 0 : i32
      %sign3A_178 = arith.cmpi slt, %add3A_171, %sign3A_177 : i32
      %sign3A_179 = arith.extui %sign3A_178 : i1 to i32
      %sign3A_180 = arith.subi %sign3A_176, %sign3A_179 : i32
      %sign3A_181 = arith.constant 0 : i32
      %sign3A_182 = arith.cmpi sgt, %jit3A_172, %sign3A_181 : i32
      %sign3A_183 = arith.extui %sign3A_182 : i1 to i32
      %sign3A_184 = arith.constant 0 : i32
      %sign3A_185 = arith.cmpi slt, %jit3A_172, %sign3A_184 : i32
      %sign3A_186 = arith.extui %sign3A_185 : i1 to i32
      %sign3A_187 = arith.subi %sign3A_183, %sign3A_186 : i32
      %ne3A_188 = arith.cmpi ne, %sign3A_180, %sign3A_187 : i32
      %rem3A_189 = arith.remsi %add3A_171, %jit3A_172 : i32
      %ne3A_190 = arith.constant 0 : i32
      %ne3A_191 = arith.cmpi ne, %rem3A_189, %ne3A_190 : i32
      %and3A_192 = arith.andi %ne3A_188, %ne3A_191 : i1
      %sub3A_193 = arith.constant 1 : i32
      %sub3A_194 = arith.subi %div3A_173, %sub3A_193 : i32
      %select_n3A_195 = arith.select %and3A_192, %sub3A_194, %div3A_173 : i32
      %rem3A_196 = arith.constant 2 : i32
      %rem3A_197 = arith.remsi %select_n3A_195, %rem3A_196 : i32
      %mul3A_198 = arith.constant 16 : i32
      %mul3A_199 = arith.muli %select_n3A_195, %mul3A_198 : i32
      %sub3A_200 = arith.subi %add3A_171, %mul3A_199 : i32
      %dma_wait3A_201 = arith.constant 0 : i32
      %dma_wait3A_202 = tpu.memref_slice %arg7[%rem3A_197, %sub3A_200, %dma_wait3A_201] : memref<2x16x64xi32, #tpu.memory_space<vmem>> -> memref<1x1x64xi32, #tpu.memory_space<vmem>>
      %dma_wait3A_203 = tpu.memref_squeeze %dma_wait3A_202 : memref<1x1x64xi32, #tpu.memory_space<vmem>> -> memref<64xi32, #tpu.memory_space<vmem>>
      %dma_wait3A_204 = arith.constant 0 : i32
      %dma_wait3A_205 = arith.constant 0 : i32
      %dma_wait3A_206 = tpu.memref_slice %arg2[%dma_wait3A_204, %dma_wait3A_205] : memref<10240x128xf32, #tpu.memory_space<hbm>> -> memref<10240x128xf32, #tpu.memory_space<hbm>>
      tpu.wait_indirect_dma semaphore(%arg14 : memref<!tpu.dma_semaphore, #tpu.memory_space<semaphore_mem>>) src(%dma_wait3A_206 : memref<10240x128xf32, #tpu.memory_space<hbm>>) dst(%arg10 : memref<64x128xf32, #tpu.memory_space<vmem>>)
      "tpu.region"() ({
        %run_scoped3A_222 = tpu.sem_alloc : memref<!tpu.dma_semaphore, #tpu.memory_space<semaphore_mem>>
        %dma_start3A_223 = arith.constant 0 : i32
        %dma_start3A_224 = tpu.memref_slice %arg8[%rem3A_197, %sub3A_200, %dma_start3A_223] : memref<2x16x64xi32, #tpu.memory_space<vmem>> -> memref<1x1x64xi32, #tpu.memory_space<vmem>>
        %dma_start3A_225 = tpu.memref_squeeze %dma_start3A_224 : memref<1x1x64xi32, #tpu.memory_space<vmem>> -> memref<64xi32, #tpu.memory_space<vmem>>
        %dma_start3A_226 = arith.constant 0 : i32
        %dma_start3A_227 = arith.constant 0 : i32
        %dma_start3A_228 = tpu.memref_slice %arg12[%dma_start3A_226, %dma_start3A_227] : memref<10240x128xf32, #tpu.memory_space<vmem_shared>> -> memref<10240x128xf32, #tpu.memory_space<vmem_shared>>
        tpu.enqueue_indirect_dma source(%arg10 : memref<64x128xf32, #tpu.memory_space<vmem>>) target(%dma_start3A_228 : memref<10240x128xf32, #tpu.memory_space<vmem_shared>>) offsets(%dma_start3A_225 : memref<64xi32, #tpu.memory_space<vmem>>) semaphore(%run_scoped3A_222 : memref<!tpu.dma_semaphore, #tpu.memory_space<semaphore_mem>>) {add = true}
        %dma_wait3A_229 = arith.constant 0 : i32
        %dma_wait3A_230 = tpu.memref_slice %arg8[%rem3A_197, %sub3A_200, %dma_wait3A_229] : memref<2x16x64xi32, #tpu.memory_space<vmem>> -> memref<1x1x64xi32, #tpu.memory_space<vmem>>
        %dma_wait3A_231 = tpu.memref_squeeze %dma_wait3A_230 : memref<1x1x64xi32, #tpu.memory_space<vmem>> -> memref<64xi32, #tpu.memory_space<vmem>>
        %dma_wait3A_232 = arith.constant 0 : i32
        %dma_wait3A_233 = arith.constant 0 : i32
        %dma_wait3A_234 = tpu.memref_slice %arg12[%dma_wait3A_232, %dma_wait3A_233] : memref<10240x128xf32, #tpu.memory_space<vmem_shared>> -> memref<10240x128xf32, #tpu.memory_space<vmem_shared>>
        tpu.wait_indirect_dma semaphore(%run_scoped3A_222 : memref<!tpu.dma_semaphore, #tpu.memory_space<semaphore_mem>>) src(%arg10 : memref<64x128xf32, #tpu.memory_space<vmem>>) dst(%dma_wait3A_234 : memref<10240x128xf32, #tpu.memory_space<vmem_shared>>)
        tpu.yield
      }) : () -> ()
      %add3A_207 = arith.constant 3 : i32
      %add3A_208 = arith.addi %mul3A_121, %add3A_207 : i32
      %lt3A_209 = arith.cmpi slt, %add3A_208, %select_n3A : i32
      %convert_element_type3A_210 = arith.extui %lt3A_209 : i1 to i32
      %cond3A_211 = arith.constant 0 : i32
      %cond3A_212 = arith.cmpi ne, %convert_element_type3A_210, %cond3A_211 : i32
      scf.if %cond3A_212 {
        %add3A_222 = arith.constant 3 : i32
        %add3A_223 = arith.addi %mul3A_121, %add3A_222 : i32
        %jit3A_224 = arith.constant 16 : i32
        %div3A_225 = arith.divsi %add3A_223, %jit3A_224 : i32
        %sign3A_226 = arith.constant 0 : i32
        %sign3A_227 = arith.cmpi sgt, %add3A_223, %sign3A_226 : i32
        %sign3A_228 = arith.extui %sign3A_227 : i1 to i32
        %sign3A_229 = arith.constant 0 : i32
        %sign3A_230 = arith.cmpi slt, %add3A_223, %sign3A_229 : i32
        %sign3A_231 = arith.extui %sign3A_230 : i1 to i32
        %sign3A_232 = arith.subi %sign3A_228, %sign3A_231 : i32
        %sign3A_233 = arith.constant 0 : i32
        %sign3A_234 = arith.cmpi sgt, %jit3A_224, %sign3A_233 : i32
        %sign3A_235 = arith.extui %sign3A_234 : i1 to i32
        %sign3A_236 = arith.constant 0 : i32
        %sign3A_237 = arith.cmpi slt, %jit3A_224, %sign3A_236 : i32
        %sign3A_238 = arith.extui %sign3A_237 : i1 to i32
        %sign3A_239 = arith.subi %sign3A_235, %sign3A_238 : i32
        %ne3A_240 = arith.cmpi ne, %sign3A_232, %sign3A_239 : i32
        %rem3A_241 = arith.remsi %add3A_223, %jit3A_224 : i32
        %ne3A_242 = arith.constant 0 : i32
        %ne3A_243 = arith.cmpi ne, %rem3A_241, %ne3A_242 : i32
        %and3A_244 = arith.andi %ne3A_240, %ne3A_243 : i1
        %sub3A_245 = arith.constant 1 : i32
        %sub3A_246 = arith.subi %div3A_225, %sub3A_245 : i32
        %select_n3A_247 = arith.select %and3A_244, %sub3A_246, %div3A_225 : i32
        %rem3A_248 = arith.constant 2 : i32
        %rem3A_249 = arith.remsi %select_n3A_247, %rem3A_248 : i32
        %mul3A_250 = arith.constant 16 : i32
        %mul3A_251 = arith.muli %select_n3A_247, %mul3A_250 : i32
        %sub3A_252 = arith.subi %add3A_223, %mul3A_251 : i32
        %dma_start3A_253 = arith.constant 0 : i32
        %dma_start3A_254 = tpu.memref_slice %arg7[%rem3A_249, %sub3A_252, %dma_start3A_253] : memref<2x16x64xi32, #tpu.memory_space<vmem>> -> memref<1x1x64xi32, #tpu.memory_space<vmem>>
        %dma_start3A_255 = tpu.memref_squeeze %dma_start3A_254 : memref<1x1x64xi32, #tpu.memory_space<vmem>> -> memref<64xi32, #tpu.memory_space<vmem>>
        %dma_start3A_256 = arith.constant 0 : i32
        %dma_start3A_257 = arith.constant 0 : i32
        %dma_start3A_258 = tpu.memref_slice %arg2[%dma_start3A_256, %dma_start3A_257] : memref<10240x128xf32, #tpu.memory_space<hbm>> -> memref<10240x128xf32, #tpu.memory_space<hbm>>
        tpu.enqueue_indirect_dma source(%dma_start3A_258 : memref<10240x128xf32, #tpu.memory_space<hbm>>) target(%arg10 : memref<64x128xf32, #tpu.memory_space<vmem>>) offsets(%dma_start3A_255 : memref<64xi32, #tpu.memory_space<vmem>>) semaphore(%arg14 : memref<!tpu.dma_semaphore, #tpu.memory_space<semaphore_mem>>)
      } else {
      }
      %eq3A_213 = arith.constant 14 : i32
      %eq3A_214 = arith.cmpi eq, %sub3A_148, %eq3A_213 : i32
      %add3A_215 = arith.constant 2 : i32
      %add3A_216 = arith.addi %select_n3A_145, %add3A_215 : i32
      %lt3A_217 = arith.cmpi slt, %add3A_216, %select_n3A_19 : i32
      %and3A_218 = arith.andi %eq3A_214, %lt3A_217 : i1
      %convert_element_type3A_219 = arith.extui %and3A_218 : i1 to i32
      %cond3A_220 = arith.constant 0 : i32
      %cond3A_221 = arith.cmpi ne, %convert_element_type3A_219, %cond3A_220 : i32
      scf.if %cond3A_221 {
        %rem3A_222 = arith.constant 2 : i32
        %rem3A_223 = arith.remsi %select_n3A_145, %rem3A_222 : i32
        %add3A_224 = arith.constant 2 : i32
        %add3A_225 = arith.addi %select_n3A_145, %add3A_224 : i32
        %mul3A_226 = arith.constant 16 : i32
        %mul3A_227 = arith.muli %add3A_225, %mul3A_226 : i32
        %add3A_228 = arith.addi %select_n3A_26, %mul3A_227 : i32
        %dma_start3A_229 = arith.constant 0 : i32
        %dma_start3A_230 = arith.constant 0 : i32
        %dma_start3A_231 = tpu.memref_slice %arg7[%rem3A_223, %dma_start3A_229, %dma_start3A_230] : memref<2x16x64xi32, #tpu.memory_space<vmem>> -> memref<1x16x64xi32, #tpu.memory_space<vmem>>
        %dma_start3A_232 = tpu.memref_squeeze %dma_start3A_231 : memref<1x16x64xi32, #tpu.memory_space<vmem>> -> memref<16x64xi32, #tpu.memory_space<vmem>>
        %dma_start3A_233 = arith.constant 0 : i32
        %dma_start3A_234 = tpu.memref_slice %arg3[%add3A_228, %dma_start3A_233] : memref<5120x64xi32, #tpu.memory_space<hbm>> -> memref<16x64xi32, #tpu.memory_space<hbm>>
        %dma_start3A_235 = arith.constant 0 : i32
        %dma_start3A_236 = arith.constant 0 : i32
        %dma_start3A_237 = tpu.memref_slice %arg7[%rem3A_223, %dma_start3A_235, %dma_start3A_236] : memref<2x16x64xi32, #tpu.memory_space<vmem>> -> memref<1x16x64xi32, #tpu.memory_space<vmem>>
        %dma_start3A_238 = tpu.memref_squeeze %dma_start3A_237 : memref<1x16x64xi32, #tpu.memory_space<vmem>> -> memref<16x64xi32, #tpu.memory_space<vmem>>
        %dma_start3A_239 = arith.constant 0 : i32
        %dma_start3A_240 = tpu.memref_slice %arg3[%add3A_228, %dma_start3A_239] : memref<5120x64xi32, #tpu.memory_space<hbm>> -> memref<16x64xi32, #tpu.memory_space<hbm>>
        tpu.enqueue_dma source(%dma_start3A_240 : memref<16x64xi32, #tpu.memory_space<hbm>>) target(%dma_start3A_238 : memref<16x64xi32, #tpu.memory_space<vmem>>) target_semaphore(%arg15 : memref<!tpu.dma_semaphore, #tpu.memory_space<semaphore_mem>>)
        %dma_start3A_241 = arith.constant 0 : i32
        %dma_start3A_242 = arith.constant 0 : i32
        %dma_start3A_243 = tpu.memref_slice %arg8[%rem3A_223, %dma_start3A_241, %dma_start3A_242] : memref<2x16x64xi32, #tpu.memory_space<vmem>> -> memref<1x16x64xi32, #tpu.memory_space<vmem>>
        %dma_start3A_244 = tpu.memref_squeeze %dma_start3A_243 : memref<1x16x64xi32, #tpu.memory_space<vmem>> -> memref<16x64xi32, #tpu.memory_space<vmem>>
        %dma_start3A_245 = arith.constant 0 : i32
        %dma_start3A_246 = tpu.memref_slice %arg4[%add3A_228, %dma_start3A_245] : memref<5120x64xi32, #tpu.memory_space<hbm>> -> memref<16x64xi32, #tpu.memory_space<hbm>>
        %dma_start3A_247 = arith.constant 0 : i32
        %dma_start3A_248 = arith.constant 0 : i32
        %dma_start3A_249 = tpu.memref_slice %arg8[%rem3A_223, %dma_start3A_247, %dma_start3A_248] : memref<2x16x64xi32, #tpu.memory_space<vmem>> -> memref<1x16x64xi32, #tpu.memory_space<vmem>>
        %dma_start3A_250 = tpu.memref_squeeze %dma_start3A_249 : memref<1x16x64xi32, #tpu.memory_space<vmem>> -> memref<16x64xi32, #tpu.memory_space<vmem>>
        %dma_start3A_251 = arith.constant 0 : i32
        %dma_start3A_252 = tpu.memref_slice %arg4[%add3A_228, %dma_start3A_251] : memref<5120x64xi32, #tpu.memory_space<hbm>> -> memref<16x64xi32, #tpu.memory_space<hbm>>
        tpu.enqueue_dma source(%dma_start3A_252 : memref<16x64xi32, #tpu.memory_space<hbm>>) target(%dma_start3A_250 : memref<16x64xi32, #tpu.memory_space<vmem>>) target_semaphore(%arg16 : memref<!tpu.dma_semaphore, #tpu.memory_space<semaphore_mem>>)
      } else {
      }
    }
    %barrier3A_114 = arith.constant 0 : index
    tpu.barrier barrier_id(%barrier3A_114)
    %mul3A_115 = arith.constant 640 : i32
    %mul3A_116 = arith.muli %arg1, %mul3A_115 : i32
    %mul3A_117 = arith.constant 640 : i32
    %mul3A_118 = arith.muli %arg1, %mul3A_117 : i32
    "tpu.region"() ({
      %run_scoped3A_119 = tpu.sem_alloc : memref<!tpu.dma_semaphore, #tpu.memory_space<semaphore_mem>>
      %dma_start3A_120 = arith.constant 0 : i32
      %dma_start3A_121 = tpu.memref_slice %arg6[%arg0, %mul3A_118, %dma_start3A_120] : memref<2x10240x128xf32, #tpu.memory_space<hbm>> -> memref<1x640x128xf32, #tpu.memory_space<hbm>>
      %dma_start3A_122 = tpu.memref_squeeze %dma_start3A_121 : memref<1x640x128xf32, #tpu.memory_space<hbm>> -> memref<640x128xf32, #tpu.memory_space<hbm>>
      %dma_start3A_123 = arith.constant 0 : i32
      %dma_start3A_124 = tpu.memref_slice %arg12[%mul3A_116, %dma_start3A_123] : memref<10240x128xf32, #tpu.memory_space<vmem_shared>> -> memref<640x128xf32, #tpu.memory_space<vmem_shared>>
      tpu.enqueue_dma source(%dma_start3A_124 : memref<640x128xf32, #tpu.memory_space<vmem_shared>>) target(%dma_start3A_122 : memref<640x128xf32, #tpu.memory_space<hbm>>) target_semaphore(%run_scoped3A_119 : memref<!tpu.dma_semaphore, #tpu.memory_space<semaphore_mem>>)
      %dma_wait3A = arith.constant 0 : i32
      %dma_wait3A_125 = tpu.memref_slice %arg6[%arg0, %mul3A_118, %dma_wait3A] : memref<2x10240x128xf32, #tpu.memory_space<hbm>> -> memref<1x640x128xf32, #tpu.memory_space<hbm>>
      %dma_wait3A_126 = tpu.memref_squeeze %dma_wait3A_125 : memref<1x640x128xf32, #tpu.memory_space<hbm>> -> memref<640x128xf32, #tpu.memory_space<hbm>>
      %dma_wait3A_127 = arith.constant 0 : i32
      %dma_wait3A_128 = tpu.memref_slice %arg12[%mul3A_116, %dma_wait3A_127] : memref<10240x128xf32, #tpu.memory_space<vmem_shared>> -> memref<640x128xf32, #tpu.memory_space<vmem_shared>>
      tpu.wait_dma2 semaphore(%run_scoped3A_119 : memref<!tpu.dma_semaphore, #tpu.memory_space<semaphore_mem>>) src(%dma_wait3A_128 : memref<640x128xf32, #tpu.memory_space<vmem_shared>>) dst(%dma_wait3A_126 : memref<640x128xf32, #tpu.memory_space<hbm>>)
      tpu.yield
    }) : () -> ()
    return
  }
}

module attributes {stable_mosaic.version = 14 : i64} {
  func.func @_prep_body(%arg0: i32, %arg1: memref<1280x128xf32, #tpu.memory_space<vmem>>, %arg2: memref<2x1280x1xf32, #tpu.memory_space<vmem>>, %arg3: memref<128x128xf32, #tpu.memory_space<vmem>>, %arg4: memref<1x128xf32, #tpu.memory_space<vmem>>, %arg5: memref<128x128xf32, #tpu.memory_space<vmem>>, %arg6: memref<1280x128xf32, #tpu.memory_space<vmem>>, %arg7: memref<1280x128xf32, #tpu.memory_space<vmem>>, %arg8: memref<1280x1xf32, #tpu.memory_space<vmem>>) attributes {dimension_semantics = [#tpu.dimension_semantics<arbitrary>], iteration_bounds = array<i64: 8>, scalar_prefetch = 0 : i64, scratch_operands = 0 : i64, tpu.core_type = #tpu.core_type<tc>, window_params = [{transform_indices = @transform_0, window_bounds = array<i64: 1280, 128>}, {transform_indices = @transform_1, window_bounds = array<i64: 2, 1280, 1>}, {pipeline_mode = #tpu.pipeline_mode<synchronous>, transform_indices = @transform_2, window_bounds = array<i64: 128, 128>}, {pipeline_mode = #tpu.pipeline_mode<synchronous>, transform_indices = @transform_3, window_bounds = array<i64: 1, 128>}, {pipeline_mode = #tpu.pipeline_mode<synchronous>, transform_indices = @transform_4, window_bounds = array<i64: 128, 128>}, {transform_indices = @transform_5, window_bounds = array<i64: 1280, 128>}, {transform_indices = @transform_6, window_bounds = array<i64: 1280, 128>}, {transform_indices = @transform_7, window_bounds = array<i64: 1280, 1>}]} {
    %get3A = arith.constant 0 : index
    %get3A_0 = arith.constant 0 : index
    %get3A_1 = arith.constant 0 : index
    %get3A_2 = vector.load %arg2[%get3A, %get3A_0, %get3A_1] : memref<2x1280x1xf32, #tpu.memory_space<vmem>>, vector<1x1280x1xf32>
    %get3A_3 = vector.shape_cast %get3A_2 : vector<1x1280x1xf32> to vector<1280x1xf32>
    %get3A_4 = arith.constant 1 : index
    %get3A_5 = arith.constant 0 : index
    %get3A_6 = arith.constant 0 : index
    %get3A_7 = vector.load %arg2[%get3A_4, %get3A_5, %get3A_6] : memref<2x1280x1xf32, #tpu.memory_space<vmem>>, vector<1x1280x1xf32>
    %get3A_8 = vector.shape_cast %get3A_7 : vector<1x1280x1xf32> to vector<1280x1xf32>
    %add3A = arith.addf %get3A_3, %get3A_8 : vector<1280x1xf32>
    %add3A_9 = arith.constant 1.000000e+00 : f32
    %add3A_10 = vector.broadcast %add3A_9 : f32 to vector<1280x1xf32>
    %add3A_11 = arith.addf %add3A, %add3A_10 : vector<1280x1xf32>
    %rsqrt3A = math.rsqrt %add3A_11 : vector<1280x1xf32>
    %get3A_12 = arith.constant 0 : index
    %get3A_13 = arith.constant 0 : index
    %get3A_14 = vector.load %arg1[%get3A_12, %get3A_13] : memref<1280x128xf32, #tpu.memory_space<vmem>>, vector<1280x128xf32>
    %get3A_15 = arith.constant 0 : index
    %get3A_16 = arith.constant 0 : index
    %get3A_17 = vector.load %arg3[%get3A_15, %get3A_16] : memref<128x128xf32, #tpu.memory_space<vmem>>, vector<128x128xf32>
    %dot_general3A = arith.constant dense<0.000000e+00> : vector<1280x128xf32>
    %dot_general3A_18 = tpu.matmul %get3A_14, %get3A_17, %dot_general3A {dimension_numbers = #tpu.dot_dimension_numbers<[1], [1], [0], [0], [0, 0, 1, 0], [], []>, transpose_lhs_hint = false} : vector<1280x128xf32>, vector<128x128xf32>, vector<1280x128xf32> -> vector<1280x128xf32>
    %get3A_19 = arith.constant 0 : index
    %get3A_20 = arith.constant 0 : index
    %get3A_21 = vector.load %arg4[%get3A_19, %get3A_20] : memref<1x128xf32, #tpu.memory_space<vmem>>, vector<1x128xf32>
    %add3A_22 = vector.broadcast %get3A_21 : vector<1x128xf32> to vector<1280x128xf32>
    %add3A_23 = arith.addf %dot_general3A_18, %add3A_22 : vector<1280x128xf32>
    %swap3A = arith.constant 0 : index
    %swap3A_24 = arith.constant 0 : index
    %swap3A_25 = vector.load %arg6[%swap3A, %swap3A_24] : memref<1280x128xf32, #tpu.memory_space<vmem>>, vector<1280x128xf32>
    tpu.vector_store %arg6[%swap3A, %swap3A_24], %add3A_23 {strides = array<i32>} : memref<1280x128xf32, #tpu.memory_space<vmem>>, vector<1280x128xf32>,
    %get3A_26 = arith.constant 0 : index
    %get3A_27 = arith.constant 0 : index
    %get3A_28 = vector.load %arg5[%get3A_26, %get3A_27] : memref<128x128xf32, #tpu.memory_space<vmem>>, vector<128x128xf32>
    %dot_general3A_29 = arith.constant dense<0.000000e+00> : vector<1280x128xf32>
    %dot_general3A_30 = tpu.matmul %add3A_23, %get3A_28, %dot_general3A_29 {dimension_numbers = #tpu.dot_dimension_numbers<[1], [1], [0], [0], [0, 0, 1, 0], [], []>, transpose_lhs_hint = false} : vector<1280x128xf32>, vector<128x128xf32>, vector<1280x128xf32> -> vector<1280x128xf32>
    %mul3A = vector.broadcast %rsqrt3A : vector<1280x1xf32> to vector<1280x128xf32>
    %mul3A_31 = arith.mulf %mul3A, %dot_general3A_30 : vector<1280x128xf32>
    %swap3A_32 = arith.constant 0 : index
    %swap3A_33 = arith.constant 0 : index
    %swap3A_34 = vector.load %arg7[%swap3A_32, %swap3A_33] : memref<1280x128xf32, #tpu.memory_space<vmem>>, vector<1280x128xf32>
    tpu.vector_store %arg7[%swap3A_32, %swap3A_33], %mul3A_31 {strides = array<i32>} : memref<1280x128xf32, #tpu.memory_space<vmem>>, vector<1280x128xf32>,
    %swap3A_35 = arith.constant 0 : index
    %swap3A_36 = arith.constant 0 : index
    %swap3A_37 = vector.load %arg8[%swap3A_35, %swap3A_36] : memref<1280x1xf32, #tpu.memory_space<vmem>>, vector<1280x1xf32>
    tpu.vector_store %arg8[%swap3A_35, %swap3A_36], %rsqrt3A {strides = array<i32>} : memref<1280x1xf32, #tpu.memory_space<vmem>>, vector<1280x1xf32>,
    return
  }
  func.func @transform_0(%arg0: i32) -> (i32, i32) {
    %c0_i32 = arith.constant 0 : i32
    %c0_i32_0 = arith.constant 0 : i32
    return %arg0, %c0_i32 : i32, i32
  }
  func.func @transform_1(%arg0: i32) -> (i32, i32, i32) {
    %c0_i32 = arith.constant 0 : i32
    %c0_i32_0 = arith.constant 0 : i32
    %c0_i32_1 = arith.constant 0 : i32
    return %c0_i32, %arg0, %c0_i32_0 : i32, i32, i32
  }
  func.func @transform_2(%arg0: i32) -> (i32, i32) {
    %c0_i32 = arith.constant 0 : i32
    %c0_i32_0 = arith.constant 0 : i32
    %c0_i32_1 = arith.constant 0 : i32
    return %c0_i32, %c0_i32_0 : i32, i32
  }
  func.func @transform_3(%arg0: i32) -> (i32, i32) {
    %c0_i32 = arith.constant 0 : i32
    %c0_i32_0 = arith.constant 0 : i32
    %c0_i32_1 = arith.constant 0 : i32
    return %c0_i32, %c0_i32_0 : i32, i32
  }
  func.func @transform_4(%arg0: i32) -> (i32, i32) {
    %c0_i32 = arith.constant 0 : i32
    %c0_i32_0 = arith.constant 0 : i32
    %c0_i32_1 = arith.constant 0 : i32
    return %c0_i32, %c0_i32_0 : i32, i32
  }
  func.func @transform_5(%arg0: i32) -> (i32, i32) {
    %c0_i32 = arith.constant 0 : i32
    %c0_i32_0 = arith.constant 0 : i32
    return %arg0, %c0_i32 : i32, i32
  }
  func.func @transform_6(%arg0: i32) -> (i32, i32) {
    %c0_i32 = arith.constant 0 : i32
    %c0_i32_0 = arith.constant 0 : i32
    return %arg0, %c0_i32 : i32, i32
  }
  func.func @transform_7(%arg0: i32) -> (i32, i32) {
    %c0_i32 = arith.constant 0 : i32
    %c0_i32_0 = arith.constant 0 : i32
    return %arg0, %c0_i32 : i32, i32
  }
}

module attributes {stable_mosaic.version = 14 : i64} {
  func.func @_layer_body(%arg0: i32, %arg1: memref<2x1280x128xf32, #tpu.memory_space<vmem>>, %arg2: memref<1280x128xf32, #tpu.memory_space<vmem>>, %arg3: memref<1280x128xf32, #tpu.memory_space<vmem>>, %arg4: memref<1280x1xf32, #tpu.memory_space<vmem>>, %arg5: memref<1x128xf32, #tpu.memory_space<vmem>>, %arg6: memref<128x128xf32, #tpu.memory_space<vmem>>, %arg7: memref<1280x128xf32, #tpu.memory_space<vmem>>, %arg8: memref<1280x128xf32, #tpu.memory_space<vmem>>) attributes {dimension_semantics = [#tpu.dimension_semantics<arbitrary>], iteration_bounds = array<i64: 8>, scalar_prefetch = 0 : i64, scratch_operands = 0 : i64, tpu.core_type = #tpu.core_type<tc>, window_params = [{transform_indices = @transform_0, window_bounds = array<i64: 2, 1280, 128>}, {transform_indices = @transform_1, window_bounds = array<i64: 1280, 128>}, {transform_indices = @transform_2, window_bounds = array<i64: 1280, 128>}, {transform_indices = @transform_3, window_bounds = array<i64: 1280, 1>}, {pipeline_mode = #tpu.pipeline_mode<synchronous>, transform_indices = @transform_4, window_bounds = array<i64: 1, 128>}, {pipeline_mode = #tpu.pipeline_mode<synchronous>, transform_indices = @transform_5, window_bounds = array<i64: 128, 128>}, {transform_indices = @transform_6, window_bounds = array<i64: 1280, 128>}, {transform_indices = @transform_7, window_bounds = array<i64: 1280, 128>}]} {
    %get3A = arith.constant 0 : index
    %get3A_0 = arith.constant 0 : index
    %get3A_1 = vector.load %arg4[%get3A, %get3A_0] : memref<1280x1xf32, #tpu.memory_space<vmem>>, vector<1280x1xf32>
    %get3A_2 = arith.constant 0 : index
    %get3A_3 = arith.constant 0 : index
    %get3A_4 = arith.constant 0 : index
    %get3A_5 = vector.load %arg1[%get3A_2, %get3A_3, %get3A_4] : memref<2x1280x128xf32, #tpu.memory_space<vmem>>, vector<1x1280x128xf32>
    %get3A_6 = vector.shape_cast %get3A_5 : vector<1x1280x128xf32> to vector<1280x128xf32>
    %get3A_7 = arith.constant 1 : index
    %get3A_8 = arith.constant 0 : index
    %get3A_9 = arith.constant 0 : index
    %get3A_10 = vector.load %arg1[%get3A_7, %get3A_8, %get3A_9] : memref<2x1280x128xf32, #tpu.memory_space<vmem>>, vector<1x1280x128xf32>
    %get3A_11 = vector.shape_cast %get3A_10 : vector<1x1280x128xf32> to vector<1280x128xf32>
    %add3A = arith.addf %get3A_6, %get3A_11 : vector<1280x128xf32>
    %get3A_12 = arith.constant 0 : index
    %get3A_13 = arith.constant 0 : index
    %get3A_14 = vector.load %arg2[%get3A_12, %get3A_13] : memref<1280x128xf32, #tpu.memory_space<vmem>>, vector<1280x128xf32>
    %add3A_15 = arith.addf %add3A, %get3A_14 : vector<1280x128xf32>
    %mul3A = vector.broadcast %get3A_1 : vector<1280x1xf32> to vector<1280x128xf32>
    %mul3A_16 = arith.mulf %mul3A, %add3A_15 : vector<1280x128xf32>
    %get3A_17 = arith.constant 0 : index
    %get3A_18 = arith.constant 0 : index
    %get3A_19 = vector.load %arg5[%get3A_17, %get3A_18] : memref<1x128xf32, #tpu.memory_space<vmem>>, vector<1x128xf32>
    %add3A_20 = vector.broadcast %get3A_19 : vector<1x128xf32> to vector<1280x128xf32>
    %add3A_21 = arith.addf %mul3A_16, %add3A_20 : vector<1280x128xf32>
    %get3A_22 = arith.constant 0 : index
    %get3A_23 = arith.constant 0 : index
    %get3A_24 = vector.load %arg3[%get3A_22, %get3A_23] : memref<1280x128xf32, #tpu.memory_space<vmem>>, vector<1280x128xf32>
    %add3A_25 = arith.addf %add3A_21, %get3A_24 : vector<1280x128xf32>
    %ge3A = arith.constant 0.000000e+00 : f32
    %ge3A_26 = vector.broadcast %ge3A : f32 to vector<1280x128xf32>
    %ge3A_27 = arith.cmpf oge, %add3A_25, %ge3A_26 : vector<1280x128xf32>
    %mul3A_28 = arith.constant 0.00999999977 : f32
    %mul3A_29 = vector.broadcast %mul3A_28 : f32 to vector<1280x128xf32>
    %mul3A_30 = arith.mulf %mul3A_29, %add3A_25 : vector<1280x128xf32>
    %select_n3A = arith.select %ge3A_27, %add3A_25, %mul3A_30 : vector<1280x128xi1>, vector<1280x128xf32>
    %swap3A = arith.constant 0 : index
    %swap3A_31 = arith.constant 0 : index
    %swap3A_32 = vector.load %arg7[%swap3A, %swap3A_31] : memref<1280x128xf32, #tpu.memory_space<vmem>>, vector<1280x128xf32>
    tpu.vector_store %arg7[%swap3A, %swap3A_31], %select_n3A {strides = array<i32>} : memref<1280x128xf32, #tpu.memory_space<vmem>>, vector<1280x128xf32>,
    %get3A_33 = arith.constant 0 : index
    %get3A_34 = arith.constant 0 : index
    %get3A_35 = vector.load %arg6[%get3A_33, %get3A_34] : memref<128x128xf32, #tpu.memory_space<vmem>>, vector<128x128xf32>
    %dot_general3A = arith.constant dense<0.000000e+00> : vector<1280x128xf32>
    %dot_general3A_36 = tpu.matmul %select_n3A, %get3A_35, %dot_general3A {dimension_numbers = #tpu.dot_dimension_numbers<[1], [1], [0], [0], [0, 0, 1, 0], [], []>, transpose_lhs_hint = false} : vector<1280x128xf32>, vector<128x128xf32>, vector<1280x128xf32> -> vector<1280x128xf32>
    %mul3A_37 = vector.broadcast %get3A_1 : vector<1280x1xf32> to vector<1280x128xf32>
    %mul3A_38 = arith.mulf %mul3A_37, %dot_general3A_36 : vector<1280x128xf32>
    %swap3A_39 = arith.constant 0 : index
    %swap3A_40 = arith.constant 0 : index
    %swap3A_41 = vector.load %arg8[%swap3A_39, %swap3A_40] : memref<1280x128xf32, #tpu.memory_space<vmem>>, vector<1280x128xf32>
    tpu.vector_store %arg8[%swap3A_39, %swap3A_40], %mul3A_38 {strides = array<i32>} : memref<1280x128xf32, #tpu.memory_space<vmem>>, vector<1280x128xf32>,
    return
  }
  func.func @transform_0(%arg0: i32) -> (i32, i32, i32) {
    %c0_i32 = arith.constant 0 : i32
    %c0_i32_0 = arith.constant 0 : i32
    %c0_i32_1 = arith.constant 0 : i32
    return %c0_i32, %arg0, %c0_i32_0 : i32, i32, i32
  }
  func.func @transform_1(%arg0: i32) -> (i32, i32) {
    %c0_i32 = arith.constant 0 : i32
    %c0_i32_0 = arith.constant 0 : i32
    return %arg0, %c0_i32 : i32, i32
  }
  func.func @transform_2(%arg0: i32) -> (i32, i32) {
    %c0_i32 = arith.constant 0 : i32
    %c0_i32_0 = arith.constant 0 : i32
    return %arg0, %c0_i32 : i32, i32
  }
  func.func @transform_3(%arg0: i32) -> (i32, i32) {
    %c0_i32 = arith.constant 0 : i32
    %c0_i32_0 = arith.constant 0 : i32
    return %arg0, %c0_i32 : i32, i32
  }
  func.func @transform_4(%arg0: i32) -> (i32, i32) {
    %c0_i32 = arith.constant 0 : i32
    %c0_i32_0 = arith.constant 0 : i32
    %c0_i32_1 = arith.constant 0 : i32
    return %c0_i32, %c0_i32_0 : i32, i32
  }
  func.func @transform_5(%arg0: i32) -> (i32, i32) {
    %c0_i32 = arith.constant 0 : i32
    %c0_i32_0 = arith.constant 0 : i32
    %c0_i32_1 = arith.constant 0 : i32
    return %c0_i32, %c0_i32_0 : i32, i32
  }
  func.func @transform_6(%arg0: i32) -> (i32, i32) {
    %c0_i32 = arith.constant 0 : i32
    %c0_i32_0 = arith.constant 0 : i32
    return %arg0, %c0_i32 : i32, i32
  }
  func.func @transform_7(%arg0: i32) -> (i32, i32) {
    %c0_i32 = arith.constant 0 : i32
    %c0_i32_0 = arith.constant 0 : i32
    return %arg0, %c0_i32 : i32, i32
  }
}

module attributes {stable_mosaic.version = 14 : i64} {
  func.func @_final_body(%arg0: i32, %arg1: memref<2x1280x128xf32, #tpu.memory_space<vmem>>, %arg2: memref<1280x128xf32, #tpu.memory_space<vmem>>, %arg3: memref<1280x128xf32, #tpu.memory_space<vmem>>, %arg4: memref<1280x1xf32, #tpu.memory_space<vmem>>, %arg5: memref<1x128xf32, #tpu.memory_space<vmem>>, %arg6: memref<1280x128xf32, #tpu.memory_space<vmem>>, %arg7: memref<128x128xf32, #tpu.memory_space<vmem>>, %arg8: memref<1x128xf32, #tpu.memory_space<vmem>>, %arg9: memref<128x128xf32, #tpu.memory_space<vmem>>, %arg10: memref<1x128xf32, #tpu.memory_space<vmem>>, %arg11: memref<1x1xf32, #tpu.memory_space<vmem>>, %arg12: memref<1280x128xf32, #tpu.memory_space<vmem>>) attributes {dimension_semantics = [#tpu.dimension_semantics<arbitrary>], iteration_bounds = array<i64: 8>, scalar_prefetch = 0 : i64, scratch_operands = 0 : i64, tpu.core_type = #tpu.core_type<tc>, window_params = [{transform_indices = @transform_0, window_bounds = array<i64: 2, 1280, 128>}, {transform_indices = @transform_1, window_bounds = array<i64: 1280, 128>}, {transform_indices = @transform_2, window_bounds = array<i64: 1280, 128>}, {transform_indices = @transform_3, window_bounds = array<i64: 1280, 1>}, {pipeline_mode = #tpu.pipeline_mode<synchronous>, transform_indices = @transform_4, window_bounds = array<i64: 1, 128>}, {transform_indices = @transform_5, window_bounds = array<i64: 1280, 128>}, {pipeline_mode = #tpu.pipeline_mode<synchronous>, transform_indices = @transform_6, window_bounds = array<i64: 128, 128>}, {pipeline_mode = #tpu.pipeline_mode<synchronous>, transform_indices = @transform_7, window_bounds = array<i64: 1, 128>}, {pipeline_mode = #tpu.pipeline_mode<synchronous>, transform_indices = @transform_8, window_bounds = array<i64: 128, 128>}, {pipeline_mode = #tpu.pipeline_mode<synchronous>, transform_indices = @transform_9, window_bounds = array<i64: 1, 128>}, {pipeline_mode = #tpu.pipeline_mode<synchronous>, transform_indices = @transform_10, window_bounds = array<i64: 1, 1>}, {transform_indices = @transform_11, window_bounds = array<i64: 1280, 128>}]} {
    %get3A = arith.constant 0 : index
    %get3A_0 = arith.constant 0 : index
    %get3A_1 = vector.load %arg4[%get3A, %get3A_0] : memref<1280x1xf32, #tpu.memory_space<vmem>>, vector<1280x1xf32>
    %get3A_2 = arith.constant 0 : index
    %get3A_3 = arith.constant 0 : index
    %get3A_4 = arith.constant 0 : index
    %get3A_5 = vector.load %arg1[%get3A_2, %get3A_3, %get3A_4] : memref<2x1280x128xf32, #tpu.memory_space<vmem>>, vector<1x1280x128xf32>
    %get3A_6 = vector.shape_cast %get3A_5 : vector<1x1280x128xf32> to vector<1280x128xf32>
    %get3A_7 = arith.constant 1 : index
    %get3A_8 = arith.constant 0 : index
    %get3A_9 = arith.constant 0 : index
    %get3A_10 = vector.load %arg1[%get3A_7, %get3A_8, %get3A_9] : memref<2x1280x128xf32, #tpu.memory_space<vmem>>, vector<1x1280x128xf32>
    %get3A_11 = vector.shape_cast %get3A_10 : vector<1x1280x128xf32> to vector<1280x128xf32>
    %add3A = arith.addf %get3A_6, %get3A_11 : vector<1280x128xf32>
    %get3A_12 = arith.constant 0 : index
    %get3A_13 = arith.constant 0 : index
    %get3A_14 = vector.load %arg2[%get3A_12, %get3A_13] : memref<1280x128xf32, #tpu.memory_space<vmem>>, vector<1280x128xf32>
    %add3A_15 = arith.addf %add3A, %get3A_14 : vector<1280x128xf32>
    %mul3A = vector.broadcast %get3A_1 : vector<1280x1xf32> to vector<1280x128xf32>
    %mul3A_16 = arith.mulf %mul3A, %add3A_15 : vector<1280x128xf32>
    %get3A_17 = arith.constant 0 : index
    %get3A_18 = arith.constant 0 : index
    %get3A_19 = vector.load %arg5[%get3A_17, %get3A_18] : memref<1x128xf32, #tpu.memory_space<vmem>>, vector<1x128xf32>
    %add3A_20 = vector.broadcast %get3A_19 : vector<1x128xf32> to vector<1280x128xf32>
    %add3A_21 = arith.addf %mul3A_16, %add3A_20 : vector<1280x128xf32>
    %get3A_22 = arith.constant 0 : index
    %get3A_23 = arith.constant 0 : index
    %get3A_24 = vector.load %arg3[%get3A_22, %get3A_23] : memref<1280x128xf32, #tpu.memory_space<vmem>>, vector<1280x128xf32>
    %add3A_25 = arith.addf %add3A_21, %get3A_24 : vector<1280x128xf32>
    %ge3A = arith.constant 0.000000e+00 : f32
    %ge3A_26 = vector.broadcast %ge3A : f32 to vector<1280x128xf32>
    %ge3A_27 = arith.cmpf oge, %add3A_25, %ge3A_26 : vector<1280x128xf32>
    %mul3A_28 = arith.constant 0.00999999977 : f32
    %mul3A_29 = vector.broadcast %mul3A_28 : f32 to vector<1280x128xf32>
    %mul3A_30 = arith.mulf %mul3A_29, %add3A_25 : vector<1280x128xf32>
    %select_n3A = arith.select %ge3A_27, %add3A_25, %mul3A_30 : vector<1280x128xi1>, vector<1280x128xf32>
    %get3A_31 = arith.constant 0 : index
    %get3A_32 = arith.constant 0 : index
    %get3A_33 = vector.load %arg7[%get3A_31, %get3A_32] : memref<128x128xf32, #tpu.memory_space<vmem>>, vector<128x128xf32>
    %dot_general3A = arith.constant dense<0.000000e+00> : vector<1280x128xf32>
    %dot_general3A_34 = tpu.matmul %select_n3A, %get3A_33, %dot_general3A {dimension_numbers = #tpu.dot_dimension_numbers<[1], [1], [0], [0], [0, 0, 1, 0], [], []>, transpose_lhs_hint = false} : vector<1280x128xf32>, vector<128x128xf32>, vector<1280x128xf32> -> vector<1280x128xf32>
    %get3A_35 = arith.constant 0 : index
    %get3A_36 = arith.constant 0 : index
    %get3A_37 = vector.load %arg8[%get3A_35, %get3A_36] : memref<1x128xf32, #tpu.memory_space<vmem>>, vector<1x128xf32>
    %add3A_38 = vector.broadcast %get3A_37 : vector<1x128xf32> to vector<1280x128xf32>
    %add3A_39 = arith.addf %dot_general3A_34, %add3A_38 : vector<1280x128xf32>
    %get3A_40 = arith.constant 0 : index
    %get3A_41 = arith.constant 0 : index
    %get3A_42 = vector.load %arg6[%get3A_40, %get3A_41] : memref<1280x128xf32, #tpu.memory_space<vmem>>, vector<1280x128xf32>
    %get3A_43 = arith.constant 0 : index
    %get3A_44 = arith.constant 0 : index
    %get3A_45 = vector.load %arg9[%get3A_43, %get3A_44] : memref<128x128xf32, #tpu.memory_space<vmem>>, vector<128x128xf32>
    %dot_general3A_46 = arith.constant dense<0.000000e+00> : vector<1280x128xf32>
    %dot_general3A_47 = tpu.matmul %get3A_42, %get3A_45, %dot_general3A_46 {dimension_numbers = #tpu.dot_dimension_numbers<[1], [1], [0], [0], [0, 0, 1, 0], [], []>, transpose_lhs_hint = false} : vector<1280x128xf32>, vector<128x128xf32>, vector<1280x128xf32> -> vector<1280x128xf32>
    %get3A_48 = arith.constant 0 : index
    %get3A_49 = arith.constant 0 : index
    %get3A_50 = vector.load %arg10[%get3A_48, %get3A_49] : memref<1x128xf32, #tpu.memory_space<vmem>>, vector<1x128xf32>
    %add3A_51 = vector.broadcast %get3A_50 : vector<1x128xf32> to vector<1280x128xf32>
    %add3A_52 = arith.addf %dot_general3A_47, %add3A_51 : vector<1280x128xf32>
    %get3A_53 = arith.constant 0 : index
    %get3A_54 = arith.constant 0 : index
    %get3A_55 = vector.load %arg11[%get3A_53, %get3A_54] : memref<1x1xf32, #tpu.memory_space<vmem>>, vector<1x1xf32>
    %get3A_56 = vector.extract %get3A_55[0, 0] : f32 from vector<1x1xf32>
    %ge3A_57 = arith.constant 0.000000e+00 : f32
    %ge3A_58 = vector.broadcast %ge3A_57 : f32 to vector<1280x128xf32>
    %ge3A_59 = arith.cmpf oge, %add3A_39, %ge3A_58 : vector<1280x128xf32>
    %mul3A_60 = vector.broadcast %get3A_56 : f32 to vector<1280x128xf32>
    %mul3A_61 = arith.mulf %mul3A_60, %add3A_39 : vector<1280x128xf32>
    %select_n3A_62 = arith.select %ge3A_59, %add3A_39, %mul3A_61 : vector<1280x128xi1>, vector<1280x128xf32>
    %ge3A_63 = arith.constant 0.000000e+00 : f32
    %ge3A_64 = vector.broadcast %ge3A_63 : f32 to vector<1280x128xf32>
    %ge3A_65 = arith.cmpf oge, %add3A_52, %ge3A_64 : vector<1280x128xf32>
    %mul3A_66 = vector.broadcast %get3A_56 : f32 to vector<1280x128xf32>
    %mul3A_67 = arith.mulf %mul3A_66, %add3A_52 : vector<1280x128xf32>
    %select_n3A_68 = arith.select %ge3A_65, %add3A_52, %mul3A_67 : vector<1280x128xi1>, vector<1280x128xf32>
    %add3A_69 = arith.addf %select_n3A_62, %select_n3A_68 : vector<1280x128xf32>
    %swap3A = arith.constant 0 : index
    %swap3A_70 = arith.constant 0 : index
    %swap3A_71 = vector.load %arg12[%swap3A, %swap3A_70] : memref<1280x128xf32, #tpu.memory_space<vmem>>, vector<1280x128xf32>
    tpu.vector_store %arg12[%swap3A, %swap3A_70], %add3A_69 {strides = array<i32>} : memref<1280x128xf32, #tpu.memory_space<vmem>>, vector<1280x128xf32>,
    return
  }
  func.func @transform_0(%arg0: i32) -> (i32, i32, i32) {
    %c0_i32 = arith.constant 0 : i32
    %c0_i32_0 = arith.constant 0 : i32
    %c0_i32_1 = arith.constant 0 : i32
    return %c0_i32, %arg0, %c0_i32_0 : i32, i32, i32
  }
  func.func @transform_1(%arg0: i32) -> (i32, i32) {
    %c0_i32 = arith.constant 0 : i32
    %c0_i32_0 = arith.constant 0 : i32
    return %arg0, %c0_i32 : i32, i32
  }
  func.func @transform_2(%arg0: i32) -> (i32, i32) {
    %c0_i32 = arith.constant 0 : i32
    %c0_i32_0 = arith.constant 0 : i32
    return %arg0, %c0_i32 : i32, i32
  }
  func.func @transform_3(%arg0: i32) -> (i32, i32) {
    %c0_i32 = arith.constant 0 : i32
    %c0_i32_0 = arith.constant 0 : i32
    return %arg0, %c0_i32 : i32, i32
  }
  func.func @transform_4(%arg0: i32) -> (i32, i32) {
    %c0_i32 = arith.constant 0 : i32
    %c0_i32_0 = arith.constant 0 : i32
    %c0_i32_1 = arith.constant 0 : i32
    return %c0_i32, %c0_i32_0 : i32, i32
  }
  func.func @transform_5(%arg0: i32) -> (i32, i32) {
    %c0_i32 = arith.constant 0 : i32
    %c0_i32_0 = arith.constant 0 : i32
    return %arg0, %c0_i32 : i32, i32
  }
  func.func @transform_6(%arg0: i32) -> (i32, i32) {
    %c0_i32 = arith.constant 0 : i32
    %c0_i32_0 = arith.constant 0 : i32
    %c0_i32_1 = arith.constant 0 : i32
    return %c0_i32, %c0_i32_0 : i32, i32
  }
  func.func @transform_7(%arg0: i32) -> (i32, i32) {
    %c0_i32 = arith.constant 0 : i32
    %c0_i32_0 = arith.constant 0 : i32
    %c0_i32_1 = arith.constant 0 : i32
    return %c0_i32, %c0_i32_0 : i32, i32
  }
  func.func @transform_8(%arg0: i32) -> (i32, i32) {
    %c0_i32 = arith.constant 0 : i32
    %c0_i32_0 = arith.constant 0 : i32
    %c0_i32_1 = arith.constant 0 : i32
    return %c0_i32, %c0_i32_0 : i32, i32
  }
  func.func @transform_9(%arg0: i32) -> (i32, i32) {
    %c0_i32 = arith.constant 0 : i32
    %c0_i32_0 = arith.constant 0 : i32
    %c0_i32_1 = arith.constant 0 : i32
    return %c0_i32, %c0_i32_0 : i32, i32
  }
  func.func @transform_10(%arg0: i32) -> (i32, i32) {
    %c0_i32 = arith.constant 0 : i32
    %c0_i32_0 = arith.constant 0 : i32
    %c0_i32_1 = arith.constant 0 : i32
    return %c0_i32, %c0_i32_0 : i32, i32
  }
  func.func @transform_11(%arg0: i32) -> (i32, i32) {
    %c0_i32 = arith.constant 0 : i32
    %c0_i32_0 = arith.constant 0 : i32
    return %arg0, %c0_i32 : i32, i32
  }
}

</mosaic_0001>

<sc_bundles>
// kernel: kernel.10.cloned.1.call-start
scs
__scs_entry_jumppad:
0x0: {  	(pc) =	sbr.rel $0x88, $3  }
0x1: {  	(tag) =	ssettag $0x0;
	lr =	simm.s32 $0x1  }
0x2: {  	[smem:$0x3F92] =	sst lr;
	_ =	strace $0xD0000000  }
0x3: {  	_ = 	snop  }
0x4: {  	_ = 	snop  }
0x5: {  	_ = 	snop  }
0x6: {  	_ = 	snop  }
0x7: {  	_ = 	snop  }
__scs_overlays_trampoline_lowered:
0x8: {  	[smem:$0x3FA1] =	sst s0  }
0x9: {  	[smem:$0x3FA2] =	sst s1  }
0xa: {  	[smem:$0x3FA3] =	sst s2  }
0xb: {  	[smem:$0x3FA4] =	sst s3  }
0xc: {  	[smem:$0x3FA5] =	sst s4  }
0xd: {  	[smem:$0x3FA6] =	sst s5  }
0xe: {  	[smem:$0x3FA7] =	sst s6  }
0xf: {  	[smem:$0x3FA8] =	sst s7  }
0x10: {  	[smem:$0x3FA9] =	sst s8  }
0x11: {  	[smem:$0x3FAA] =	sst s9;
	s0 =	simm.s32 @!p0 $0x0  }
0x12: {  	s1 =	sld [smem:$0x3F90];
	s0 =	simm.s32 @p0 $0x1  }
0x13: {  	[smem:$0x3FAB] =	sst s0;
	s0 =	simm.s32 @!p1 $0x0  }
0x14: {  	s2 =	sld [smem:$0x3F8F];
	s0 =	simm.s32 @p1 $0x1  }
0x15: {  	[smem:$0x3FAC] =	sst s0;
	s0 =	simm.s32 @!p2 $0x0  }
0x16: {  	s3 =	sld [smem:$0x3FDB];
	s0 =	simm.s32 @p2 $0x1  }
0x17: {  	s4 =	simm.s32 $0x1BF5;
	[smem:$0x3FAE] =	sst s0  }
0x18: {  	s0 =	sld [smem:$0x3F91];
	_ =	swait.ge [sflag:s4], $0x0  }
0x19: {  	s7 =	sld [smem:$0x3F92]  }
0x1a: {  	s8 =	sadd.s32 $0xFFFFE003, lr  }
0x1b: {  	s9 =	sadd.s32 $0xFFFFFEF7, lr;
	s5 =	simm.s32 $0xFFFFFFFF;
	p2 =	slt.u32 s8, $0xFFFFF086  }
0x1c: {  	p1 =	slt.u32 s9, $0xF7A;
	s5 =	simm.s32 @!p2 $0x0  }
0x1d: {  	s5 =	simm.s32 @p1 $0x1;
	p0 =	seq.s32 s7, s2  }
0x1e: {  	s7 =	smul.u32 @!p0 $0xF7A, s2;
	p2 =	seq.s32 @!p0 s5, $0x0  }
0x1f: {  	s9 =	smul.u32 $0xF7A, s1;
	s8 =	simm.s32 @!p0 $0x1BF5;
	p2 =	por !p2, p0  }
0x20: {  	[sflag:s8] =	ssyncset.s32 @!p0 $0xFFFFF086;
	s6 =	sadd.s32 @!p0 s3, s7;
	s7 =	simm.s32 @!p0 $0x108  }
0x21: {  	s3 =	sadd.s32 s3, s9;
	s6 =	sadd.s32 @!p0 $0x88, s6;
	s7 =	simm.s32 @p2 $0x1082  }
0x22: {  	[simem:s7], [sflag:s8] =	dma.local @!p0 [hbm:s6], $0xF7A  }
0x23: {  	s9 =	sor.u32 $0xD0000000, s2;
	s6 =	simm.s32 $0x108;
	_ =	swait.ge @!p0 [sflag:s8], $0x0  }
0x24: {  	s3 =	sadd.s32 $0x88, s3;
	s6 =	simm.s32 @!p1 $0x1082;
	[sflag:s4] =	ssyncset.s32 $0xFFFFF086  }
0x25: {  	[simem:s6], [sflag:s4] =	dma.local [hbm:s3], $0xF7A  }
0x26: {  	[smem:$0x3F92] =	sst s1;
	(tag) =	ssettag s2;
	_ =	strace s9  }
0x27: {  	s1 =	sld [smem:$0x3FA2]  }
0x28: {  	s2 =	sld [smem:$0x3FA3]  }
0x29: {  	s4 =	sld [smem:$0x3FA5]  }
0x2a: {  	p0 =	seq.s32 s5, $0x0;
	s5 =	sld [smem:$0x3FA6]  }
0x2b: {  	s6 =	sld [smem:$0x3FA7]  }
0x2c: {  	s7 =	sld [smem:$0x3FA8]  }
0x2d: {  	s3 =	simm.s32 $0x108;
	s8 =	sld [smem:$0x3FA9]  }
0x2e: {  	s3 =	simm.s32 @!p0 $0x1082;
	s9 =	sld [smem:$0x3FAA]  }
0x2f: {  	lr =	sadd.s32 s0, s3;
	s0 =	sld [smem:$0x3FA1]  }
0x30: {  	s3 =	sld [smem:$0x3FA4]  }
0x31: {  	[smem:$0x3FAD] =	sst s10  }
0x32: {  	s10 =	sld [smem:$0x3FAB];
	_ =	sdelay $0x3  }
0x33: {  	p0 =	seq.s32 s10, $0x1;
	s10 =	sld [smem:$0x3FAD];
	_ =	sdelay $0x3  }
0x34: {  	[smem:$0x3FAD] =	sst s10  }
0x35: {  	s10 =	sld [smem:$0x3FAC];
	_ =	sdelay $0x3  }
0x36: {  	p1 =	seq.s32 s10, $0x1;
	s10 =	sld [smem:$0x3FAD];
	_ =	sdelay $0x3  }
0x37: {  	[smem:$0x3FAD] =	sst s10  }
0x38: {  	s10 =	sld [smem:$0x3FAE]  }
0x39: {  	_ = 	snop;
	(pc) =	sbr.ind lr, $3  }
0x3a: {  	_ = 	snop  }
0x3b: {  	_ = 	snop  }
0x3c: {  	p2 =	seq.s32 s10, $0x1;
	s10 =	sld [smem:$0x3FAD]  }
0x3d: {  	_ =	shalt  }
0x3e: {  	_ =	shalt  }
0x3f: {  	_ =	shalt  }
0x40: {  	_ =	shalt  }
0x41: {  	_ =	shalt  }
0x42: {  	_ =	shalt  }
0x43: {  	_ =	shalt  }
0x44: {  	_ =	shalt  }
0x45: {  	_ =	shalt  }
0x46: {  	_ =	shalt  }
0x47: {  	_ =	shalt  }
0x48: {  	_ =	shalt  }
0x49: {  	_ =	shalt  }
0x4a: {  	_ =	shalt  }
0x4b: {  	_ =	shalt  }
0x4c: {  	_ =	shalt  }
0x4d: {  	_ =	shalt  }
0x4e: {  	_ =	shalt  }
0x4f: {  	_ =	shalt  }
0x50: {  	_ =	shalt  }
0x51: {  	_ =	shalt  }
0x52: {  	_ =	shalt  }
0x53: {  	_ =	shalt  }
0x54: {  	_ =	shalt  }
0x55: {  	_ =	shalt  }
0x56: {  	_ =	shalt  }
0x57: {  	_ =	shalt  }
0x58: {  	_ =	shalt  }
0x59: {  	_ =	shalt  }
0x5a: {  	_ =	shalt  }
0x5b: {  	_ =	shalt  }
0x5c: {  	_ =	shalt  }
0x5d: {  	_ =	shalt  }
0x5e: {  	_ =	shalt  }
0x5f: {  	_ =	shalt  }
0x60: {  	_ =	shalt  }
0x61: {  	_ =	shalt  }
0x62: {  	_ =	shalt  }
0x63: {  	_ =	shalt  }
0x64: {  	_ =	shalt  }
0x65: {  	_ =	shalt  }
0x66: {  	_ =	shalt  }
0x67: {  	_ =	shalt  }
0x68: {  	_ =	shalt  }
0x69: {  	_ =	shalt  }
0x6a: {  	_ =	shalt  }
0x6b: {  	_ =	shalt  }
0x6c: {  	_ =	shalt  }
0x6d: {  	_ =	shalt  }
0x6e: {  	_ =	shalt  }
0x6f: {  	_ =	shalt  }
0x70: {  	_ =	shalt  }
0x71: {  	_ =	shalt  }
0x72: {  	_ =	shalt  }
0x73: {  	_ =	shalt  }
0x74: {  	_ =	shalt  }
0x75: {  	_ =	shalt  }
0x76: {  	_ =	shalt  }
0x77: {  	_ =	shalt  }
0x78: {  	_ =	shalt  }
0x79: {  	_ =	shalt  }
0x7a: {  	_ =	shalt  }
0x7b: {  	_ =	shalt  }
0x7c: {  	_ =	shalt  }
0x7d: {  	_ =	shalt  }
0x7e: {  	_ =	shalt  }
0x7f: {  	_ =	shalt  }
0x80: {  	_ =	shalt  }
0x81: {  	_ =	shalt  }
0x82: {  	_ =	shalt  }
0x83: {  	_ =	shalt  }
0x84: {  	_ =	shalt  }
0x85: {  	_ =	shalt  }
0x86: {  	_ =	shalt  }
0x87: {  	_ =	shalt  }
.Lfunc_end0:
.L_simem_size_0:
called_computation_lowered:
.L_overlay_start_0:
0x88: {  	s2 =	sld [smem:$0x3FD9]  }
0x89: {  	s3 =	sld [smem:$0x3FFE];
	_ =	sdelay $0x1  }
0x8a: {  	s1 =	srdreg.scid  }
0x8b: {  	s0 =	sand.u32 $0x1, s1  }
0x8c: {  	s17 =	sshll.u32 s0, $0xA;
	s2 =	sadd.s32 s3, s2  }
0x8d: {  	s2 =	sadd.s32 s2, s17  }
0x8e: {  	[smem:$0x3FB9] =	sst s2  }
0x8f: {  	_ = 	snop  }
0x90: {  	s2 =	sld [smem:$0x3FD0];
	(tm) =	ssettm $0x1  }
0x91: {  	s18 =	sld [smem:$0x3FFB];
	_ =	sdelay $0x3  }
0x92: {  	_ =	strace s18  }
0x93: {  	s3 =	sld [smem:$0x3FFC];
	_ =	sdelay $0x3  }
0x94: {  	_ =	strace s3  }
0x95: {  	s3 =	sld [smem:$0x3FFD];
	_ =	sdelay $0x3  }
0x96: {  	_ =	strace s3  }
0x97: {  	_ =	strace $0x8FFFFFFF  }
0x98: {  	s19 =	sld [smem:$0x3FDB];
	_ =	sdelay $0x1  }
0x99: {  	s4 =	simm.s32 $_scs_section_size  }
0x9a: {  	s5 =	simm.s32 $_size__tile_overlayer_lowered;
	s6 =	simm.s32 $_tile_overlayer_lowered  }
0x9b: {  	s22 =	simm.s32 $0x1BFF;
	s21 =	sshll.u32 s6, $0x1;
	s3 =	sadd.s32 s4, s19  }
0x9c: {  	s7 =	simm.s32 $0x0;
	s20 =	sshll.u32 s5, $0x1;
	s5 =	sadd.s32 s21, s3  }
0x9d: {  	[timem:s7], [sflag:s22] =	dma.local [hbm:s5], s20  }
0x9e: {  	_ =	swait.ge [sflag:s22], s20  }
0x9f: {  	s4 =	ssub.s32 $0x0, s20;
	[sflag:s22] =	ssyncset.done $0x0  }
0xa0: {  	[sflag:s22] =	ssyncadd.s32 s4;
	_ =	sdelay $0x1  }
0xa1: {  	s23 =	simm.s32 $0x1B8B  }
0xa2: {  	_ =	swait.ge [sflag:s23], $0x1  }
0xa3: {  	[sflag:s23] =	ssyncset.done $0x0  }
0xa4: {  	s25 =	simm.s32 $0x1B8E;
	s24 =	sld [smem:$0x3FFE];
	[sflag:s23] =	ssyncadd.s32 $0xFFFFFFFF  }
0xa5: {  	s26 =	simm.s32 $execute0_lowered;
	[smem:$0x3FD2] =	sst s25  }
0xa6: {  	s5 =	sshll.u32 s26, $0x1;
	_ =	strace $0x80000046;
	[dreg:$0x1] =	wrdreg $0xFFFFFFFF  }
0xa7: {  	s28 =	simm.s32 $_size_execute0_lowered;
	s3 =	sadd.s32 s3, s5;
	[dreg:$0x0] =	wrdreg $0x0  }
0xa8: {  	s5 =	sshll.u32 s28, $0x1;
	[dreg:$0x2] =	wrdreg s3  }
0xa9: {  	[dreg:$0x3] =	wrdreg s5  }
0xaa: {  	[dreg:$0x4] =	wrdreg $0xC0  }
0xab: {  	_ =	task [dreg:s7], $0x5FFFF  }
0xac: {  	[dreg:$0x1] =	wrdreg $0xFFFFFFFF  }
0xad: {  	[dreg:$0x0] =	wrdreg $0x60  }
0xae: {  	[dreg:$0x2] =	wrdreg s2  }
0xaf: {  	[dreg:$0x3] =	wrdreg s24  }
0xb0: {  	[dreg:$0x4] =	wrdreg $0x4800  }
0xb1: {  	[dreg:$0x5] =	wrdreg $0x9  }
0xb2: {  	_ =	task.clear_ibuf [dreg:s7], $0x6FFFF;
	_ =	strace $0x90000046  }
0xb3: {  	s29 =	simm.s32 $0x9;
	_ =	strace $0x80000048  }
0xb4: {  	_ =	swait.ge [sflag:s29], $0x1  }
0xb5: {  	[sflag:s29] =	ssyncadd.s32 $0xFFFFFFFF  }
0xb6: {  	_ =	strace $0x90000048  }
0xb7: {  	_ =	sfence  }
0xb8: {  	s30 =	sld [smem:$0x0];
	_ =	sdelay $0x2  }
0xb9: {  	s31 =	sshll.u32 s1, $0xD;
	s1 =	sshrl.u32 s1, $0x2  }
0xba: {  	s3 =	sand.u32 $0x4000, s31;
	s1 =	sadd.s32 s1, s30  }
0xbb: {  	s0 =	sor.u32 s3, s0;
	s1 =	sshll.u32 s1, $0x11  }
0xbc: {  	s0 =	sor.u32 s1, s0  }
0xbd: {  	s0 =	sadd.s32 $0x8F2B, s0  }
0xbe: {  	[sflag:s0] =	ssyncadd.remote.s32 $0x1  }
0xbf: {  	_ =	sfence.sel $0xFFFF  }
0xc0: {  	[dreg:$0x0] =	wrdreg $0xFFFFFFFF;
	(pc) =	sbr.abs _section_cstart, $3  }
0xc1: {  	[dreg:$0x1] =	wrdreg $0xFFFFFFFF  }
0xc2: {  	_ =	task.clear_ibuf [dreg:s7], $0x2FFFF;
	_ =	strace $0x9FFFFFFF  }
0xc3: {  	(tm) =	ssettm $0x7FFFFFFF  }
tec
execute0_lowered:
.L_overlay_start_1:
0x0: {  	(tag) =	ssettag $0x1  }
0x1: {  	s8 =	rddreg [dreg:$0x0]  }
0x2: {  	s5 =	rddreg [dreg:$0x1]  }
0x3: {  	s2 =	rddreg [dreg:$0x2]  }
0x4: {  	s0 =	rddreg [dreg:$0x3]  }
0x5: {  	s4 =	srdreg.scid;
	s1 =	stileid.u32;
	s3 =	simm.s32 $0x0  }
0x6: {  	s14 =	simm.s32 $0x100;
	s15 =	simm.s32 $0x180;
	s16 =	simm.s32 $0x200  }
0x7: {  	s17 =	simm.s32 $0x280;
	s18 =	simm.s32 $0x300;
	s19 =	simm.s32 $0x380  }
0x8: {  	s20 =	simm.s32 $0x20;
	s21 =	simm.s32 $0x10;
	s22 =	simm.s32 $0x0  }
0x9: {  	s6 =	sand.u32 $0x1, s4;
	s30 =	smul.u32 $0x500, s1;
	[smem:$0x7FF] =	sst s3  }
0xa: {  	s10 =	smul.u32 $0xA00, s1;
	s12 =	sshll.u32 s1, $0x6;
	s7 =	sshll.u32 s6, $0x7  }
0xb: {  	_ =	strace $0x80000047;
	s9 =	ssub.s32 $0x2, s6;
	s13 =	smul.u32 $0xA000, s6  }
0xc: {  	s4 =	sor.u32 s7, s30;
	s31 =	sshrl.u32 s9, $0x1;
	s11 =	sshrl.u32 s10, $0x2  }
0xd: {  	s7 =	sshrl.u32 s4, $0x3;
	s4 =	sadd.s32 $0x4600, s5;
	s9 =	ssub.s32 s9, s31  }
0xe: {  	s11 =	sadd.s32 s11, s2;
	s8 =	sadd.s32 s13, s8;
	s13 =	simm.s32 $0x80  }
0xf: {  	s7 =	sadd.s32 s7, s5;
	s5 =	sor.u32 $0x1C01, s12;
	s8 =	sadd.s32 s10, s8  }
0x10: {  	s10 =	simm.s32 $0x1;
	s12 =	simm.s32 $0x400;
	s6 =	sadd.s32 $0x4800, s7  }
0x11: {  	v0 =	vimm.f32 $1.000000000e+00;
	s7 =	smax.u32 s9, $0x1;
	s9 =	sshrl.u32 s11, $0x3;
	s11 =	simm.s32 $0x40  }
.LBB2_1:
0x12: {  	[spmem:s9], [sflag:s5] =	dma.local [hbm:s4], $0x50  }
0x13: {  	_ =	swait.ge [sflag:s10], $0x50  }
0x14: {  	[sflag:s10] =	ssyncset.done $0x0  }
0x15: {  	[sflag:s10] =	ssyncadd.s32 $0xFFFFFFB0  }
0x16: {  	[tilespmem:$0x400] =	vst v0  }
0x17: {  	[tilespmem:$0x410] =	vst v0  }
0x18: {  	[tilespmem:$0x420] =	vst v0  }
0x19: {  	[tilespmem:$0x430] =	vst v0  }
0x1a: {  	s23 =	sadd.s32 $0x0, s8;
	[bflag:$0x0] =	sbarrier.arrive $0xFFFF  }
0x1b: {  	[tilespmem:s3], [sflag:$0x1] =	stream.linear.gather [hbm4b:s23+s3], $0x400, $0x38;
	[tilespmem:$0x700] =	vst v63  }
0x1c: {  	_ =	swait.ge [sflag:s10], $0x400  }
0x1d: {  	[sflag:s10] =	ssyncset.done $0x0  }
0x1e: {  	[sflag:s10] =	ssyncadd.s32 $0xFFFFFC00  }
0x1f: {  	[spmem:s2] =	stream.indirect.scatter.add.f32 [tilespmem:s12], [sflag:$0x1], $0x1, s3, s11, $0xb8;
	[tilespmem:$0x700] =	vst v63  }
0x20: {  	_ =	swait.ge [sflag:s10], $0x40  }
0x21: {  	[sflag:s10] =	ssyncset.done $0x0  }
0x22: {  	[sflag:s10] =	ssyncadd.s32 $0xFFFFFFC0  }
0x23: {  	[spmem:s2] =	stream.indirect.scatter.add.f32 [tilespmem:s12], [sflag:$0x1], $0x1, s13, s11, $0xb8;
	[tilespmem:$0x700] =	vst v63  }
0x24: {  	_ =	swait.ge [sflag:s10], $0x40  }
0x25: {  	[sflag:s10] =	ssyncset.done $0x0  }
0x26: {  	[sflag:s10] =	ssyncadd.s32 $0xFFFFFFC0  }
0x27: {  	[spmem:s2] =	stream.indirect.scatter.add.f32 [tilespmem:s12], [sflag:$0x1], $0x1, s14, s11, $0xb8;
	[tilespmem:$0x700] =	vst v63  }
0x28: {  	_ =	swait.ge [sflag:s10], $0x40  }
0x29: {  	[sflag:s10] =	ssyncset.done $0x0  }
0x2a: {  	[sflag:s10] =	ssyncadd.s32 $0xFFFFFFC0  }
0x2b: {  	[spmem:s2] =	stream.indirect.scatter.add.f32 [tilespmem:s12], [sflag:$0x1], $0x1, s15, s11, $0xb8;
	[tilespmem:$0x700] =	vst v63  }
0x2c: {  	_ =	swait.ge [sflag:s10], $0x40  }
0x2d: {  	[sflag:s10] =	ssyncset.done $0x0  }
0x2e: {  	[sflag:s10] =	ssyncadd.s32 $0xFFFFFFC0  }
0x2f: {  	[spmem:s2] =	stream.indirect.scatter.add.f32 [tilespmem:s12], [sflag:$0x1], $0x1, s16, s11, $0xb8;
	[tilespmem:$0x700] =	vst v63  }
0x30: {  	_ =	swait.ge [sflag:s10], $0x40  }
0x31: {  	[sflag:s10] =	ssyncset.done $0x0  }
0x32: {  	[sflag:s10] =	ssyncadd.s32 $0xFFFFFFC0  }
0x33: {  	[spmem:s2] =	stream.indirect.scatter.add.f32 [tilespmem:s12], [sflag:$0x1], $0x1, s17, s11, $0xb8;
	[tilespmem:$0x700] =	vst v63  }
0x34: {  	_ =	swait.ge [sflag:s10], $0x40  }
0x35: {  	[sflag:s10] =	ssyncset.done $0x0  }
0x36: {  	[sflag:s10] =	ssyncadd.s32 $0xFFFFFFC0  }
0x37: {  	[spmem:s2] =	stream.indirect.scatter.add.f32 [tilespmem:s12], [sflag:$0x1], $0x1, s18, s11, $0xb8;
	[tilespmem:$0x700] =	vst v63  }
0x38: {  	_ =	swait.ge [sflag:s10], $0x40  }
0x39: {  	[sflag:s10] =	ssyncset.done $0x0  }
0x3a: {  	[sflag:s10] =	ssyncadd.s32 $0xFFFFFFC0  }
0x3b: {  	[spmem:s2] =	stream.indirect.scatter.add.f32 [tilespmem:s12], [sflag:$0x1], $0x1, s19, s11, $0xb8;
	[tilespmem:$0x700] =	vst v63  }
0x3c: {  	_ =	swait.ge [sflag:s10], $0x40  }
0x3d: {  	s25 =	simm.s32 $0x100;
	s23 =	simm.s32 $0x80;
	[sflag:s10] =	ssyncset.done $0x0  }
.LBB2_2:
0x3e: {  	s26 =	sadd.s32 s23, s8  }
0x3f: {  	[sflag:s10] =	ssyncadd.s32 $0xFFFFFFC0;
	s23 =	smov.u32 s25;
	s24 =	sadd.s32 $0x80, s25  }
0x40: {  	[tilespmem:s3], [sflag:$0x1] =	stream.linear.gather [hbm4b:s26+s3], $0x400, $0x38;
	[tilespmem:$0x700] =	vst v63  }
0x41: {  	p0 =	sne.s32 s25, $0x980;
	_ =	swait.ge [sflag:s10], $0x400  }
0x42: {  	[sflag:s10] =	ssyncset.done $0x0  }
0x43: {  	[sflag:s10] =	ssyncadd.s32 $0xFFFFFC00  }
0x44: {  	[spmem:s2] =	stream.indirect.scatter.add.f32 [tilespmem:s12], [sflag:$0x1], $0x1, s3, s11, $0xb8;
	[tilespmem:$0x700] =	vst v63  }
0x45: {  	_ =	swait.ge [sflag:s10], $0x40  }
0x46: {  	[sflag:s10] =	ssyncset.done $0x0  }
0x47: {  	[sflag:s10] =	ssyncadd.s32 $0xFFFFFFC0  }
0x48: {  	[spmem:s2] =	stream.indirect.scatter.add.f32 [tilespmem:s12], [sflag:$0x1], $0x1, s13, s11, $0xb8;
	[tilespmem:$0x700] =	vst v63  }
0x49: {  	_ =	swait.ge [sflag:s10], $0x40  }
0x4a: {  	[sflag:s10] =	ssyncset.done $0x0  }
0x4b: {  	[sflag:s10] =	ssyncadd.s32 $0xFFFFFFC0  }
0x4c: {  	[spmem:s2] =	stream.indirect.scatter.add.f32 [tilespmem:s12], [sflag:$0x1], $0x1, s14, s11, $0xb8;
	[tilespmem:$0x700] =	vst v63  }
0x4d: {  	_ =	swait.ge [sflag:s10], $0x40  }
0x4e: {  	[sflag:s10] =	ssyncset.done $0x0  }
0x4f: {  	[sflag:s10] =	ssyncadd.s32 $0xFFFFFFC0  }
0x50: {  	[spmem:s2] =	stream.indirect.scatter.add.f32 [tilespmem:s12], [sflag:$0x1], $0x1, s15, s11, $0xb8;
	[tilespmem:$0x700] =	vst v63  }
0x51: {  	_ =	swait.ge [sflag:s10], $0x40  }
0x52: {  	[sflag:s10] =	ssyncset.done $0x0  }
0x53: {  	[sflag:s10] =	ssyncadd.s32 $0xFFFFFFC0  }
0x54: {  	[spmem:s2] =	stream.indirect.scatter.add.f32 [tilespmem:s12], [sflag:$0x1], $0x1, s16, s11, $0xb8;
	[tilespmem:$0x700] =	vst v63  }
0x55: {  	_ =	swait.ge [sflag:s10], $0x40  }
0x56: {  	[sflag:s10] =	ssyncset.done $0x0  }
0x57: {  	[sflag:s10] =	ssyncadd.s32 $0xFFFFFFC0  }
0x58: {  	[spmem:s2] =	stream.indirect.scatter.add.f32 [tilespmem:s12], [sflag:$0x1], $0x1, s17, s11, $0xb8;
	[tilespmem:$0x700] =	vst v63  }
0x59: {  	_ =	swait.ge [sflag:s10], $0x40  }
0x5a: {  	[sflag:s10] =	ssyncset.done $0x0  }
0x5b: {  	[sflag:s10] =	ssyncadd.s32 $0xFFFFFFC0  }
0x5c: {  	[spmem:s2] =	stream.indirect.scatter.add.f32 [tilespmem:s12], [sflag:$0x1], $0x1, s18, s11, $0xb8;
	[tilespmem:$0x700] =	vst v63  }
0x5d: {  	_ =	swait.ge [sflag:s10], $0x40  }
.Ltmp0:
0x5e: {  	[sflag:s10] =	ssyncset.done $0x0;
	(pc) =	sbr.rel @p0 .LBB2_2-.Ltmp0, $4  }
0x5f: {  	[sflag:s10] =	ssyncadd.s32 $0xFFFFFFC0  }
0x60: {  	[spmem:s2] =	stream.indirect.scatter.add.f32 [tilespmem:s12], [sflag:$0x1], $0x1, s19, s11, $0xb8;
	[tilespmem:$0x700] =	vst v63  }
0x61: {  	_ =	swait.ge [sflag:s10], $0x40  }
0x62: {  	s25 =	smov.u32 s24;
	[sflag:s10] =	ssyncset.done $0x0  }
0x63: {  	s23 =	sadd.s32 s23, s8;
	[sflag:s10] =	ssyncadd.s32 $0xFFFFFFC0  }
0x64: {  	[tilespmem:s3], [sflag:$0x1] =	stream.linear.gather [hbm4b:s23+s3], $0x400, $0x38;
	[tilespmem:$0x700] =	vst v63  }
0x65: {  	_ =	swait.ge [sflag:s10], $0x400  }
0x66: {  	[sflag:s10] =	ssyncset.done $0x0  }
0x67: {  	[sflag:s10] =	ssyncadd.s32 $0xFFFFFC00  }
0x68: {  	[spmem:s2] =	stream.indirect.scatter.add.f32 [tilespmem:s12], [sflag:$0x1], $0x1, s3, s11, $0xb8;
	[tilespmem:$0x700] =	vst v63  }
0x69: {  	_ =	swait.ge [sflag:s10], $0x40  }
0x6a: {  	[sflag:s10] =	ssyncset.done $0x0  }
0x6b: {  	[sflag:s10] =	ssyncadd.s32 $0xFFFFFFC0  }
0x6c: {  	[spmem:s2] =	stream.indirect.scatter.add.f32 [tilespmem:s12], [sflag:$0x1], $0x1, s13, s11, $0xb8;
	[tilespmem:$0x700] =	vst v63  }
0x6d: {  	_ =	swait.ge [sflag:s10], $0x40  }
0x6e: {  	[sflag:s10] =	ssyncset.done $0x0  }
0x6f: {  	[sflag:s10] =	ssyncadd.s32 $0xFFFFFFC0  }
0x70: {  	[spmem:s2] =	stream.indirect.scatter.add.f32 [tilespmem:s12], [sflag:$0x1], $0x1, s14, s11, $0xb8;
	[tilespmem:$0x700] =	vst v63  }
0x71: {  	_ =	swait.ge [sflag:s10], $0x40  }
0x72: {  	[sflag:s10] =	ssyncset.done $0x0  }
0x73: {  	[sflag:s10] =	ssyncadd.s32 $0xFFFFFFC0  }
0x74: {  	[spmem:s2] =	stream.indirect.scatter.add.f32 [tilespmem:s12], [sflag:$0x1], $0x1, s15, s11, $0xb8;
	[tilespmem:$0x700] =	vst v63  }
0x75: {  	_ =	swait.ge [sflag:s10], $0x40  }
0x76: {  	[sflag:s10] =	ssyncset.done $0x0  }
0x77: {  	[sflag:s10] =	ssyncadd.s32 $0xFFFFFFC0  }
0x78: {  	[spmem:s2] =	stream.indirect.scatter.add.f32 [tilespmem:s12], [sflag:$0x1], $0x1, s16, s11, $0xb8;
	[tilespmem:$0x700] =	vst v63  }
0x79: {  	_ =	swait.ge [sflag:s10], $0x40  }
0x7a: {  	[sflag:s10] =	ssyncset.done $0x0  }
0x7b: {  	[sflag:s10] =	ssyncadd.s32 $0xFFFFFFC0  }
0x7c: {  	[spmem:s2] =	stream.indirect.scatter.add.f32 [tilespmem:s12], [sflag:$0x1], $0x1, s17, s11, $0xb8;
	[tilespmem:$0x700] =	vst v63  }
0x7d: {  	_ =	swait.ge [sflag:s10], $0x40  }
0x7e: {  	[sflag:s10] =	ssyncset.done $0x0  }
0x7f: {  	[sflag:s10] =	ssyncadd.s32 $0xFFFFFFC0  }
0x80: {  	[spmem:s2] =	stream.indirect.scatter.add.f32 [tilespmem:s12], [sflag:$0x1], $0x1, s18, s11, $0xb8;
	[tilespmem:$0x700] =	vst v63  }
0x81: {  	_ =	swait.ge [sflag:s10], $0x40  }
0x82: {  	[sflag:s10] =	ssyncset.done $0x0  }
0x83: {  	[sflag:s10] =	ssyncadd.s32 $0xFFFFFFC0  }
0x84: {  	[spmem:s2] =	stream.indirect.scatter.add.f32 [tilespmem:s12], [sflag:$0x1], $0x1, s19, s11, $0xb8;
	[tilespmem:$0x700] =	vst v63  }
0x85: {  	_ =	swait.ge [sflag:s10], $0x40  }
0x86: {  	s22 =	sadd.s32 $0x1, s22;
	[sflag:s10] =	ssyncset.done $0x0  }
0x87: {  	p0 =	sne.s32 s22, s7;
	[sflag:s10] =	ssyncadd.s32 $0xFFFFFFC0  }
.Ltmp1:
0x88: {  	[bflag:$0x0] =	sbarrier.arrive $0xFFFF;
	(pc) =	sbr.rel @p0 .LBB2_1-.Ltmp1, $4  }
0x89: {  	[hbm:s6@s20], [sflag:s5] =	dma.strided [spmem:s9@s21], $0x50, s10, $0x10   }
0x8a: {  	_ =	swait.ge [sflag:s10], $0x50  }
0x8b: {  	[sflag:s10] =	ssyncset.done $0x0  }
0x8c: {  	[sflag:s10] =	ssyncadd.s32 $0xFFFFFFB0  }
0x8d: {  	_ =	sfence.sel $0x180000  }
0x8e: {  	[bflag:$0x0] =	sbarrier.arrive $0xFFFF  }
0x8f: {  	p0 =	sne.s32 s1, $0x0;
	_ =	strace $0x90000047  }
0x90: {  	s0 =	sadd.s32 @!p0 $0x100000, s0;
	[bflag:$0x2] =	sbarrier.arrive $0xFFFF  }
0x91: {  	[sflag:s0] =	ssyncadd.tile.s32 @!p0 $0x1;
	_ =	shalt  }
.Lfunc_end2:
_tile_overlayer_lowered:
.L_overlay_start_2:
0x92: {  	(tag) =	ssettag $0x2  }
0x93: {  	s0 =	rddreg [dreg:$0x0];
	s2 =	stileid.u32  }
0x94: {  	s1 =	rddreg [dreg:$0x1];
	p0 =	sne.s32 s2, $0x0  }
0x95: {  	s3 =	rddreg [dreg:$0x2];
	[bflag:$0x3] =	sbarrier.arrive $0xFFFF;
	s2 =	simm.s32 @!p0 $0x1C01  }
0x96: {  	[timem:s3], [sflag:s2] =	dma.local @!p0 [hbm:s0], s1  }
0x97: {  	s0 =	simm.s32 @!p0 $0x1  }
0x98: {  	_ =	swait.ge @!p0 [sflag:s0], s1  }
0x99: {  	s1 =	ssub.s32 @!p0 $0x0, s1;
	[sflag:s0] =	ssyncset.done @!p0 $0x0  }
0x9a: {  	[sflag:s0] =	ssyncadd.s32 @!p0 s1  }
0x9b: {  	[bflag:$0x3] =	sbarrier.arrive $0xFFFF  }
0x9c: {  	_ =	shalt  }

// kernel: kernel.13.cloned.1.call-start
scs
__scs_entry_jumppad:
0x0: {  	(pc) =	sbr.rel $0x88, $3  }
0x1: {  	(tag) =	ssettag $0x0;
	lr =	simm.s32 $0x1  }
0x2: {  	[smem:$0x3F92] =	sst lr;
	_ =	strace $0xD0000000  }
0x3: {  	_ = 	snop  }
0x4: {  	_ = 	snop  }
0x5: {  	_ = 	snop  }
0x6: {  	_ = 	snop  }
0x7: {  	_ = 	snop  }
__scs_overlays_trampoline_lowered:
0x8: {  	[smem:$0x3FA1] =	sst s0  }
0x9: {  	[smem:$0x3FA2] =	sst s1  }
0xa: {  	[smem:$0x3FA3] =	sst s2  }
0xb: {  	[smem:$0x3FA4] =	sst s3  }
0xc: {  	[smem:$0x3FA5] =	sst s4  }
0xd: {  	[smem:$0x3FA6] =	sst s5  }
0xe: {  	[smem:$0x3FA7] =	sst s6  }
0xf: {  	[smem:$0x3FA8] =	sst s7  }
0x10: {  	[smem:$0x3FA9] =	sst s8  }
0x11: {  	[smem:$0x3FAA] =	sst s9;
	s0 =	simm.s32 @!p0 $0x0  }
0x12: {  	s1 =	sld [smem:$0x3F90];
	s0 =	simm.s32 @p0 $0x1  }
0x13: {  	[smem:$0x3FAB] =	sst s0;
	s0 =	simm.s32 @!p1 $0x0  }
0x14: {  	s2 =	sld [smem:$0x3F8F];
	s0 =	simm.s32 @p1 $0x1  }
0x15: {  	[smem:$0x3FAC] =	sst s0;
	s0 =	simm.s32 @!p2 $0x0  }
0x16: {  	s3 =	sld [smem:$0x3FDB];
	s0 =	simm.s32 @p2 $0x1  }
0x17: {  	s4 =	simm.s32 $0x1BF5;
	[smem:$0x3FAE] =	sst s0  }
0x18: {  	s0 =	sld [smem:$0x3F91];
	_ =	swait.ge [sflag:s4], $0x0  }
0x19: {  	s7 =	sld [smem:$0x3F92]  }
0x1a: {  	s8 =	sadd.s32 $0xFFFFE003, lr  }
0x1b: {  	s9 =	sadd.s32 $0xFFFFFEF7, lr;
	s5 =	simm.s32 $0xFFFFFFFF;
	p2 =	slt.u32 s8, $0xFFFFF086  }
0x1c: {  	p1 =	slt.u32 s9, $0xF7A;
	s5 =	simm.s32 @!p2 $0x0  }
0x1d: {  	s5 =	simm.s32 @p1 $0x1;
	p0 =	seq.s32 s7, s2  }
0x1e: {  	s7 =	smul.u32 @!p0 $0xF7A, s2;
	p2 =	seq.s32 @!p0 s5, $0x0  }
0x1f: {  	s9 =	smul.u32 $0xF7A, s1;
	s8 =	simm.s32 @!p0 $0x1BF5;
	p2 =	por !p2, p0  }
0x20: {  	[sflag:s8] =	ssyncset.s32 @!p0 $0xFFFFF086;
	s6 =	sadd.s32 @!p0 s3, s7;
	s7 =	simm.s32 @!p0 $0x108  }
0x21: {  	s3 =	sadd.s32 s3, s9;
	s6 =	sadd.s32 @!p0 $0x88, s6;
	s7 =	simm.s32 @p2 $0x1082  }
0x22: {  	[simem:s7], [sflag:s8] =	dma.local @!p0 [hbm:s6], $0xF7A  }
0x23: {  	s9 =	sor.u32 $0xD0000000, s2;
	s6 =	simm.s32 $0x108;
	_ =	swait.ge @!p0 [sflag:s8], $0x0  }
0x24: {  	s3 =	sadd.s32 $0x88, s3;
	s6 =	simm.s32 @!p1 $0x1082;
	[sflag:s4] =	ssyncset.s32 $0xFFFFF086  }
0x25: {  	[simem:s6], [sflag:s4] =	dma.local [hbm:s3], $0xF7A  }
0x26: {  	[smem:$0x3F92] =	sst s1;
	(tag) =	ssettag s2;
	_ =	strace s9  }
0x27: {  	s1 =	sld [smem:$0x3FA2]  }
0x28: {  	s2 =	sld [smem:$0x3FA3]  }
0x29: {  	s4 =	sld [smem:$0x3FA5]  }
0x2a: {  	p0 =	seq.s32 s5, $0x0;
	s5 =	sld [smem:$0x3FA6]  }
0x2b: {  	s6 =	sld [smem:$0x3FA7]  }
0x2c: {  	s7 =	sld [smem:$0x3FA8]  }
0x2d: {  	s3 =	simm.s32 $0x108;
	s8 =	sld [smem:$0x3FA9]  }
0x2e: {  	s3 =	simm.s32 @!p0 $0x1082;
	s9 =	sld [smem:$0x3FAA]  }
0x2f: {  	lr =	sadd.s32 s0, s3;
	s0 =	sld [smem:$0x3FA1]  }
0x30: {  	s3 =	sld [smem:$0x3FA4]  }
0x31: {  	[smem:$0x3FAD] =	sst s10  }
0x32: {  	s10 =	sld [smem:$0x3FAB];
	_ =	sdelay $0x3  }
0x33: {  	p0 =	seq.s32 s10, $0x1;
	s10 =	sld [smem:$0x3FAD];
	_ =	sdelay $0x3  }
0x34: {  	[smem:$0x3FAD] =	sst s10  }
0x35: {  	s10 =	sld [smem:$0x3FAC];
	_ =	sdelay $0x3  }
0x36: {  	p1 =	seq.s32 s10, $0x1;
	s10 =	sld [smem:$0x3FAD];
	_ =	sdelay $0x3  }
0x37: {  	[smem:$0x3FAD] =	sst s10  }
0x38: {  	s10 =	sld [smem:$0x3FAE]  }
0x39: {  	_ = 	snop;
	(pc) =	sbr.ind lr, $3  }
0x3a: {  	_ = 	snop  }
0x3b: {  	_ = 	snop  }
0x3c: {  	p2 =	seq.s32 s10, $0x1;
	s10 =	sld [smem:$0x3FAD]  }
0x3d: {  	_ =	shalt  }
0x3e: {  	_ =	shalt  }
0x3f: {  	_ =	shalt  }
0x40: {  	_ =	shalt  }
0x41: {  	_ =	shalt  }
0x42: {  	_ =	shalt  }
0x43: {  	_ =	shalt  }
0x44: {  	_ =	shalt  }
0x45: {  	_ =	shalt  }
0x46: {  	_ =	shalt  }
0x47: {  	_ =	shalt  }
0x48: {  	_ =	shalt  }
0x49: {  	_ =	shalt  }
0x4a: {  	_ =	shalt  }
0x4b: {  	_ =	shalt  }
0x4c: {  	_ =	shalt  }
0x4d: {  	_ =	shalt  }
0x4e: {  	_ =	shalt  }
0x4f: {  	_ =	shalt  }
0x50: {  	_ =	shalt  }
0x51: {  	_ =	shalt  }
0x52: {  	_ =	shalt  }
0x53: {  	_ =	shalt  }
0x54: {  	_ =	shalt  }
0x55: {  	_ =	shalt  }
0x56: {  	_ =	shalt  }
0x57: {  	_ =	shalt  }
0x58: {  	_ =	shalt  }
0x59: {  	_ =	shalt  }
0x5a: {  	_ =	shalt  }
0x5b: {  	_ =	shalt  }
0x5c: {  	_ =	shalt  }
0x5d: {  	_ =	shalt  }
0x5e: {  	_ =	shalt  }
0x5f: {  	_ =	shalt  }
0x60: {  	_ =	shalt  }
0x61: {  	_ =	shalt  }
0x62: {  	_ =	shalt  }
0x63: {  	_ =	shalt  }
0x64: {  	_ =	shalt  }
0x65: {  	_ =	shalt  }
0x66: {  	_ =	shalt  }
0x67: {  	_ =	shalt  }
0x68: {  	_ =	shalt  }
0x69: {  	_ =	shalt  }
0x6a: {  	_ =	shalt  }
0x6b: {  	_ =	shalt  }
0x6c: {  	_ =	shalt  }
0x6d: {  	_ =	shalt  }
0x6e: {  	_ =	shalt  }
0x6f: {  	_ =	shalt  }
0x70: {  	_ =	shalt  }
0x71: {  	_ =	shalt  }
0x72: {  	_ =	shalt  }
0x73: {  	_ =	shalt  }
0x74: {  	_ =	shalt  }
0x75: {  	_ =	shalt  }
0x76: {  	_ =	shalt  }
0x77: {  	_ =	shalt  }
0x78: {  	_ =	shalt  }
0x79: {  	_ =	shalt  }
0x7a: {  	_ =	shalt  }
0x7b: {  	_ =	shalt  }
0x7c: {  	_ =	shalt  }
0x7d: {  	_ =	shalt  }
0x7e: {  	_ =	shalt  }
0x7f: {  	_ =	shalt  }
0x80: {  	_ =	shalt  }
0x81: {  	_ =	shalt  }
0x82: {  	_ =	shalt  }
0x83: {  	_ =	shalt  }
0x84: {  	_ =	shalt  }
0x85: {  	_ =	shalt  }
0x86: {  	_ =	shalt  }
0x87: {  	_ =	shalt  }
.Lfunc_end0:
.L_simem_size_0:
called_computation.1_lowered:
.L_overlay_start_0:
0x88: {  	s2 =	sld [smem:$0x3FD9]  }
0x89: {  	s3 =	sld [smem:$0x3FFE];
	_ =	sdelay $0x1  }
0x8a: {  	s1 =	srdreg.scid  }
0x8b: {  	s0 =	sand.u32 $0x1, s1  }
0x8c: {  	s17 =	sshll.u32 s0, $0xA;
	s2 =	sadd.s32 s3, s2  }
0x8d: {  	s2 =	sadd.s32 s2, s17  }
0x8e: {  	[smem:$0x3FB9] =	sst s2  }
0x8f: {  	_ = 	snop  }
0x90: {  	s2 =	sld [smem:$0x3FD0];
	(tm) =	ssettm $0x1  }
0x91: {  	s18 =	sld [smem:$0x3FFB];
	_ =	sdelay $0x3  }
0x92: {  	_ =	strace s18  }
0x93: {  	s3 =	sld [smem:$0x3FFC];
	_ =	sdelay $0x3  }
0x94: {  	_ =	strace s3  }
0x95: {  	s3 =	sld [smem:$0x3FFD];
	_ =	sdelay $0x3  }
0x96: {  	_ =	strace s3  }
0x97: {  	_ =	strace $0x8FFFFFFF  }
0x98: {  	s19 =	sld [smem:$0x3FDB];
	_ =	sdelay $0x1  }
0x99: {  	s4 =	simm.s32 $_scs_section_size  }
0x9a: {  	s5 =	simm.s32 $_size__tile_overlayer_lowered;
	s6 =	simm.s32 $_tile_overlayer_lowered  }
0x9b: {  	s22 =	simm.s32 $0x1BFF;
	s21 =	sshll.u32 s6, $0x1;
	s3 =	sadd.s32 s4, s19  }
0x9c: {  	s7 =	simm.s32 $0x0;
	s20 =	sshll.u32 s5, $0x1;
	s5 =	sadd.s32 s21, s3  }
0x9d: {  	[timem:s7], [sflag:s22] =	dma.local [hbm:s5], s20  }
0x9e: {  	_ =	swait.ge [sflag:s22], s20  }
0x9f: {  	s4 =	ssub.s32 $0x0, s20;
	[sflag:s22] =	ssyncset.done $0x0  }
0xa0: {  	[sflag:s22] =	ssyncadd.s32 s4;
	_ =	sdelay $0x1  }
0xa1: {  	s23 =	simm.s32 $0x1B8B  }
0xa2: {  	_ =	swait.ge [sflag:s23], $0x1  }
0xa3: {  	[sflag:s23] =	ssyncset.done $0x0  }
0xa4: {  	s25 =	simm.s32 $0x1B8E;
	s24 =	sld [smem:$0x3FFE];
	[sflag:s23] =	ssyncadd.s32 $0xFFFFFFFF  }
0xa5: {  	s26 =	simm.s32 $execute0_lowered;
	[smem:$0x3FD2] =	sst s25  }
0xa6: {  	s5 =	sshll.u32 s26, $0x1;
	_ =	strace $0x80000049;
	[dreg:$0x1] =	wrdreg $0xFFFFFFFF  }
0xa7: {  	s28 =	simm.s32 $_size_execute0_lowered;
	s3 =	sadd.s32 s3, s5;
	[dreg:$0x0] =	wrdreg $0x0  }
0xa8: {  	s5 =	sshll.u32 s28, $0x1;
	[dreg:$0x2] =	wrdreg s3  }
0xa9: {  	[dreg:$0x3] =	wrdreg s5  }
0xaa: {  	[dreg:$0x4] =	wrdreg $0xC0  }
0xab: {  	_ =	task [dreg:s7], $0x5FFFF  }
0xac: {  	[dreg:$0x1] =	wrdreg $0xFFFFFFFF  }
0xad: {  	[dreg:$0x0] =	wrdreg $0x60  }
0xae: {  	[dreg:$0x2] =	wrdreg s24  }
0xaf: {  	[dreg:$0x3] =	wrdreg s2  }
0xb0: {  	[dreg:$0x4] =	wrdreg $0x80000  }
0xb1: {  	[dreg:$0x5] =	wrdreg $0x9  }
0xb2: {  	_ =	task.clear_ibuf [dreg:s7], $0x6FFFF;
	_ =	strace $0x90000049  }
0xb3: {  	s29 =	simm.s32 $0x9;
	_ =	strace $0x8000004B  }
0xb4: {  	_ =	swait.ge [sflag:s29], $0x1  }
0xb5: {  	[sflag:s29] =	ssyncadd.s32 $0xFFFFFFFF  }
0xb6: {  	_ =	strace $0x9000004B  }
0xb7: {  	_ =	sfence  }
0xb8: {  	s30 =	sld [smem:$0x0];
	_ =	sdelay $0x2  }
0xb9: {  	s31 =	sshll.u32 s1, $0xD;
	s1 =	sshrl.u32 s1, $0x2  }
0xba: {  	s3 =	sand.u32 $0x4000, s31;
	s1 =	sadd.s32 s1, s30  }
0xbb: {  	s0 =	sor.u32 s3, s0;
	s1 =	sshll.u32 s1, $0x11  }
0xbc: {  	s0 =	sor.u32 s1, s0  }
0xbd: {  	s0 =	sadd.s32 $0x8F2B, s0  }
0xbe: {  	[sflag:s0] =	ssyncadd.remote.s32 $0x1  }
0xbf: {  	_ =	sfence.sel $0xFFFF  }
0xc0: {  	[dreg:$0x0] =	wrdreg $0xFFFFFFFF;
	(pc) =	sbr.abs _section_cstart, $3  }
0xc1: {  	[dreg:$0x1] =	wrdreg $0xFFFFFFFF  }
0xc2: {  	_ =	task.clear_ibuf [dreg:s7], $0x2FFFF;
	_ =	strace $0x9FFFFFFF  }
0xc3: {  	(tm) =	ssettm $0x7FFFFFFF  }
tec
execute0_lowered:
.L_overlay_start_1:
0x0: {  	(tag) =	ssettag $0x1  }
0x1: {  	s0 =	rddreg [dreg:$0x0]  }
0x2: {  	s1 =	rddreg [dreg:$0x1]  }
0x3: {  	s2 =	rddreg [dreg:$0x2];
	s15 =	stileid.u32  }
0x4: {  	s3 =	srdreg.scid;
	s4 =	simm.s32 $0x0;
	s8 =	smul.u32 $0x14000, s15  }
0x5: {  	s28 =	simm.s32 $0x5;
	s29 =	simm.s32 $0x2000;
	s12 =	smul.u32 $0x50000, s15  }
0x6: {  	s3 =	sand.u32 $0x1, s3;
	[smem:$0x7FF] =	sst s4;
	s13 =	smul.u32 $0x130, s15  }
0x7: {  	s5 =	sadd.s32 $0x41200, s0;
	s22 =	sshll.u32 s15, $0x4;
	s7 =	smul.u32 $0x140000, s3  }
0x8: {  	s6 =	sadd.s32 $0x2D200, s0;
	p0 =	seq.s32 s3, $0x0;
	s14 =	sor.u32 $0x1300, s22  }
0x9: {  	s12 =	sshrl.u32 s12, $0x2;
	s14 =	smov.u32 @p0 s13;
	s8 =	sadd.s32 s8, s7  }
0xa: {  	s7 =	sadd.s32 $0x91200, s0;
	s18 =	sshll.u32 s14, $0x4;
	s10 =	sshrl.u32 s8, $0x3  }
0xb: {  	s22 =	sadd.s32 s6, s18;
	s0 =	sadd.s32 s10, s0;
	s10 =	sadd.s32 s12, s2  }
0xc: {  	_ =	strace $0x8000004A;
	[dreg:$0xe] =	wrdreg s22;
	s12 =	sadd.s32 $0x2000, s10  }
0xd: {  	s31 =	simm.s32 $0x4000;
	s23 =	sadd.s32 $0x4000, s10;
	[dreg:$0x6] =	wrdreg s12  }
0xe: {  	s30 =	simm.s32 $0x1;
	s24 =	sadd.s32 $0x6000, s10;
	[dreg:$0x7] =	wrdreg s23  }
0xf: {  	s9 =	ssub.s32 $0x2, s3;
	s25 =	sadd.s32 $0x8000, s10;
	[dreg:$0x8] =	wrdreg s24  }
0x10: {  	s11 =	sshrl.u32 s9, $0x1;
	s26 =	sadd.s32 $0xA000, s10;
	[dreg:$0x9] =	wrdreg s25  }
0x11: {  	s11 =	ssub.s32 s9, s11;
	s13 =	sadd.s32 $0xC000, s10;
	[dreg:$0xa] =	wrdreg s26  }
0x12: {  	s8 =	simm.s32 $0x130;
	s16 =	sadd.s32 $0xE000, s10;
	[dreg:$0xb] =	wrdreg s13  }
0x13: {  	s8 =	simm.s32 @!p0 $0x10;
	s17 =	sadd.s32 $0x10000, s10;
	[dreg:$0xc] =	wrdreg s16  }
0x14: {  	s19 =	sshll.u32 s14, $0x7;
	s21 =	sshll.u32 s8, $0x9;
	[dreg:$0xd] =	wrdreg s17  }
0x15: {  	s9 =	sshrl.u32 s8, $0x4;
	s0 =	sadd.s32 $0x93A00, s0;
	[dreg:$0x5] =	wrdreg s21  }
0x16: {  	s14 =	sshrl.u32 s19, $0x3;
	s20 =	sadd.s32 $0xFFFFFFFF, s9;
	[dreg:$0x12] =	wrdreg s0  }
0x17: {  	p0 =	sne.s32 s3, $0x0;
	s12 =	sadd.s32 s1, s18;
	[dreg:$0x4] =	wrdreg s20  }
0x18: {  	s23 =	sadd.s32 $0x100, s14;
	s26 =	smax.u32 s11, $0x1;
	[dreg:$0xf] =	wrdreg s12  }
0x19: {  	s3 =	simm.s32 $0x2;
	s24 =	sadd.s32 s6, s23;
	[dreg:$0x13] =	wrdreg s26  }
0x1a: {  	s0 =	simm.s32 $0x40;
	s25 =	sadd.s32 s1, s23;
	[dreg:$0x10] =	wrdreg s24  }
0x1b: {  	s11 =	simm.s32 $0x0;
	s26 =	sadd.s32 $0x12000, s10;
	[dreg:$0x11] =	wrdreg s25  }
.LBB2_1:
0x1c: {  	s12 =	simm.s32 @p0 $0x0;
	s13 =	simm.s32 @p0 $0x6000  }
0x1d: {  	[tilespmem:s13], [sflag:$0x5] =	stream.linear.gather @p0 [hbm4b:s7+s12], $0x2000, $0x38;
	[tilespmem:$0x1C000] =	vst v63  }
0x1e: {  	s12 =	simm.s32 @p0 $0x5  }
0x1f: {  	_ =	swait.ge @p0 [sflag:s12], $0x2000  }
0x20: {  	[sflag:s12] =	ssyncset.done @p0 $0x0  }
0x21: {  	[sflag:s12] =	ssyncadd.s32 @p0 $0xFFFFE000  }
0x22: {  	[spmem:s10] =	stream.linear.scatter @p0 [tilespmem:s13], [sflag:$0x5], $0x2000, $0x38;
	[tilespmem:$0x1C000] =	vst v63  }
0x23: {  	_ =	swait.ge @p0 [sflag:s12], $0x2000  }
0x24: {  	[sflag:s12] =	ssyncset.done @p0 $0x0  }
0x25: {  	s14 =	rddreg [dreg:$0x6];
	[sflag:s12] =	ssyncadd.s32 @p0 $0xFFFFE000  }
0x26: {  	[spmem:s14] =	stream.linear.scatter @p0 [tilespmem:s13], [sflag:$0x5], $0x2000, $0x38;
	[tilespmem:$0x1C000] =	vst v63  }
0x27: {  	_ =	swait.ge @p0 [sflag:s12], $0x2000  }
0x28: {  	[sflag:s12] =	ssyncset.done @p0 $0x0  }
0x29: {  	s14 =	rddreg [dreg:$0x7];
	[sflag:s12] =	ssyncadd.s32 @p0 $0xFFFFE000  }
0x2a: {  	[spmem:s14] =	stream.linear.scatter @p0 [tilespmem:s13], [sflag:$0x5], $0x2000, $0x38;
	[tilespmem:$0x1C000] =	vst v63  }
0x2b: {  	_ =	swait.ge @p0 [sflag:s12], $0x2000  }
0x2c: {  	[sflag:s12] =	ssyncset.done @p0 $0x0  }
0x2d: {  	s14 =	rddreg [dreg:$0x8];
	[sflag:s12] =	ssyncadd.s32 @p0 $0xFFFFE000  }
0x2e: {  	[spmem:s14] =	stream.linear.scatter @p0 [tilespmem:s13], [sflag:$0x5], $0x2000, $0x38;
	[tilespmem:$0x1C000] =	vst v63  }
0x2f: {  	_ =	swait.ge @p0 [sflag:s12], $0x2000  }
0x30: {  	[sflag:s12] =	ssyncset.done @p0 $0x0  }
0x31: {  	s14 =	rddreg [dreg:$0x9];
	[sflag:s12] =	ssyncadd.s32 @p0 $0xFFFFE000  }
0x32: {  	[spmem:s14] =	stream.linear.scatter @p0 [tilespmem:s13], [sflag:$0x5], $0x2000, $0x38;
	[tilespmem:$0x1C000] =	vst v63  }
0x33: {  	_ =	swait.ge @p0 [sflag:s12], $0x2000  }
0x34: {  	[sflag:s12] =	ssyncset.done @p0 $0x0  }
0x35: {  	s14 =	rddreg [dreg:$0xa];
	[sflag:s12] =	ssyncadd.s32 @p0 $0xFFFFE000  }
0x36: {  	[spmem:s14] =	stream.linear.scatter @p0 [tilespmem:s13], [sflag:$0x5], $0x2000, $0x38;
	[tilespmem:$0x1C000] =	vst v63  }
0x37: {  	_ =	swait.ge @p0 [sflag:s12], $0x2000  }
0x38: {  	[sflag:s12] =	ssyncset.done @p0 $0x0  }
0x39: {  	s14 =	rddreg [dreg:$0xb];
	[sflag:s12] =	ssyncadd.s32 @p0 $0xFFFFE000  }
0x3a: {  	[spmem:s14] =	stream.linear.scatter @p0 [tilespmem:s13], [sflag:$0x5], $0x2000, $0x38;
	[tilespmem:$0x1C000] =	vst v63  }
0x3b: {  	_ =	swait.ge @p0 [sflag:s12], $0x2000  }
0x3c: {  	[sflag:s12] =	ssyncset.done @p0 $0x0  }
0x3d: {  	s14 =	rddreg [dreg:$0xc];
	[sflag:s12] =	ssyncadd.s32 @p0 $0xFFFFE000  }
0x3e: {  	[spmem:s14] =	stream.linear.scatter @p0 [tilespmem:s13], [sflag:$0x5], $0x2000, $0x38;
	[tilespmem:$0x1C000] =	vst v63  }
0x3f: {  	_ =	swait.ge @p0 [sflag:s12], $0x2000  }
0x40: {  	[sflag:s12] =	ssyncset.done @p0 $0x0  }
0x41: {  	s14 =	rddreg [dreg:$0xd];
	[sflag:s12] =	ssyncadd.s32 @p0 $0xFFFFE000  }
0x42: {  	[spmem:s14] =	stream.linear.scatter @p0 [tilespmem:s13], [sflag:$0x5], $0x2000, $0x38;
	[tilespmem:$0x1C000] =	vst v63  }
0x43: {  	_ =	swait.ge @p0 [sflag:s12], $0x2000  }
0x44: {  	[sflag:s12] =	ssyncset.done @p0 $0x0  }
0x45: {  	[sflag:s12] =	ssyncadd.s32 @p0 $0xFFFFE000  }
0x46: {  	[spmem:s26] =	stream.linear.scatter @p0 [tilespmem:s13], [sflag:$0x5], $0x2000, $0x38;
	[tilespmem:$0x1C000] =	vst v63  }
0x47: {  	_ =	swait.ge @p0 [sflag:s12], $0x2000  }
0x48: {  	s13 =	sshll.u32 @!p0 s15, $0x6;
	[sflag:s12] =	ssyncset.done @p0 $0x0  }
0x49: {  	[sflag:s12] =	ssyncadd.s32 @p0 $0xFFFFE000;
	s12 =	sor.u32 @!p0 $0x1C05, s13;
	s13 =	sshrl.u32 @!p0 s10, $0x3  }
0x4a: {  	[spmem:s13], [sflag:s12] =	dma.local @!p0 [hbm:s7], $0x2800  }
0x4b: {  	s12 =	simm.s32 @!p0 $0x5  }
0x4c: {  	_ =	swait.ge @!p0 [sflag:s12], $0x2800  }
0x4d: {  	[sflag:s12] =	ssyncset.done @!p0 $0x0  }
0x4e: {  	s14 =	rddreg [dreg:$0xe];
	[sflag:s12] =	ssyncadd.s32 @!p0 $0xFFFFD800  }
0x4f: {  	[tilespmem:s4], [sflag:$0x5] =	stream.linear.gather [hbm4b:s14+s4], $0x800, $0x38;
	[tilespmem:$0x1C000] =	vst v63  }
0x50: {  	_ =	swait.ge [sflag:s28], $0x800  }
0x51: {  	[sflag:s28] =	ssyncset.done $0x0  }
0x52: {  	s16 =	simm.s32 $0x1000;
	s15 =	rddreg [dreg:$0xf];
	[sflag:s28] =	ssyncadd.s32 $0xFFFFF800  }
0x53: {  	[tilespmem:s16], [sflag:$0x5] =	stream.linear.gather [hbm4b:s15+s4], $0x800, $0x38;
	[tilespmem:$0x1C000] =	vst v63  }
0x54: {  	_ =	swait.ge [sflag:s28], $0x800  }
0x55: {  	[sflag:s28] =	ssyncset.done $0x0  }
0x56: {  	[sflag:s28] =	ssyncadd.s32 $0xFFFFF800  }
0x57: {  	[bflag:$0x0] =	sbarrier.arrive $0xFFFF  }
0x58: {  	s17 =	rddreg [dreg:$0x10]  }
0x59: {  	s18 =	simm.s32 $0x800;
	s24 =	simm.s32 $0x0;
	s22 =	rddreg [dreg:$0x4]  }
0x5a: {  	[tilespmem:s18], [sflag:$0x3] =	stream.linear.gather [hbm4b:s17+s4], $0x800, $0x38;
	[tilespmem:$0x1C000] =	vst v63  }
0x5b: {  	s14 =	sor.u32 $0x1C00, s24;
	p1 =	sle.u32 s22, $0x0  }
0x5c: {  	s21 =	simm.s32 $0x1800;
	s20 =	rddreg [dreg:$0x11];
	p2 =	sne.s32 @!p1 s14, $0x0  }
0x5d: {  	[tilespmem:s21], [sflag:$0x4] =	stream.linear.gather [hbm4b:s20+s4], $0x800, $0x38;
	[tilespmem:$0x1C000] =	vst v63  }
0x5e: {  	p1 =	por p2, p1  }
0x5f: {  	[tilespmem:s29], [sflag:$0x1] =	stream.indirect.gather [hbm4b:s5+s0], $0x80, s4, s0, $0xb8;
	[tilespmem:$0x1C000] =	vst v63  }
0x60: {  	s23 =	simm.s32 $0x80;
	s12 =	simm.s32 @!p1 $0x3  }
0x61: {  	[tilespmem:s31], [sflag:$0x2] =	stream.indirect.gather [hbm4b:s5+s0], $0x80, s23, s0, $0xb8;
	[tilespmem:$0x1C000] =	vst v63  }
0x62: {  	_ =	swait.ge @!p1 [sflag:s12], $0x800  }
0x63: {  	s25 =	simm.s32 $0x0;
	s16 =	sand.u32 $0x2000, s24;
	[sflag:s12] =	ssyncset.done @!p1 $0x0  }
0x64: {  	s13 =	ssub.s32 s16, s24;
	[sflag:s12] =	ssyncadd.s32 @!p1 $0xFFFFF800;
	s12 =	simm.s32 @!p1 $0x4  }
0x65: {  	s17 =	simm.s32 $0x0;
	s18 =	sadd.s32 $0x0, s13;
	_ =	swait.ge @!p1 [sflag:s12], $0x800  }
0x66: {  	s20 =	sand.u32 $0xFFFFFFFE, s17;
	s21 =	simm.s32 $0x400;
	[sflag:s12] =	ssyncset.done @!p1 $0x0  }
0x67: {  	s13 =	ssub.s32 $0x0, s20;
	s17 =	sand.u32 $0x2000, s21;
	[sflag:s12] =	ssyncadd.s32 @!p1 $0xFFFFF800  }
0x68: {  	s16 =	sand.u32 $0xFFFFE000, s21;
	s13 =	sshll.u32 s13, $0xD;
	_ =	swait.ge [sflag:s30], $0x2000  }
0x69: {  	s22 =	ssub.s32 s13, s25;
	s12 =	sshra.s32 s18, $0x2;
	[sflag:s30] =	ssyncset.done $0x0  }
0x6a: {  	s23 =	ssub.s32 s17, s16;
	s12 =	sadd.s32 $0x1000, s12;
	[sflag:s30] =	ssyncadd.s32 $0xFFFFE000  }
0x6b: {  	[spmem:s2] =	stream.indirect.scatter.add.f32 [tilespmem:s29], [sflag:$0x5], $0x80, s12, s0, $0xb8;
	[tilespmem:$0x1C000] =	vst v63  }
0x6c: {  	s13 =	sshra.s32 s23, $0x2;
	p1 =	sle.u32 s8, $0x2;
	_ =	swait.ge [sflag:s28], $0x2000  }
0x6d: {  	s15 =	sadd.s32 @!p1 $0x0, s13;
	s16 =	simm.s32 @!p1 $0x40;
	[sflag:s28] =	ssyncset.done $0x0  }
0x6e: {  	s17 =	simm.s32 @!p1 $0x2000;
	s15 =	sadd.s32 @!p1 $0x100, s15;
	[sflag:s28] =	ssyncadd.s32 $0xFFFFE000  }
0x6f: {  	[tilespmem:s17], [sflag:$0x1] =	stream.indirect.gather @!p1 [hbm4b:s5+s16], $0x80, s15, s16, $0xb8;
	[tilespmem:$0x1C000] =	vst v63  }
0x70: {  	s12 =	sadd.s32 $0x0, s22;
	_ =	swait.ge [sflag:s3], $0x2000  }
0x71: {  	p3 =	sle.u32 s8, $0x3;
	s12 =	sshra.s32 s12, $0x2;
	[sflag:s3] =	ssyncset.done $0x0  }
0x72: {  	s24 =	simm.s32 $0x0;
	s12 =	sadd.s32 $0x1080, s12;
	[sflag:s3] =	ssyncadd.s32 $0xFFFFE000  }
0x73: {  	[spmem:s2] =	stream.indirect.scatter.add.f32 [tilespmem:s31], [sflag:$0x5], $0x80, s12, s0, $0xb8;
	[tilespmem:$0x1C000] =	vst v63  }
0x74: {  	s18 =	sand.u32 $0x800, s24;
	p1 =	sle.u32 s9, $0x2;
	_ =	swait.ge [sflag:s28], $0x2000  }
0x75: {  	s13 =	sadd.s32 @!p3 $0x0, s13;
	p2 =	sne.s32 @!p1 s14, $0x0;
	s25 =	rddreg [dreg:$0x5]  }
0x76: {  	s13 =	sadd.s32 @!p3 $0x180, s13;
	p1 =	por p2, p1;
	p2 =	sne.s32 s25, $0x400  }
.Ltmp0:
0x77: {  	s17 =	simm.s32 @!p3 $0x40;
	[sflag:s28] =	ssyncset.done $0x0;
	(pc) =	sbr.rel @!p2 .LBB2_3-.Ltmp0, $4  }
0x78: {  	s15 =	simm.s32 $0x1;
	s14 =	simm.s32 @!p3 $0x4000;
	[sflag:s28] =	ssyncadd.s32 $0xFFFFE000  }
0x79: {  	[tilespmem:s14], [sflag:$0x2] =	stream.indirect.gather @!p3 [hbm4b:s5+s17], $0x80, s13, s17, $0xb8;
	[tilespmem:$0x1C000] =	vst v63  }
0x7a: {  	s12 =	simm.s32 $0x400;
	s13 =	simm.s32 $0x2;
	s17 =	sadd.s32 @!p1 $0x1000, s19  }
0x7b: {  	s14 =	simm.s32 $0x4;
	s16 =	sshrl.u32 @!p1 s17, $0x3;
	s17 =	simm.s32 @!p1 $0x0  }
.LBB2_2:
0x7c: {  	s20 =	sor.u32 $0x1000, s18  }
0x7d: {  	s21 =	sadd.s32 @!p1 s6, s16;
	s22 =	sadd.s32 @!p1 s1, s16;
	s16 =	smov.u32 s12  }
0x7e: {  	[tilespmem:s18], [sflag:$0x3] =	stream.linear.gather @!p1 [hbm4b:s21+s17], $0x800, $0x38;
	[tilespmem:$0x1C000] =	vst v63  }
0x7f: {  	s23 =	sshra.s32 s13, $0x1F;
	s18 =	sshrl.u32 s15, $0x3;
	s21 =	rddreg [dreg:$0x4]  }
0x80: {  	[tilespmem:s20], [sflag:$0x4] =	stream.linear.gather @!p1 [hbm4b:s22+s17], $0x800, $0x38;
	[tilespmem:$0x1C000] =	vst v63  }
0x81: {  	s17 =	sshll.u32 s18, $0xD;
	s20 =	sadd.s32 s23, s18;
	s22 =	sshll.u32 s23, $0xD  }
0x82: {  	p1 =	sge.u32 s18, s21;
	s25 =	sand.u32 $0x2000, s17;
	s24 =	sor.u32 $0x1C00, s17  }
0x83: {  	s23 =	ssub.s32 s25, s17;
	p2 =	sne.s32 @!p1 s24, s12;
	s25 =	sshrl.u32 s20, $0x1F  }
0x84: {  	s17 =	ssub.s32 $0x0, s17;
	p2 =	por p2, p1;
	s21 =	sadd.s32 s23, s12  }
0x85: {  	s23 =	sadd.s32 s25, s20;
	s17 =	sadd.s32 s17, s12;
	s25 =	simm.s32 @!p2 $0x3  }
0x86: {  	s21 =	sshra.s32 s21, $0x2;
	s23 =	sand.u32 $0xFFFFFFFE, s23;
	_ =	swait.ge @!p2 [sflag:s25], $0x800  }
0x87: {  	s20 =	ssub.s32 s20, s23;
	s23 =	simm.s32 @!p2 $0x4;
	[sflag:s25] =	ssyncset.done @!p2 $0x0  }
0x88: {  	s21 =	sadd.s32 $0x1000, s21;
	s20 =	sshll.u32 s20, $0xD;
	[sflag:s25] =	ssyncadd.s32 @!p2 $0xFFFFF800  }
0x89: {  	s20 =	ssub.s32 s20, s22;
	s22 =	sadd.s32 $0x3, s13;
	s25 =	sshll.u32 s14, $0x9  }
0x8a: {  	s13 =	sadd.s32 $0x2, s13;
	_ =	swait.ge @!p2 [sflag:s23], $0x800;
	s20 =	sadd.s32 s20, s17  }
0x8b: {  	s17 =	sadd.s32 $0x2, s18;
	p4 =	sge.u32 s13, s8;
	[sflag:s23] =	ssyncset.done @!p2 $0x0  }
0x8c: {  	p3 =	sge.u32 s22, s8;
	p1 =	sge.u32 s17, s9;
	[sflag:s23] =	ssyncadd.s32 @!p2 $0xFFFFF800  }
0x8d: {  	p2 =	sne.s32 @!p1 s24, s12;
	s24 =	sand.u32 $0x2000, s25;
	_ =	swait.ge [sflag:s30], $0x2000  }
0x8e: {  	s23 =	sand.u32 $0xFFFFE000, s25;
	s25 =	sshra.s32 @!p4 s16, $0x2;
	[sflag:s30] =	ssyncset.done $0x0  }
0x8f: {  	s16 =	sshra.s32 @!p3 s16, $0x2;
	s24 =	ssub.s32 s24, s23;
	[sflag:s30] =	ssyncadd.s32 $0xFFFFE000  }
0x90: {  	[spmem:s2] =	stream.indirect.scatter.add.f32 [tilespmem:s29], [sflag:$0x5], $0x80, s21, s0, $0xb8;
	[tilespmem:$0x1C000] =	vst v63  }
0x91: {  	s23 =	simm.s32 @!p4 $0x2000;
	s21 =	sshra.s32 s24, $0x2;
	_ =	swait.ge [sflag:s28], $0x2000  }
0x92: {  	s22 =	sadd.s32 @!p4 s25, s21;
	s16 =	sadd.s32 @!p3 s16, s21;
	[sflag:s28] =	ssyncset.done $0x0  }
0x93: {  	s21 =	sadd.s32 @!p4 $0x100, s22;
	s22 =	simm.s32 @!p4 $0x40;
	[sflag:s28] =	ssyncadd.s32 $0xFFFFE000  }
0x94: {  	[tilespmem:s23], [sflag:$0x1] =	stream.indirect.gather @!p4 [hbm4b:s5+s22], $0x80, s21, s22, $0xb8;
	[tilespmem:$0x1C000] =	vst v63  }
0x95: {  	_ =	swait.ge [sflag:s3], $0x2000  }
0x96: {  	s20 =	sshra.s32 s20, $0x2;
	[sflag:s3] =	ssyncset.done $0x0  }
0x97: {  	s20 =	sadd.s32 $0x1080, s20;
	[sflag:s3] =	ssyncadd.s32 $0xFFFFE000  }
0x98: {  	[spmem:s2] =	stream.indirect.scatter.add.f32 [tilespmem:s31], [sflag:$0x5], $0x80, s20, s0, $0xb8;
	[tilespmem:$0x1C000] =	vst v63  }
0x99: {  	_ =	swait.ge [sflag:s28], $0x2000  }
0x9a: {  	s15 =	sadd.s32 $0x1, s15;
	s12 =	sadd.s32 $0x400, s12;
	s25 =	rddreg [dreg:$0x5]  }
0x9b: {  	s14 =	sadd.s32 $0x2, s14;
	p1 =	por p2, p1;
	p2 =	sne.s32 s25, s12  }
.Ltmp1:
0x9c: {  	s18 =	sshll.u32 s18, $0xB;
	s17 =	sshll.u32 @!p1 s17, $0xB;
	(pc) =	sbr.rel @p2 .LBB2_2-.Ltmp1, $4  }
0x9d: {  	s17 =	sadd.s32 @!p1 s19, s17;
	s16 =	sadd.s32 @!p3 $0x180, s16;
	[sflag:s28] =	ssyncset.done $0x0  }
0x9e: {  	s21 =	simm.s32 @!p3 $0x4000;
	s22 =	simm.s32 @!p3 $0x40;
	[sflag:s28] =	ssyncadd.s32 $0xFFFFE000  }
0x9f: {  	[tilespmem:s21], [sflag:$0x2] =	stream.indirect.gather @!p3 [hbm4b:s5+s22], $0x80, s16, s22, $0xb8;
	[tilespmem:$0x1C000] =	vst v63  }
0xa0: {  	s18 =	sand.u32 $0x800, s18;
	s16 =	sshrl.u32 @!p1 s17, $0x3;
	s17 =	simm.s32 @!p1 $0x0  }
.LBB2_3:
0xa1: {  	s12 =	sadd.s32 @!p1 s6, s16  }
0xa2: {  	[tilespmem:s18], [sflag:$0x3] =	stream.linear.gather @!p1 [hbm4b:s12+s17], $0x800, $0x38;
	[tilespmem:$0x1C000] =	vst v63  }
0xa3: {  	s13 =	sadd.s32 @!p1 s1, s16;
	s15 =	stileid.u32;
	s12 =	sor.u32 $0x1000, s18  }
0xa4: {  	[tilespmem:s12], [sflag:$0x4] =	stream.linear.gather @!p1 [hbm4b:s13+s17], $0x800, $0x38;
	[tilespmem:$0x1C000] =	vst v63  }
0xa5: {  	s23 =	sshll.u32 s15, $0x6;
	[bflag:$0x0] =	sbarrier.arrive $0xFFFF  }
0xa6: {  	s24 =	sshrl.u32 s10, $0x3;
	s12 =	sor.u32 $0x1C05, s23;
	s14 =	rddreg [dreg:$0x12]  }
0xa7: {  	[hbm:s14], [sflag:s12] =	dma.local [spmem:s24], $0x2800  }
0xa8: {  	_ =	swait.ge [sflag:s28], $0x2800  }
0xa9: {  	s11 =	sadd.s32 $0x1, s11;
	s25 =	rddreg [dreg:$0x13]  }
0xaa: {  	p1 =	sne.s32 s11, s25  }
.Ltmp2:
0xab: {  	_ = 	snop;
	(pc) =	sbr.rel @p1 .LBB2_1-.Ltmp2, $3  }
0xac: {  	_ =	sdelay $0x1  }
0xad: {  	[sflag:s28] =	ssyncset.done $0x0  }
0xae: {  	[sflag:s28] =	ssyncadd.s32 $0xFFFFD800  }
0xaf: {  	_ =	sfence.sel $0x180000  }
0xb0: {  	[bflag:$0x0] =	sbarrier.arrive $0xFFFF  }
0xb1: {  	_ =	strace $0x9000004A  }
0xb2: {  	[bflag:$0x2] =	sbarrier.arrive $0xFFFF  }
0xb3: {  	p0 =	sne.s32 s15, $0x0;
	s0 =	rddreg [dreg:$0x3]  }
0xb4: {  	s0 =	sadd.s32 @!p0 $0x100000, s0  }
0xb5: {  	[sflag:s0] =	ssyncadd.tile.s32 @!p0 $0x1;
	_ =	shalt  }
.Lfunc_end2:
_tile_overlayer_lowered:
.L_overlay_start_2:
0xb6: {  	(tag) =	ssettag $0x2  }
0xb7: {  	s0 =	rddreg [dreg:$0x0];
	s2 =	stileid.u32  }
0xb8: {  	s1 =	rddreg [dreg:$0x1];
	p0 =	sne.s32 s2, $0x0  }
0xb9: {  	s3 =	rddreg [dreg:$0x2];
	[bflag:$0x3] =	sbarrier.arrive $0xFFFF;
	s2 =	simm.s32 @!p0 $0x1C05  }
0xba: {  	[timem:s3], [sflag:s2] =	dma.local @!p0 [hbm:s0], s1  }
0xbb: {  	s0 =	simm.s32 @!p0 $0x5  }
0xbc: {  	_ =	swait.ge @!p0 [sflag:s0], s1  }
0xbd: {  	s1 =	ssub.s32 @!p0 $0x0, s1;
	[sflag:s0] =	ssyncset.done @!p0 $0x0  }
0xbe: {  	[sflag:s0] =	ssyncadd.s32 @!p0 s1  }
0xbf: {  	[bflag:$0x3] =	sbarrier.arrive $0xFFFF  }
0xc0: {  	_ =	shalt  }

// kernel: kernel.16.cloned.1.call-start
scs
__scs_entry_jumppad:
0x0: {  	(pc) =	sbr.rel $0x88, $3  }
0x1: {  	(tag) =	ssettag $0x0;
	lr =	simm.s32 $0x1  }
0x2: {  	[smem:$0x3F92] =	sst lr;
	_ =	strace $0xD0000000  }
0x3: {  	_ = 	snop  }
0x4: {  	_ = 	snop  }
0x5: {  	_ = 	snop  }
0x6: {  	_ = 	snop  }
0x7: {  	_ = 	snop  }
__scs_overlays_trampoline_lowered:
0x8: {  	[smem:$0x3FA1] =	sst s0  }
0x9: {  	[smem:$0x3FA2] =	sst s1  }
0xa: {  	[smem:$0x3FA3] =	sst s2  }
0xb: {  	[smem:$0x3FA4] =	sst s3  }
0xc: {  	[smem:$0x3FA5] =	sst s4  }
0xd: {  	[smem:$0x3FA6] =	sst s5  }
0xe: {  	[smem:$0x3FA7] =	sst s6  }
0xf: {  	[smem:$0x3FA8] =	sst s7  }
0x10: {  	[smem:$0x3FA9] =	sst s8  }
0x11: {  	[smem:$0x3FAA] =	sst s9;
	s0 =	simm.s32 @!p0 $0x0  }
0x12: {  	s1 =	sld [smem:$0x3F90];
	s0 =	simm.s32 @p0 $0x1  }
0x13: {  	[smem:$0x3FAB] =	sst s0;
	s0 =	simm.s32 @!p1 $0x0  }
0x14: {  	s2 =	sld [smem:$0x3F8F];
	s0 =	simm.s32 @p1 $0x1  }
0x15: {  	[smem:$0x3FAC] =	sst s0;
	s0 =	simm.s32 @!p2 $0x0  }
0x16: {  	s3 =	sld [smem:$0x3FDB];
	s0 =	simm.s32 @p2 $0x1  }
0x17: {  	s4 =	simm.s32 $0x1BF5;
	[smem:$0x3FAE] =	sst s0  }
0x18: {  	s0 =	sld [smem:$0x3F91];
	_ =	swait.ge [sflag:s4], $0x0  }
0x19: {  	s7 =	sld [smem:$0x3F92]  }
0x1a: {  	s8 =	sadd.s32 $0xFFFFE003, lr  }
0x1b: {  	s9 =	sadd.s32 $0xFFFFFEF7, lr;
	s5 =	simm.s32 $0xFFFFFFFF;
	p2 =	slt.u32 s8, $0xFFFFF086  }
0x1c: {  	p1 =	slt.u32 s9, $0xF7A;
	s5 =	simm.s32 @!p2 $0x0  }
0x1d: {  	s5 =	simm.s32 @p1 $0x1;
	p0 =	seq.s32 s7, s2  }
0x1e: {  	s7 =	smul.u32 @!p0 $0xF7A, s2;
	p2 =	seq.s32 @!p0 s5, $0x0  }
0x1f: {  	s9 =	smul.u32 $0xF7A, s1;
	s8 =	simm.s32 @!p0 $0x1BF5;
	p2 =	por !p2, p0  }
0x20: {  	[sflag:s8] =	ssyncset.s32 @!p0 $0xFFFFF086;
	s6 =	sadd.s32 @!p0 s3, s7;
	s7 =	simm.s32 @!p0 $0x108  }
0x21: {  	s3 =	sadd.s32 s3, s9;
	s6 =	sadd.s32 @!p0 $0x88, s6;
	s7 =	simm.s32 @p2 $0x1082  }
0x22: {  	[simem:s7], [sflag:s8] =	dma.local @!p0 [hbm:s6], $0xF7A  }
0x23: {  	s9 =	sor.u32 $0xD0000000, s2;
	s6 =	simm.s32 $0x108;
	_ =	swait.ge @!p0 [sflag:s8], $0x0  }
0x24: {  	s3 =	sadd.s32 $0x88, s3;
	s6 =	simm.s32 @!p1 $0x1082;
	[sflag:s4] =	ssyncset.s32 $0xFFFFF086  }
0x25: {  	[simem:s6], [sflag:s4] =	dma.local [hbm:s3], $0xF7A  }
0x26: {  	[smem:$0x3F92] =	sst s1;
	(tag) =	ssettag s2;
	_ =	strace s9  }
0x27: {  	s1 =	sld [smem:$0x3FA2]  }
0x28: {  	s2 =	sld [smem:$0x3FA3]  }
0x29: {  	s4 =	sld [smem:$0x3FA5]  }
0x2a: {  	p0 =	seq.s32 s5, $0x0;
	s5 =	sld [smem:$0x3FA6]  }
0x2b: {  	s6 =	sld [smem:$0x3FA7]  }
0x2c: {  	s7 =	sld [smem:$0x3FA8]  }
0x2d: {  	s3 =	simm.s32 $0x108;
	s8 =	sld [smem:$0x3FA9]  }
0x2e: {  	s3 =	simm.s32 @!p0 $0x1082;
	s9 =	sld [smem:$0x3FAA]  }
0x2f: {  	lr =	sadd.s32 s0, s3;
	s0 =	sld [smem:$0x3FA1]  }
0x30: {  	s3 =	sld [smem:$0x3FA4]  }
0x31: {  	[smem:$0x3FAD] =	sst s10  }
0x32: {  	s10 =	sld [smem:$0x3FAB];
	_ =	sdelay $0x3  }
0x33: {  	p0 =	seq.s32 s10, $0x1;
	s10 =	sld [smem:$0x3FAD];
	_ =	sdelay $0x3  }
0x34: {  	[smem:$0x3FAD] =	sst s10  }
0x35: {  	s10 =	sld [smem:$0x3FAC];
	_ =	sdelay $0x3  }
0x36: {  	p1 =	seq.s32 s10, $0x1;
	s10 =	sld [smem:$0x3FAD];
	_ =	sdelay $0x3  }
0x37: {  	[smem:$0x3FAD] =	sst s10  }
0x38: {  	s10 =	sld [smem:$0x3FAE]  }
0x39: {  	_ = 	snop;
	(pc) =	sbr.ind lr, $3  }
0x3a: {  	_ = 	snop  }
0x3b: {  	_ = 	snop  }
0x3c: {  	p2 =	seq.s32 s10, $0x1;
	s10 =	sld [smem:$0x3FAD]  }
0x3d: {  	_ =	shalt  }
0x3e: {  	_ =	shalt  }
0x3f: {  	_ =	shalt  }
0x40: {  	_ =	shalt  }
0x41: {  	_ =	shalt  }
0x42: {  	_ =	shalt  }
0x43: {  	_ =	shalt  }
0x44: {  	_ =	shalt  }
0x45: {  	_ =	shalt  }
0x46: {  	_ =	shalt  }
0x47: {  	_ =	shalt  }
0x48: {  	_ =	shalt  }
0x49: {  	_ =	shalt  }
0x4a: {  	_ =	shalt  }
0x4b: {  	_ =	shalt  }
0x4c: {  	_ =	shalt  }
0x4d: {  	_ =	shalt  }
0x4e: {  	_ =	shalt  }
0x4f: {  	_ =	shalt  }
0x50: {  	_ =	shalt  }
0x51: {  	_ =	shalt  }
0x52: {  	_ =	shalt  }
0x53: {  	_ =	shalt  }
0x54: {  	_ =	shalt  }
0x55: {  	_ =	shalt  }
0x56: {  	_ =	shalt  }
0x57: {  	_ =	shalt  }
0x58: {  	_ =	shalt  }
0x59: {  	_ =	shalt  }
0x5a: {  	_ =	shalt  }
0x5b: {  	_ =	shalt  }
0x5c: {  	_ =	shalt  }
0x5d: {  	_ =	shalt  }
0x5e: {  	_ =	shalt  }
0x5f: {  	_ =	shalt  }
0x60: {  	_ =	shalt  }
0x61: {  	_ =	shalt  }
0x62: {  	_ =	shalt  }
0x63: {  	_ =	shalt  }
0x64: {  	_ =	shalt  }
0x65: {  	_ =	shalt  }
0x66: {  	_ =	shalt  }
0x67: {  	_ =	shalt  }
0x68: {  	_ =	shalt  }
0x69: {  	_ =	shalt  }
0x6a: {  	_ =	shalt  }
0x6b: {  	_ =	shalt  }
0x6c: {  	_ =	shalt  }
0x6d: {  	_ =	shalt  }
0x6e: {  	_ =	shalt  }
0x6f: {  	_ =	shalt  }
0x70: {  	_ =	shalt  }
0x71: {  	_ =	shalt  }
0x72: {  	_ =	shalt  }
0x73: {  	_ =	shalt  }
0x74: {  	_ =	shalt  }
0x75: {  	_ =	shalt  }
0x76: {  	_ =	shalt  }
0x77: {  	_ =	shalt  }
0x78: {  	_ =	shalt  }
0x79: {  	_ =	shalt  }
0x7a: {  	_ =	shalt  }
0x7b: {  	_ =	shalt  }
0x7c: {  	_ =	shalt  }
0x7d: {  	_ =	shalt  }
0x7e: {  	_ =	shalt  }
0x7f: {  	_ =	shalt  }
0x80: {  	_ =	shalt  }
0x81: {  	_ =	shalt  }
0x82: {  	_ =	shalt  }
0x83: {  	_ =	shalt  }
0x84: {  	_ =	shalt  }
0x85: {  	_ =	shalt  }
0x86: {  	_ =	shalt  }
0x87: {  	_ =	shalt  }
.Lfunc_end0:
.L_simem_size_0:
called_computation.2_lowered:
.L_overlay_start_0:
0x88: {  	s2 =	sld [smem:$0x3FD9]  }
0x89: {  	s3 =	sld [smem:$0x3FFE];
	_ =	sdelay $0x1  }
0x8a: {  	s1 =	srdreg.scid  }
0x8b: {  	s0 =	sand.u32 $0x1, s1  }
0x8c: {  	s17 =	sshll.u32 s0, $0xA;
	s2 =	sadd.s32 s3, s2  }
0x8d: {  	s2 =	sadd.s32 s2, s17  }
0x8e: {  	[smem:$0x3FB9] =	sst s2  }
0x8f: {  	_ = 	snop  }
0x90: {  	s2 =	sld [smem:$0x3FD0];
	(tm) =	ssettm $0x1  }
0x91: {  	s18 =	sld [smem:$0x3FFB];
	_ =	sdelay $0x3  }
0x92: {  	_ =	strace s18  }
0x93: {  	s3 =	sld [smem:$0x3FFC];
	_ =	sdelay $0x3  }
0x94: {  	_ =	strace s3  }
0x95: {  	s3 =	sld [smem:$0x3FFD];
	_ =	sdelay $0x3  }
0x96: {  	_ =	strace s3  }
0x97: {  	_ =	strace $0x8FFFFFFF  }
0x98: {  	s19 =	sld [smem:$0x3FDB];
	_ =	sdelay $0x1  }
0x99: {  	s4 =	simm.s32 $_scs_section_size  }
0x9a: {  	s5 =	simm.s32 $_size__tile_overlayer_lowered;
	s6 =	simm.s32 $_tile_overlayer_lowered  }
0x9b: {  	s22 =	simm.s32 $0x1BFF;
	s21 =	sshll.u32 s6, $0x1;
	s3 =	sadd.s32 s4, s19  }
0x9c: {  	s7 =	simm.s32 $0x0;
	s20 =	sshll.u32 s5, $0x1;
	s5 =	sadd.s32 s21, s3  }
0x9d: {  	[timem:s7], [sflag:s22] =	dma.local [hbm:s5], s20  }
0x9e: {  	_ =	swait.ge [sflag:s22], s20  }
0x9f: {  	s4 =	ssub.s32 $0x0, s20;
	[sflag:s22] =	ssyncset.done $0x0  }
0xa0: {  	[sflag:s22] =	ssyncadd.s32 s4;
	_ =	sdelay $0x1  }
0xa1: {  	s23 =	simm.s32 $0x1B8B  }
0xa2: {  	_ =	swait.ge [sflag:s23], $0x1  }
0xa3: {  	[sflag:s23] =	ssyncset.done $0x0  }
0xa4: {  	s25 =	simm.s32 $0x1B8E;
	s24 =	sld [smem:$0x3FFE];
	[sflag:s23] =	ssyncadd.s32 $0xFFFFFFFF  }
0xa5: {  	s26 =	simm.s32 $execute0_lowered;
	[smem:$0x3FD2] =	sst s25  }
0xa6: {  	s5 =	sshll.u32 s26, $0x1;
	_ =	strace $0x8000004C;
	[dreg:$0x1] =	wrdreg $0xFFFFFFFF  }
0xa7: {  	s28 =	simm.s32 $_size_execute0_lowered;
	s3 =	sadd.s32 s3, s5;
	[dreg:$0x0] =	wrdreg $0x0  }
0xa8: {  	s5 =	sshll.u32 s28, $0x1;
	[dreg:$0x2] =	wrdreg s3  }
0xa9: {  	[dreg:$0x3] =	wrdreg s5  }
0xaa: {  	[dreg:$0x4] =	wrdreg $0xC0  }
0xab: {  	_ =	task [dreg:s7], $0x5FFFF  }
0xac: {  	[dreg:$0x1] =	wrdreg $0xFFFFFFFF  }
0xad: {  	[dreg:$0x0] =	wrdreg $0x60  }
0xae: {  	[dreg:$0x2] =	wrdreg s24  }
0xaf: {  	[dreg:$0x3] =	wrdreg s2  }
0xb0: {  	[dreg:$0x4] =	wrdreg $0x80000  }
0xb1: {  	[dreg:$0x5] =	wrdreg $0x9  }
0xb2: {  	_ =	task.clear_ibuf [dreg:s7], $0x6FFFF;
	_ =	strace $0x9000004C  }
0xb3: {  	s29 =	simm.s32 $0x9;
	_ =	strace $0x8000004E  }
0xb4: {  	_ =	swait.ge [sflag:s29], $0x1  }
0xb5: {  	[sflag:s29] =	ssyncadd.s32 $0xFFFFFFFF  }
0xb6: {  	_ =	strace $0x9000004E  }
0xb7: {  	_ =	sfence  }
0xb8: {  	s30 =	sld [smem:$0x0];
	_ =	sdelay $0x2  }
0xb9: {  	s31 =	sshll.u32 s1, $0xD;
	s1 =	sshrl.u32 s1, $0x2  }
0xba: {  	s3 =	sand.u32 $0x4000, s31;
	s1 =	sadd.s32 s1, s30  }
0xbb: {  	s0 =	sor.u32 s3, s0;
	s1 =	sshll.u32 s1, $0x11  }
0xbc: {  	s0 =	sor.u32 s1, s0  }
0xbd: {  	s0 =	sadd.s32 $0x8F2B, s0  }
0xbe: {  	[sflag:s0] =	ssyncadd.remote.s32 $0x1  }
0xbf: {  	_ =	sfence.sel $0xFFFF  }
0xc0: {  	[dreg:$0x0] =	wrdreg $0xFFFFFFFF;
	(pc) =	sbr.abs _section_cstart, $3  }
0xc1: {  	[dreg:$0x1] =	wrdreg $0xFFFFFFFF  }
0xc2: {  	_ =	task.clear_ibuf [dreg:s7], $0x2FFFF;
	_ =	strace $0x9FFFFFFF  }
0xc3: {  	(tm) =	ssettm $0x7FFFFFFF  }
tec
execute0_lowered:
.L_overlay_start_1:
0x0: {  	(tag) =	ssettag $0x1  }
0x1: {  	s0 =	rddreg [dreg:$0x0]  }
0x2: {  	s1 =	rddreg [dreg:$0x1]  }
0x3: {  	s2 =	rddreg [dreg:$0x2];
	s15 =	stileid.u32  }
0x4: {  	s3 =	srdreg.scid;
	s4 =	simm.s32 $0x0;
	s8 =	smul.u32 $0x14000, s15  }
0x5: {  	s28 =	simm.s32 $0x5;
	s29 =	simm.s32 $0x2000;
	s12 =	smul.u32 $0x50000, s15  }
0x6: {  	s3 =	sand.u32 $0x1, s3;
	[smem:$0x7FF] =	sst s4;
	s13 =	smul.u32 $0x130, s15  }
0x7: {  	s5 =	sadd.s32 $0x41200, s0;
	s22 =	sshll.u32 s15, $0x4;
	s7 =	smul.u32 $0x140000, s3  }
0x8: {  	s6 =	sadd.s32 $0x2D200, s0;
	p0 =	seq.s32 s3, $0x0;
	s14 =	sor.u32 $0x1300, s22  }
0x9: {  	s12 =	sshrl.u32 s12, $0x2;
	s14 =	smov.u32 @p0 s13;
	s8 =	sadd.s32 s8, s7  }
0xa: {  	s7 =	sadd.s32 $0x91200, s0;
	s18 =	sshll.u32 s14, $0x4;
	s10 =	sshrl.u32 s8, $0x3  }
0xb: {  	s22 =	sadd.s32 s6, s18;
	s0 =	sadd.s32 s10, s0;
	s10 =	sadd.s32 s12, s2  }
0xc: {  	_ =	strace $0x8000004D;
	[dreg:$0xe] =	wrdreg s22;
	s12 =	sadd.s32 $0x2000, s10  }
0xd: {  	s31 =	simm.s32 $0x4000;
	s23 =	sadd.s32 $0x4000, s10;
	[dreg:$0x6] =	wrdreg s12  }
0xe: {  	s30 =	simm.s32 $0x1;
	s24 =	sadd.s32 $0x6000, s10;
	[dreg:$0x7] =	wrdreg s23  }
0xf: {  	s9 =	ssub.s32 $0x2, s3;
	s25 =	sadd.s32 $0x8000, s10;
	[dreg:$0x8] =	wrdreg s24  }
0x10: {  	s11 =	sshrl.u32 s9, $0x1;
	s26 =	sadd.s32 $0xA000, s10;
	[dreg:$0x9] =	wrdreg s25  }
0x11: {  	s11 =	ssub.s32 s9, s11;
	s13 =	sadd.s32 $0xC000, s10;
	[dreg:$0xa] =	wrdreg s26  }
0x12: {  	s8 =	simm.s32 $0x130;
	s16 =	sadd.s32 $0xE000, s10;
	[dreg:$0xb] =	wrdreg s13  }
0x13: {  	s8 =	simm.s32 @!p0 $0x10;
	s17 =	sadd.s32 $0x10000, s10;
	[dreg:$0xc] =	wrdreg s16  }
0x14: {  	s19 =	sshll.u32 s14, $0x7;
	s21 =	sshll.u32 s8, $0x9;
	[dreg:$0xd] =	wrdreg s17  }
0x15: {  	s9 =	sshrl.u32 s8, $0x4;
	s0 =	sadd.s32 $0x93A00, s0;
	[dreg:$0x5] =	wrdreg s21  }
0x16: {  	s14 =	sshrl.u32 s19, $0x3;
	s20 =	sadd.s32 $0xFFFFFFFF, s9;
	[dreg:$0x12] =	wrdreg s0  }
0x17: {  	p0 =	sne.s32 s3, $0x0;
	s12 =	sadd.s32 s1, s18;
	[dreg:$0x4] =	wrdreg s20  }
0x18: {  	s23 =	sadd.s32 $0x100, s14;
	s26 =	smax.u32 s11, $0x1;
	[dreg:$0xf] =	wrdreg s12  }
0x19: {  	s3 =	simm.s32 $0x2;
	s24 =	sadd.s32 s6, s23;
	[dreg:$0x13] =	wrdreg s26  }
0x1a: {  	s0 =	simm.s32 $0x40;
	s25 =	sadd.s32 s1, s23;
	[dreg:$0x10] =	wrdreg s24  }
0x1b: {  	s11 =	simm.s32 $0x0;
	s26 =	sadd.s32 $0x12000, s10;
	[dreg:$0x11] =	wrdreg s25  }
.LBB2_1:
0x1c: {  	s12 =	simm.s32 @p0 $0x0;
	s13 =	simm.s32 @p0 $0x6000  }
0x1d: {  	[tilespmem:s13], [sflag:$0x5] =	stream.linear.gather @p0 [hbm4b:s7+s12], $0x2000, $0x38;
	[tilespmem:$0x1C000] =	vst v63  }
0x1e: {  	s12 =	simm.s32 @p0 $0x5  }
0x1f: {  	_ =	swait.ge @p0 [sflag:s12], $0x2000  }
0x20: {  	[sflag:s12] =	ssyncset.done @p0 $0x0  }
0x21: {  	[sflag:s12] =	ssyncadd.s32 @p0 $0xFFFFE000  }
0x22: {  	[spmem:s10] =	stream.linear.scatter @p0 [tilespmem:s13], [sflag:$0x5], $0x2000, $0x38;
	[tilespmem:$0x1C000] =	vst v63  }
0x23: {  	_ =	swait.ge @p0 [sflag:s12], $0x2000  }
0x24: {  	[sflag:s12] =	ssyncset.done @p0 $0x0  }
0x25: {  	s14 =	rddreg [dreg:$0x6];
	[sflag:s12] =	ssyncadd.s32 @p0 $0xFFFFE000  }
0x26: {  	[spmem:s14] =	stream.linear.scatter @p0 [tilespmem:s13], [sflag:$0x5], $0x2000, $0x38;
	[tilespmem:$0x1C000] =	vst v63  }
0x27: {  	_ =	swait.ge @p0 [sflag:s12], $0x2000  }
0x28: {  	[sflag:s12] =	ssyncset.done @p0 $0x0  }
0x29: {  	s14 =	rddreg [dreg:$0x7];
	[sflag:s12] =	ssyncadd.s32 @p0 $0xFFFFE000  }
0x2a: {  	[spmem:s14] =	stream.linear.scatter @p0 [tilespmem:s13], [sflag:$0x5], $0x2000, $0x38;
	[tilespmem:$0x1C000] =	vst v63  }
0x2b: {  	_ =	swait.ge @p0 [sflag:s12], $0x2000  }
0x2c: {  	[sflag:s12] =	ssyncset.done @p0 $0x0  }
0x2d: {  	s14 =	rddreg [dreg:$0x8];
	[sflag:s12] =	ssyncadd.s32 @p0 $0xFFFFE000  }
0x2e: {  	[spmem:s14] =	stream.linear.scatter @p0 [tilespmem:s13], [sflag:$0x5], $0x2000, $0x38;
	[tilespmem:$0x1C000] =	vst v63  }
0x2f: {  	_ =	swait.ge @p0 [sflag:s12], $0x2000  }
0x30: {  	[sflag:s12] =	ssyncset.done @p0 $0x0  }
0x31: {  	s14 =	rddreg [dreg:$0x9];
	[sflag:s12] =	ssyncadd.s32 @p0 $0xFFFFE000  }
0x32: {  	[spmem:s14] =	stream.linear.scatter @p0 [tilespmem:s13], [sflag:$0x5], $0x2000, $0x38;
	[tilespmem:$0x1C000] =	vst v63  }
0x33: {  	_ =	swait.ge @p0 [sflag:s12], $0x2000  }
0x34: {  	[sflag:s12] =	ssyncset.done @p0 $0x0  }
0x35: {  	s14 =	rddreg [dreg:$0xa];
	[sflag:s12] =	ssyncadd.s32 @p0 $0xFFFFE000  }
0x36: {  	[spmem:s14] =	stream.linear.scatter @p0 [tilespmem:s13], [sflag:$0x5], $0x2000, $0x38;
	[tilespmem:$0x1C000] =	vst v63  }
0x37: {  	_ =	swait.ge @p0 [sflag:s12], $0x2000  }
0x38: {  	[sflag:s12] =	ssyncset.done @p0 $0x0  }
0x39: {  	s14 =	rddreg [dreg:$0xb];
	[sflag:s12] =	ssyncadd.s32 @p0 $0xFFFFE000  }
0x3a: {  	[spmem:s14] =	stream.linear.scatter @p0 [tilespmem:s13], [sflag:$0x5], $0x2000, $0x38;
	[tilespmem:$0x1C000] =	vst v63  }
0x3b: {  	_ =	swait.ge @p0 [sflag:s12], $0x2000  }
0x3c: {  	[sflag:s12] =	ssyncset.done @p0 $0x0  }
0x3d: {  	s14 =	rddreg [dreg:$0xc];
	[sflag:s12] =	ssyncadd.s32 @p0 $0xFFFFE000  }
0x3e: {  	[spmem:s14] =	stream.linear.scatter @p0 [tilespmem:s13], [sflag:$0x5], $0x2000, $0x38;
	[tilespmem:$0x1C000] =	vst v63  }
0x3f: {  	_ =	swait.ge @p0 [sflag:s12], $0x2000  }
0x40: {  	[sflag:s12] =	ssyncset.done @p0 $0x0  }
0x41: {  	s14 =	rddreg [dreg:$0xd];
	[sflag:s12] =	ssyncadd.s32 @p0 $0xFFFFE000  }
0x42: {  	[spmem:s14] =	stream.linear.scatter @p0 [tilespmem:s13], [sflag:$0x5], $0x2000, $0x38;
	[tilespmem:$0x1C000] =	vst v63  }
0x43: {  	_ =	swait.ge @p0 [sflag:s12], $0x2000  }
0x44: {  	[sflag:s12] =	ssyncset.done @p0 $0x0  }
0x45: {  	[sflag:s12] =	ssyncadd.s32 @p0 $0xFFFFE000  }
0x46: {  	[spmem:s26] =	stream.linear.scatter @p0 [tilespmem:s13], [sflag:$0x5], $0x2000, $0x38;
	[tilespmem:$0x1C000] =	vst v63  }
0x47: {  	_ =	swait.ge @p0 [sflag:s12], $0x2000  }
0x48: {  	s13 =	sshll.u32 @!p0 s15, $0x6;
	[sflag:s12] =	ssyncset.done @p0 $0x0  }
0x49: {  	[sflag:s12] =	ssyncadd.s32 @p0 $0xFFFFE000;
	s12 =	sor.u32 @!p0 $0x1C05, s13;
	s13 =	sshrl.u32 @!p0 s10, $0x3  }
0x4a: {  	[spmem:s13], [sflag:s12] =	dma.local @!p0 [hbm:s7], $0x2800  }
0x4b: {  	s12 =	simm.s32 @!p0 $0x5  }
0x4c: {  	_ =	swait.ge @!p0 [sflag:s12], $0x2800  }
0x4d: {  	[sflag:s12] =	ssyncset.done @!p0 $0x0  }
0x4e: {  	s14 =	rddreg [dreg:$0xe];
	[sflag:s12] =	ssyncadd.s32 @!p0 $0xFFFFD800  }
0x4f: {  	[tilespmem:s4], [sflag:$0x5] =	stream.linear.gather [hbm4b:s14+s4], $0x800, $0x38;
	[tilespmem:$0x1C000] =	vst v63  }
0x50: {  	_ =	swait.ge [sflag:s28], $0x800  }
0x51: {  	[sflag:s28] =	ssyncset.done $0x0  }
0x52: {  	s16 =	simm.s32 $0x1000;
	s15 =	rddreg [dreg:$0xf];
	[sflag:s28] =	ssyncadd.s32 $0xFFFFF800  }
0x53: {  	[tilespmem:s16], [sflag:$0x5] =	stream.linear.gather [hbm4b:s15+s4], $0x800, $0x38;
	[tilespmem:$0x1C000] =	vst v63  }
0x54: {  	_ =	swait.ge [sflag:s28], $0x800  }
0x55: {  	[sflag:s28] =	ssyncset.done $0x0  }
0x56: {  	[sflag:s28] =	ssyncadd.s32 $0xFFFFF800  }
0x57: {  	[bflag:$0x0] =	sbarrier.arrive $0xFFFF  }
0x58: {  	s17 =	rddreg [dreg:$0x10]  }
0x59: {  	s18 =	simm.s32 $0x800;
	s24 =	simm.s32 $0x0;
	s22 =	rddreg [dreg:$0x4]  }
0x5a: {  	[tilespmem:s18], [sflag:$0x3] =	stream.linear.gather [hbm4b:s17+s4], $0x800, $0x38;
	[tilespmem:$0x1C000] =	vst v63  }
0x5b: {  	s14 =	sor.u32 $0x1C00, s24;
	p1 =	sle.u32 s22, $0x0  }
0x5c: {  	s21 =	simm.s32 $0x1800;
	s20 =	rddreg [dreg:$0x11];
	p2 =	sne.s32 @!p1 s14, $0x0  }
0x5d: {  	[tilespmem:s21], [sflag:$0x4] =	stream.linear.gather [hbm4b:s20+s4], $0x800, $0x38;
	[tilespmem:$0x1C000] =	vst v63  }
0x5e: {  	p1 =	por p2, p1  }
0x5f: {  	[tilespmem:s29], [sflag:$0x1] =	stream.indirect.gather [hbm4b:s5+s0], $0x80, s4, s0, $0xb8;
	[tilespmem:$0x1C000] =	vst v63  }
0x60: {  	s23 =	simm.s32 $0x80;
	s12 =	simm.s32 @!p1 $0x3  }
0x61: {  	[tilespmem:s31], [sflag:$0x2] =	stream.indirect.gather [hbm4b:s5+s0], $0x80, s23, s0, $0xb8;
	[tilespmem:$0x1C000] =	vst v63  }
0x62: {  	_ =	swait.ge @!p1 [sflag:s12], $0x800  }
0x63: {  	s25 =	simm.s32 $0x0;
	s16 =	sand.u32 $0x2000, s24;
	[sflag:s12] =	ssyncset.done @!p1 $0x0  }
0x64: {  	s13 =	ssub.s32 s16, s24;
	[sflag:s12] =	ssyncadd.s32 @!p1 $0xFFFFF800;
	s12 =	simm.s32 @!p1 $0x4  }
0x65: {  	s17 =	simm.s32 $0x0;
	s18 =	sadd.s32 $0x0, s13;
	_ =	swait.ge @!p1 [sflag:s12], $0x800  }
0x66: {  	s20 =	sand.u32 $0xFFFFFFFE, s17;
	s21 =	simm.s32 $0x400;
	[sflag:s12] =	ssyncset.done @!p1 $0x0  }
0x67: {  	s13 =	ssub.s32 $0x0, s20;
	s17 =	sand.u32 $0x2000, s21;
	[sflag:s12] =	ssyncadd.s32 @!p1 $0xFFFFF800  }
0x68: {  	s16 =	sand.u32 $0xFFFFE000, s21;
	s13 =	sshll.u32 s13, $0xD;
	_ =	swait.ge [sflag:s30], $0x2000  }
0x69: {  	s22 =	ssub.s32 s13, s25;
	s12 =	sshra.s32 s18, $0x2;
	[sflag:s30] =	ssyncset.done $0x0  }
0x6a: {  	s23 =	ssub.s32 s17, s16;
	s12 =	sadd.s32 $0x1000, s12;
	[sflag:s30] =	ssyncadd.s32 $0xFFFFE000  }
0x6b: {  	[spmem:s2] =	stream.indirect.scatter.add.f32 [tilespmem:s29], [sflag:$0x5], $0x80, s12, s0, $0xb8;
	[tilespmem:$0x1C000] =	vst v63  }
0x6c: {  	s13 =	sshra.s32 s23, $0x2;
	p1 =	sle.u32 s8, $0x2;
	_ =	swait.ge [sflag:s28], $0x2000  }
0x6d: {  	s15 =	sadd.s32 @!p1 $0x0, s13;
	s16 =	simm.s32 @!p1 $0x40;
	[sflag:s28] =	ssyncset.done $0x0  }
0x6e: {  	s17 =	simm.s32 @!p1 $0x2000;
	s15 =	sadd.s32 @!p1 $0x100, s15;
	[sflag:s28] =	ssyncadd.s32 $0xFFFFE000  }
0x6f: {  	[tilespmem:s17], [sflag:$0x1] =	stream.indirect.gather @!p1 [hbm4b:s5+s16], $0x80, s15, s16, $0xb8;
	[tilespmem:$0x1C000] =	vst v63  }
0x70: {  	s12 =	sadd.s32 $0x0, s22;
	_ =	swait.ge [sflag:s3], $0x2000  }
0x71: {  	p3 =	sle.u32 s8, $0x3;
	s12 =	sshra.s32 s12, $0x2;
	[sflag:s3] =	ssyncset.done $0x0  }
0x72: {  	s24 =	simm.s32 $0x0;
	s12 =	sadd.s32 $0x1080, s12;
	[sflag:s3] =	ssyncadd.s32 $0xFFFFE000  }
0x73: {  	[spmem:s2] =	stream.indirect.scatter.add.f32 [tilespmem:s31], [sflag:$0x5], $0x80, s12, s0, $0xb8;
	[tilespmem:$0x1C000] =	vst v63  }
0x74: {  	s18 =	sand.u32 $0x800, s24;
	p1 =	sle.u32 s9, $0x2;
	_ =	swait.ge [sflag:s28], $0x2000  }
0x75: {  	s13 =	sadd.s32 @!p3 $0x0, s13;
	p2 =	sne.s32 @!p1 s14, $0x0;
	s25 =	rddreg [dreg:$0x5]  }
0x76: {  	s13 =	sadd.s32 @!p3 $0x180, s13;
	p1 =	por p2, p1;
	p2 =	sne.s32 s25, $0x400  }
.Ltmp0:
0x77: {  	s17 =	simm.s32 @!p3 $0x40;
	[sflag:s28] =	ssyncset.done $0x0;
	(pc) =	sbr.rel @!p2 .LBB2_3-.Ltmp0, $4  }
0x78: {  	s15 =	simm.s32 $0x1;
	s14 =	simm.s32 @!p3 $0x4000;
	[sflag:s28] =	ssyncadd.s32 $0xFFFFE000  }
0x79: {  	[tilespmem:s14], [sflag:$0x2] =	stream.indirect.gather @!p3 [hbm4b:s5+s17], $0x80, s13, s17, $0xb8;
	[tilespmem:$0x1C000] =	vst v63  }
0x7a: {  	s12 =	simm.s32 $0x400;
	s13 =	simm.s32 $0x2;
	s17 =	sadd.s32 @!p1 $0x1000, s19  }
0x7b: {  	s14 =	simm.s32 $0x4;
	s16 =	sshrl.u32 @!p1 s17, $0x3;
	s17 =	simm.s32 @!p1 $0x0  }
.LBB2_2:
0x7c: {  	s20 =	sor.u32 $0x1000, s18  }
0x7d: {  	s21 =	sadd.s32 @!p1 s6, s16;
	s22 =	sadd.s32 @!p1 s1, s16;
	s16 =	smov.u32 s12  }
0x7e: {  	[tilespmem:s18], [sflag:$0x3] =	stream.linear.gather @!p1 [hbm4b:s21+s17], $0x800, $0x38;
	[tilespmem:$0x1C000] =	vst v63  }
0x7f: {  	s23 =	sshra.s32 s13, $0x1F;
	s18 =	sshrl.u32 s15, $0x3;
	s21 =	rddreg [dreg:$0x4]  }
0x80: {  	[tilespmem:s20], [sflag:$0x4] =	stream.linear.gather @!p1 [hbm4b:s22+s17], $0x800, $0x38;
	[tilespmem:$0x1C000] =	vst v63  }
0x81: {  	s17 =	sshll.u32 s18, $0xD;
	s20 =	sadd.s32 s23, s18;
	s22 =	sshll.u32 s23, $0xD  }
0x82: {  	p1 =	sge.u32 s18, s21;
	s25 =	sand.u32 $0x2000, s17;
	s24 =	sor.u32 $0x1C00, s17  }
0x83: {  	s23 =	ssub.s32 s25, s17;
	p2 =	sne.s32 @!p1 s24, s12;
	s25 =	sshrl.u32 s20, $0x1F  }
0x84: {  	s17 =	ssub.s32 $0x0, s17;
	p2 =	por p2, p1;
	s21 =	sadd.s32 s23, s12  }
0x85: {  	s23 =	sadd.s32 s25, s20;
	s17 =	sadd.s32 s17, s12;
	s25 =	simm.s32 @!p2 $0x3  }
0x86: {  	s21 =	sshra.s32 s21, $0x2;
	s23 =	sand.u32 $0xFFFFFFFE, s23;
	_ =	swait.ge @!p2 [sflag:s25], $0x800  }
0x87: {  	s20 =	ssub.s32 s20, s23;
	s23 =	simm.s32 @!p2 $0x4;
	[sflag:s25] =	ssyncset.done @!p2 $0x0  }
0x88: {  	s21 =	sadd.s32 $0x1000, s21;
	s20 =	sshll.u32 s20, $0xD;
	[sflag:s25] =	ssyncadd.s32 @!p2 $0xFFFFF800  }
0x89: {  	s20 =	ssub.s32 s20, s22;
	s22 =	sadd.s32 $0x3, s13;
	s25 =	sshll.u32 s14, $0x9  }
0x8a: {  	s13 =	sadd.s32 $0x2, s13;
	_ =	swait.ge @!p2 [sflag:s23], $0x800;
	s20 =	sadd.s32 s20, s17  }
0x8b: {  	s17 =	sadd.s32 $0x2, s18;
	p4 =	sge.u32 s13, s8;
	[sflag:s23] =	ssyncset.done @!p2 $0x0  }
0x8c: {  	p3 =	sge.u32 s22, s8;
	p1 =	sge.u32 s17, s9;
	[sflag:s23] =	ssyncadd.s32 @!p2 $0xFFFFF800  }
0x8d: {  	p2 =	sne.s32 @!p1 s24, s12;
	s24 =	sand.u32 $0x2000, s25;
	_ =	swait.ge [sflag:s30], $0x2000  }
0x8e: {  	s23 =	sand.u32 $0xFFFFE000, s25;
	s25 =	sshra.s32 @!p4 s16, $0x2;
	[sflag:s30] =	ssyncset.done $0x0  }
0x8f: {  	s16 =	sshra.s32 @!p3 s16, $0x2;
	s24 =	ssub.s32 s24, s23;
	[sflag:s30] =	ssyncadd.s32 $0xFFFFE000  }
0x90: {  	[spmem:s2] =	stream.indirect.scatter.add.f32 [tilespmem:s29], [sflag:$0x5], $0x80, s21, s0, $0xb8;
	[tilespmem:$0x1C000] =	vst v63  }
0x91: {  	s23 =	simm.s32 @!p4 $0x2000;
	s21 =	sshra.s32 s24, $0x2;
	_ =	swait.ge [sflag:s28], $0x2000  }
0x92: {  	s22 =	sadd.s32 @!p4 s25, s21;
	s16 =	sadd.s32 @!p3 s16, s21;
	[sflag:s28] =	ssyncset.done $0x0  }
0x93: {  	s21 =	sadd.s32 @!p4 $0x100, s22;
	s22 =	simm.s32 @!p4 $0x40;
	[sflag:s28] =	ssyncadd.s32 $0xFFFFE000  }
0x94: {  	[tilespmem:s23], [sflag:$0x1] =	stream.indirect.gather @!p4 [hbm4b:s5+s22], $0x80, s21, s22, $0xb8;
	[tilespmem:$0x1C000] =	vst v63  }
0x95: {  	_ =	swait.ge [sflag:s3], $0x2000  }
0x96: {  	s20 =	sshra.s32 s20, $0x2;
	[sflag:s3] =	ssyncset.done $0x0  }
0x97: {  	s20 =	sadd.s32 $0x1080, s20;
	[sflag:s3] =	ssyncadd.s32 $0xFFFFE000  }
0x98: {  	[spmem:s2] =	stream.indirect.scatter.add.f32 [tilespmem:s31], [sflag:$0x5], $0x80, s20, s0, $0xb8;
	[tilespmem:$0x1C000] =	vst v63  }
0x99: {  	_ =	swait.ge [sflag:s28], $0x2000  }
0x9a: {  	s15 =	sadd.s32 $0x1, s15;
	s12 =	sadd.s32 $0x400, s12;
	s25 =	rddreg [dreg:$0x5]  }
0x9b: {  	s14 =	sadd.s32 $0x2, s14;
	p1 =	por p2, p1;
	p2 =	sne.s32 s25, s12  }
.Ltmp1:
0x9c: {  	s18 =	sshll.u32 s18, $0xB;
	s17 =	sshll.u32 @!p1 s17, $0xB;
	(pc) =	sbr.rel @p2 .LBB2_2-.Ltmp1, $4  }
0x9d: {  	s17 =	sadd.s32 @!p1 s19, s17;
	s16 =	sadd.s32 @!p3 $0x180, s16;
	[sflag:s28] =	ssyncset.done $0x0  }
0x9e: {  	s21 =	simm.s32 @!p3 $0x4000;
	s22 =	simm.s32 @!p3 $0x40;
	[sflag:s28] =	ssyncadd.s32 $0xFFFFE000  }
0x9f: {  	[tilespmem:s21], [sflag:$0x2] =	stream.indirect.gather @!p3 [hbm4b:s5+s22], $0x80, s16, s22, $0xb8;
	[tilespmem:$0x1C000] =	vst v63  }
0xa0: {  	s18 =	sand.u32 $0x800, s18;
	s16 =	sshrl.u32 @!p1 s17, $0x3;
	s17 =	simm.s32 @!p1 $0x0  }
.LBB2_3:
0xa1: {  	s12 =	sadd.s32 @!p1 s6, s16  }
0xa2: {  	[tilespmem:s18], [sflag:$0x3] =	stream.linear.gather @!p1 [hbm4b:s12+s17], $0x800, $0x38;
	[tilespmem:$0x1C000] =	vst v63  }
0xa3: {  	s13 =	sadd.s32 @!p1 s1, s16;
	s15 =	stileid.u32;
	s12 =	sor.u32 $0x1000, s18  }
0xa4: {  	[tilespmem:s12], [sflag:$0x4] =	stream.linear.gather @!p1 [hbm4b:s13+s17], $0x800, $0x38;
	[tilespmem:$0x1C000] =	vst v63  }
0xa5: {  	s23 =	sshll.u32 s15, $0x6;
	[bflag:$0x0] =	sbarrier.arrive $0xFFFF  }
0xa6: {  	s24 =	sshrl.u32 s10, $0x3;
	s12 =	sor.u32 $0x1C05, s23;
	s14 =	rddreg [dreg:$0x12]  }
0xa7: {  	[hbm:s14], [sflag:s12] =	dma.local [spmem:s24], $0x2800  }
0xa8: {  	_ =	swait.ge [sflag:s28], $0x2800  }
0xa9: {  	s11 =	sadd.s32 $0x1, s11;
	s25 =	rddreg [dreg:$0x13]  }
0xaa: {  	p1 =	sne.s32 s11, s25  }
.Ltmp2:
0xab: {  	_ = 	snop;
	(pc) =	sbr.rel @p1 .LBB2_1-.Ltmp2, $3  }
0xac: {  	_ =	sdelay $0x1  }
0xad: {  	[sflag:s28] =	ssyncset.done $0x0  }
0xae: {  	[sflag:s28] =	ssyncadd.s32 $0xFFFFD800  }
0xaf: {  	_ =	sfence.sel $0x180000  }
0xb0: {  	[bflag:$0x0] =	sbarrier.arrive $0xFFFF  }
0xb1: {  	_ =	strace $0x9000004D  }
0xb2: {  	[bflag:$0x2] =	sbarrier.arrive $0xFFFF  }
0xb3: {  	p0 =	sne.s32 s15, $0x0;
	s0 =	rddreg [dreg:$0x3]  }
0xb4: {  	s0 =	sadd.s32 @!p0 $0x100000, s0  }
0xb5: {  	[sflag:s0] =	ssyncadd.tile.s32 @!p0 $0x1;
	_ =	shalt  }
.Lfunc_end2:
_tile_overlayer_lowered:
.L_overlay_start_2:
0xb6: {  	(tag) =	ssettag $0x2  }
0xb7: {  	s0 =	rddreg [dreg:$0x0];
	s2 =	stileid.u32  }
0xb8: {  	s1 =	rddreg [dreg:$0x1];
	p0 =	sne.s32 s2, $0x0  }
0xb9: {  	s3 =	rddreg [dreg:$0x2];
	[bflag:$0x3] =	sbarrier.arrive $0xFFFF;
	s2 =	simm.s32 @!p0 $0x1C05  }
0xba: {  	[timem:s3], [sflag:s2] =	dma.local @!p0 [hbm:s0], s1  }
0xbb: {  	s0 =	simm.s32 @!p0 $0x5  }
0xbc: {  	_ =	swait.ge @!p0 [sflag:s0], s1  }
0xbd: {  	s1 =	ssub.s32 @!p0 $0x0, s1;
	[sflag:s0] =	ssyncset.done @!p0 $0x0  }
0xbe: {  	[sflag:s0] =	ssyncadd.s32 @!p0 s1  }
0xbf: {  	[bflag:$0x3] =	sbarrier.arrive $0xFFFF  }
0xc0: {  	_ =	shalt  }

// kernel: kernel.19.cloned.1.call-start
scs
__scs_entry_jumppad:
0x0: {  	(pc) =	sbr.rel $0x88, $3  }
0x1: {  	(tag) =	ssettag $0x0;
	lr =	simm.s32 $0x1  }
0x2: {  	[smem:$0x3F92] =	sst lr;
	_ =	strace $0xD0000000  }
0x3: {  	_ = 	snop  }
0x4: {  	_ = 	snop  }
0x5: {  	_ = 	snop  }
0x6: {  	_ = 	snop  }
0x7: {  	_ = 	snop  }
__scs_overlays_trampoline_lowered:
0x8: {  	[smem:$0x3FA1] =	sst s0  }
0x9: {  	[smem:$0x3FA2] =	sst s1  }
0xa: {  	[smem:$0x3FA3] =	sst s2  }
0xb: {  	[smem:$0x3FA4] =	sst s3  }
0xc: {  	[smem:$0x3FA5] =	sst s4  }
0xd: {  	[smem:$0x3FA6] =	sst s5  }
0xe: {  	[smem:$0x3FA7] =	sst s6  }
0xf: {  	[smem:$0x3FA8] =	sst s7  }
0x10: {  	[smem:$0x3FA9] =	sst s8  }
0x11: {  	[smem:$0x3FAA] =	sst s9;
	s0 =	simm.s32 @!p0 $0x0  }
0x12: {  	s1 =	sld [smem:$0x3F90];
	s0 =	simm.s32 @p0 $0x1  }
0x13: {  	[smem:$0x3FAB] =	sst s0;
	s0 =	simm.s32 @!p1 $0x0  }
0x14: {  	s2 =	sld [smem:$0x3F8F];
	s0 =	simm.s32 @p1 $0x1  }
0x15: {  	[smem:$0x3FAC] =	sst s0;
	s0 =	simm.s32 @!p2 $0x0  }
0x16: {  	s3 =	sld [smem:$0x3FDB];
	s0 =	simm.s32 @p2 $0x1  }
0x17: {  	s4 =	simm.s32 $0x1BF5;
	[smem:$0x3FAE] =	sst s0  }
0x18: {  	s0 =	sld [smem:$0x3F91];
	_ =	swait.ge [sflag:s4], $0x0  }
0x19: {  	s7 =	sld [smem:$0x3F92]  }
0x1a: {  	s8 =	sadd.s32 $0xFFFFE003, lr  }
0x1b: {  	s9 =	sadd.s32 $0xFFFFFEF7, lr;
	s5 =	simm.s32 $0xFFFFFFFF;
	p2 =	slt.u32 s8, $0xFFFFF086  }
0x1c: {  	p1 =	slt.u32 s9, $0xF7A;
	s5 =	simm.s32 @!p2 $0x0  }
0x1d: {  	s5 =	simm.s32 @p1 $0x1;
	p0 =	seq.s32 s7, s2  }
0x1e: {  	s7 =	smul.u32 @!p0 $0xF7A, s2;
	p2 =	seq.s32 @!p0 s5, $0x0  }
0x1f: {  	s9 =	smul.u32 $0xF7A, s1;
	s8 =	simm.s32 @!p0 $0x1BF5;
	p2 =	por !p2, p0  }
0x20: {  	[sflag:s8] =	ssyncset.s32 @!p0 $0xFFFFF086;
	s6 =	sadd.s32 @!p0 s3, s7;
	s7 =	simm.s32 @!p0 $0x108  }
0x21: {  	s3 =	sadd.s32 s3, s9;
	s6 =	sadd.s32 @!p0 $0x88, s6;
	s7 =	simm.s32 @p2 $0x1082  }
0x22: {  	[simem:s7], [sflag:s8] =	dma.local @!p0 [hbm:s6], $0xF7A  }
0x23: {  	s9 =	sor.u32 $0xD0000000, s2;
	s6 =	simm.s32 $0x108;
	_ =	swait.ge @!p0 [sflag:s8], $0x0  }
0x24: {  	s3 =	sadd.s32 $0x88, s3;
	s6 =	simm.s32 @!p1 $0x1082;
	[sflag:s4] =	ssyncset.s32 $0xFFFFF086  }
0x25: {  	[simem:s6], [sflag:s4] =	dma.local [hbm:s3], $0xF7A  }
0x26: {  	[smem:$0x3F92] =	sst s1;
	(tag) =	ssettag s2;
	_ =	strace s9  }
0x27: {  	s1 =	sld [smem:$0x3FA2]  }
0x28: {  	s2 =	sld [smem:$0x3FA3]  }
0x29: {  	s4 =	sld [smem:$0x3FA5]  }
0x2a: {  	p0 =	seq.s32 s5, $0x0;
	s5 =	sld [smem:$0x3FA6]  }
0x2b: {  	s6 =	sld [smem:$0x3FA7]  }
0x2c: {  	s7 =	sld [smem:$0x3FA8]  }
0x2d: {  	s3 =	simm.s32 $0x108;
	s8 =	sld [smem:$0x3FA9]  }
0x2e: {  	s3 =	simm.s32 @!p0 $0x1082;
	s9 =	sld [smem:$0x3FAA]  }
0x2f: {  	lr =	sadd.s32 s0, s3;
	s0 =	sld [smem:$0x3FA1]  }
0x30: {  	s3 =	sld [smem:$0x3FA4]  }
0x31: {  	[smem:$0x3FAD] =	sst s10  }
0x32: {  	s10 =	sld [smem:$0x3FAB];
	_ =	sdelay $0x3  }
0x33: {  	p0 =	seq.s32 s10, $0x1;
	s10 =	sld [smem:$0x3FAD];
	_ =	sdelay $0x3  }
0x34: {  	[smem:$0x3FAD] =	sst s10  }
0x35: {  	s10 =	sld [smem:$0x3FAC];
	_ =	sdelay $0x3  }
0x36: {  	p1 =	seq.s32 s10, $0x1;
	s10 =	sld [smem:$0x3FAD];
	_ =	sdelay $0x3  }
0x37: {  	[smem:$0x3FAD] =	sst s10  }
0x38: {  	s10 =	sld [smem:$0x3FAE]  }
0x39: {  	_ = 	snop;
	(pc) =	sbr.ind lr, $3  }
0x3a: {  	_ = 	snop  }
0x3b: {  	_ = 	snop  }
0x3c: {  	p2 =	seq.s32 s10, $0x1;
	s10 =	sld [smem:$0x3FAD]  }
0x3d: {  	_ =	shalt  }
0x3e: {  	_ =	shalt  }
0x3f: {  	_ =	shalt  }
0x40: {  	_ =	shalt  }
0x41: {  	_ =	shalt  }
0x42: {  	_ =	shalt  }
0x43: {  	_ =	shalt  }
0x44: {  	_ =	shalt  }
0x45: {  	_ =	shalt  }
0x46: {  	_ =	shalt  }
0x47: {  	_ =	shalt  }
0x48: {  	_ =	shalt  }
0x49: {  	_ =	shalt  }
0x4a: {  	_ =	shalt  }
0x4b: {  	_ =	shalt  }
0x4c: {  	_ =	shalt  }
0x4d: {  	_ =	shalt  }
0x4e: {  	_ =	shalt  }
0x4f: {  	_ =	shalt  }
0x50: {  	_ =	shalt  }
0x51: {  	_ =	shalt  }
0x52: {  	_ =	shalt  }
0x53: {  	_ =	shalt  }
0x54: {  	_ =	shalt  }
0x55: {  	_ =	shalt  }
0x56: {  	_ =	shalt  }
0x57: {  	_ =	shalt  }
0x58: {  	_ =	shalt  }
0x59: {  	_ =	shalt  }
0x5a: {  	_ =	shalt  }
0x5b: {  	_ =	shalt  }
0x5c: {  	_ =	shalt  }
0x5d: {  	_ =	shalt  }
0x5e: {  	_ =	shalt  }
0x5f: {  	_ =	shalt  }
0x60: {  	_ =	shalt  }
0x61: {  	_ =	shalt  }
0x62: {  	_ =	shalt  }
0x63: {  	_ =	shalt  }
0x64: {  	_ =	shalt  }
0x65: {  	_ =	shalt  }
0x66: {  	_ =	shalt  }
0x67: {  	_ =	shalt  }
0x68: {  	_ =	shalt  }
0x69: {  	_ =	shalt  }
0x6a: {  	_ =	shalt  }
0x6b: {  	_ =	shalt  }
0x6c: {  	_ =	shalt  }
0x6d: {  	_ =	shalt  }
0x6e: {  	_ =	shalt  }
0x6f: {  	_ =	shalt  }
0x70: {  	_ =	shalt  }
0x71: {  	_ =	shalt  }
0x72: {  	_ =	shalt  }
0x73: {  	_ =	shalt  }
0x74: {  	_ =	shalt  }
0x75: {  	_ =	shalt  }
0x76: {  	_ =	shalt  }
0x77: {  	_ =	shalt  }
0x78: {  	_ =	shalt  }
0x79: {  	_ =	shalt  }
0x7a: {  	_ =	shalt  }
0x7b: {  	_ =	shalt  }
0x7c: {  	_ =	shalt  }
0x7d: {  	_ =	shalt  }
0x7e: {  	_ =	shalt  }
0x7f: {  	_ =	shalt  }
0x80: {  	_ =	shalt  }
0x81: {  	_ =	shalt  }
0x82: {  	_ =	shalt  }
0x83: {  	_ =	shalt  }
0x84: {  	_ =	shalt  }
0x85: {  	_ =	shalt  }
0x86: {  	_ =	shalt  }
0x87: {  	_ =	shalt  }
.Lfunc_end0:
.L_simem_size_0:
called_computation.3_lowered:
.L_overlay_start_0:
0x88: {  	s2 =	sld [smem:$0x3FD9]  }
0x89: {  	s3 =	sld [smem:$0x3FFE];
	_ =	sdelay $0x1  }
0x8a: {  	s1 =	srdreg.scid  }
0x8b: {  	s0 =	sand.u32 $0x1, s1  }
0x8c: {  	s17 =	sshll.u32 s0, $0xA;
	s2 =	sadd.s32 s3, s2  }
0x8d: {  	s2 =	sadd.s32 s2, s17  }
0x8e: {  	[smem:$0x3FB9] =	sst s2  }
0x8f: {  	_ = 	snop  }
0x90: {  	s2 =	sld [smem:$0x3FD0];
	(tm) =	ssettm $0x1  }
0x91: {  	s18 =	sld [smem:$0x3FFB];
	_ =	sdelay $0x3  }
0x92: {  	_ =	strace s18  }
0x93: {  	s3 =	sld [smem:$0x3FFC];
	_ =	sdelay $0x3  }
0x94: {  	_ =	strace s3  }
0x95: {  	s3 =	sld [smem:$0x3FFD];
	_ =	sdelay $0x3  }
0x96: {  	_ =	strace s3  }
0x97: {  	_ =	strace $0x8FFFFFFF  }
0x98: {  	s19 =	sld [smem:$0x3FDB];
	_ =	sdelay $0x1  }
0x99: {  	s4 =	simm.s32 $_scs_section_size  }
0x9a: {  	s5 =	simm.s32 $_size__tile_overlayer_lowered;
	s6 =	simm.s32 $_tile_overlayer_lowered  }
0x9b: {  	s22 =	simm.s32 $0x1BFF;
	s21 =	sshll.u32 s6, $0x1;
	s3 =	sadd.s32 s4, s19  }
0x9c: {  	s7 =	simm.s32 $0x0;
	s20 =	sshll.u32 s5, $0x1;
	s5 =	sadd.s32 s21, s3  }
0x9d: {  	[timem:s7], [sflag:s22] =	dma.local [hbm:s5], s20  }
0x9e: {  	_ =	swait.ge [sflag:s22], s20  }
0x9f: {  	s4 =	ssub.s32 $0x0, s20;
	[sflag:s22] =	ssyncset.done $0x0  }
0xa0: {  	[sflag:s22] =	ssyncadd.s32 s4;
	_ =	sdelay $0x1  }
0xa1: {  	s23 =	simm.s32 $0x1B8B  }
0xa2: {  	_ =	swait.ge [sflag:s23], $0x1  }
0xa3: {  	[sflag:s23] =	ssyncset.done $0x0  }
0xa4: {  	s25 =	simm.s32 $0x1B8E;
	s24 =	sld [smem:$0x3FFE];
	[sflag:s23] =	ssyncadd.s32 $0xFFFFFFFF  }
0xa5: {  	s26 =	simm.s32 $execute0_lowered;
	[smem:$0x3FD2] =	sst s25  }
0xa6: {  	s5 =	sshll.u32 s26, $0x1;
	_ =	strace $0x8000004F;
	[dreg:$0x1] =	wrdreg $0xFFFFFFFF  }
0xa7: {  	s28 =	simm.s32 $_size_execute0_lowered;
	s3 =	sadd.s32 s3, s5;
	[dreg:$0x0] =	wrdreg $0x0  }
0xa8: {  	s5 =	sshll.u32 s28, $0x1;
	[dreg:$0x2] =	wrdreg s3  }
0xa9: {  	[dreg:$0x3] =	wrdreg s5  }
0xaa: {  	[dreg:$0x4] =	wrdreg $0xC0  }
0xab: {  	_ =	task [dreg:s7], $0x5FFFF  }
0xac: {  	[dreg:$0x1] =	wrdreg $0xFFFFFFFF  }
0xad: {  	[dreg:$0x0] =	wrdreg $0x60  }
0xae: {  	[dreg:$0x2] =	wrdreg s24  }
0xaf: {  	[dreg:$0x3] =	wrdreg s2  }
0xb0: {  	[dreg:$0x4] =	wrdreg $0x80000  }
0xb1: {  	[dreg:$0x5] =	wrdreg $0x9  }
0xb2: {  	_ =	task.clear_ibuf [dreg:s7], $0x6FFFF;
	_ =	strace $0x9000004F  }
0xb3: {  	s29 =	simm.s32 $0x9;
	_ =	strace $0x80000051  }
0xb4: {  	_ =	swait.ge [sflag:s29], $0x1  }
0xb5: {  	[sflag:s29] =	ssyncadd.s32 $0xFFFFFFFF  }
0xb6: {  	_ =	strace $0x90000051  }
0xb7: {  	_ =	sfence  }
0xb8: {  	s30 =	sld [smem:$0x0];
	_ =	sdelay $0x2  }
0xb9: {  	s31 =	sshll.u32 s1, $0xD;
	s1 =	sshrl.u32 s1, $0x2  }
0xba: {  	s3 =	sand.u32 $0x4000, s31;
	s1 =	sadd.s32 s1, s30  }
0xbb: {  	s0 =	sor.u32 s3, s0;
	s1 =	sshll.u32 s1, $0x11  }
0xbc: {  	s0 =	sor.u32 s1, s0  }
0xbd: {  	s0 =	sadd.s32 $0x8F2B, s0  }
0xbe: {  	[sflag:s0] =	ssyncadd.remote.s32 $0x1  }
0xbf: {  	_ =	sfence.sel $0xFFFF  }
0xc0: {  	[dreg:$0x0] =	wrdreg $0xFFFFFFFF;
	(pc) =	sbr.abs _section_cstart, $3  }
0xc1: {  	[dreg:$0x1] =	wrdreg $0xFFFFFFFF  }
0xc2: {  	_ =	task.clear_ibuf [dreg:s7], $0x2FFFF;
	_ =	strace $0x9FFFFFFF  }
0xc3: {  	(tm) =	ssettm $0x7FFFFFFF  }
tec
execute0_lowered:
.L_overlay_start_1:
0x0: {  	(tag) =	ssettag $0x1  }
0x1: {  	s0 =	rddreg [dreg:$0x0]  }
0x2: {  	s1 =	rddreg [dreg:$0x1]  }
0x3: {  	s2 =	rddreg [dreg:$0x2];
	s15 =	stileid.u32  }
0x4: {  	s3 =	srdreg.scid;
	s4 =	simm.s32 $0x0;
	s8 =	smul.u32 $0x14000, s15  }
0x5: {  	s28 =	simm.s32 $0x5;
	s29 =	simm.s32 $0x2000;
	s12 =	smul.u32 $0x50000, s15  }
0x6: {  	s3 =	sand.u32 $0x1, s3;
	[smem:$0x7FF] =	sst s4;
	s13 =	smul.u32 $0x130, s15  }
0x7: {  	s5 =	sadd.s32 $0x41200, s0;
	s22 =	sshll.u32 s15, $0x4;
	s7 =	smul.u32 $0x140000, s3  }
0x8: {  	s6 =	sadd.s32 $0x2D200, s0;
	p0 =	seq.s32 s3, $0x0;
	s14 =	sor.u32 $0x1300, s22  }
0x9: {  	s12 =	sshrl.u32 s12, $0x2;
	s14 =	smov.u32 @p0 s13;
	s8 =	sadd.s32 s8, s7  }
0xa: {  	s7 =	sadd.s32 $0x91200, s0;
	s18 =	sshll.u32 s14, $0x4;
	s10 =	sshrl.u32 s8, $0x3  }
0xb: {  	s22 =	sadd.s32 s6, s18;
	s0 =	sadd.s32 s10, s0;
	s10 =	sadd.s32 s12, s2  }
0xc: {  	_ =	strace $0x80000050;
	[dreg:$0xe] =	wrdreg s22;
	s12 =	sadd.s32 $0x2000, s10  }
0xd: {  	s31 =	simm.s32 $0x4000;
	s23 =	sadd.s32 $0x4000, s10;
	[dreg:$0x6] =	wrdreg s12  }
0xe: {  	s30 =	simm.s32 $0x1;
	s24 =	sadd.s32 $0x6000, s10;
	[dreg:$0x7] =	wrdreg s23  }
0xf: {  	s9 =	ssub.s32 $0x2, s3;
	s25 =	sadd.s32 $0x8000, s10;
	[dreg:$0x8] =	wrdreg s24  }
0x10: {  	s11 =	sshrl.u32 s9, $0x1;
	s26 =	sadd.s32 $0xA000, s10;
	[dreg:$0x9] =	wrdreg s25  }
0x11: {  	s11 =	ssub.s32 s9, s11;
	s13 =	sadd.s32 $0xC000, s10;
	[dreg:$0xa] =	wrdreg s26  }
0x12: {  	s8 =	simm.s32 $0x130;
	s16 =	sadd.s32 $0xE000, s10;
	[dreg:$0xb] =	wrdreg s13  }
0x13: {  	s8 =	simm.s32 @!p0 $0x10;
	s17 =	sadd.s32 $0x10000, s10;
	[dreg:$0xc] =	wrdreg s16  }
0x14: {  	s19 =	sshll.u32 s14, $0x7;
	s21 =	sshll.u32 s8, $0x9;
	[dreg:$0xd] =	wrdreg s17  }
0x15: {  	s9 =	sshrl.u32 s8, $0x4;
	s0 =	sadd.s32 $0x93A00, s0;
	[dreg:$0x5] =	wrdreg s21  }
0x16: {  	s14 =	sshrl.u32 s19, $0x3;
	s20 =	sadd.s32 $0xFFFFFFFF, s9;
	[dreg:$0x12] =	wrdreg s0  }
0x17: {  	p0 =	sne.s32 s3, $0x0;
	s12 =	sadd.s32 s1, s18;
	[dreg:$0x4] =	wrdreg s20  }
0x18: {  	s23 =	sadd.s32 $0x100, s14;
	s26 =	smax.u32 s11, $0x1;
	[dreg:$0xf] =	wrdreg s12  }
0x19: {  	s3 =	simm.s32 $0x2;
	s24 =	sadd.s32 s6, s23;
	[dreg:$0x13] =	wrdreg s26  }
0x1a: {  	s0 =	simm.s32 $0x40;
	s25 =	sadd.s32 s1, s23;
	[dreg:$0x10] =	wrdreg s24  }
0x1b: {  	s11 =	simm.s32 $0x0;
	s26 =	sadd.s32 $0x12000, s10;
	[dreg:$0x11] =	wrdreg s25  }
.LBB2_1:
0x1c: {  	s12 =	simm.s32 @p0 $0x0;
	s13 =	simm.s32 @p0 $0x6000  }
0x1d: {  	[tilespmem:s13], [sflag:$0x5] =	stream.linear.gather @p0 [hbm4b:s7+s12], $0x2000, $0x38;
	[tilespmem:$0x1C000] =	vst v63  }
0x1e: {  	s12 =	simm.s32 @p0 $0x5  }
0x1f: {  	_ =	swait.ge @p0 [sflag:s12], $0x2000  }
0x20: {  	[sflag:s12] =	ssyncset.done @p0 $0x0  }
0x21: {  	[sflag:s12] =	ssyncadd.s32 @p0 $0xFFFFE000  }
0x22: {  	[spmem:s10] =	stream.linear.scatter @p0 [tilespmem:s13], [sflag:$0x5], $0x2000, $0x38;
	[tilespmem:$0x1C000] =	vst v63  }
0x23: {  	_ =	swait.ge @p0 [sflag:s12], $0x2000  }
0x24: {  	[sflag:s12] =	ssyncset.done @p0 $0x0  }
0x25: {  	s14 =	rddreg [dreg:$0x6];
	[sflag:s12] =	ssyncadd.s32 @p0 $0xFFFFE000  }
0x26: {  	[spmem:s14] =	stream.linear.scatter @p0 [tilespmem:s13], [sflag:$0x5], $0x2000, $0x38;
	[tilespmem:$0x1C000] =	vst v63  }
0x27: {  	_ =	swait.ge @p0 [sflag:s12], $0x2000  }
0x28: {  	[sflag:s12] =	ssyncset.done @p0 $0x0  }
0x29: {  	s14 =	rddreg [dreg:$0x7];
	[sflag:s12] =	ssyncadd.s32 @p0 $0xFFFFE000  }
0x2a: {  	[spmem:s14] =	stream.linear.scatter @p0 [tilespmem:s13], [sflag:$0x5], $0x2000, $0x38;
	[tilespmem:$0x1C000] =	vst v63  }
0x2b: {  	_ =	swait.ge @p0 [sflag:s12], $0x2000  }
0x2c: {  	[sflag:s12] =	ssyncset.done @p0 $0x0  }
0x2d: {  	s14 =	rddreg [dreg:$0x8];
	[sflag:s12] =	ssyncadd.s32 @p0 $0xFFFFE000  }
0x2e: {  	[spmem:s14] =	stream.linear.scatter @p0 [tilespmem:s13], [sflag:$0x5], $0x2000, $0x38;
	[tilespmem:$0x1C000] =	vst v63  }
0x2f: {  	_ =	swait.ge @p0 [sflag:s12], $0x2000  }
0x30: {  	[sflag:s12] =	ssyncset.done @p0 $0x0  }
0x31: {  	s14 =	rddreg [dreg:$0x9];
	[sflag:s12] =	ssyncadd.s32 @p0 $0xFFFFE000  }
0x32: {  	[spmem:s14] =	stream.linear.scatter @p0 [tilespmem:s13], [sflag:$0x5], $0x2000, $0x38;
	[tilespmem:$0x1C000] =	vst v63  }
0x33: {  	_ =	swait.ge @p0 [sflag:s12], $0x2000  }
0x34: {  	[sflag:s12] =	ssyncset.done @p0 $0x0  }
0x35: {  	s14 =	rddreg [dreg:$0xa];
	[sflag:s12] =	ssyncadd.s32 @p0 $0xFFFFE000  }
0x36: {  	[spmem:s14] =	stream.linear.scatter @p0 [tilespmem:s13], [sflag:$0x5], $0x2000, $0x38;
	[tilespmem:$0x1C000] =	vst v63  }
0x37: {  	_ =	swait.ge @p0 [sflag:s12], $0x2000  }
0x38: {  	[sflag:s12] =	ssyncset.done @p0 $0x0  }
0x39: {  	s14 =	rddreg [dreg:$0xb];
	[sflag:s12] =	ssyncadd.s32 @p0 $0xFFFFE000  }
0x3a: {  	[spmem:s14] =	stream.linear.scatter @p0 [tilespmem:s13], [sflag:$0x5], $0x2000, $0x38;
	[tilespmem:$0x1C000] =	vst v63  }
0x3b: {  	_ =	swait.ge @p0 [sflag:s12], $0x2000  }
0x3c: {  	[sflag:s12] =	ssyncset.done @p0 $0x0  }
0x3d: {  	s14 =	rddreg [dreg:$0xc];
	[sflag:s12] =	ssyncadd.s32 @p0 $0xFFFFE000  }
0x3e: {  	[spmem:s14] =	stream.linear.scatter @p0 [tilespmem:s13], [sflag:$0x5], $0x2000, $0x38;
	[tilespmem:$0x1C000] =	vst v63  }
0x3f: {  	_ =	swait.ge @p0 [sflag:s12], $0x2000  }
0x40: {  	[sflag:s12] =	ssyncset.done @p0 $0x0  }
0x41: {  	s14 =	rddreg [dreg:$0xd];
	[sflag:s12] =	ssyncadd.s32 @p0 $0xFFFFE000  }
0x42: {  	[spmem:s14] =	stream.linear.scatter @p0 [tilespmem:s13], [sflag:$0x5], $0x2000, $0x38;
	[tilespmem:$0x1C000] =	vst v63  }
0x43: {  	_ =	swait.ge @p0 [sflag:s12], $0x2000  }
0x44: {  	[sflag:s12] =	ssyncset.done @p0 $0x0  }
0x45: {  	[sflag:s12] =	ssyncadd.s32 @p0 $0xFFFFE000  }
0x46: {  	[spmem:s26] =	stream.linear.scatter @p0 [tilespmem:s13], [sflag:$0x5], $0x2000, $0x38;
	[tilespmem:$0x1C000] =	vst v63  }
0x47: {  	_ =	swait.ge @p0 [sflag:s12], $0x2000  }
0x48: {  	s13 =	sshll.u32 @!p0 s15, $0x6;
	[sflag:s12] =	ssyncset.done @p0 $0x0  }
0x49: {  	[sflag:s12] =	ssyncadd.s32 @p0 $0xFFFFE000;
	s12 =	sor.u32 @!p0 $0x1C05, s13;
	s13 =	sshrl.u32 @!p0 s10, $0x3  }
0x4a: {  	[spmem:s13], [sflag:s12] =	dma.local @!p0 [hbm:s7], $0x2800  }
0x4b: {  	s12 =	simm.s32 @!p0 $0x5  }
0x4c: {  	_ =	swait.ge @!p0 [sflag:s12], $0x2800  }
0x4d: {  	[sflag:s12] =	ssyncset.done @!p0 $0x0  }
0x4e: {  	s14 =	rddreg [dreg:$0xe];
	[sflag:s12] =	ssyncadd.s32 @!p0 $0xFFFFD800  }
0x4f: {  	[tilespmem:s4], [sflag:$0x5] =	stream.linear.gather [hbm4b:s14+s4], $0x800, $0x38;
	[tilespmem:$0x1C000] =	vst v63  }
0x50: {  	_ =	swait.ge [sflag:s28], $0x800  }
0x51: {  	[sflag:s28] =	ssyncset.done $0x0  }
0x52: {  	s16 =	simm.s32 $0x1000;
	s15 =	rddreg [dreg:$0xf];
	[sflag:s28] =	ssyncadd.s32 $0xFFFFF800  }
0x53: {  	[tilespmem:s16], [sflag:$0x5] =	stream.linear.gather [hbm4b:s15+s4], $0x800, $0x38;
	[tilespmem:$0x1C000] =	vst v63  }
0x54: {  	_ =	swait.ge [sflag:s28], $0x800  }
0x55: {  	[sflag:s28] =	ssyncset.done $0x0  }
0x56: {  	[sflag:s28] =	ssyncadd.s32 $0xFFFFF800  }
0x57: {  	[bflag:$0x0] =	sbarrier.arrive $0xFFFF  }
0x58: {  	s17 =	rddreg [dreg:$0x10]  }
0x59: {  	s18 =	simm.s32 $0x800;
	s24 =	simm.s32 $0x0;
	s22 =	rddreg [dreg:$0x4]  }
0x5a: {  	[tilespmem:s18], [sflag:$0x3] =	stream.linear.gather [hbm4b:s17+s4], $0x800, $0x38;
	[tilespmem:$0x1C000] =	vst v63  }
0x5b: {  	s14 =	sor.u32 $0x1C00, s24;
	p1 =	sle.u32 s22, $0x0  }
0x5c: {  	s21 =	simm.s32 $0x1800;
	s20 =	rddreg [dreg:$0x11];
	p2 =	sne.s32 @!p1 s14, $0x0  }
0x5d: {  	[tilespmem:s21], [sflag:$0x4] =	stream.linear.gather [hbm4b:s20+s4], $0x800, $0x38;
	[tilespmem:$0x1C000] =	vst v63  }
0x5e: {  	p1 =	por p2, p1  }
0x5f: {  	[tilespmem:s29], [sflag:$0x1] =	stream.indirect.gather [hbm4b:s5+s0], $0x80, s4, s0, $0xb8;
	[tilespmem:$0x1C000] =	vst v63  }
0x60: {  	s23 =	simm.s32 $0x80;
	s12 =	simm.s32 @!p1 $0x3  }
0x61: {  	[tilespmem:s31], [sflag:$0x2] =	stream.indirect.gather [hbm4b:s5+s0], $0x80, s23, s0, $0xb8;
	[tilespmem:$0x1C000] =	vst v63  }
0x62: {  	_ =	swait.ge @!p1 [sflag:s12], $0x800  }
0x63: {  	s25 =	simm.s32 $0x0;
	s16 =	sand.u32 $0x2000, s24;
	[sflag:s12] =	ssyncset.done @!p1 $0x0  }
0x64: {  	s13 =	ssub.s32 s16, s24;
	[sflag:s12] =	ssyncadd.s32 @!p1 $0xFFFFF800;
	s12 =	simm.s32 @!p1 $0x4  }
0x65: {  	s17 =	simm.s32 $0x0;
	s18 =	sadd.s32 $0x0, s13;
	_ =	swait.ge @!p1 [sflag:s12], $0x800  }
0x66: {  	s20 =	sand.u32 $0xFFFFFFFE, s17;
	s21 =	simm.s32 $0x400;
	[sflag:s12] =	ssyncset.done @!p1 $0x0  }
0x67: {  	s13 =	ssub.s32 $0x0, s20;
	s17 =	sand.u32 $0x2000, s21;
	[sflag:s12] =	ssyncadd.s32 @!p1 $0xFFFFF800  }
0x68: {  	s16 =	sand.u32 $0xFFFFE000, s21;
	s13 =	sshll.u32 s13, $0xD;
	_ =	swait.ge [sflag:s30], $0x2000  }
0x69: {  	s22 =	ssub.s32 s13, s25;
	s12 =	sshra.s32 s18, $0x2;
	[sflag:s30] =	ssyncset.done $0x0  }
0x6a: {  	s23 =	ssub.s32 s17, s16;
	s12 =	sadd.s32 $0x1000, s12;
	[sflag:s30] =	ssyncadd.s32 $0xFFFFE000  }
0x6b: {  	[spmem:s2] =	stream.indirect.scatter.add.f32 [tilespmem:s29], [sflag:$0x5], $0x80, s12, s0, $0xb8;
	[tilespmem:$0x1C000] =	vst v63  }
0x6c: {  	s13 =	sshra.s32 s23, $0x2;
	p1 =	sle.u32 s8, $0x2;
	_ =	swait.ge [sflag:s28], $0x2000  }
0x6d: {  	s15 =	sadd.s32 @!p1 $0x0, s13;
	s16 =	simm.s32 @!p1 $0x40;
	[sflag:s28] =	ssyncset.done $0x0  }
0x6e: {  	s17 =	simm.s32 @!p1 $0x2000;
	s15 =	sadd.s32 @!p1 $0x100, s15;
	[sflag:s28] =	ssyncadd.s32 $0xFFFFE000  }
0x6f: {  	[tilespmem:s17], [sflag:$0x1] =	stream.indirect.gather @!p1 [hbm4b:s5+s16], $0x80, s15, s16, $0xb8;
	[tilespmem:$0x1C000] =	vst v63  }
0x70: {  	s12 =	sadd.s32 $0x0, s22;
	_ =	swait.ge [sflag:s3], $0x2000  }
0x71: {  	p3 =	sle.u32 s8, $0x3;
	s12 =	sshra.s32 s12, $0x2;
	[sflag:s3] =	ssyncset.done $0x0  }
0x72: {  	s24 =	simm.s32 $0x0;
	s12 =	sadd.s32 $0x1080, s12;
	[sflag:s3] =	ssyncadd.s32 $0xFFFFE000  }
0x73: {  	[spmem:s2] =	stream.indirect.scatter.add.f32 [tilespmem:s31], [sflag:$0x5], $0x80, s12, s0, $0xb8;
	[tilespmem:$0x1C000] =	vst v63  }
0x74: {  	s18 =	sand.u32 $0x800, s24;
	p1 =	sle.u32 s9, $0x2;
	_ =	swait.ge [sflag:s28], $0x2000  }
0x75: {  	s13 =	sadd.s32 @!p3 $0x0, s13;
	p2 =	sne.s32 @!p1 s14, $0x0;
	s25 =	rddreg [dreg:$0x5]  }
0x76: {  	s13 =	sadd.s32 @!p3 $0x180, s13;
	p1 =	por p2, p1;
	p2 =	sne.s32 s25, $0x400  }
.Ltmp0:
0x77: {  	s17 =	simm.s32 @!p3 $0x40;
	[sflag:s28] =	ssyncset.done $0x0;
	(pc) =	sbr.rel @!p2 .LBB2_3-.Ltmp0, $4  }
0x78: {  	s15 =	simm.s32 $0x1;
	s14 =	simm.s32 @!p3 $0x4000;
	[sflag:s28] =	ssyncadd.s32 $0xFFFFE000  }
0x79: {  	[tilespmem:s14], [sflag:$0x2] =	stream.indirect.gather @!p3 [hbm4b:s5+s17], $0x80, s13, s17, $0xb8;
	[tilespmem:$0x1C000] =	vst v63  }
0x7a: {  	s12 =	simm.s32 $0x400;
	s13 =	simm.s32 $0x2;
	s17 =	sadd.s32 @!p1 $0x1000, s19  }
0x7b: {  	s14 =	simm.s32 $0x4;
	s16 =	sshrl.u32 @!p1 s17, $0x3;
	s17 =	simm.s32 @!p1 $0x0  }
.LBB2_2:
0x7c: {  	s20 =	sor.u32 $0x1000, s18  }
0x7d: {  	s21 =	sadd.s32 @!p1 s6, s16;
	s22 =	sadd.s32 @!p1 s1, s16;
	s16 =	smov.u32 s12  }
0x7e: {  	[tilespmem:s18], [sflag:$0x3] =	stream.linear.gather @!p1 [hbm4b:s21+s17], $0x800, $0x38;
	[tilespmem:$0x1C000] =	vst v63  }
0x7f: {  	s23 =	sshra.s32 s13, $0x1F;
	s18 =	sshrl.u32 s15, $0x3;
	s21 =	rddreg [dreg:$0x4]  }
0x80: {  	[tilespmem:s20], [sflag:$0x4] =	stream.linear.gather @!p1 [hbm4b:s22+s17], $0x800, $0x38;
	[tilespmem:$0x1C000] =	vst v63  }
0x81: {  	s17 =	sshll.u32 s18, $0xD;
	s20 =	sadd.s32 s23, s18;
	s22 =	sshll.u32 s23, $0xD  }
0x82: {  	p1 =	sge.u32 s18, s21;
	s25 =	sand.u32 $0x2000, s17;
	s24 =	sor.u32 $0x1C00, s17  }
0x83: {  	s23 =	ssub.s32 s25, s17;
	p2 =	sne.s32 @!p1 s24, s12;
	s25 =	sshrl.u32 s20, $0x1F  }
0x84: {  	s17 =	ssub.s32 $0x0, s17;
	p2 =	por p2, p1;
	s21 =	sadd.s32 s23, s12  }
0x85: {  	s23 =	sadd.s32 s25, s20;
	s17 =	sadd.s32 s17, s12;
	s25 =	simm.s32 @!p2 $0x3  }
0x86: {  	s21 =	sshra.s32 s21, $0x2;
	s23 =	sand.u32 $0xFFFFFFFE, s23;
	_ =	swait.ge @!p2 [sflag:s25], $0x800  }
0x87: {  	s20 =	ssub.s32 s20, s23;
	s23 =	simm.s32 @!p2 $0x4;
	[sflag:s25] =	ssyncset.done @!p2 $0x0  }
0x88: {  	s21 =	sadd.s32 $0x1000, s21;
	s20 =	sshll.u32 s20, $0xD;
	[sflag:s25] =	ssyncadd.s32 @!p2 $0xFFFFF800  }
0x89: {  	s20 =	ssub.s32 s20, s22;
	s22 =	sadd.s32 $0x3, s13;
	s25 =	sshll.u32 s14, $0x9  }
0x8a: {  	s13 =	sadd.s32 $0x2, s13;
	_ =	swait.ge @!p2 [sflag:s23], $0x800;
	s20 =	sadd.s32 s20, s17  }
0x8b: {  	s17 =	sadd.s32 $0x2, s18;
	p4 =	sge.u32 s13, s8;
	[sflag:s23] =	ssyncset.done @!p2 $0x0  }
0x8c: {  	p3 =	sge.u32 s22, s8;
	p1 =	sge.u32 s17, s9;
	[sflag:s23] =	ssyncadd.s32 @!p2 $0xFFFFF800  }
0x8d: {  	p2 =	sne.s32 @!p1 s24, s12;
	s24 =	sand.u32 $0x2000, s25;
	_ =	swait.ge [sflag:s30], $0x2000  }
0x8e: {  	s23 =	sand.u32 $0xFFFFE000, s25;
	s25 =	sshra.s32 @!p4 s16, $0x2;
	[sflag:s30] =	ssyncset.done $0x0  }
0x8f: {  	s16 =	sshra.s32 @!p3 s16, $0x2;
	s24 =	ssub.s32 s24, s23;
	[sflag:s30] =	ssyncadd.s32 $0xFFFFE000  }
0x90: {  	[spmem:s2] =	stream.indirect.scatter.add.f32 [tilespmem:s29], [sflag:$0x5], $0x80, s21, s0, $0xb8;
	[tilespmem:$0x1C000] =	vst v63  }
0x91: {  	s23 =	simm.s32 @!p4 $0x2000;
	s21 =	sshra.s32 s24, $0x2;
	_ =	swait.ge [sflag:s28], $0x2000  }
0x92: {  	s22 =	sadd.s32 @!p4 s25, s21;
	s16 =	sadd.s32 @!p3 s16, s21;
	[sflag:s28] =	ssyncset.done $0x0  }
0x93: {  	s21 =	sadd.s32 @!p4 $0x100, s22;
	s22 =	simm.s32 @!p4 $0x40;
	[sflag:s28] =	ssyncadd.s32 $0xFFFFE000  }
0x94: {  	[tilespmem:s23], [sflag:$0x1] =	stream.indirect.gather @!p4 [hbm4b:s5+s22], $0x80, s21, s22, $0xb8;
	[tilespmem:$0x1C000] =	vst v63  }
0x95: {  	_ =	swait.ge [sflag:s3], $0x2000  }
0x96: {  	s20 =	sshra.s32 s20, $0x2;
	[sflag:s3] =	ssyncset.done $0x0  }
0x97: {  	s20 =	sadd.s32 $0x1080, s20;
	[sflag:s3] =	ssyncadd.s32 $0xFFFFE000  }
0x98: {  	[spmem:s2] =	stream.indirect.scatter.add.f32 [tilespmem:s31], [sflag:$0x5], $0x80, s20, s0, $0xb8;
	[tilespmem:$0x1C000] =	vst v63  }
0x99: {  	_ =	swait.ge [sflag:s28], $0x2000  }
0x9a: {  	s15 =	sadd.s32 $0x1, s15;
	s12 =	sadd.s32 $0x400, s12;
	s25 =	rddreg [dreg:$0x5]  }
0x9b: {  	s14 =	sadd.s32 $0x2, s14;
	p1 =	por p2, p1;
	p2 =	sne.s32 s25, s12  }
.Ltmp1:
0x9c: {  	s18 =	sshll.u32 s18, $0xB;
	s17 =	sshll.u32 @!p1 s17, $0xB;
	(pc) =	sbr.rel @p2 .LBB2_2-.Ltmp1, $4  }
0x9d: {  	s17 =	sadd.s32 @!p1 s19, s17;
	s16 =	sadd.s32 @!p3 $0x180, s16;
	[sflag:s28] =	ssyncset.done $0x0  }
0x9e: {  	s21 =	simm.s32 @!p3 $0x4000;
	s22 =	simm.s32 @!p3 $0x40;
	[sflag:s28] =	ssyncadd.s32 $0xFFFFE000  }
0x9f: {  	[tilespmem:s21], [sflag:$0x2] =	stream.indirect.gather @!p3 [hbm4b:s5+s22], $0x80, s16, s22, $0xb8;
	[tilespmem:$0x1C000] =	vst v63  }
0xa0: {  	s18 =	sand.u32 $0x800, s18;
	s16 =	sshrl.u32 @!p1 s17, $0x3;
	s17 =	simm.s32 @!p1 $0x0  }
.LBB2_3:
0xa1: {  	s12 =	sadd.s32 @!p1 s6, s16  }
0xa2: {  	[tilespmem:s18], [sflag:$0x3] =	stream.linear.gather @!p1 [hbm4b:s12+s17], $0x800, $0x38;
	[tilespmem:$0x1C000] =	vst v63  }
0xa3: {  	s13 =	sadd.s32 @!p1 s1, s16;
	s15 =	stileid.u32;
	s12 =	sor.u32 $0x1000, s18  }
0xa4: {  	[tilespmem:s12], [sflag:$0x4] =	stream.linear.gather @!p1 [hbm4b:s13+s17], $0x800, $0x38;
	[tilespmem:$0x1C000] =	vst v63  }
0xa5: {  	s23 =	sshll.u32 s15, $0x6;
	[bflag:$0x0] =	sbarrier.arrive $0xFFFF  }
0xa6: {  	s24 =	sshrl.u32 s10, $0x3;
	s12 =	sor.u32 $0x1C05, s23;
	s14 =	rddreg [dreg:$0x12]  }
0xa7: {  	[hbm:s14], [sflag:s12] =	dma.local [spmem:s24], $0x2800  }
0xa8: {  	_ =	swait.ge [sflag:s28], $0x2800  }
0xa9: {  	s11 =	sadd.s32 $0x1, s11;
	s25 =	rddreg [dreg:$0x13]  }
0xaa: {  	p1 =	sne.s32 s11, s25  }
.Ltmp2:
0xab: {  	_ = 	snop;
	(pc) =	sbr.rel @p1 .LBB2_1-.Ltmp2, $3  }
0xac: {  	_ =	sdelay $0x1  }
0xad: {  	[sflag:s28] =	ssyncset.done $0x0  }
0xae: {  	[sflag:s28] =	ssyncadd.s32 $0xFFFFD800  }
0xaf: {  	_ =	sfence.sel $0x180000  }
0xb0: {  	[bflag:$0x0] =	sbarrier.arrive $0xFFFF  }
0xb1: {  	_ =	strace $0x90000050  }
0xb2: {  	[bflag:$0x2] =	sbarrier.arrive $0xFFFF  }
0xb3: {  	p0 =	sne.s32 s15, $0x0;
	s0 =	rddreg [dreg:$0x3]  }
0xb4: {  	s0 =	sadd.s32 @!p0 $0x100000, s0  }
0xb5: {  	[sflag:s0] =	ssyncadd.tile.s32 @!p0 $0x1;
	_ =	shalt  }
.Lfunc_end2:
_tile_overlayer_lowered:
.L_overlay_start_2:
0xb6: {  	(tag) =	ssettag $0x2  }
0xb7: {  	s0 =	rddreg [dreg:$0x0];
	s2 =	stileid.u32  }
0xb8: {  	s1 =	rddreg [dreg:$0x1];
	p0 =	sne.s32 s2, $0x0  }
0xb9: {  	s3 =	rddreg [dreg:$0x2];
	[bflag:$0x3] =	sbarrier.arrive $0xFFFF;
	s2 =	simm.s32 @!p0 $0x1C05  }
0xba: {  	[timem:s3], [sflag:s2] =	dma.local @!p0 [hbm:s0], s1  }
0xbb: {  	s0 =	simm.s32 @!p0 $0x5  }
0xbc: {  	_ =	swait.ge @!p0 [sflag:s0], s1  }
0xbd: {  	s1 =	ssub.s32 @!p0 $0x0, s1;
	[sflag:s0] =	ssyncset.done @!p0 $0x0  }
0xbe: {  	[sflag:s0] =	ssyncadd.s32 @!p0 s1  }
0xbf: {  	[bflag:$0x3] =	sbarrier.arrive $0xFFFF  }
0xc0: {  	_ =	shalt  }

</sc_bundles>
